<compile_context>
chip_gen: v7x
topology: tpu7x:2x2x1
jax: 0.10.2.dev20260603
libtpu: 0.0.44.dev20260713+nightly
codegen_flags: <defaults>
</compile_context>

<pallas_src>
import functools

import jax
import jax.numpy as jnp
from jax import lax
from jax.experimental import pallas as pl
from jax.experimental.pallas import tpu as pltpu
from jax.experimental.pallas import tpu_sc as plsc

B = 4096
T = 200
D = 64
NC = 2
NS = 16
NW = NC * NS
BPW = B // NW
BPS = 2
NSC = BPW // BPS
SC_ROWS = BPS * T
CH0 = 128
CH1 = T - CH0
LANES = 16

_mesh = plsc.VectorSubcoreMesh(core_axis_name="c", subcore_axis_name="s")


@functools.partial(
    pl.kernel,
    mesh=_mesh,
    compiler_params=pltpu.CompilerParams(use_tc_tiling_on_sc=False),
    out_type=jax.ShapeDtypeStruct((B, T, D), jnp.float32),
    scratch_types=[
        pltpu.VMEM((BPW, T), jnp.int32),
        pltpu.VMEM((T, D), jnp.float32),
        pltpu.VMEM((2, BPS, T, D), jnp.float32),
        pltpu.SemaphoreType.DMA,
        pltpu.SemaphoreType.DMA,
        pltpu.SemaphoreType.DMA,
        pltpu.SemaphoreType.DMA,
    ],
)
def _emb_kernel(ctx_hbm, tok_hbm, pos_hbm, out_hbm, idx_v, pos_v, buf_v,
                gsem0, gsem1, ssem0, ssem1):
    gsems = (gsem0, gsem1)
    ssems = (ssem0, ssem1)
    wid = lax.axis_index("s") * NC + lax.axis_index("c")
    b0 = wid * BPW
    pltpu.sync_copy(ctx_hbm.at[pl.ds(b0, BPW)], idx_v)
    pltpu.sync_copy(pos_hbm, pos_v)

    def gather_super(s, p):
        for bb in range(BPS):
            bl = s * BPS + bb
            pltpu.async_copy(
                tok_hbm.at[idx_v.at[bl, pl.ds(0, CH0)]],
                buf_v.at[p, bb, pl.ds(0, CH0)],
                gsems[p],
            )
            pltpu.async_copy(
                tok_hbm.at[idx_v.at[bl, pl.ds(CH0, CH1)]],
                buf_v.at[p, bb, pl.ds(CH0, CH1)],
                gsems[p],
            )

    def drain_gathers(p):
        pltpu.make_async_copy(
            out_hbm.at[pl.ds(0, BPS)],
            buf_v.at[p],
            gsems[p],
        ).wait()

    def wait_store(p):
        pltpu.make_async_copy(
            buf_v.at[p],
            out_hbm.at[pl.ds(0, BPS)],
            ssems[p],
        ).wait()

    def add_pos(p):
        for bb in range(BPS):

            def row_body(i, carry, bb=bb):
                for j in range(D // LANES):
                    v = pos_v[i, pl.ds(j * LANES, LANES)]
                    plsc.addupdate(
                        buf_v.at[p, bb, i, pl.ds(j * LANES, LANES)], v
                    )
                return carry

            lax.fori_loop(0, T, row_body, 0, unroll=4)

    def start_store(s, p):
        pltpu.async_copy(
            buf_v.at[p],
            out_hbm.at[pl.ds(b0 + s * BPS, BPS)],
            ssems[p],
        )

    def step(s, p, first=False, last=False):
        q = 1 - p
        drain_gathers(p)
        if not last:
            if not first:
                wait_store(q)
            gather_super(s + 1, q)
        add_pos(p)
        start_store(s, p)

    gather_super(0, 0)
    step(0, 0, first=True)
    step(jnp.int32(1), 1)

    def pair_body(g, carry):
        s = g * 2
        step(s, 0)
        step(s + 1, 1)
        return carry

    lax.fori_loop(1, NSC // 2 - 1, pair_body, 0)

    step(jnp.int32(NSC - 2), 0)
    step(jnp.int32(NSC - 1), 1, last=True)
    wait_store(0)
    wait_store(1)


def kernel(context, tok_table, pos_table):
    return _emb_kernel(context.astype(jnp.int32), tok_table, pos_table)

# --- scband reference (transcript-rebuilt; emitter-appended) ---
"""Pipeline reference for scband-embedding-layer-30262339568348 (READ-ONLY COPY).

The authoritative reference and input builder live on the scoring server;
editing this copy changes nothing except your own understanding.
"""

import jax, jax.numpy as jnp
import numpy as np

VOCAB_SIZE = 1000000
CONTEXT_SIZE = 200
N_EMBED = 64
B = 4096
T = 200


def setup_inputs(seed: int = 0) -> dict:
    key = jax.random.key(seed)
    k1, k2, k3 = jax.random.split(key, 3)
    context = jax.random.randint(k1, (B, T), 0, VOCAB_SIZE, dtype=jnp.int64 if jax.config.jax_enable_x64 else jnp.int32)
    tok_table = jax.random.normal(k2, (VOCAB_SIZE, N_EMBED), dtype=jnp.float32) * 0.02
    pos_table = jax.random.normal(k3, (CONTEXT_SIZE, N_EMBED), dtype=jnp.float32) * 0.02
    return {"context": context, "tok_table": tok_table, "pos_table": pos_table}


def reference(context, tok_table, pos_table):
    # tok_emb = self.tok_embed(context)
    tok_emb = jnp.take(tok_table, context, axis=0)           # [B, T, n_embed]
    # pos_emb = self.pos_embed(torch.arange(T))
    Tlen = context.shape[1]
    pos_emb = jnp.take(pos_table, jnp.arange(Tlen), axis=0)  # [T, n_embed]
    emb = tok_emb + pos_emb[None, :, :]
    # dropout p=0.0 -> identity (eval semantics)
    out = emb
    return out

if __name__ == "__main__":
    import jax
    _d = setup_inputs()
    print(jax.jit(kernel)(*tuple(_d.values())))

</pallas_src>

<mosaic_0001>
#map = affine_map<(d0, d1) -> (0, 0)>
#map1 = affine_map<(d0, d1) -> (0, 0, 0)>
module attributes {stable_mosaic.version = 14 : i64} {
  func.func @_emb_kernel(%arg0: i32, %arg1: i32, %arg2: memref<4096x200xi32, #tpu.memory_space<hbm>>, %arg3: memref<1000000x64xf32, #tpu.memory_space<hbm>>, %arg4: memref<200x64xf32, #tpu.memory_space<hbm>>, %arg5: memref<4096x200x64xf32, #tpu.memory_space<hbm>>, %arg6: memref<128x200xi32, #tpu.memory_space<vmem>>, %arg7: memref<200x64xf32, #tpu.memory_space<vmem>>, %arg8: memref<2x2x200x64xf32, #tpu.memory_space<vmem>>, %arg9: memref<!tpu.dma_semaphore, #tpu.memory_space<semaphore_mem>>, %arg10: memref<!tpu.dma_semaphore, #tpu.memory_space<semaphore_mem>>, %arg11: memref<!tpu.dma_semaphore, #tpu.memory_space<semaphore_mem>>, %arg12: memref<!tpu.dma_semaphore, #tpu.memory_space<semaphore_mem>>) attributes {dimension_semantics = [#tpu.dimension_semantics<core_parallel>, #tpu.dimension_semantics<subcore_parallel>], iteration_bounds = array<i64: 2, 16>, scalar_prefetch = 0 : i64, scratch_operands = 7 : i64, tpu.core_type = #tpu.core_type<sc_vector_subcore>, window_params = [{transform_indices = #map}, {transform_indices = #map}, {transform_indices = #map}, {transform_indices = #map1}]} {
    %mul3A = arith.constant 2 : i32
    %mul3A_0 = arith.muli %arg1, %mul3A : i32
    %add3A = arith.addi %mul3A_0, %arg0 : i32
    %mul3A_1 = arith.constant 128 : i32
    %mul3A_2 = arith.muli %add3A, %mul3A_1 : i32
    "tpu.region"() ({
      %run_scoped3A = tpu.sem_alloc : memref<!tpu.dma_semaphore, #tpu.memory_space<semaphore_mem>>
      %dma_start3A_510 = arith.constant 0 : i32
      %dma_start3A_511 = tpu.memref_slice %arg2[%mul3A_2, %dma_start3A_510] : memref<4096x200xi32, #tpu.memory_space<hbm>> -> memref<128x200xi32, #tpu.memory_space<hbm>>
      %dma_start3A_512 = arith.constant 0 : i32
      %dma_start3A_513 = tpu.memref_slice %arg2[%mul3A_2, %dma_start3A_512] : memref<4096x200xi32, #tpu.memory_space<hbm>> -> memref<128x200xi32, #tpu.memory_space<hbm>>
      tpu.enqueue_dma source(%dma_start3A_513 : memref<128x200xi32, #tpu.memory_space<hbm>>) target(%arg6 : memref<128x200xi32, #tpu.memory_space<vmem>>) target_semaphore(%run_scoped3A : memref<!tpu.dma_semaphore, #tpu.memory_space<semaphore_mem>>)
      %dma_wait3A_514 = arith.constant 0 : i32
      %dma_wait3A_515 = tpu.memref_slice %arg2[%mul3A_2, %dma_wait3A_514] : memref<4096x200xi32, #tpu.memory_space<hbm>> -> memref<128x200xi32, #tpu.memory_space<hbm>>
      %dma_wait3A_516 = arith.constant 0 : i32
      %dma_wait3A_517 = tpu.memref_slice %arg2[%mul3A_2, %dma_wait3A_516] : memref<4096x200xi32, #tpu.memory_space<hbm>> -> memref<128x200xi32, #tpu.memory_space<hbm>>
      tpu.wait_dma2 semaphore(%run_scoped3A : memref<!tpu.dma_semaphore, #tpu.memory_space<semaphore_mem>>) src(%dma_wait3A_517 : memref<128x200xi32, #tpu.memory_space<hbm>>) dst(%arg6 : memref<128x200xi32, #tpu.memory_space<vmem>>)
      tpu.yield
    }) : () -> ()
    "tpu.region"() ({
      %run_scoped3A = tpu.sem_alloc : memref<!tpu.dma_semaphore, #tpu.memory_space<semaphore_mem>>
      tpu.enqueue_dma source(%arg4 : memref<200x64xf32, #tpu.memory_space<hbm>>) target(%arg7 : memref<200x64xf32, #tpu.memory_space<vmem>>) target_semaphore(%run_scoped3A : memref<!tpu.dma_semaphore, #tpu.memory_space<semaphore_mem>>)
      tpu.wait_dma2 semaphore(%run_scoped3A : memref<!tpu.dma_semaphore, #tpu.memory_space<semaphore_mem>>) src(%arg4 : memref<200x64xf32, #tpu.memory_space<hbm>>) dst(%arg7 : memref<200x64xf32, #tpu.memory_space<vmem>>)
      tpu.yield
    }) : () -> ()
    %dma_start3A = arith.constant 0 : i32
    %dma_start3A_3 = arith.constant 0 : i32
    %dma_start3A_4 = arith.constant 0 : i32
    %dma_start3A_5 = arith.constant 0 : i32
    %dma_start3A_6 = arith.constant 0 : i32
    %dma_start3A_7 = tpu.memref_slice %arg8[%dma_start3A_3, %dma_start3A_4, %dma_start3A_5, %dma_start3A_6] : memref<2x2x200x64xf32, #tpu.memory_space<vmem>> -> memref<1x1x128x64xf32, #tpu.memory_space<vmem>>
    %dma_start3A_8 = tpu.memref_squeeze %dma_start3A_7 : memref<1x1x128x64xf32, #tpu.memory_space<vmem>> -> memref<128x64xf32, #tpu.memory_space<vmem>>
    %dma_start3A_9 = arith.constant 0 : i32
    %dma_start3A_10 = tpu.memref_slice %arg6[%dma_start3A, %dma_start3A_9] : memref<128x200xi32, #tpu.memory_space<vmem>> -> memref<1x128xi32, #tpu.memory_space<vmem>>
    %dma_start3A_11 = tpu.memref_squeeze %dma_start3A_10 : memref<1x128xi32, #tpu.memory_space<vmem>> -> memref<128xi32, #tpu.memory_space<vmem>>
    %dma_start3A_12 = arith.constant 0 : i32
    %dma_start3A_13 = arith.constant 0 : i32
    %dma_start3A_14 = tpu.memref_slice %arg3[%dma_start3A_12, %dma_start3A_13] : memref<1000000x64xf32, #tpu.memory_space<hbm>> -> memref<1000000x64xf32, #tpu.memory_space<hbm>>
    tpu.enqueue_indirect_dma source(%dma_start3A_14 : memref<1000000x64xf32, #tpu.memory_space<hbm>>) target(%dma_start3A_8 : memref<128x64xf32, #tpu.memory_space<vmem>>) offsets(%dma_start3A_11 : memref<128xi32, #tpu.memory_space<vmem>>) semaphore(%arg9 : memref<!tpu.dma_semaphore, #tpu.memory_space<semaphore_mem>>)
    %dma_start3A_15 = arith.constant 0 : i32
    %dma_start3A_16 = arith.constant 0 : i32
    %dma_start3A_17 = arith.constant 0 : i32
    %dma_start3A_18 = arith.constant 128 : i32
    %dma_start3A_19 = arith.constant 0 : i32
    %dma_start3A_20 = tpu.memref_slice %arg8[%dma_start3A_16, %dma_start3A_17, %dma_start3A_18, %dma_start3A_19] : memref<2x2x200x64xf32, #tpu.memory_space<vmem>> -> memref<1x1x72x64xf32, #tpu.memory_space<vmem>>
    %dma_start3A_21 = tpu.memref_squeeze %dma_start3A_20 : memref<1x1x72x64xf32, #tpu.memory_space<vmem>> -> memref<72x64xf32, #tpu.memory_space<vmem>>
    %dma_start3A_22 = arith.constant 128 : i32
    %dma_start3A_23 = tpu.memref_slice %arg6[%dma_start3A_15, %dma_start3A_22] : memref<128x200xi32, #tpu.memory_space<vmem>> -> memref<1x72xi32, #tpu.memory_space<vmem>>
    %dma_start3A_24 = tpu.memref_squeeze %dma_start3A_23 : memref<1x72xi32, #tpu.memory_space<vmem>> -> memref<72xi32, #tpu.memory_space<vmem>>
    %dma_start3A_25 = arith.constant 0 : i32
    %dma_start3A_26 = arith.constant 0 : i32
    %dma_start3A_27 = tpu.memref_slice %arg3[%dma_start3A_25, %dma_start3A_26] : memref<1000000x64xf32, #tpu.memory_space<hbm>> -> memref<1000000x64xf32, #tpu.memory_space<hbm>>
    tpu.enqueue_indirect_dma source(%dma_start3A_27 : memref<1000000x64xf32, #tpu.memory_space<hbm>>) target(%dma_start3A_21 : memref<72x64xf32, #tpu.memory_space<vmem>>) offsets(%dma_start3A_24 : memref<72xi32, #tpu.memory_space<vmem>>) semaphore(%arg9 : memref<!tpu.dma_semaphore, #tpu.memory_space<semaphore_mem>>)
    %dma_start3A_28 = arith.constant 1 : i32
    %dma_start3A_29 = arith.constant 0 : i32
    %dma_start3A_30 = arith.constant 1 : i32
    %dma_start3A_31 = arith.constant 0 : i32
    %dma_start3A_32 = arith.constant 0 : i32
    %dma_start3A_33 = tpu.memref_slice %arg8[%dma_start3A_29, %dma_start3A_30, %dma_start3A_31, %dma_start3A_32] : memref<2x2x200x64xf32, #tpu.memory_space<vmem>> -> memref<1x1x128x64xf32, #tpu.memory_space<vmem>>
    %dma_start3A_34 = tpu.memref_squeeze %dma_start3A_33 : memref<1x1x128x64xf32, #tpu.memory_space<vmem>> -> memref<128x64xf32, #tpu.memory_space<vmem>>
    %dma_start3A_35 = arith.constant 0 : i32
    %dma_start3A_36 = tpu.memref_slice %arg6[%dma_start3A_28, %dma_start3A_35] : memref<128x200xi32, #tpu.memory_space<vmem>> -> memref<1x128xi32, #tpu.memory_space<vmem>>
    %dma_start3A_37 = tpu.memref_squeeze %dma_start3A_36 : memref<1x128xi32, #tpu.memory_space<vmem>> -> memref<128xi32, #tpu.memory_space<vmem>>
    %dma_start3A_38 = arith.constant 0 : i32
    %dma_start3A_39 = arith.constant 0 : i32
    %dma_start3A_40 = tpu.memref_slice %arg3[%dma_start3A_38, %dma_start3A_39] : memref<1000000x64xf32, #tpu.memory_space<hbm>> -> memref<1000000x64xf32, #tpu.memory_space<hbm>>
    tpu.enqueue_indirect_dma source(%dma_start3A_40 : memref<1000000x64xf32, #tpu.memory_space<hbm>>) target(%dma_start3A_34 : memref<128x64xf32, #tpu.memory_space<vmem>>) offsets(%dma_start3A_37 : memref<128xi32, #tpu.memory_space<vmem>>) semaphore(%arg9 : memref<!tpu.dma_semaphore, #tpu.memory_space<semaphore_mem>>)
    %dma_start3A_41 = arith.constant 1 : i32
    %dma_start3A_42 = arith.constant 0 : i32
    %dma_start3A_43 = arith.constant 1 : i32
    %dma_start3A_44 = arith.constant 128 : i32
    %dma_start3A_45 = arith.constant 0 : i32
    %dma_start3A_46 = tpu.memref_slice %arg8[%dma_start3A_42, %dma_start3A_43, %dma_start3A_44, %dma_start3A_45] : memref<2x2x200x64xf32, #tpu.memory_space<vmem>> -> memref<1x1x72x64xf32, #tpu.memory_space<vmem>>
    %dma_start3A_47 = tpu.memref_squeeze %dma_start3A_46 : memref<1x1x72x64xf32, #tpu.memory_space<vmem>> -> memref<72x64xf32, #tpu.memory_space<vmem>>
    %dma_start3A_48 = arith.constant 128 : i32
    %dma_start3A_49 = tpu.memref_slice %arg6[%dma_start3A_41, %dma_start3A_48] : memref<128x200xi32, #tpu.memory_space<vmem>> -> memref<1x72xi32, #tpu.memory_space<vmem>>
    %dma_start3A_50 = tpu.memref_squeeze %dma_start3A_49 : memref<1x72xi32, #tpu.memory_space<vmem>> -> memref<72xi32, #tpu.memory_space<vmem>>
    %dma_start3A_51 = arith.constant 0 : i32
    %dma_start3A_52 = arith.constant 0 : i32
    %dma_start3A_53 = tpu.memref_slice %arg3[%dma_start3A_51, %dma_start3A_52] : memref<1000000x64xf32, #tpu.memory_space<hbm>> -> memref<1000000x64xf32, #tpu.memory_space<hbm>>
    tpu.enqueue_indirect_dma source(%dma_start3A_53 : memref<1000000x64xf32, #tpu.memory_space<hbm>>) target(%dma_start3A_47 : memref<72x64xf32, #tpu.memory_space<vmem>>) offsets(%dma_start3A_50 : memref<72xi32, #tpu.memory_space<vmem>>) semaphore(%arg9 : memref<!tpu.dma_semaphore, #tpu.memory_space<semaphore_mem>>)
    %dma_wait3A = arith.constant 0 : i32
    %dma_wait3A_54 = arith.constant 0 : i32
    %dma_wait3A_55 = arith.constant 0 : i32
    %dma_wait3A_56 = arith.constant 0 : i32
    %dma_wait3A_57 = tpu.memref_slice %arg8[%dma_wait3A, %dma_wait3A_54, %dma_wait3A_55, %dma_wait3A_56] : memref<2x2x200x64xf32, #tpu.memory_space<vmem>> -> memref<1x2x200x64xf32, #tpu.memory_space<vmem>>
    %dma_wait3A_58 = tpu.memref_squeeze %dma_wait3A_57 : memref<1x2x200x64xf32, #tpu.memory_space<vmem>> -> memref<2x200x64xf32, #tpu.memory_space<vmem>>
    %dma_wait3A_59 = arith.constant 0 : i32
    %dma_wait3A_60 = arith.constant 0 : i32
    %dma_wait3A_61 = arith.constant 0 : i32
    %dma_wait3A_62 = tpu.memref_slice %arg5[%dma_wait3A_59, %dma_wait3A_60, %dma_wait3A_61] : memref<4096x200x64xf32, #tpu.memory_space<hbm>> -> memref<2x200x64xf32, #tpu.memory_space<hbm>>
    %dma_wait3A_63 = arith.constant 0 : i32
    %dma_wait3A_64 = arith.constant 0 : i32
    %dma_wait3A_65 = arith.constant 0 : i32
    %dma_wait3A_66 = tpu.memref_slice %arg8[%dma_wait3A, %dma_wait3A_63, %dma_wait3A_64, %dma_wait3A_65] : memref<2x2x200x64xf32, #tpu.memory_space<vmem>> -> memref<1x2x200x64xf32, #tpu.memory_space<vmem>>
    %dma_wait3A_67 = tpu.memref_squeeze %dma_wait3A_66 : memref<1x2x200x64xf32, #tpu.memory_space<vmem>> -> memref<2x200x64xf32, #tpu.memory_space<vmem>>
    %dma_wait3A_68 = arith.constant 0 : i32
    %dma_wait3A_69 = arith.constant 0 : i32
    %dma_wait3A_70 = arith.constant 0 : i32
    %dma_wait3A_71 = tpu.memref_slice %arg5[%dma_wait3A_68, %dma_wait3A_69, %dma_wait3A_70] : memref<4096x200x64xf32, #tpu.memory_space<hbm>> -> memref<2x200x64xf32, #tpu.memory_space<hbm>>
    tpu.wait_dma2 semaphore(%arg9 : memref<!tpu.dma_semaphore, #tpu.memory_space<semaphore_mem>>) src(%dma_wait3A_71 : memref<2x200x64xf32, #tpu.memory_space<hbm>>) dst(%dma_wait3A_67 : memref<2x200x64xf32, #tpu.memory_space<vmem>>)
    %dma_start3A_72 = arith.constant 2 : i32
    %dma_start3A_73 = arith.constant 1 : i32
    %dma_start3A_74 = arith.constant 0 : i32
    %dma_start3A_75 = arith.constant 0 : i32
    %dma_start3A_76 = arith.constant 0 : i32
    %dma_start3A_77 = tpu.memref_slice %arg8[%dma_start3A_73, %dma_start3A_74, %dma_start3A_75, %dma_start3A_76] : memref<2x2x200x64xf32, #tpu.memory_space<vmem>> -> memref<1x1x128x64xf32, #tpu.memory_space<vmem>>
    %dma_start3A_78 = tpu.memref_squeeze %dma_start3A_77 : memref<1x1x128x64xf32, #tpu.memory_space<vmem>> -> memref<128x64xf32, #tpu.memory_space<vmem>>
    %dma_start3A_79 = arith.constant 0 : i32
    %dma_start3A_80 = tpu.memref_slice %arg6[%dma_start3A_72, %dma_start3A_79] : memref<128x200xi32, #tpu.memory_space<vmem>> -> memref<1x128xi32, #tpu.memory_space<vmem>>
    %dma_start3A_81 = tpu.memref_squeeze %dma_start3A_80 : memref<1x128xi32, #tpu.memory_space<vmem>> -> memref<128xi32, #tpu.memory_space<vmem>>
    %dma_start3A_82 = arith.constant 0 : i32
    %dma_start3A_83 = arith.constant 0 : i32
    %dma_start3A_84 = tpu.memref_slice %arg3[%dma_start3A_82, %dma_start3A_83] : memref<1000000x64xf32, #tpu.memory_space<hbm>> -> memref<1000000x64xf32, #tpu.memory_space<hbm>>
    tpu.enqueue_indirect_dma source(%dma_start3A_84 : memref<1000000x64xf32, #tpu.memory_space<hbm>>) target(%dma_start3A_78 : memref<128x64xf32, #tpu.memory_space<vmem>>) offsets(%dma_start3A_81 : memref<128xi32, #tpu.memory_space<vmem>>) semaphore(%arg10 : memref<!tpu.dma_semaphore, #tpu.memory_space<semaphore_mem>>)
    %dma_start3A_85 = arith.constant 2 : i32
    %dma_start3A_86 = arith.constant 1 : i32
    %dma_start3A_87 = arith.constant 0 : i32
    %dma_start3A_88 = arith.constant 128 : i32
    %dma_start3A_89 = arith.constant 0 : i32
    %dma_start3A_90 = tpu.memref_slice %arg8[%dma_start3A_86, %dma_start3A_87, %dma_start3A_88, %dma_start3A_89] : memref<2x2x200x64xf32, #tpu.memory_space<vmem>> -> memref<1x1x72x64xf32, #tpu.memory_space<vmem>>
    %dma_start3A_91 = tpu.memref_squeeze %dma_start3A_90 : memref<1x1x72x64xf32, #tpu.memory_space<vmem>> -> memref<72x64xf32, #tpu.memory_space<vmem>>
    %dma_start3A_92 = arith.constant 128 : i32
    %dma_start3A_93 = tpu.memref_slice %arg6[%dma_start3A_85, %dma_start3A_92] : memref<128x200xi32, #tpu.memory_space<vmem>> -> memref<1x72xi32, #tpu.memory_space<vmem>>
    %dma_start3A_94 = tpu.memref_squeeze %dma_start3A_93 : memref<1x72xi32, #tpu.memory_space<vmem>> -> memref<72xi32, #tpu.memory_space<vmem>>
    %dma_start3A_95 = arith.constant 0 : i32
    %dma_start3A_96 = arith.constant 0 : i32
    %dma_start3A_97 = tpu.memref_slice %arg3[%dma_start3A_95, %dma_start3A_96] : memref<1000000x64xf32, #tpu.memory_space<hbm>> -> memref<1000000x64xf32, #tpu.memory_space<hbm>>
    tpu.enqueue_indirect_dma source(%dma_start3A_97 : memref<1000000x64xf32, #tpu.memory_space<hbm>>) target(%dma_start3A_91 : memref<72x64xf32, #tpu.memory_space<vmem>>) offsets(%dma_start3A_94 : memref<72xi32, #tpu.memory_space<vmem>>) semaphore(%arg10 : memref<!tpu.dma_semaphore, #tpu.memory_space<semaphore_mem>>)
    %dma_start3A_98 = arith.constant 3 : i32
    %dma_start3A_99 = arith.constant 1 : i32
    %dma_start3A_100 = arith.constant 1 : i32
    %dma_start3A_101 = arith.constant 0 : i32
    %dma_start3A_102 = arith.constant 0 : i32
    %dma_start3A_103 = tpu.memref_slice %arg8[%dma_start3A_99, %dma_start3A_100, %dma_start3A_101, %dma_start3A_102] : memref<2x2x200x64xf32, #tpu.memory_space<vmem>> -> memref<1x1x128x64xf32, #tpu.memory_space<vmem>>
    %dma_start3A_104 = tpu.memref_squeeze %dma_start3A_103 : memref<1x1x128x64xf32, #tpu.memory_space<vmem>> -> memref<128x64xf32, #tpu.memory_space<vmem>>
    %dma_start3A_105 = arith.constant 0 : i32
    %dma_start3A_106 = tpu.memref_slice %arg6[%dma_start3A_98, %dma_start3A_105] : memref<128x200xi32, #tpu.memory_space<vmem>> -> memref<1x128xi32, #tpu.memory_space<vmem>>
    %dma_start3A_107 = tpu.memref_squeeze %dma_start3A_106 : memref<1x128xi32, #tpu.memory_space<vmem>> -> memref<128xi32, #tpu.memory_space<vmem>>
    %dma_start3A_108 = arith.constant 0 : i32
    %dma_start3A_109 = arith.constant 0 : i32
    %dma_start3A_110 = tpu.memref_slice %arg3[%dma_start3A_108, %dma_start3A_109] : memref<1000000x64xf32, #tpu.memory_space<hbm>> -> memref<1000000x64xf32, #tpu.memory_space<hbm>>
    tpu.enqueue_indirect_dma source(%dma_start3A_110 : memref<1000000x64xf32, #tpu.memory_space<hbm>>) target(%dma_start3A_104 : memref<128x64xf32, #tpu.memory_space<vmem>>) offsets(%dma_start3A_107 : memref<128xi32, #tpu.memory_space<vmem>>) semaphore(%arg10 : memref<!tpu.dma_semaphore, #tpu.memory_space<semaphore_mem>>)
    %dma_start3A_111 = arith.constant 3 : i32
    %dma_start3A_112 = arith.constant 1 : i32
    %dma_start3A_113 = arith.constant 1 : i32
    %dma_start3A_114 = arith.constant 128 : i32
    %dma_start3A_115 = arith.constant 0 : i32
    %dma_start3A_116 = tpu.memref_slice %arg8[%dma_start3A_112, %dma_start3A_113, %dma_start3A_114, %dma_start3A_115] : memref<2x2x200x64xf32, #tpu.memory_space<vmem>> -> memref<1x1x72x64xf32, #tpu.memory_space<vmem>>
    %dma_start3A_117 = tpu.memref_squeeze %dma_start3A_116 : memref<1x1x72x64xf32, #tpu.memory_space<vmem>> -> memref<72x64xf32, #tpu.memory_space<vmem>>
    %dma_start3A_118 = arith.constant 128 : i32
    %dma_start3A_119 = tpu.memref_slice %arg6[%dma_start3A_111, %dma_start3A_118] : memref<128x200xi32, #tpu.memory_space<vmem>> -> memref<1x72xi32, #tpu.memory_space<vmem>>
    %dma_start3A_120 = tpu.memref_squeeze %dma_start3A_119 : memref<1x72xi32, #tpu.memory_space<vmem>> -> memref<72xi32, #tpu.memory_space<vmem>>
    %dma_start3A_121 = arith.constant 0 : i32
    %dma_start3A_122 = arith.constant 0 : i32
    %dma_start3A_123 = tpu.memref_slice %arg3[%dma_start3A_121, %dma_start3A_122] : memref<1000000x64xf32, #tpu.memory_space<hbm>> -> memref<1000000x64xf32, #tpu.memory_space<hbm>>
    tpu.enqueue_indirect_dma source(%dma_start3A_123 : memref<1000000x64xf32, #tpu.memory_space<hbm>>) target(%dma_start3A_117 : memref<72x64xf32, #tpu.memory_space<vmem>>) offsets(%dma_start3A_120 : memref<72xi32, #tpu.memory_space<vmem>>) semaphore(%arg10 : memref<!tpu.dma_semaphore, #tpu.memory_space<semaphore_mem>>)
    %scan3A = arith.constant 0 : i32
    %scan3A_124 = arith.constant 0 : i32
    %scan3A_125 = arith.constant 200 : i32
    %scan3A_126 = arith.addi %scan3A_124, %scan3A_125 : i32
    %scan3A_127 = arith.constant 4 : i32
    scf.for %scan3A_510 = %scan3A_124 to %scan3A_126 step %scan3A_127  : i32 {
      %get3A = arith.index_cast %scan3A_510 : i32 to index
      %get3A_511 = arith.constant 0 : index
      %get3A_512 = tpu.vector_load %arg7[%get3A, %get3A_511] {strides = array<i32>} : memref<200x64xf32, #tpu.memory_space<vmem>>, vector<1x16xf32>,
      %get3A_513 = vector.shape_cast %get3A_512 : vector<1x16xf32> to vector<16xf32>
      %swap3A = arith.constant 0 : i32
      %swap3A_514 = arith.constant 0 : i32
      %swap3A_515 = arith.index_cast %swap3A : i32 to index
      %swap3A_516 = arith.index_cast %swap3A_514 : i32 to index
      %swap3A_517 = arith.index_cast %scan3A_510 : i32 to index
      %swap3A_518 = arith.constant 0 : index
      %swap3A_519 = tpu.vector_load %arg8[%swap3A_515, %swap3A_516, %swap3A_517, %swap3A_518] {strides = array<i32>} : memref<2x2x200x64xf32, #tpu.memory_space<vmem>>, vector<1x1x1x16xf32>,
      %swap3A_520 = vector.shape_cast %swap3A_519 : vector<1x1x1x16xf32> to vector<16xf32>
      %swap3A_521 = vector.shape_cast %get3A_513 : vector<16xf32> to vector<1x1x1x16xf32>
      tpu.vector_store %arg8[%swap3A_515, %swap3A_516, %swap3A_517, %swap3A_518], %swap3A_521 {add = true, strides = array<i32>} : memref<2x2x200x64xf32, #tpu.memory_space<vmem>>, vector<1x1x1x16xf32>,
      %get3A_522 = arith.index_cast %scan3A_510 : i32 to index
      %get3A_523 = arith.constant 16 : index
      %get3A_524 = tpu.vector_load %arg7[%get3A_522, %get3A_523] {strides = array<i32>} : memref<200x64xf32, #tpu.memory_space<vmem>>, vector<1x16xf32>,
      %get3A_525 = vector.shape_cast %get3A_524 : vector<1x16xf32> to vector<16xf32>
      %swap3A_526 = arith.constant 0 : i32
      %swap3A_527 = arith.constant 0 : i32
      %swap3A_528 = arith.index_cast %swap3A_526 : i32 to index
      %swap3A_529 = arith.index_cast %swap3A_527 : i32 to index
      %swap3A_530 = arith.index_cast %scan3A_510 : i32 to index
      %swap3A_531 = arith.constant 16 : index
      %swap3A_532 = tpu.vector_load %arg8[%swap3A_528, %swap3A_529, %swap3A_530, %swap3A_531] {strides = array<i32>} : memref<2x2x200x64xf32, #tpu.memory_space<vmem>>, vector<1x1x1x16xf32>,
      %swap3A_533 = vector.shape_cast %swap3A_532 : vector<1x1x1x16xf32> to vector<16xf32>
      %swap3A_534 = vector.shape_cast %get3A_525 : vector<16xf32> to vector<1x1x1x16xf32>
      tpu.vector_store %arg8[%swap3A_528, %swap3A_529, %swap3A_530, %swap3A_531], %swap3A_534 {add = true, strides = array<i32>} : memref<2x2x200x64xf32, #tpu.memory_space<vmem>>, vector<1x1x1x16xf32>,
      %get3A_535 = arith.index_cast %scan3A_510 : i32 to index
      %get3A_536 = arith.constant 32 : index
      %get3A_537 = tpu.vector_load %arg7[%get3A_535, %get3A_536] {strides = array<i32>} : memref<200x64xf32, #tpu.memory_space<vmem>>, vector<1x16xf32>,
      %get3A_538 = vector.shape_cast %get3A_537 : vector<1x16xf32> to vector<16xf32>
      %swap3A_539 = arith.constant 0 : i32
      %swap3A_540 = arith.constant 0 : i32
      %swap3A_541 = arith.index_cast %swap3A_539 : i32 to index
      %swap3A_542 = arith.index_cast %swap3A_540 : i32 to index
      %swap3A_543 = arith.index_cast %scan3A_510 : i32 to index
      %swap3A_544 = arith.constant 32 : index
      %swap3A_545 = tpu.vector_load %arg8[%swap3A_541, %swap3A_542, %swap3A_543, %swap3A_544] {strides = array<i32>} : memref<2x2x200x64xf32, #tpu.memory_space<vmem>>, vector<1x1x1x16xf32>,
      %swap3A_546 = vector.shape_cast %swap3A_545 : vector<1x1x1x16xf32> to vector<16xf32>
      %swap3A_547 = vector.shape_cast %get3A_538 : vector<16xf32> to vector<1x1x1x16xf32>
      tpu.vector_store %arg8[%swap3A_541, %swap3A_542, %swap3A_543, %swap3A_544], %swap3A_547 {add = true, strides = array<i32>} : memref<2x2x200x64xf32, #tpu.memory_space<vmem>>, vector<1x1x1x16xf32>,
      %get3A_548 = arith.index_cast %scan3A_510 : i32 to index
      %get3A_549 = arith.constant 48 : index
      %get3A_550 = tpu.vector_load %arg7[%get3A_548, %get3A_549] {strides = array<i32>} : memref<200x64xf32, #tpu.memory_space<vmem>>, vector<1x16xf32>,
      %get3A_551 = vector.shape_cast %get3A_550 : vector<1x16xf32> to vector<16xf32>
      %swap3A_552 = arith.constant 0 : i32
      %swap3A_553 = arith.constant 0 : i32
      %swap3A_554 = arith.index_cast %swap3A_552 : i32 to index
      %swap3A_555 = arith.index_cast %swap3A_553 : i32 to index
      %swap3A_556 = arith.index_cast %scan3A_510 : i32 to index
      %swap3A_557 = arith.constant 48 : index
      %swap3A_558 = tpu.vector_load %arg8[%swap3A_554, %swap3A_555, %swap3A_556, %swap3A_557] {strides = array<i32>} : memref<2x2x200x64xf32, #tpu.memory_space<vmem>>, vector<1x1x1x16xf32>,
      %swap3A_559 = vector.shape_cast %swap3A_558 : vector<1x1x1x16xf32> to vector<16xf32>
      %swap3A_560 = vector.shape_cast %get3A_551 : vector<16xf32> to vector<1x1x1x16xf32>
      tpu.vector_store %arg8[%swap3A_554, %swap3A_555, %swap3A_556, %swap3A_557], %swap3A_560 {add = true, strides = array<i32>} : memref<2x2x200x64xf32, #tpu.memory_space<vmem>>, vector<1x1x1x16xf32>,
      %scan3A_561 = arith.constant 1 : i32
      %scan3A_562 = arith.addi %scan3A_510, %scan3A_561 : i32
      %get3A_563 = arith.index_cast %scan3A_562 : i32 to index
      %get3A_564 = arith.constant 0 : index
      %get3A_565 = tpu.vector_load %arg7[%get3A_563, %get3A_564] {strides = array<i32>} : memref<200x64xf32, #tpu.memory_space<vmem>>, vector<1x16xf32>,
      %get3A_566 = vector.shape_cast %get3A_565 : vector<1x16xf32> to vector<16xf32>
      %swap3A_567 = arith.constant 0 : i32
      %swap3A_568 = arith.constant 0 : i32
      %swap3A_569 = arith.index_cast %swap3A_567 : i32 to index
      %swap3A_570 = arith.index_cast %swap3A_568 : i32 to index
      %swap3A_571 = arith.index_cast %scan3A_562 : i32 to index
      %swap3A_572 = arith.constant 0 : index
      %swap3A_573 = tpu.vector_load %arg8[%swap3A_569, %swap3A_570, %swap3A_571, %swap3A_572] {strides = array<i32>} : memref<2x2x200x64xf32, #tpu.memory_space<vmem>>, vector<1x1x1x16xf32>,
      %swap3A_574 = vector.shape_cast %swap3A_573 : vector<1x1x1x16xf32> to vector<16xf32>
      %swap3A_575 = vector.shape_cast %get3A_566 : vector<16xf32> to vector<1x1x1x16xf32>
      tpu.vector_store %arg8[%swap3A_569, %swap3A_570, %swap3A_571, %swap3A_572], %swap3A_575 {add = true, strides = array<i32>} : memref<2x2x200x64xf32, #tpu.memory_space<vmem>>, vector<1x1x1x16xf32>,
      %get3A_576 = arith.index_cast %scan3A_562 : i32 to index
      %get3A_577 = arith.constant 16 : index
      %get3A_578 = tpu.vector_load %arg7[%get3A_576, %get3A_577] {strides = array<i32>} : memref<200x64xf32, #tpu.memory_space<vmem>>, vector<1x16xf32>,
      %get3A_579 = vector.shape_cast %get3A_578 : vector<1x16xf32> to vector<16xf32>
      %swap3A_580 = arith.constant 0 : i32
      %swap3A_581 = arith.constant 0 : i32
      %swap3A_582 = arith.index_cast %swap3A_580 : i32 to index
      %swap3A_583 = arith.index_cast %swap3A_581 : i32 to index
      %swap3A_584 = arith.index_cast %scan3A_562 : i32 to index
      %swap3A_585 = arith.constant 16 : index
      %swap3A_586 = tpu.vector_load %arg8[%swap3A_582, %swap3A_583, %swap3A_584, %swap3A_585] {strides = array<i32>} : memref<2x2x200x64xf32, #tpu.memory_space<vmem>>, vector<1x1x1x16xf32>,
      %swap3A_587 = vector.shape_cast %swap3A_586 : vector<1x1x1x16xf32> to vector<16xf32>
      %swap3A_588 = vector.shape_cast %get3A_579 : vector<16xf32> to vector<1x1x1x16xf32>
      tpu.vector_store %arg8[%swap3A_582, %swap3A_583, %swap3A_584, %swap3A_585], %swap3A_588 {add = true, strides = array<i32>} : memref<2x2x200x64xf32, #tpu.memory_space<vmem>>, vector<1x1x1x16xf32>,
      %get3A_589 = arith.index_cast %scan3A_562 : i32 to index
      %get3A_590 = arith.constant 32 : index
      %get3A_591 = tpu.vector_load %arg7[%get3A_589, %get3A_590] {strides = array<i32>} : memref<200x64xf32, #tpu.memory_space<vmem>>, vector<1x16xf32>,
      %get3A_592 = vector.shape_cast %get3A_591 : vector<1x16xf32> to vector<16xf32>
      %swap3A_593 = arith.constant 0 : i32
      %swap3A_594 = arith.constant 0 : i32
      %swap3A_595 = arith.index_cast %swap3A_593 : i32 to index
      %swap3A_596 = arith.index_cast %swap3A_594 : i32 to index
      %swap3A_597 = arith.index_cast %scan3A_562 : i32 to index
      %swap3A_598 = arith.constant 32 : index
      %swap3A_599 = tpu.vector_load %arg8[%swap3A_595, %swap3A_596, %swap3A_597, %swap3A_598] {strides = array<i32>} : memref<2x2x200x64xf32, #tpu.memory_space<vmem>>, vector<1x1x1x16xf32>,
      %swap3A_600 = vector.shape_cast %swap3A_599 : vector<1x1x1x16xf32> to vector<16xf32>
      %swap3A_601 = vector.shape_cast %get3A_592 : vector<16xf32> to vector<1x1x1x16xf32>
      tpu.vector_store %arg8[%swap3A_595, %swap3A_596, %swap3A_597, %swap3A_598], %swap3A_601 {add = true, strides = array<i32>} : memref<2x2x200x64xf32, #tpu.memory_space<vmem>>, vector<1x1x1x16xf32>,
      %get3A_602 = arith.index_cast %scan3A_562 : i32 to index
      %get3A_603 = arith.constant 48 : index
      %get3A_604 = tpu.vector_load %arg7[%get3A_602, %get3A_603] {strides = array<i32>} : memref<200x64xf32, #tpu.memory_space<vmem>>, vector<1x16xf32>,
      %get3A_605 = vector.shape_cast %get3A_604 : vector<1x16xf32> to vector<16xf32>
      %swap3A_606 = arith.constant 0 : i32
      %swap3A_607 = arith.constant 0 : i32
      %swap3A_608 = arith.index_cast %swap3A_606 : i32 to index
      %swap3A_609 = arith.index_cast %swap3A_607 : i32 to index
      %swap3A_610 = arith.index_cast %scan3A_562 : i32 to index
      %swap3A_611 = arith.constant 48 : index
      %swap3A_612 = tpu.vector_load %arg8[%swap3A_608, %swap3A_609, %swap3A_610, %swap3A_611] {strides = array<i32>} : memref<2x2x200x64xf32, #tpu.memory_space<vmem>>, vector<1x1x1x16xf32>,
      %swap3A_613 = vector.shape_cast %swap3A_612 : vector<1x1x1x16xf32> to vector<16xf32>
      %swap3A_614 = vector.shape_cast %get3A_605 : vector<16xf32> to vector<1x1x1x16xf32>
      tpu.vector_store %arg8[%swap3A_608, %swap3A_609, %swap3A_610, %swap3A_611], %swap3A_614 {add = true, strides = array<i32>} : memref<2x2x200x64xf32, #tpu.memory_space<vmem>>, vector<1x1x1x16xf32>,
      %scan3A_615 = arith.constant 2 : i32
      %scan3A_616 = arith.addi %scan3A_510, %scan3A_615 : i32
      %get3A_617 = arith.index_cast %scan3A_616 : i32 to index
      %get3A_618 = arith.constant 0 : index
      %get3A_619 = tpu.vector_load %arg7[%get3A_617, %get3A_618] {strides = array<i32>} : memref<200x64xf32, #tpu.memory_space<vmem>>, vector<1x16xf32>,
      %get3A_620 = vector.shape_cast %get3A_619 : vector<1x16xf32> to vector<16xf32>
      %swap3A_621 = arith.constant 0 : i32
      %swap3A_622 = arith.constant 0 : i32
      %swap3A_623 = arith.index_cast %swap3A_621 : i32 to index
      %swap3A_624 = arith.index_cast %swap3A_622 : i32 to index
      %swap3A_625 = arith.index_cast %scan3A_616 : i32 to index
      %swap3A_626 = arith.constant 0 : index
      %swap3A_627 = tpu.vector_load %arg8[%swap3A_623, %swap3A_624, %swap3A_625, %swap3A_626] {strides = array<i32>} : memref<2x2x200x64xf32, #tpu.memory_space<vmem>>, vector<1x1x1x16xf32>,
      %swap3A_628 = vector.shape_cast %swap3A_627 : vector<1x1x1x16xf32> to vector<16xf32>
      %swap3A_629 = vector.shape_cast %get3A_620 : vector<16xf32> to vector<1x1x1x16xf32>
      tpu.vector_store %arg8[%swap3A_623, %swap3A_624, %swap3A_625, %swap3A_626], %swap3A_629 {add = true, strides = array<i32>} : memref<2x2x200x64xf32, #tpu.memory_space<vmem>>, vector<1x1x1x16xf32>,
      %get3A_630 = arith.index_cast %scan3A_616 : i32 to index
      %get3A_631 = arith.constant 16 : index
      %get3A_632 = tpu.vector_load %arg7[%get3A_630, %get3A_631] {strides = array<i32>} : memref<200x64xf32, #tpu.memory_space<vmem>>, vector<1x16xf32>,
      %get3A_633 = vector.shape_cast %get3A_632 : vector<1x16xf32> to vector<16xf32>
      %swap3A_634 = arith.constant 0 : i32
      %swap3A_635 = arith.constant 0 : i32
      %swap3A_636 = arith.index_cast %swap3A_634 : i32 to index
      %swap3A_637 = arith.index_cast %swap3A_635 : i32 to index
      %swap3A_638 = arith.index_cast %scan3A_616 : i32 to index
      %swap3A_639 = arith.constant 16 : index
      %swap3A_640 = tpu.vector_load %arg8[%swap3A_636, %swap3A_637, %swap3A_638, %swap3A_639] {strides = array<i32>} : memref<2x2x200x64xf32, #tpu.memory_space<vmem>>, vector<1x1x1x16xf32>,
      %swap3A_641 = vector.shape_cast %swap3A_640 : vector<1x1x1x16xf32> to vector<16xf32>
      %swap3A_642 = vector.shape_cast %get3A_633 : vector<16xf32> to vector<1x1x1x16xf32>
      tpu.vector_store %arg8[%swap3A_636, %swap3A_637, %swap3A_638, %swap3A_639], %swap3A_642 {add = true, strides = array<i32>} : memref<2x2x200x64xf32, #tpu.memory_space<vmem>>, vector<1x1x1x16xf32>,
      %get3A_643 = arith.index_cast %scan3A_616 : i32 to index
      %get3A_644 = arith.constant 32 : index
      %get3A_645 = tpu.vector_load %arg7[%get3A_643, %get3A_644] {strides = array<i32>} : memref<200x64xf32, #tpu.memory_space<vmem>>, vector<1x16xf32>,
      %get3A_646 = vector.shape_cast %get3A_645 : vector<1x16xf32> to vector<16xf32>
      %swap3A_647 = arith.constant 0 : i32
      %swap3A_648 = arith.constant 0 : i32
      %swap3A_649 = arith.index_cast %swap3A_647 : i32 to index
      %swap3A_650 = arith.index_cast %swap3A_648 : i32 to index
      %swap3A_651 = arith.index_cast %scan3A_616 : i32 to index
      %swap3A_652 = arith.constant 32 : index
      %swap3A_653 = tpu.vector_load %arg8[%swap3A_649, %swap3A_650, %swap3A_651, %swap3A_652] {strides = array<i32>} : memref<2x2x200x64xf32, #tpu.memory_space<vmem>>, vector<1x1x1x16xf32>,
      %swap3A_654 = vector.shape_cast %swap3A_653 : vector<1x1x1x16xf32> to vector<16xf32>
      %swap3A_655 = vector.shape_cast %get3A_646 : vector<16xf32> to vector<1x1x1x16xf32>
      tpu.vector_store %arg8[%swap3A_649, %swap3A_650, %swap3A_651, %swap3A_652], %swap3A_655 {add = true, strides = array<i32>} : memref<2x2x200x64xf32, #tpu.memory_space<vmem>>, vector<1x1x1x16xf32>,
      %get3A_656 = arith.index_cast %scan3A_616 : i32 to index
      %get3A_657 = arith.constant 48 : index
      %get3A_658 = tpu.vector_load %arg7[%get3A_656, %get3A_657] {strides = array<i32>} : memref<200x64xf32, #tpu.memory_space<vmem>>, vector<1x16xf32>,
      %get3A_659 = vector.shape_cast %get3A_658 : vector<1x16xf32> to vector<16xf32>
      %swap3A_660 = arith.constant 0 : i32
      %swap3A_661 = arith.constant 0 : i32
      %swap3A_662 = arith.index_cast %swap3A_660 : i32 to index
      %swap3A_663 = arith.index_cast %swap3A_661 : i32 to index
      %swap3A_664 = arith.index_cast %scan3A_616 : i32 to index
      %swap3A_665 = arith.constant 48 : index
      %swap3A_666 = tpu.vector_load %arg8[%swap3A_662, %swap3A_663, %swap3A_664, %swap3A_665] {strides = array<i32>} : memref<2x2x200x64xf32, #tpu.memory_space<vmem>>, vector<1x1x1x16xf32>,
      %swap3A_667 = vector.shape_cast %swap3A_666 : vector<1x1x1x16xf32> to vector<16xf32>
      %swap3A_668 = vector.shape_cast %get3A_659 : vector<16xf32> to vector<1x1x1x16xf32>
      tpu.vector_store %arg8[%swap3A_662, %swap3A_663, %swap3A_664, %swap3A_665], %swap3A_668 {add = true, strides = array<i32>} : memref<2x2x200x64xf32, #tpu.memory_space<vmem>>, vector<1x1x1x16xf32>,
      %scan3A_669 = arith.constant 3 : i32
      %scan3A_670 = arith.addi %scan3A_510, %scan3A_669 : i32
      %get3A_671 = arith.index_cast %scan3A_670 : i32 to index
      %get3A_672 = arith.constant 0 : index
      %get3A_673 = tpu.vector_load %arg7[%get3A_671, %get3A_672] {strides = array<i32>} : memref<200x64xf32, #tpu.memory_space<vmem>>, vector<1x16xf32>,
      %get3A_674 = vector.shape_cast %get3A_673 : vector<1x16xf32> to vector<16xf32>
      %swap3A_675 = arith.constant 0 : i32
      %swap3A_676 = arith.constant 0 : i32
      %swap3A_677 = arith.index_cast %swap3A_675 : i32 to index
      %swap3A_678 = arith.index_cast %swap3A_676 : i32 to index
      %swap3A_679 = arith.index_cast %scan3A_670 : i32 to index
      %swap3A_680 = arith.constant 0 : index
      %swap3A_681 = tpu.vector_load %arg8[%swap3A_677, %swap3A_678, %swap3A_679, %swap3A_680] {strides = array<i32>} : memref<2x2x200x64xf32, #tpu.memory_space<vmem>>, vector<1x1x1x16xf32>,
      %swap3A_682 = vector.shape_cast %swap3A_681 : vector<1x1x1x16xf32> to vector<16xf32>
      %swap3A_683 = vector.shape_cast %get3A_674 : vector<16xf32> to vector<1x1x1x16xf32>
      tpu.vector_store %arg8[%swap3A_677, %swap3A_678, %swap3A_679, %swap3A_680], %swap3A_683 {add = true, strides = array<i32>} : memref<2x2x200x64xf32, #tpu.memory_space<vmem>>, vector<1x1x1x16xf32>,
      %get3A_684 = arith.index_cast %scan3A_670 : i32 to index
      %get3A_685 = arith.constant 16 : index
      %get3A_686 = tpu.vector_load %arg7[%get3A_684, %get3A_685] {strides = array<i32>} : memref<200x64xf32, #tpu.memory_space<vmem>>, vector<1x16xf32>,
      %get3A_687 = vector.shape_cast %get3A_686 : vector<1x16xf32> to vector<16xf32>
      %swap3A_688 = arith.constant 0 : i32
      %swap3A_689 = arith.constant 0 : i32
      %swap3A_690 = arith.index_cast %swap3A_688 : i32 to index
      %swap3A_691 = arith.index_cast %swap3A_689 : i32 to index
      %swap3A_692 = arith.index_cast %scan3A_670 : i32 to index
      %swap3A_693 = arith.constant 16 : index
      %swap3A_694 = tpu.vector_load %arg8[%swap3A_690, %swap3A_691, %swap3A_692, %swap3A_693] {strides = array<i32>} : memref<2x2x200x64xf32, #tpu.memory_space<vmem>>, vector<1x1x1x16xf32>,
      %swap3A_695 = vector.shape_cast %swap3A_694 : vector<1x1x1x16xf32> to vector<16xf32>
      %swap3A_696 = vector.shape_cast %get3A_687 : vector<16xf32> to vector<1x1x1x16xf32>
      tpu.vector_store %arg8[%swap3A_690, %swap3A_691, %swap3A_692, %swap3A_693], %swap3A_696 {add = true, strides = array<i32>} : memref<2x2x200x64xf32, #tpu.memory_space<vmem>>, vector<1x1x1x16xf32>,
      %get3A_697 = arith.index_cast %scan3A_670 : i32 to index
      %get3A_698 = arith.constant 32 : index
      %get3A_699 = tpu.vector_load %arg7[%get3A_697, %get3A_698] {strides = array<i32>} : memref<200x64xf32, #tpu.memory_space<vmem>>, vector<1x16xf32>,
      %get3A_700 = vector.shape_cast %get3A_699 : vector<1x16xf32> to vector<16xf32>
      %swap3A_701 = arith.constant 0 : i32
      %swap3A_702 = arith.constant 0 : i32
      %swap3A_703 = arith.index_cast %swap3A_701 : i32 to index
      %swap3A_704 = arith.index_cast %swap3A_702 : i32 to index
      %swap3A_705 = arith.index_cast %scan3A_670 : i32 to index
      %swap3A_706 = arith.constant 32 : index
      %swap3A_707 = tpu.vector_load %arg8[%swap3A_703, %swap3A_704, %swap3A_705, %swap3A_706] {strides = array<i32>} : memref<2x2x200x64xf32, #tpu.memory_space<vmem>>, vector<1x1x1x16xf32>,
      %swap3A_708 = vector.shape_cast %swap3A_707 : vector<1x1x1x16xf32> to vector<16xf32>
      %swap3A_709 = vector.shape_cast %get3A_700 : vector<16xf32> to vector<1x1x1x16xf32>
      tpu.vector_store %arg8[%swap3A_703, %swap3A_704, %swap3A_705, %swap3A_706], %swap3A_709 {add = true, strides = array<i32>} : memref<2x2x200x64xf32, #tpu.memory_space<vmem>>, vector<1x1x1x16xf32>,
      %get3A_710 = arith.index_cast %scan3A_670 : i32 to index
      %get3A_711 = arith.constant 48 : index
      %get3A_712 = tpu.vector_load %arg7[%get3A_710, %get3A_711] {strides = array<i32>} : memref<200x64xf32, #tpu.memory_space<vmem>>, vector<1x16xf32>,
      %get3A_713 = vector.shape_cast %get3A_712 : vector<1x16xf32> to vector<16xf32>
      %swap3A_714 = arith.constant 0 : i32
      %swap3A_715 = arith.constant 0 : i32
      %swap3A_716 = arith.index_cast %swap3A_714 : i32 to index
      %swap3A_717 = arith.index_cast %swap3A_715 : i32 to index
      %swap3A_718 = arith.index_cast %scan3A_670 : i32 to index
      %swap3A_719 = arith.constant 48 : index
      %swap3A_720 = tpu.vector_load %arg8[%swap3A_716, %swap3A_717, %swap3A_718, %swap3A_719] {strides = array<i32>} : memref<2x2x200x64xf32, #tpu.memory_space<vmem>>, vector<1x1x1x16xf32>,
      %swap3A_721 = vector.shape_cast %swap3A_720 : vector<1x1x1x16xf32> to vector<16xf32>
      %swap3A_722 = vector.shape_cast %get3A_713 : vector<16xf32> to vector<1x1x1x16xf32>
      tpu.vector_store %arg8[%swap3A_716, %swap3A_717, %swap3A_718, %swap3A_719], %swap3A_722 {add = true, strides = array<i32>} : memref<2x2x200x64xf32, #tpu.memory_space<vmem>>, vector<1x1x1x16xf32>,
    }
    %scan3A_128 = arith.constant 200 : i32
    %scan3A_129 = arith.constant 0 : i32
    %scan3A_130 = arith.constant 0 : i32
    %scan3A_131 = arith.constant 200 : i32
    %scan3A_132 = arith.addi %scan3A_130, %scan3A_131 : i32
    %scan3A_133 = arith.constant 4 : i32
    scf.for %scan3A_510 = %scan3A_130 to %scan3A_132 step %scan3A_133  : i32 {
      %get3A = arith.index_cast %scan3A_510 : i32 to index
      %get3A_511 = arith.constant 0 : index
      %get3A_512 = tpu.vector_load %arg7[%get3A, %get3A_511] {strides = array<i32>} : memref<200x64xf32, #tpu.memory_space<vmem>>, vector<1x16xf32>,
      %get3A_513 = vector.shape_cast %get3A_512 : vector<1x16xf32> to vector<16xf32>
      %swap3A = arith.constant 0 : i32
      %swap3A_514 = arith.constant 1 : i32
      %swap3A_515 = arith.index_cast %swap3A : i32 to index
      %swap3A_516 = arith.index_cast %swap3A_514 : i32 to index
      %swap3A_517 = arith.index_cast %scan3A_510 : i32 to index
      %swap3A_518 = arith.constant 0 : index
      %swap3A_519 = tpu.vector_load %arg8[%swap3A_515, %swap3A_516, %swap3A_517, %swap3A_518] {strides = array<i32>} : memref<2x2x200x64xf32, #tpu.memory_space<vmem>>, vector<1x1x1x16xf32>,
      %swap3A_520 = vector.shape_cast %swap3A_519 : vector<1x1x1x16xf32> to vector<16xf32>
      %swap3A_521 = vector.shape_cast %get3A_513 : vector<16xf32> to vector<1x1x1x16xf32>
      tpu.vector_store %arg8[%swap3A_515, %swap3A_516, %swap3A_517, %swap3A_518], %swap3A_521 {add = true, strides = array<i32>} : memref<2x2x200x64xf32, #tpu.memory_space<vmem>>, vector<1x1x1x16xf32>,
      %get3A_522 = arith.index_cast %scan3A_510 : i32 to index
      %get3A_523 = arith.constant 16 : index
      %get3A_524 = tpu.vector_load %arg7[%get3A_522, %get3A_523] {strides = array<i32>} : memref<200x64xf32, #tpu.memory_space<vmem>>, vector<1x16xf32>,
      %get3A_525 = vector.shape_cast %get3A_524 : vector<1x16xf32> to vector<16xf32>
      %swap3A_526 = arith.constant 0 : i32
      %swap3A_527 = arith.constant 1 : i32
      %swap3A_528 = arith.index_cast %swap3A_526 : i32 to index
      %swap3A_529 = arith.index_cast %swap3A_527 : i32 to index
      %swap3A_530 = arith.index_cast %scan3A_510 : i32 to index
      %swap3A_531 = arith.constant 16 : index
      %swap3A_532 = tpu.vector_load %arg8[%swap3A_528, %swap3A_529, %swap3A_530, %swap3A_531] {strides = array<i32>} : memref<2x2x200x64xf32, #tpu.memory_space<vmem>>, vector<1x1x1x16xf32>,
      %swap3A_533 = vector.shape_cast %swap3A_532 : vector<1x1x1x16xf32> to vector<16xf32>
      %swap3A_534 = vector.shape_cast %get3A_525 : vector<16xf32> to vector<1x1x1x16xf32>
      tpu.vector_store %arg8[%swap3A_528, %swap3A_529, %swap3A_530, %swap3A_531], %swap3A_534 {add = true, strides = array<i32>} : memref<2x2x200x64xf32, #tpu.memory_space<vmem>>, vector<1x1x1x16xf32>,
      %get3A_535 = arith.index_cast %scan3A_510 : i32 to index
      %get3A_536 = arith.constant 32 : index
      %get3A_537 = tpu.vector_load %arg7[%get3A_535, %get3A_536] {strides = array<i32>} : memref<200x64xf32, #tpu.memory_space<vmem>>, vector<1x16xf32>,
      %get3A_538 = vector.shape_cast %get3A_537 : vector<1x16xf32> to vector<16xf32>
      %swap3A_539 = arith.constant 0 : i32
      %swap3A_540 = arith.constant 1 : i32
      %swap3A_541 = arith.index_cast %swap3A_539 : i32 to index
      %swap3A_542 = arith.index_cast %swap3A_540 : i32 to index
      %swap3A_543 = arith.index_cast %scan3A_510 : i32 to index
      %swap3A_544 = arith.constant 32 : index
      %swap3A_545 = tpu.vector_load %arg8[%swap3A_541, %swap3A_542, %swap3A_543, %swap3A_544] {strides = array<i32>} : memref<2x2x200x64xf32, #tpu.memory_space<vmem>>, vector<1x1x1x16xf32>,
      %swap3A_546 = vector.shape_cast %swap3A_545 : vector<1x1x1x16xf32> to vector<16xf32>
      %swap3A_547 = vector.shape_cast %get3A_538 : vector<16xf32> to vector<1x1x1x16xf32>
      tpu.vector_store %arg8[%swap3A_541, %swap3A_542, %swap3A_543, %swap3A_544], %swap3A_547 {add = true, strides = array<i32>} : memref<2x2x200x64xf32, #tpu.memory_space<vmem>>, vector<1x1x1x16xf32>,
      %get3A_548 = arith.index_cast %scan3A_510 : i32 to index
      %get3A_549 = arith.constant 48 : index
      %get3A_550 = tpu.vector_load %arg7[%get3A_548, %get3A_549] {strides = array<i32>} : memref<200x64xf32, #tpu.memory_space<vmem>>, vector<1x16xf32>,
      %get3A_551 = vector.shape_cast %get3A_550 : vector<1x16xf32> to vector<16xf32>
      %swap3A_552 = arith.constant 0 : i32
      %swap3A_553 = arith.constant 1 : i32
      %swap3A_554 = arith.index_cast %swap3A_552 : i32 to index
      %swap3A_555 = arith.index_cast %swap3A_553 : i32 to index
      %swap3A_556 = arith.index_cast %scan3A_510 : i32 to index
      %swap3A_557 = arith.constant 48 : index
      %swap3A_558 = tpu.vector_load %arg8[%swap3A_554, %swap3A_555, %swap3A_556, %swap3A_557] {strides = array<i32>} : memref<2x2x200x64xf32, #tpu.memory_space<vmem>>, vector<1x1x1x16xf32>,
      %swap3A_559 = vector.shape_cast %swap3A_558 : vector<1x1x1x16xf32> to vector<16xf32>
      %swap3A_560 = vector.shape_cast %get3A_551 : vector<16xf32> to vector<1x1x1x16xf32>
      tpu.vector_store %arg8[%swap3A_554, %swap3A_555, %swap3A_556, %swap3A_557], %swap3A_560 {add = true, strides = array<i32>} : memref<2x2x200x64xf32, #tpu.memory_space<vmem>>, vector<1x1x1x16xf32>,
      %scan3A_561 = arith.constant 1 : i32
      %scan3A_562 = arith.addi %scan3A_510, %scan3A_561 : i32
      %get3A_563 = arith.index_cast %scan3A_562 : i32 to index
      %get3A_564 = arith.constant 0 : index
      %get3A_565 = tpu.vector_load %arg7[%get3A_563, %get3A_564] {strides = array<i32>} : memref<200x64xf32, #tpu.memory_space<vmem>>, vector<1x16xf32>,
      %get3A_566 = vector.shape_cast %get3A_565 : vector<1x16xf32> to vector<16xf32>
      %swap3A_567 = arith.constant 0 : i32
      %swap3A_568 = arith.constant 1 : i32
      %swap3A_569 = arith.index_cast %swap3A_567 : i32 to index
      %swap3A_570 = arith.index_cast %swap3A_568 : i32 to index
      %swap3A_571 = arith.index_cast %scan3A_562 : i32 to index
      %swap3A_572 = arith.constant 0 : index
      %swap3A_573 = tpu.vector_load %arg8[%swap3A_569, %swap3A_570, %swap3A_571, %swap3A_572] {strides = array<i32>} : memref<2x2x200x64xf32, #tpu.memory_space<vmem>>, vector<1x1x1x16xf32>,
      %swap3A_574 = vector.shape_cast %swap3A_573 : vector<1x1x1x16xf32> to vector<16xf32>
      %swap3A_575 = vector.shape_cast %get3A_566 : vector<16xf32> to vector<1x1x1x16xf32>
      tpu.vector_store %arg8[%swap3A_569, %swap3A_570, %swap3A_571, %swap3A_572], %swap3A_575 {add = true, strides = array<i32>} : memref<2x2x200x64xf32, #tpu.memory_space<vmem>>, vector<1x1x1x16xf32>,
      %get3A_576 = arith.index_cast %scan3A_562 : i32 to index
      %get3A_577 = arith.constant 16 : index
      %get3A_578 = tpu.vector_load %arg7[%get3A_576, %get3A_577] {strides = array<i32>} : memref<200x64xf32, #tpu.memory_space<vmem>>, vector<1x16xf32>,
      %get3A_579 = vector.shape_cast %get3A_578 : vector<1x16xf32> to vector<16xf32>
      %swap3A_580 = arith.constant 0 : i32
      %swap3A_581 = arith.constant 1 : i32
      %swap3A_582 = arith.index_cast %swap3A_580 : i32 to index
      %swap3A_583 = arith.index_cast %swap3A_581 : i32 to index
      %swap3A_584 = arith.index_cast %scan3A_562 : i32 to index
      %swap3A_585 = arith.constant 16 : index
      %swap3A_586 = tpu.vector_load %arg8[%swap3A_582, %swap3A_583, %swap3A_584, %swap3A_585] {strides = array<i32>} : memref<2x2x200x64xf32, #tpu.memory_space<vmem>>, vector<1x1x1x16xf32>,
      %swap3A_587 = vector.shape_cast %swap3A_586 : vector<1x1x1x16xf32> to vector<16xf32>
      %swap3A_588 = vector.shape_cast %get3A_579 : vector<16xf32> to vector<1x1x1x16xf32>
      tpu.vector_store %arg8[%swap3A_582, %swap3A_583, %swap3A_584, %swap3A_585], %swap3A_588 {add = true, strides = array<i32>} : memref<2x2x200x64xf32, #tpu.memory_space<vmem>>, vector<1x1x1x16xf32>,
      %get3A_589 = arith.index_cast %scan3A_562 : i32 to index
      %get3A_590 = arith.constant 32 : index
      %get3A_591 = tpu.vector_load %arg7[%get3A_589, %get3A_590] {strides = array<i32>} : memref<200x64xf32, #tpu.memory_space<vmem>>, vector<1x16xf32>,
      %get3A_592 = vector.shape_cast %get3A_591 : vector<1x16xf32> to vector<16xf32>
      %swap3A_593 = arith.constant 0 : i32
      %swap3A_594 = arith.constant 1 : i32
      %swap3A_595 = arith.index_cast %swap3A_593 : i32 to index
      %swap3A_596 = arith.index_cast %swap3A_594 : i32 to index
      %swap3A_597 = arith.index_cast %scan3A_562 : i32 to index
      %swap3A_598 = arith.constant 32 : index
      %swap3A_599 = tpu.vector_load %arg8[%swap3A_595, %swap3A_596, %swap3A_597, %swap3A_598] {strides = array<i32>} : memref<2x2x200x64xf32, #tpu.memory_space<vmem>>, vector<1x1x1x16xf32>,
      %swap3A_600 = vector.shape_cast %swap3A_599 : vector<1x1x1x16xf32> to vector<16xf32>
      %swap3A_601 = vector.shape_cast %get3A_592 : vector<16xf32> to vector<1x1x1x16xf32>
      tpu.vector_store %arg8[%swap3A_595, %swap3A_596, %swap3A_597, %swap3A_598], %swap3A_601 {add = true, strides = array<i32>} : memref<2x2x200x64xf32, #tpu.memory_space<vmem>>, vector<1x1x1x16xf32>,
      %get3A_602 = arith.index_cast %scan3A_562 : i32 to index
      %get3A_603 = arith.constant 48 : index
      %get3A_604 = tpu.vector_load %arg7[%get3A_602, %get3A_603] {strides = array<i32>} : memref<200x64xf32, #tpu.memory_space<vmem>>, vector<1x16xf32>,
      %get3A_605 = vector.shape_cast %get3A_604 : vector<1x16xf32> to vector<16xf32>
      %swap3A_606 = arith.constant 0 : i32
      %swap3A_607 = arith.constant 1 : i32
      %swap3A_608 = arith.index_cast %swap3A_606 : i32 to index
      %swap3A_609 = arith.index_cast %swap3A_607 : i32 to index
      %swap3A_610 = arith.index_cast %scan3A_562 : i32 to index
      %swap3A_611 = arith.constant 48 : index
      %swap3A_612 = tpu.vector_load %arg8[%swap3A_608, %swap3A_609, %swap3A_610, %swap3A_611] {strides = array<i32>} : memref<2x2x200x64xf32, #tpu.memory_space<vmem>>, vector<1x1x1x16xf32>,
      %swap3A_613 = vector.shape_cast %swap3A_612 : vector<1x1x1x16xf32> to vector<16xf32>
      %swap3A_614 = vector.shape_cast %get3A_605 : vector<16xf32> to vector<1x1x1x16xf32>
      tpu.vector_store %arg8[%swap3A_608, %swap3A_609, %swap3A_610, %swap3A_611], %swap3A_614 {add = true, strides = array<i32>} : memref<2x2x200x64xf32, #tpu.memory_space<vmem>>, vector<1x1x1x16xf32>,
      %scan3A_615 = arith.constant 2 : i32
      %scan3A_616 = arith.addi %scan3A_510, %scan3A_615 : i32
      %get3A_617 = arith.index_cast %scan3A_616 : i32 to index
      %get3A_618 = arith.constant 0 : index
      %get3A_619 = tpu.vector_load %arg7[%get3A_617, %get3A_618] {strides = array<i32>} : memref<200x64xf32, #tpu.memory_space<vmem>>, vector<1x16xf32>,
      %get3A_620 = vector.shape_cast %get3A_619 : vector<1x16xf32> to vector<16xf32>
      %swap3A_621 = arith.constant 0 : i32
      %swap3A_622 = arith.constant 1 : i32
      %swap3A_623 = arith.index_cast %swap3A_621 : i32 to index
      %swap3A_624 = arith.index_cast %swap3A_622 : i32 to index
      %swap3A_625 = arith.index_cast %scan3A_616 : i32 to index
      %swap3A_626 = arith.constant 0 : index
      %swap3A_627 = tpu.vector_load %arg8[%swap3A_623, %swap3A_624, %swap3A_625, %swap3A_626] {strides = array<i32>} : memref<2x2x200x64xf32, #tpu.memory_space<vmem>>, vector<1x1x1x16xf32>,
      %swap3A_628 = vector.shape_cast %swap3A_627 : vector<1x1x1x16xf32> to vector<16xf32>
      %swap3A_629 = vector.shape_cast %get3A_620 : vector<16xf32> to vector<1x1x1x16xf32>
      tpu.vector_store %arg8[%swap3A_623, %swap3A_624, %swap3A_625, %swap3A_626], %swap3A_629 {add = true, strides = array<i32>} : memref<2x2x200x64xf32, #tpu.memory_space<vmem>>, vector<1x1x1x16xf32>,
      %get3A_630 = arith.index_cast %scan3A_616 : i32 to index
      %get3A_631 = arith.constant 16 : index
      %get3A_632 = tpu.vector_load %arg7[%get3A_630, %get3A_631] {strides = array<i32>} : memref<200x64xf32, #tpu.memory_space<vmem>>, vector<1x16xf32>,
      %get3A_633 = vector.shape_cast %get3A_632 : vector<1x16xf32> to vector<16xf32>
      %swap3A_634 = arith.constant 0 : i32
      %swap3A_635 = arith.constant 1 : i32
      %swap3A_636 = arith.index_cast %swap3A_634 : i32 to index
      %swap3A_637 = arith.index_cast %swap3A_635 : i32 to index
      %swap3A_638 = arith.index_cast %scan3A_616 : i32 to index
      %swap3A_639 = arith.constant 16 : index
      %swap3A_640 = tpu.vector_load %arg8[%swap3A_636, %swap3A_637, %swap3A_638, %swap3A_639] {strides = array<i32>} : memref<2x2x200x64xf32, #tpu.memory_space<vmem>>, vector<1x1x1x16xf32>,
      %swap3A_641 = vector.shape_cast %swap3A_640 : vector<1x1x1x16xf32> to vector<16xf32>
      %swap3A_642 = vector.shape_cast %get3A_633 : vector<16xf32> to vector<1x1x1x16xf32>
      tpu.vector_store %arg8[%swap3A_636, %swap3A_637, %swap3A_638, %swap3A_639], %swap3A_642 {add = true, strides = array<i32>} : memref<2x2x200x64xf32, #tpu.memory_space<vmem>>, vector<1x1x1x16xf32>,
      %get3A_643 = arith.index_cast %scan3A_616 : i32 to index
      %get3A_644 = arith.constant 32 : index
      %get3A_645 = tpu.vector_load %arg7[%get3A_643, %get3A_644] {strides = array<i32>} : memref<200x64xf32, #tpu.memory_space<vmem>>, vector<1x16xf32>,
      %get3A_646 = vector.shape_cast %get3A_645 : vector<1x16xf32> to vector<16xf32>
      %swap3A_647 = arith.constant 0 : i32
      %swap3A_648 = arith.constant 1 : i32
      %swap3A_649 = arith.index_cast %swap3A_647 : i32 to index
      %swap3A_650 = arith.index_cast %swap3A_648 : i32 to index
      %swap3A_651 = arith.index_cast %scan3A_616 : i32 to index
      %swap3A_652 = arith.constant 32 : index
      %swap3A_653 = tpu.vector_load %arg8[%swap3A_649, %swap3A_650, %swap3A_651, %swap3A_652] {strides = array<i32>} : memref<2x2x200x64xf32, #tpu.memory_space<vmem>>, vector<1x1x1x16xf32>,
      %swap3A_654 = vector.shape_cast %swap3A_653 : vector<1x1x1x16xf32> to vector<16xf32>
      %swap3A_655 = vector.shape_cast %get3A_646 : vector<16xf32> to vector<1x1x1x16xf32>
      tpu.vector_store %arg8[%swap3A_649, %swap3A_650, %swap3A_651, %swap3A_652], %swap3A_655 {add = true, strides = array<i32>} : memref<2x2x200x64xf32, #tpu.memory_space<vmem>>, vector<1x1x1x16xf32>,
      %get3A_656 = arith.index_cast %scan3A_616 : i32 to index
      %get3A_657 = arith.constant 48 : index
      %get3A_658 = tpu.vector_load %arg7[%get3A_656, %get3A_657] {strides = array<i32>} : memref<200x64xf32, #tpu.memory_space<vmem>>, vector<1x16xf32>,
      %get3A_659 = vector.shape_cast %get3A_658 : vector<1x16xf32> to vector<16xf32>
      %swap3A_660 = arith.constant 0 : i32
      %swap3A_661 = arith.constant 1 : i32
      %swap3A_662 = arith.index_cast %swap3A_660 : i32 to index
      %swap3A_663 = arith.index_cast %swap3A_661 : i32 to index
      %swap3A_664 = arith.index_cast %scan3A_616 : i32 to index
      %swap3A_665 = arith.constant 48 : index
      %swap3A_666 = tpu.vector_load %arg8[%swap3A_662, %swap3A_663, %swap3A_664, %swap3A_665] {strides = array<i32>} : memref<2x2x200x64xf32, #tpu.memory_space<vmem>>, vector<1x1x1x16xf32>,
      %swap3A_667 = vector.shape_cast %swap3A_666 : vector<1x1x1x16xf32> to vector<16xf32>
      %swap3A_668 = vector.shape_cast %get3A_659 : vector<16xf32> to vector<1x1x1x16xf32>
      tpu.vector_store %arg8[%swap3A_662, %swap3A_663, %swap3A_664, %swap3A_665], %swap3A_668 {add = true, strides = array<i32>} : memref<2x2x200x64xf32, #tpu.memory_space<vmem>>, vector<1x1x1x16xf32>,
      %scan3A_669 = arith.constant 3 : i32
      %scan3A_670 = arith.addi %scan3A_510, %scan3A_669 : i32
      %get3A_671 = arith.index_cast %scan3A_670 : i32 to index
      %get3A_672 = arith.constant 0 : index
      %get3A_673 = tpu.vector_load %arg7[%get3A_671, %get3A_672] {strides = array<i32>} : memref<200x64xf32, #tpu.memory_space<vmem>>, vector<1x16xf32>,
      %get3A_674 = vector.shape_cast %get3A_673 : vector<1x16xf32> to vector<16xf32>
      %swap3A_675 = arith.constant 0 : i32
      %swap3A_676 = arith.constant 1 : i32
      %swap3A_677 = arith.index_cast %swap3A_675 : i32 to index
      %swap3A_678 = arith.index_cast %swap3A_676 : i32 to index
      %swap3A_679 = arith.index_cast %scan3A_670 : i32 to index
      %swap3A_680 = arith.constant 0 : index
      %swap3A_681 = tpu.vector_load %arg8[%swap3A_677, %swap3A_678, %swap3A_679, %swap3A_680] {strides = array<i32>} : memref<2x2x200x64xf32, #tpu.memory_space<vmem>>, vector<1x1x1x16xf32>,
      %swap3A_682 = vector.shape_cast %swap3A_681 : vector<1x1x1x16xf32> to vector<16xf32>
      %swap3A_683 = vector.shape_cast %get3A_674 : vector<16xf32> to vector<1x1x1x16xf32>
      tpu.vector_store %arg8[%swap3A_677, %swap3A_678, %swap3A_679, %swap3A_680], %swap3A_683 {add = true, strides = array<i32>} : memref<2x2x200x64xf32, #tpu.memory_space<vmem>>, vector<1x1x1x16xf32>,
      %get3A_684 = arith.index_cast %scan3A_670 : i32 to index
      %get3A_685 = arith.constant 16 : index
      %get3A_686 = tpu.vector_load %arg7[%get3A_684, %get3A_685] {strides = array<i32>} : memref<200x64xf32, #tpu.memory_space<vmem>>, vector<1x16xf32>,
      %get3A_687 = vector.shape_cast %get3A_686 : vector<1x16xf32> to vector<16xf32>
      %swap3A_688 = arith.constant 0 : i32
      %swap3A_689 = arith.constant 1 : i32
      %swap3A_690 = arith.index_cast %swap3A_688 : i32 to index
      %swap3A_691 = arith.index_cast %swap3A_689 : i32 to index
      %swap3A_692 = arith.index_cast %scan3A_670 : i32 to index
      %swap3A_693 = arith.constant 16 : index
      %swap3A_694 = tpu.vector_load %arg8[%swap3A_690, %swap3A_691, %swap3A_692, %swap3A_693] {strides = array<i32>} : memref<2x2x200x64xf32, #tpu.memory_space<vmem>>, vector<1x1x1x16xf32>,
      %swap3A_695 = vector.shape_cast %swap3A_694 : vector<1x1x1x16xf32> to vector<16xf32>
      %swap3A_696 = vector.shape_cast %get3A_687 : vector<16xf32> to vector<1x1x1x16xf32>
      tpu.vector_store %arg8[%swap3A_690, %swap3A_691, %swap3A_692, %swap3A_693], %swap3A_696 {add = true, strides = array<i32>} : memref<2x2x200x64xf32, #tpu.memory_space<vmem>>, vector<1x1x1x16xf32>,
      %get3A_697 = arith.index_cast %scan3A_670 : i32 to index
      %get3A_698 = arith.constant 32 : index
      %get3A_699 = tpu.vector_load %arg7[%get3A_697, %get3A_698] {strides = array<i32>} : memref<200x64xf32, #tpu.memory_space<vmem>>, vector<1x16xf32>,
      %get3A_700 = vector.shape_cast %get3A_699 : vector<1x16xf32> to vector<16xf32>
      %swap3A_701 = arith.constant 0 : i32
      %swap3A_702 = arith.constant 1 : i32
      %swap3A_703 = arith.index_cast %swap3A_701 : i32 to index
      %swap3A_704 = arith.index_cast %swap3A_702 : i32 to index
      %swap3A_705 = arith.index_cast %scan3A_670 : i32 to index
      %swap3A_706 = arith.constant 32 : index
      %swap3A_707 = tpu.vector_load %arg8[%swap3A_703, %swap3A_704, %swap3A_705, %swap3A_706] {strides = array<i32>} : memref<2x2x200x64xf32, #tpu.memory_space<vmem>>, vector<1x1x1x16xf32>,
      %swap3A_708 = vector.shape_cast %swap3A_707 : vector<1x1x1x16xf32> to vector<16xf32>
      %swap3A_709 = vector.shape_cast %get3A_700 : vector<16xf32> to vector<1x1x1x16xf32>
      tpu.vector_store %arg8[%swap3A_703, %swap3A_704, %swap3A_705, %swap3A_706], %swap3A_709 {add = true, strides = array<i32>} : memref<2x2x200x64xf32, #tpu.memory_space<vmem>>, vector<1x1x1x16xf32>,
      %get3A_710 = arith.index_cast %scan3A_670 : i32 to index
      %get3A_711 = arith.constant 48 : index
      %get3A_712 = tpu.vector_load %arg7[%get3A_710, %get3A_711] {strides = array<i32>} : memref<200x64xf32, #tpu.memory_space<vmem>>, vector<1x16xf32>,
      %get3A_713 = vector.shape_cast %get3A_712 : vector<1x16xf32> to vector<16xf32>
      %swap3A_714 = arith.constant 0 : i32
      %swap3A_715 = arith.constant 1 : i32
      %swap3A_716 = arith.index_cast %swap3A_714 : i32 to index
      %swap3A_717 = arith.index_cast %swap3A_715 : i32 to index
      %swap3A_718 = arith.index_cast %scan3A_670 : i32 to index
      %swap3A_719 = arith.constant 48 : index
      %swap3A_720 = tpu.vector_load %arg8[%swap3A_716, %swap3A_717, %swap3A_718, %swap3A_719] {strides = array<i32>} : memref<2x2x200x64xf32, #tpu.memory_space<vmem>>, vector<1x1x1x16xf32>,
      %swap3A_721 = vector.shape_cast %swap3A_720 : vector<1x1x1x16xf32> to vector<16xf32>
      %swap3A_722 = vector.shape_cast %get3A_713 : vector<16xf32> to vector<1x1x1x16xf32>
      tpu.vector_store %arg8[%swap3A_716, %swap3A_717, %swap3A_718, %swap3A_719], %swap3A_722 {add = true, strides = array<i32>} : memref<2x2x200x64xf32, #tpu.memory_space<vmem>>, vector<1x1x1x16xf32>,
    }
    %scan3A_134 = arith.constant 200 : i32
    %add3A_135 = arith.constant 0 : i32
    %add3A_136 = arith.addi %mul3A_2, %add3A_135 : i32
    %dma_start3A_137 = arith.constant 0 : i32
    %dma_start3A_138 = arith.constant 0 : i32
    %dma_start3A_139 = arith.constant 0 : i32
    %dma_start3A_140 = arith.constant 0 : i32
    %dma_start3A_141 = tpu.memref_slice %arg8[%dma_start3A_137, %dma_start3A_138, %dma_start3A_139, %dma_start3A_140] : memref<2x2x200x64xf32, #tpu.memory_space<vmem>> -> memref<1x2x200x64xf32, #tpu.memory_space<vmem>>
    %dma_start3A_142 = tpu.memref_squeeze %dma_start3A_141 : memref<1x2x200x64xf32, #tpu.memory_space<vmem>> -> memref<2x200x64xf32, #tpu.memory_space<vmem>>
    %dma_start3A_143 = arith.constant 0 : i32
    %dma_start3A_144 = arith.constant 0 : i32
    %dma_start3A_145 = tpu.memref_slice %arg5[%add3A_136, %dma_start3A_143, %dma_start3A_144] : memref<4096x200x64xf32, #tpu.memory_space<hbm>> -> memref<2x200x64xf32, #tpu.memory_space<hbm>>
    %dma_start3A_146 = arith.constant 0 : i32
    %dma_start3A_147 = arith.constant 0 : i32
    %dma_start3A_148 = tpu.memref_slice %arg5[%add3A_136, %dma_start3A_146, %dma_start3A_147] : memref<4096x200x64xf32, #tpu.memory_space<hbm>> -> memref<2x200x64xf32, #tpu.memory_space<hbm>>
    %dma_start3A_149 = arith.constant 0 : i32
    %dma_start3A_150 = arith.constant 0 : i32
    %dma_start3A_151 = arith.constant 0 : i32
    %dma_start3A_152 = tpu.memref_slice %arg8[%dma_start3A_137, %dma_start3A_149, %dma_start3A_150, %dma_start3A_151] : memref<2x2x200x64xf32, #tpu.memory_space<vmem>> -> memref<1x2x200x64xf32, #tpu.memory_space<vmem>>
    %dma_start3A_153 = tpu.memref_squeeze %dma_start3A_152 : memref<1x2x200x64xf32, #tpu.memory_space<vmem>> -> memref<2x200x64xf32, #tpu.memory_space<vmem>>
    tpu.enqueue_dma source(%dma_start3A_153 : memref<2x200x64xf32, #tpu.memory_space<vmem>>) target(%dma_start3A_148 : memref<2x200x64xf32, #tpu.memory_space<hbm>>) target_semaphore(%arg11 : memref<!tpu.dma_semaphore, #tpu.memory_space<semaphore_mem>>)
    %dma_wait3A_154 = arith.constant 1 : i32
    %dma_wait3A_155 = arith.constant 0 : i32
    %dma_wait3A_156 = arith.constant 0 : i32
    %dma_wait3A_157 = arith.constant 0 : i32
    %dma_wait3A_158 = tpu.memref_slice %arg8[%dma_wait3A_154, %dma_wait3A_155, %dma_wait3A_156, %dma_wait3A_157] : memref<2x2x200x64xf32, #tpu.memory_space<vmem>> -> memref<1x2x200x64xf32, #tpu.memory_space<vmem>>
    %dma_wait3A_159 = tpu.memref_squeeze %dma_wait3A_158 : memref<1x2x200x64xf32, #tpu.memory_space<vmem>> -> memref<2x200x64xf32, #tpu.memory_space<vmem>>
    %dma_wait3A_160 = arith.constant 0 : i32
    %dma_wait3A_161 = arith.constant 0 : i32
    %dma_wait3A_162 = arith.constant 0 : i32
    %dma_wait3A_163 = tpu.memref_slice %arg5[%dma_wait3A_160, %dma_wait3A_161, %dma_wait3A_162] : memref<4096x200x64xf32, #tpu.memory_space<hbm>> -> memref<2x200x64xf32, #tpu.memory_space<hbm>>
    %dma_wait3A_164 = arith.constant 0 : i32
    %dma_wait3A_165 = arith.constant 0 : i32
    %dma_wait3A_166 = arith.constant 0 : i32
    %dma_wait3A_167 = tpu.memref_slice %arg8[%dma_wait3A_154, %dma_wait3A_164, %dma_wait3A_165, %dma_wait3A_166] : memref<2x2x200x64xf32, #tpu.memory_space<vmem>> -> memref<1x2x200x64xf32, #tpu.memory_space<vmem>>
    %dma_wait3A_168 = tpu.memref_squeeze %dma_wait3A_167 : memref<1x2x200x64xf32, #tpu.memory_space<vmem>> -> memref<2x200x64xf32, #tpu.memory_space<vmem>>
    %dma_wait3A_169 = arith.constant 0 : i32
    %dma_wait3A_170 = arith.constant 0 : i32
    %dma_wait3A_171 = arith.constant 0 : i32
    %dma_wait3A_172 = tpu.memref_slice %arg5[%dma_wait3A_169, %dma_wait3A_170, %dma_wait3A_171] : memref<4096x200x64xf32, #tpu.memory_space<hbm>> -> memref<2x200x64xf32, #tpu.memory_space<hbm>>
    tpu.wait_dma2 semaphore(%arg10 : memref<!tpu.dma_semaphore, #tpu.memory_space<semaphore_mem>>) src(%dma_wait3A_172 : memref<2x200x64xf32, #tpu.memory_space<hbm>>) dst(%dma_wait3A_168 : memref<2x200x64xf32, #tpu.memory_space<vmem>>)
    %dma_wait3A_173 = arith.constant 0 : i32
    %dma_wait3A_174 = arith.constant 0 : i32
    %dma_wait3A_175 = arith.constant 0 : i32
    %dma_wait3A_176 = arith.constant 0 : i32
    %dma_wait3A_177 = tpu.memref_slice %arg8[%dma_wait3A_173, %dma_wait3A_174, %dma_wait3A_175, %dma_wait3A_176] : memref<2x2x200x64xf32, #tpu.memory_space<vmem>> -> memref<1x2x200x64xf32, #tpu.memory_space<vmem>>
    %dma_wait3A_178 = tpu.memref_squeeze %dma_wait3A_177 : memref<1x2x200x64xf32, #tpu.memory_space<vmem>> -> memref<2x200x64xf32, #tpu.memory_space<vmem>>
    %dma_wait3A_179 = arith.constant 0 : i32
    %dma_wait3A_180 = arith.constant 0 : i32
    %dma_wait3A_181 = arith.constant 0 : i32
    %dma_wait3A_182 = tpu.memref_slice %arg5[%dma_wait3A_179, %dma_wait3A_180, %dma_wait3A_181] : memref<4096x200x64xf32, #tpu.memory_space<hbm>> -> memref<2x200x64xf32, #tpu.memory_space<hbm>>
    %dma_wait3A_183 = arith.constant 0 : i32
    %dma_wait3A_184 = arith.constant 0 : i32
    %dma_wait3A_185 = arith.constant 0 : i32
    %dma_wait3A_186 = tpu.memref_slice %arg5[%dma_wait3A_183, %dma_wait3A_184, %dma_wait3A_185] : memref<4096x200x64xf32, #tpu.memory_space<hbm>> -> memref<2x200x64xf32, #tpu.memory_space<hbm>>
    %dma_wait3A_187 = arith.constant 0 : i32
    %dma_wait3A_188 = arith.constant 0 : i32
    %dma_wait3A_189 = arith.constant 0 : i32
    %dma_wait3A_190 = tpu.memref_slice %arg8[%dma_wait3A_173, %dma_wait3A_187, %dma_wait3A_188, %dma_wait3A_189] : memref<2x2x200x64xf32, #tpu.memory_space<vmem>> -> memref<1x2x200x64xf32, #tpu.memory_space<vmem>>
    %dma_wait3A_191 = tpu.memref_squeeze %dma_wait3A_190 : memref<1x2x200x64xf32, #tpu.memory_space<vmem>> -> memref<2x200x64xf32, #tpu.memory_space<vmem>>
    tpu.wait_dma2 semaphore(%arg11 : memref<!tpu.dma_semaphore, #tpu.memory_space<semaphore_mem>>) src(%dma_wait3A_191 : memref<2x200x64xf32, #tpu.memory_space<vmem>>) dst(%dma_wait3A_186 : memref<2x200x64xf32, #tpu.memory_space<hbm>>)
    %add3A_192 = arith.constant 1 : i32
    %add3A_193 = arith.constant 1 : i32
    %add3A_194 = arith.addi %add3A_192, %add3A_193 : i32
    %mul3A_195 = arith.constant 2 : i32
    %mul3A_196 = arith.muli %add3A_194, %mul3A_195 : i32
    %add3A_197 = arith.constant 0 : i32
    %add3A_198 = arith.addi %mul3A_196, %add3A_197 : i32
    %dma_start3A_199 = arith.constant 0 : i32
    %dma_start3A_200 = arith.constant 0 : i32
    %dma_start3A_201 = arith.constant 0 : i32
    %dma_start3A_202 = arith.constant 0 : i32
    %dma_start3A_203 = tpu.memref_slice %arg8[%dma_start3A_199, %dma_start3A_200, %dma_start3A_201, %dma_start3A_202] : memref<2x2x200x64xf32, #tpu.memory_space<vmem>> -> memref<1x1x128x64xf32, #tpu.memory_space<vmem>>
    %dma_start3A_204 = tpu.memref_squeeze %dma_start3A_203 : memref<1x1x128x64xf32, #tpu.memory_space<vmem>> -> memref<128x64xf32, #tpu.memory_space<vmem>>
    %dma_start3A_205 = arith.constant 0 : i32
    %dma_start3A_206 = tpu.memref_slice %arg6[%add3A_198, %dma_start3A_205] : memref<128x200xi32, #tpu.memory_space<vmem>> -> memref<1x128xi32, #tpu.memory_space<vmem>>
    %dma_start3A_207 = tpu.memref_squeeze %dma_start3A_206 : memref<1x128xi32, #tpu.memory_space<vmem>> -> memref<128xi32, #tpu.memory_space<vmem>>
    %dma_start3A_208 = arith.constant 0 : i32
    %dma_start3A_209 = arith.constant 0 : i32
    %dma_start3A_210 = tpu.memref_slice %arg3[%dma_start3A_208, %dma_start3A_209] : memref<1000000x64xf32, #tpu.memory_space<hbm>> -> memref<1000000x64xf32, #tpu.memory_space<hbm>>
    tpu.enqueue_indirect_dma source(%dma_start3A_210 : memref<1000000x64xf32, #tpu.memory_space<hbm>>) target(%dma_start3A_204 : memref<128x64xf32, #tpu.memory_space<vmem>>) offsets(%dma_start3A_207 : memref<128xi32, #tpu.memory_space<vmem>>) semaphore(%arg9 : memref<!tpu.dma_semaphore, #tpu.memory_space<semaphore_mem>>)
    %dma_start3A_211 = arith.constant 0 : i32
    %dma_start3A_212 = arith.constant 0 : i32
    %dma_start3A_213 = arith.constant 128 : i32
    %dma_start3A_214 = arith.constant 0 : i32
    %dma_start3A_215 = tpu.memref_slice %arg8[%dma_start3A_211, %dma_start3A_212, %dma_start3A_213, %dma_start3A_214] : memref<2x2x200x64xf32, #tpu.memory_space<vmem>> -> memref<1x1x72x64xf32, #tpu.memory_space<vmem>>
    %dma_start3A_216 = tpu.memref_squeeze %dma_start3A_215 : memref<1x1x72x64xf32, #tpu.memory_space<vmem>> -> memref<72x64xf32, #tpu.memory_space<vmem>>
    %dma_start3A_217 = arith.constant 128 : i32
    %dma_start3A_218 = tpu.memref_slice %arg6[%add3A_198, %dma_start3A_217] : memref<128x200xi32, #tpu.memory_space<vmem>> -> memref<1x72xi32, #tpu.memory_space<vmem>>
    %dma_start3A_219 = tpu.memref_squeeze %dma_start3A_218 : memref<1x72xi32, #tpu.memory_space<vmem>> -> memref<72xi32, #tpu.memory_space<vmem>>
    %dma_start3A_220 = arith.constant 0 : i32
    %dma_start3A_221 = arith.constant 0 : i32
    %dma_start3A_222 = tpu.memref_slice %arg3[%dma_start3A_220, %dma_start3A_221] : memref<1000000x64xf32, #tpu.memory_space<hbm>> -> memref<1000000x64xf32, #tpu.memory_space<hbm>>
    tpu.enqueue_indirect_dma source(%dma_start3A_222 : memref<1000000x64xf32, #tpu.memory_space<hbm>>) target(%dma_start3A_216 : memref<72x64xf32, #tpu.memory_space<vmem>>) offsets(%dma_start3A_219 : memref<72xi32, #tpu.memory_space<vmem>>) semaphore(%arg9 : memref<!tpu.dma_semaphore, #tpu.memory_space<semaphore_mem>>)
    %mul3A_223 = arith.constant 2 : i32
    %mul3A_224 = arith.muli %add3A_194, %mul3A_223 : i32
    %add3A_225 = arith.constant 1 : i32
    %add3A_226 = arith.addi %mul3A_224, %add3A_225 : i32
    %dma_start3A_227 = arith.constant 0 : i32
    %dma_start3A_228 = arith.constant 1 : i32
    %dma_start3A_229 = arith.constant 0 : i32
    %dma_start3A_230 = arith.constant 0 : i32
    %dma_start3A_231 = tpu.memref_slice %arg8[%dma_start3A_227, %dma_start3A_228, %dma_start3A_229, %dma_start3A_230] : memref<2x2x200x64xf32, #tpu.memory_space<vmem>> -> memref<1x1x128x64xf32, #tpu.memory_space<vmem>>
    %dma_start3A_232 = tpu.memref_squeeze %dma_start3A_231 : memref<1x1x128x64xf32, #tpu.memory_space<vmem>> -> memref<128x64xf32, #tpu.memory_space<vmem>>
    %dma_start3A_233 = arith.constant 0 : i32
    %dma_start3A_234 = tpu.memref_slice %arg6[%add3A_226, %dma_start3A_233] : memref<128x200xi32, #tpu.memory_space<vmem>> -> memref<1x128xi32, #tpu.memory_space<vmem>>
    %dma_start3A_235 = tpu.memref_squeeze %dma_start3A_234 : memref<1x128xi32, #tpu.memory_space<vmem>> -> memref<128xi32, #tpu.memory_space<vmem>>
    %dma_start3A_236 = arith.constant 0 : i32
    %dma_start3A_237 = arith.constant 0 : i32
    %dma_start3A_238 = tpu.memref_slice %arg3[%dma_start3A_236, %dma_start3A_237] : memref<1000000x64xf32, #tpu.memory_space<hbm>> -> memref<1000000x64xf32, #tpu.memory_space<hbm>>
    tpu.enqueue_indirect_dma source(%dma_start3A_238 : memref<1000000x64xf32, #tpu.memory_space<hbm>>) target(%dma_start3A_232 : memref<128x64xf32, #tpu.memory_space<vmem>>) offsets(%dma_start3A_235 : memref<128xi32, #tpu.memory_space<vmem>>) semaphore(%arg9 : memref<!tpu.dma_semaphore, #tpu.memory_space<semaphore_mem>>)
    %dma_start3A_239 = arith.constant 0 : i32
    %dma_start3A_240 = arith.constant 1 : i32
    %dma_start3A_241 = arith.constant 128 : i32
    %dma_start3A_242 = arith.constant 0 : i32
    %dma_start3A_243 = tpu.memref_slice %arg8[%dma_start3A_239, %dma_start3A_240, %dma_start3A_241, %dma_start3A_242] : memref<2x2x200x64xf32, #tpu.memory_space<vmem>> -> memref<1x1x72x64xf32, #tpu.memory_space<vmem>>
    %dma_start3A_244 = tpu.memref_squeeze %dma_start3A_243 : memref<1x1x72x64xf32, #tpu.memory_space<vmem>> -> memref<72x64xf32, #tpu.memory_space<vmem>>
    %dma_start3A_245 = arith.constant 128 : i32
    %dma_start3A_246 = tpu.memref_slice %arg6[%add3A_226, %dma_start3A_245] : memref<128x200xi32, #tpu.memory_space<vmem>> -> memref<1x72xi32, #tpu.memory_space<vmem>>
    %dma_start3A_247 = tpu.memref_squeeze %dma_start3A_246 : memref<1x72xi32, #tpu.memory_space<vmem>> -> memref<72xi32, #tpu.memory_space<vmem>>
    %dma_start3A_248 = arith.constant 0 : i32
    %dma_start3A_249 = arith.constant 0 : i32
    %dma_start3A_250 = tpu.memref_slice %arg3[%dma_start3A_248, %dma_start3A_249] : memref<1000000x64xf32, #tpu.memory_space<hbm>> -> memref<1000000x64xf32, #tpu.memory_space<hbm>>
    tpu.enqueue_indirect_dma source(%dma_start3A_250 : memref<1000000x64xf32, #tpu.memory_space<hbm>>) target(%dma_start3A_244 : memref<72x64xf32, #tpu.memory_space<vmem>>) offsets(%dma_start3A_247 : memref<72xi32, #tpu.memory_space<vmem>>) semaphore(%arg9 : memref<!tpu.dma_semaphore, #tpu.memory_space<semaphore_mem>>)
    %scan3A_251 = arith.constant 0 : i32
    %scan3A_252 = arith.constant 0 : i32
    %scan3A_253 = arith.constant 200 : i32
    %scan3A_254 = arith.addi %scan3A_252, %scan3A_253 : i32
    %scan3A_255 = arith.constant 4 : i32
    scf.for %scan3A_510 = %scan3A_252 to %scan3A_254 step %scan3A_255  : i32 {
      %get3A = arith.index_cast %scan3A_510 : i32 to index
      %get3A_511 = arith.constant 0 : index
      %get3A_512 = tpu.vector_load %arg7[%get3A, %get3A_511] {strides = array<i32>} : memref<200x64xf32, #tpu.memory_space<vmem>>, vector<1x16xf32>,
      %get3A_513 = vector.shape_cast %get3A_512 : vector<1x16xf32> to vector<16xf32>
      %swap3A = arith.constant 1 : i32
      %swap3A_514 = arith.constant 0 : i32
      %swap3A_515 = arith.index_cast %swap3A : i32 to index
      %swap3A_516 = arith.index_cast %swap3A_514 : i32 to index
      %swap3A_517 = arith.index_cast %scan3A_510 : i32 to index
      %swap3A_518 = arith.constant 0 : index
      %swap3A_519 = tpu.vector_load %arg8[%swap3A_515, %swap3A_516, %swap3A_517, %swap3A_518] {strides = array<i32>} : memref<2x2x200x64xf32, #tpu.memory_space<vmem>>, vector<1x1x1x16xf32>,
      %swap3A_520 = vector.shape_cast %swap3A_519 : vector<1x1x1x16xf32> to vector<16xf32>
      %swap3A_521 = vector.shape_cast %get3A_513 : vector<16xf32> to vector<1x1x1x16xf32>
      tpu.vector_store %arg8[%swap3A_515, %swap3A_516, %swap3A_517, %swap3A_518], %swap3A_521 {add = true, strides = array<i32>} : memref<2x2x200x64xf32, #tpu.memory_space<vmem>>, vector<1x1x1x16xf32>,
      %get3A_522 = arith.index_cast %scan3A_510 : i32 to index
      %get3A_523 = arith.constant 16 : index
      %get3A_524 = tpu.vector_load %arg7[%get3A_522, %get3A_523] {strides = array<i32>} : memref<200x64xf32, #tpu.memory_space<vmem>>, vector<1x16xf32>,
      %get3A_525 = vector.shape_cast %get3A_524 : vector<1x16xf32> to vector<16xf32>
      %swap3A_526 = arith.constant 1 : i32
      %swap3A_527 = arith.constant 0 : i32
      %swap3A_528 = arith.index_cast %swap3A_526 : i32 to index
      %swap3A_529 = arith.index_cast %swap3A_527 : i32 to index
      %swap3A_530 = arith.index_cast %scan3A_510 : i32 to index
      %swap3A_531 = arith.constant 16 : index
      %swap3A_532 = tpu.vector_load %arg8[%swap3A_528, %swap3A_529, %swap3A_530, %swap3A_531] {strides = array<i32>} : memref<2x2x200x64xf32, #tpu.memory_space<vmem>>, vector<1x1x1x16xf32>,
      %swap3A_533 = vector.shape_cast %swap3A_532 : vector<1x1x1x16xf32> to vector<16xf32>
      %swap3A_534 = vector.shape_cast %get3A_525 : vector<16xf32> to vector<1x1x1x16xf32>
      tpu.vector_store %arg8[%swap3A_528, %swap3A_529, %swap3A_530, %swap3A_531], %swap3A_534 {add = true, strides = array<i32>} : memref<2x2x200x64xf32, #tpu.memory_space<vmem>>, vector<1x1x1x16xf32>,
      %get3A_535 = arith.index_cast %scan3A_510 : i32 to index
      %get3A_536 = arith.constant 32 : index
      %get3A_537 = tpu.vector_load %arg7[%get3A_535, %get3A_536] {strides = array<i32>} : memref<200x64xf32, #tpu.memory_space<vmem>>, vector<1x16xf32>,
      %get3A_538 = vector.shape_cast %get3A_537 : vector<1x16xf32> to vector<16xf32>
      %swap3A_539 = arith.constant 1 : i32
      %swap3A_540 = arith.constant 0 : i32
      %swap3A_541 = arith.index_cast %swap3A_539 : i32 to index
      %swap3A_542 = arith.index_cast %swap3A_540 : i32 to index
      %swap3A_543 = arith.index_cast %scan3A_510 : i32 to index
      %swap3A_544 = arith.constant 32 : index
      %swap3A_545 = tpu.vector_load %arg8[%swap3A_541, %swap3A_542, %swap3A_543, %swap3A_544] {strides = array<i32>} : memref<2x2x200x64xf32, #tpu.memory_space<vmem>>, vector<1x1x1x16xf32>,
      %swap3A_546 = vector.shape_cast %swap3A_545 : vector<1x1x1x16xf32> to vector<16xf32>
      %swap3A_547 = vector.shape_cast %get3A_538 : vector<16xf32> to vector<1x1x1x16xf32>
      tpu.vector_store %arg8[%swap3A_541, %swap3A_542, %swap3A_543, %swap3A_544], %swap3A_547 {add = true, strides = array<i32>} : memref<2x2x200x64xf32, #tpu.memory_space<vmem>>, vector<1x1x1x16xf32>,
      %get3A_548 = arith.index_cast %scan3A_510 : i32 to index
      %get3A_549 = arith.constant 48 : index
      %get3A_550 = tpu.vector_load %arg7[%get3A_548, %get3A_549] {strides = array<i32>} : memref<200x64xf32, #tpu.memory_space<vmem>>, vector<1x16xf32>,
      %get3A_551 = vector.shape_cast %get3A_550 : vector<1x16xf32> to vector<16xf32>
      %swap3A_552 = arith.constant 1 : i32
      %swap3A_553 = arith.constant 0 : i32
      %swap3A_554 = arith.index_cast %swap3A_552 : i32 to index
      %swap3A_555 = arith.index_cast %swap3A_553 : i32 to index
      %swap3A_556 = arith.index_cast %scan3A_510 : i32 to index
      %swap3A_557 = arith.constant 48 : index
      %swap3A_558 = tpu.vector_load %arg8[%swap3A_554, %swap3A_555, %swap3A_556, %swap3A_557] {strides = array<i32>} : memref<2x2x200x64xf32, #tpu.memory_space<vmem>>, vector<1x1x1x16xf32>,
      %swap3A_559 = vector.shape_cast %swap3A_558 : vector<1x1x1x16xf32> to vector<16xf32>
      %swap3A_560 = vector.shape_cast %get3A_551 : vector<16xf32> to vector<1x1x1x16xf32>
      tpu.vector_store %arg8[%swap3A_554, %swap3A_555, %swap3A_556, %swap3A_557], %swap3A_560 {add = true, strides = array<i32>} : memref<2x2x200x64xf32, #tpu.memory_space<vmem>>, vector<1x1x1x16xf32>,
      %scan3A_561 = arith.constant 1 : i32
      %scan3A_562 = arith.addi %scan3A_510, %scan3A_561 : i32
      %get3A_563 = arith.index_cast %scan3A_562 : i32 to index
      %get3A_564 = arith.constant 0 : index
      %get3A_565 = tpu.vector_load %arg7[%get3A_563, %get3A_564] {strides = array<i32>} : memref<200x64xf32, #tpu.memory_space<vmem>>, vector<1x16xf32>,
      %get3A_566 = vector.shape_cast %get3A_565 : vector<1x16xf32> to vector<16xf32>
      %swap3A_567 = arith.constant 1 : i32
      %swap3A_568 = arith.constant 0 : i32
      %swap3A_569 = arith.index_cast %swap3A_567 : i32 to index
      %swap3A_570 = arith.index_cast %swap3A_568 : i32 to index
      %swap3A_571 = arith.index_cast %scan3A_562 : i32 to index
      %swap3A_572 = arith.constant 0 : index
      %swap3A_573 = tpu.vector_load %arg8[%swap3A_569, %swap3A_570, %swap3A_571, %swap3A_572] {strides = array<i32>} : memref<2x2x200x64xf32, #tpu.memory_space<vmem>>, vector<1x1x1x16xf32>,
      %swap3A_574 = vector.shape_cast %swap3A_573 : vector<1x1x1x16xf32> to vector<16xf32>
      %swap3A_575 = vector.shape_cast %get3A_566 : vector<16xf32> to vector<1x1x1x16xf32>
      tpu.vector_store %arg8[%swap3A_569, %swap3A_570, %swap3A_571, %swap3A_572], %swap3A_575 {add = true, strides = array<i32>} : memref<2x2x200x64xf32, #tpu.memory_space<vmem>>, vector<1x1x1x16xf32>,
      %get3A_576 = arith.index_cast %scan3A_562 : i32 to index
      %get3A_577 = arith.constant 16 : index
      %get3A_578 = tpu.vector_load %arg7[%get3A_576, %get3A_577] {strides = array<i32>} : memref<200x64xf32, #tpu.memory_space<vmem>>, vector<1x16xf32>,
      %get3A_579 = vector.shape_cast %get3A_578 : vector<1x16xf32> to vector<16xf32>
      %swap3A_580 = arith.constant 1 : i32
      %swap3A_581 = arith.constant 0 : i32
      %swap3A_582 = arith.index_cast %swap3A_580 : i32 to index
      %swap3A_583 = arith.index_cast %swap3A_581 : i32 to index
      %swap3A_584 = arith.index_cast %scan3A_562 : i32 to index
      %swap3A_585 = arith.constant 16 : index
      %swap3A_586 = tpu.vector_load %arg8[%swap3A_582, %swap3A_583, %swap3A_584, %swap3A_585] {strides = array<i32>} : memref<2x2x200x64xf32, #tpu.memory_space<vmem>>, vector<1x1x1x16xf32>,
      %swap3A_587 = vector.shape_cast %swap3A_586 : vector<1x1x1x16xf32> to vector<16xf32>
      %swap3A_588 = vector.shape_cast %get3A_579 : vector<16xf32> to vector<1x1x1x16xf32>
      tpu.vector_store %arg8[%swap3A_582, %swap3A_583, %swap3A_584, %swap3A_585], %swap3A_588 {add = true, strides = array<i32>} : memref<2x2x200x64xf32, #tpu.memory_space<vmem>>, vector<1x1x1x16xf32>,
      %get3A_589 = arith.index_cast %scan3A_562 : i32 to index
      %get3A_590 = arith.constant 32 : index
      %get3A_591 = tpu.vector_load %arg7[%get3A_589, %get3A_590] {strides = array<i32>} : memref<200x64xf32, #tpu.memory_space<vmem>>, vector<1x16xf32>,
      %get3A_592 = vector.shape_cast %get3A_591 : vector<1x16xf32> to vector<16xf32>
      %swap3A_593 = arith.constant 1 : i32
      %swap3A_594 = arith.constant 0 : i32
      %swap3A_595 = arith.index_cast %swap3A_593 : i32 to index
      %swap3A_596 = arith.index_cast %swap3A_594 : i32 to index
      %swap3A_597 = arith.index_cast %scan3A_562 : i32 to index
      %swap3A_598 = arith.constant 32 : index
      %swap3A_599 = tpu.vector_load %arg8[%swap3A_595, %swap3A_596, %swap3A_597, %swap3A_598] {strides = array<i32>} : memref<2x2x200x64xf32, #tpu.memory_space<vmem>>, vector<1x1x1x16xf32>,
      %swap3A_600 = vector.shape_cast %swap3A_599 : vector<1x1x1x16xf32> to vector<16xf32>
      %swap3A_601 = vector.shape_cast %get3A_592 : vector<16xf32> to vector<1x1x1x16xf32>
      tpu.vector_store %arg8[%swap3A_595, %swap3A_596, %swap3A_597, %swap3A_598], %swap3A_601 {add = true, strides = array<i32>} : memref<2x2x200x64xf32, #tpu.memory_space<vmem>>, vector<1x1x1x16xf32>,
      %get3A_602 = arith.index_cast %scan3A_562 : i32 to index
      %get3A_603 = arith.constant 48 : index
      %get3A_604 = tpu.vector_load %arg7[%get3A_602, %get3A_603] {strides = array<i32>} : memref<200x64xf32, #tpu.memory_space<vmem>>, vector<1x16xf32>,
      %get3A_605 = vector.shape_cast %get3A_604 : vector<1x16xf32> to vector<16xf32>
      %swap3A_606 = arith.constant 1 : i32
      %swap3A_607 = arith.constant 0 : i32
      %swap3A_608 = arith.index_cast %swap3A_606 : i32 to index
      %swap3A_609 = arith.index_cast %swap3A_607 : i32 to index
      %swap3A_610 = arith.index_cast %scan3A_562 : i32 to index
      %swap3A_611 = arith.constant 48 : index
      %swap3A_612 = tpu.vector_load %arg8[%swap3A_608, %swap3A_609, %swap3A_610, %swap3A_611] {strides = array<i32>} : memref<2x2x200x64xf32, #tpu.memory_space<vmem>>, vector<1x1x1x16xf32>,
      %swap3A_613 = vector.shape_cast %swap3A_612 : vector<1x1x1x16xf32> to vector<16xf32>
      %swap3A_614 = vector.shape_cast %get3A_605 : vector<16xf32> to vector<1x1x1x16xf32>
      tpu.vector_store %arg8[%swap3A_608, %swap3A_609, %swap3A_610, %swap3A_611], %swap3A_614 {add = true, strides = array<i32>} : memref<2x2x200x64xf32, #tpu.memory_space<vmem>>, vector<1x1x1x16xf32>,
      %scan3A_615 = arith.constant 2 : i32
      %scan3A_616 = arith.addi %scan3A_510, %scan3A_615 : i32
      %get3A_617 = arith.index_cast %scan3A_616 : i32 to index
      %get3A_618 = arith.constant 0 : index
      %get3A_619 = tpu.vector_load %arg7[%get3A_617, %get3A_618] {strides = array<i32>} : memref<200x64xf32, #tpu.memory_space<vmem>>, vector<1x16xf32>,
      %get3A_620 = vector.shape_cast %get3A_619 : vector<1x16xf32> to vector<16xf32>
      %swap3A_621 = arith.constant 1 : i32
      %swap3A_622 = arith.constant 0 : i32
      %swap3A_623 = arith.index_cast %swap3A_621 : i32 to index
      %swap3A_624 = arith.index_cast %swap3A_622 : i32 to index
      %swap3A_625 = arith.index_cast %scan3A_616 : i32 to index
      %swap3A_626 = arith.constant 0 : index
      %swap3A_627 = tpu.vector_load %arg8[%swap3A_623, %swap3A_624, %swap3A_625, %swap3A_626] {strides = array<i32>} : memref<2x2x200x64xf32, #tpu.memory_space<vmem>>, vector<1x1x1x16xf32>,
      %swap3A_628 = vector.shape_cast %swap3A_627 : vector<1x1x1x16xf32> to vector<16xf32>
      %swap3A_629 = vector.shape_cast %get3A_620 : vector<16xf32> to vector<1x1x1x16xf32>
      tpu.vector_store %arg8[%swap3A_623, %swap3A_624, %swap3A_625, %swap3A_626], %swap3A_629 {add = true, strides = array<i32>} : memref<2x2x200x64xf32, #tpu.memory_space<vmem>>, vector<1x1x1x16xf32>,
      %get3A_630 = arith.index_cast %scan3A_616 : i32 to index
      %get3A_631 = arith.constant 16 : index
      %get3A_632 = tpu.vector_load %arg7[%get3A_630, %get3A_631] {strides = array<i32>} : memref<200x64xf32, #tpu.memory_space<vmem>>, vector<1x16xf32>,
      %get3A_633 = vector.shape_cast %get3A_632 : vector<1x16xf32> to vector<16xf32>
      %swap3A_634 = arith.constant 1 : i32
      %swap3A_635 = arith.constant 0 : i32
      %swap3A_636 = arith.index_cast %swap3A_634 : i32 to index
      %swap3A_637 = arith.index_cast %swap3A_635 : i32 to index
      %swap3A_638 = arith.index_cast %scan3A_616 : i32 to index
      %swap3A_639 = arith.constant 16 : index
      %swap3A_640 = tpu.vector_load %arg8[%swap3A_636, %swap3A_637, %swap3A_638, %swap3A_639] {strides = array<i32>} : memref<2x2x200x64xf32, #tpu.memory_space<vmem>>, vector<1x1x1x16xf32>,
      %swap3A_641 = vector.shape_cast %swap3A_640 : vector<1x1x1x16xf32> to vector<16xf32>
      %swap3A_642 = vector.shape_cast %get3A_633 : vector<16xf32> to vector<1x1x1x16xf32>
      tpu.vector_store %arg8[%swap3A_636, %swap3A_637, %swap3A_638, %swap3A_639], %swap3A_642 {add = true, strides = array<i32>} : memref<2x2x200x64xf32, #tpu.memory_space<vmem>>, vector<1x1x1x16xf32>,
      %get3A_643 = arith.index_cast %scan3A_616 : i32 to index
      %get3A_644 = arith.constant 32 : index
      %get3A_645 = tpu.vector_load %arg7[%get3A_643, %get3A_644] {strides = array<i32>} : memref<200x64xf32, #tpu.memory_space<vmem>>, vector<1x16xf32>,
      %get3A_646 = vector.shape_cast %get3A_645 : vector<1x16xf32> to vector<16xf32>
      %swap3A_647 = arith.constant 1 : i32
      %swap3A_648 = arith.constant 0 : i32
      %swap3A_649 = arith.index_cast %swap3A_647 : i32 to index
      %swap3A_650 = arith.index_cast %swap3A_648 : i32 to index
      %swap3A_651 = arith.index_cast %scan3A_616 : i32 to index
      %swap3A_652 = arith.constant 32 : index
      %swap3A_653 = tpu.vector_load %arg8[%swap3A_649, %swap3A_650, %swap3A_651, %swap3A_652] {strides = array<i32>} : memref<2x2x200x64xf32, #tpu.memory_space<vmem>>, vector<1x1x1x16xf32>,
      %swap3A_654 = vector.shape_cast %swap3A_653 : vector<1x1x1x16xf32> to vector<16xf32>
      %swap3A_655 = vector.shape_cast %get3A_646 : vector<16xf32> to vector<1x1x1x16xf32>
      tpu.vector_store %arg8[%swap3A_649, %swap3A_650, %swap3A_651, %swap3A_652], %swap3A_655 {add = true, strides = array<i32>} : memref<2x2x200x64xf32, #tpu.memory_space<vmem>>, vector<1x1x1x16xf32>,
      %get3A_656 = arith.index_cast %scan3A_616 : i32 to index
      %get3A_657 = arith.constant 48 : index
      %get3A_658 = tpu.vector_load %arg7[%get3A_656, %get3A_657] {strides = array<i32>} : memref<200x64xf32, #tpu.memory_space<vmem>>, vector<1x16xf32>,
      %get3A_659 = vector.shape_cast %get3A_658 : vector<1x16xf32> to vector<16xf32>
      %swap3A_660 = arith.constant 1 : i32
      %swap3A_661 = arith.constant 0 : i32
      %swap3A_662 = arith.index_cast %swap3A_660 : i32 to index
      %swap3A_663 = arith.index_cast %swap3A_661 : i32 to index
      %swap3A_664 = arith.index_cast %scan3A_616 : i32 to index
      %swap3A_665 = arith.constant 48 : index
      %swap3A_666 = tpu.vector_load %arg8[%swap3A_662, %swap3A_663, %swap3A_664, %swap3A_665] {strides = array<i32>} : memref<2x2x200x64xf32, #tpu.memory_space<vmem>>, vector<1x1x1x16xf32>,
      %swap3A_667 = vector.shape_cast %swap3A_666 : vector<1x1x1x16xf32> to vector<16xf32>
      %swap3A_668 = vector.shape_cast %get3A_659 : vector<16xf32> to vector<1x1x1x16xf32>
      tpu.vector_store %arg8[%swap3A_662, %swap3A_663, %swap3A_664, %swap3A_665], %swap3A_668 {add = true, strides = array<i32>} : memref<2x2x200x64xf32, #tpu.memory_space<vmem>>, vector<1x1x1x16xf32>,
      %scan3A_669 = arith.constant 3 : i32
      %scan3A_670 = arith.addi %scan3A_510, %scan3A_669 : i32
      %get3A_671 = arith.index_cast %scan3A_670 : i32 to index
      %get3A_672 = arith.constant 0 : index
      %get3A_673 = tpu.vector_load %arg7[%get3A_671, %get3A_672] {strides = array<i32>} : memref<200x64xf32, #tpu.memory_space<vmem>>, vector<1x16xf32>,
      %get3A_674 = vector.shape_cast %get3A_673 : vector<1x16xf32> to vector<16xf32>
      %swap3A_675 = arith.constant 1 : i32
      %swap3A_676 = arith.constant 0 : i32
      %swap3A_677 = arith.index_cast %swap3A_675 : i32 to index
      %swap3A_678 = arith.index_cast %swap3A_676 : i32 to index
      %swap3A_679 = arith.index_cast %scan3A_670 : i32 to index
      %swap3A_680 = arith.constant 0 : index
      %swap3A_681 = tpu.vector_load %arg8[%swap3A_677, %swap3A_678, %swap3A_679, %swap3A_680] {strides = array<i32>} : memref<2x2x200x64xf32, #tpu.memory_space<vmem>>, vector<1x1x1x16xf32>,
      %swap3A_682 = vector.shape_cast %swap3A_681 : vector<1x1x1x16xf32> to vector<16xf32>
      %swap3A_683 = vector.shape_cast %get3A_674 : vector<16xf32> to vector<1x1x1x16xf32>
      tpu.vector_store %arg8[%swap3A_677, %swap3A_678, %swap3A_679, %swap3A_680], %swap3A_683 {add = true, strides = array<i32>} : memref<2x2x200x64xf32, #tpu.memory_space<vmem>>, vector<1x1x1x16xf32>,
      %get3A_684 = arith.index_cast %scan3A_670 : i32 to index
      %get3A_685 = arith.constant 16 : index
      %get3A_686 = tpu.vector_load %arg7[%get3A_684, %get3A_685] {strides = array<i32>} : memref<200x64xf32, #tpu.memory_space<vmem>>, vector<1x16xf32>,
      %get3A_687 = vector.shape_cast %get3A_686 : vector<1x16xf32> to vector<16xf32>
      %swap3A_688 = arith.constant 1 : i32
      %swap3A_689 = arith.constant 0 : i32
      %swap3A_690 = arith.index_cast %swap3A_688 : i32 to index
      %swap3A_691 = arith.index_cast %swap3A_689 : i32 to index
      %swap3A_692 = arith.index_cast %scan3A_670 : i32 to index
      %swap3A_693 = arith.constant 16 : index
      %swap3A_694 = tpu.vector_load %arg8[%swap3A_690, %swap3A_691, %swap3A_692, %swap3A_693] {strides = array<i32>} : memref<2x2x200x64xf32, #tpu.memory_space<vmem>>, vector<1x1x1x16xf32>,
      %swap3A_695 = vector.shape_cast %swap3A_694 : vector<1x1x1x16xf32> to vector<16xf32>
      %swap3A_696 = vector.shape_cast %get3A_687 : vector<16xf32> to vector<1x1x1x16xf32>
      tpu.vector_store %arg8[%swap3A_690, %swap3A_691, %swap3A_692, %swap3A_693], %swap3A_696 {add = true, strides = array<i32>} : memref<2x2x200x64xf32, #tpu.memory_space<vmem>>, vector<1x1x1x16xf32>,
      %get3A_697 = arith.index_cast %scan3A_670 : i32 to index
      %get3A_698 = arith.constant 32 : index
      %get3A_699 = tpu.vector_load %arg7[%get3A_697, %get3A_698] {strides = array<i32>} : memref<200x64xf32, #tpu.memory_space<vmem>>, vector<1x16xf32>,
      %get3A_700 = vector.shape_cast %get3A_699 : vector<1x16xf32> to vector<16xf32>
      %swap3A_701 = arith.constant 1 : i32
      %swap3A_702 = arith.constant 0 : i32
      %swap3A_703 = arith.index_cast %swap3A_701 : i32 to index
      %swap3A_704 = arith.index_cast %swap3A_702 : i32 to index
      %swap3A_705 = arith.index_cast %scan3A_670 : i32 to index
      %swap3A_706 = arith.constant 32 : index
      %swap3A_707 = tpu.vector_load %arg8[%swap3A_703, %swap3A_704, %swap3A_705, %swap3A_706] {strides = array<i32>} : memref<2x2x200x64xf32, #tpu.memory_space<vmem>>, vector<1x1x1x16xf32>,
      %swap3A_708 = vector.shape_cast %swap3A_707 : vector<1x1x1x16xf32> to vector<16xf32>
      %swap3A_709 = vector.shape_cast %get3A_700 : vector<16xf32> to vector<1x1x1x16xf32>
      tpu.vector_store %arg8[%swap3A_703, %swap3A_704, %swap3A_705, %swap3A_706], %swap3A_709 {add = true, strides = array<i32>} : memref<2x2x200x64xf32, #tpu.memory_space<vmem>>, vector<1x1x1x16xf32>,
      %get3A_710 = arith.index_cast %scan3A_670 : i32 to index
      %get3A_711 = arith.constant 48 : index
      %get3A_712 = tpu.vector_load %arg7[%get3A_710, %get3A_711] {strides = array<i32>} : memref<200x64xf32, #tpu.memory_space<vmem>>, vector<1x16xf32>,
      %get3A_713 = vector.shape_cast %get3A_712 : vector<1x16xf32> to vector<16xf32>
      %swap3A_714 = arith.constant 1 : i32
      %swap3A_715 = arith.constant 0 : i32
      %swap3A_716 = arith.index_cast %swap3A_714 : i32 to index
      %swap3A_717 = arith.index_cast %swap3A_715 : i32 to index
      %swap3A_718 = arith.index_cast %scan3A_670 : i32 to index
      %swap3A_719 = arith.constant 48 : index
      %swap3A_720 = tpu.vector_load %arg8[%swap3A_716, %swap3A_717, %swap3A_718, %swap3A_719] {strides = array<i32>} : memref<2x2x200x64xf32, #tpu.memory_space<vmem>>, vector<1x1x1x16xf32>,
      %swap3A_721 = vector.shape_cast %swap3A_720 : vector<1x1x1x16xf32> to vector<16xf32>
      %swap3A_722 = vector.shape_cast %get3A_713 : vector<16xf32> to vector<1x1x1x16xf32>
      tpu.vector_store %arg8[%swap3A_716, %swap3A_717, %swap3A_718, %swap3A_719], %swap3A_722 {add = true, strides = array<i32>} : memref<2x2x200x64xf32, #tpu.memory_space<vmem>>, vector<1x1x1x16xf32>,
    }
    %scan3A_256 = arith.constant 200 : i32
    %scan3A_257 = arith.constant 0 : i32
    %scan3A_258 = arith.constant 0 : i32
    %scan3A_259 = arith.constant 200 : i32
    %scan3A_260 = arith.addi %scan3A_258, %scan3A_259 : i32
    %scan3A_261 = arith.constant 4 : i32
    scf.for %scan3A_510 = %scan3A_258 to %scan3A_260 step %scan3A_261  : i32 {
      %get3A = arith.index_cast %scan3A_510 : i32 to index
      %get3A_511 = arith.constant 0 : index
      %get3A_512 = tpu.vector_load %arg7[%get3A, %get3A_511] {strides = array<i32>} : memref<200x64xf32, #tpu.memory_space<vmem>>, vector<1x16xf32>,
      %get3A_513 = vector.shape_cast %get3A_512 : vector<1x16xf32> to vector<16xf32>
      %swap3A = arith.constant 1 : i32
      %swap3A_514 = arith.constant 1 : i32
      %swap3A_515 = arith.index_cast %swap3A : i32 to index
      %swap3A_516 = arith.index_cast %swap3A_514 : i32 to index
      %swap3A_517 = arith.index_cast %scan3A_510 : i32 to index
      %swap3A_518 = arith.constant 0 : index
      %swap3A_519 = tpu.vector_load %arg8[%swap3A_515, %swap3A_516, %swap3A_517, %swap3A_518] {strides = array<i32>} : memref<2x2x200x64xf32, #tpu.memory_space<vmem>>, vector<1x1x1x16xf32>,
      %swap3A_520 = vector.shape_cast %swap3A_519 : vector<1x1x1x16xf32> to vector<16xf32>
      %swap3A_521 = vector.shape_cast %get3A_513 : vector<16xf32> to vector<1x1x1x16xf32>
      tpu.vector_store %arg8[%swap3A_515, %swap3A_516, %swap3A_517, %swap3A_518], %swap3A_521 {add = true, strides = array<i32>} : memref<2x2x200x64xf32, #tpu.memory_space<vmem>>, vector<1x1x1x16xf32>,
      %get3A_522 = arith.index_cast %scan3A_510 : i32 to index
      %get3A_523 = arith.constant 16 : index
      %get3A_524 = tpu.vector_load %arg7[%get3A_522, %get3A_523] {strides = array<i32>} : memref<200x64xf32, #tpu.memory_space<vmem>>, vector<1x16xf32>,
      %get3A_525 = vector.shape_cast %get3A_524 : vector<1x16xf32> to vector<16xf32>
      %swap3A_526 = arith.constant 1 : i32
      %swap3A_527 = arith.constant 1 : i32
      %swap3A_528 = arith.index_cast %swap3A_526 : i32 to index
      %swap3A_529 = arith.index_cast %swap3A_527 : i32 to index
      %swap3A_530 = arith.index_cast %scan3A_510 : i32 to index
      %swap3A_531 = arith.constant 16 : index
      %swap3A_532 = tpu.vector_load %arg8[%swap3A_528, %swap3A_529, %swap3A_530, %swap3A_531] {strides = array<i32>} : memref<2x2x200x64xf32, #tpu.memory_space<vmem>>, vector<1x1x1x16xf32>,
      %swap3A_533 = vector.shape_cast %swap3A_532 : vector<1x1x1x16xf32> to vector<16xf32>
      %swap3A_534 = vector.shape_cast %get3A_525 : vector<16xf32> to vector<1x1x1x16xf32>
      tpu.vector_store %arg8[%swap3A_528, %swap3A_529, %swap3A_530, %swap3A_531], %swap3A_534 {add = true, strides = array<i32>} : memref<2x2x200x64xf32, #tpu.memory_space<vmem>>, vector<1x1x1x16xf32>,
      %get3A_535 = arith.index_cast %scan3A_510 : i32 to index
      %get3A_536 = arith.constant 32 : index
      %get3A_537 = tpu.vector_load %arg7[%get3A_535, %get3A_536] {strides = array<i32>} : memref<200x64xf32, #tpu.memory_space<vmem>>, vector<1x16xf32>,
      %get3A_538 = vector.shape_cast %get3A_537 : vector<1x16xf32> to vector<16xf32>
      %swap3A_539 = arith.constant 1 : i32
      %swap3A_540 = arith.constant 1 : i32
      %swap3A_541 = arith.index_cast %swap3A_539 : i32 to index
      %swap3A_542 = arith.index_cast %swap3A_540 : i32 to index
      %swap3A_543 = arith.index_cast %scan3A_510 : i32 to index
      %swap3A_544 = arith.constant 32 : index
      %swap3A_545 = tpu.vector_load %arg8[%swap3A_541, %swap3A_542, %swap3A_543, %swap3A_544] {strides = array<i32>} : memref<2x2x200x64xf32, #tpu.memory_space<vmem>>, vector<1x1x1x16xf32>,
      %swap3A_546 = vector.shape_cast %swap3A_545 : vector<1x1x1x16xf32> to vector<16xf32>
      %swap3A_547 = vector.shape_cast %get3A_538 : vector<16xf32> to vector<1x1x1x16xf32>
      tpu.vector_store %arg8[%swap3A_541, %swap3A_542, %swap3A_543, %swap3A_544], %swap3A_547 {add = true, strides = array<i32>} : memref<2x2x200x64xf32, #tpu.memory_space<vmem>>, vector<1x1x1x16xf32>,
      %get3A_548 = arith.index_cast %scan3A_510 : i32 to index
      %get3A_549 = arith.constant 48 : index
      %get3A_550 = tpu.vector_load %arg7[%get3A_548, %get3A_549] {strides = array<i32>} : memref<200x64xf32, #tpu.memory_space<vmem>>, vector<1x16xf32>,
      %get3A_551 = vector.shape_cast %get3A_550 : vector<1x16xf32> to vector<16xf32>
      %swap3A_552 = arith.constant 1 : i32
      %swap3A_553 = arith.constant 1 : i32
      %swap3A_554 = arith.index_cast %swap3A_552 : i32 to index
      %swap3A_555 = arith.index_cast %swap3A_553 : i32 to index
      %swap3A_556 = arith.index_cast %scan3A_510 : i32 to index
      %swap3A_557 = arith.constant 48 : index
      %swap3A_558 = tpu.vector_load %arg8[%swap3A_554, %swap3A_555, %swap3A_556, %swap3A_557] {strides = array<i32>} : memref<2x2x200x64xf32, #tpu.memory_space<vmem>>, vector<1x1x1x16xf32>,
      %swap3A_559 = vector.shape_cast %swap3A_558 : vector<1x1x1x16xf32> to vector<16xf32>
      %swap3A_560 = vector.shape_cast %get3A_551 : vector<16xf32> to vector<1x1x1x16xf32>
      tpu.vector_store %arg8[%swap3A_554, %swap3A_555, %swap3A_556, %swap3A_557], %swap3A_560 {add = true, strides = array<i32>} : memref<2x2x200x64xf32, #tpu.memory_space<vmem>>, vector<1x1x1x16xf32>,
      %scan3A_561 = arith.constant 1 : i32
      %scan3A_562 = arith.addi %scan3A_510, %scan3A_561 : i32
      %get3A_563 = arith.index_cast %scan3A_562 : i32 to index
      %get3A_564 = arith.constant 0 : index
      %get3A_565 = tpu.vector_load %arg7[%get3A_563, %get3A_564] {strides = array<i32>} : memref<200x64xf32, #tpu.memory_space<vmem>>, vector<1x16xf32>,
      %get3A_566 = vector.shape_cast %get3A_565 : vector<1x16xf32> to vector<16xf32>
      %swap3A_567 = arith.constant 1 : i32
      %swap3A_568 = arith.constant 1 : i32
      %swap3A_569 = arith.index_cast %swap3A_567 : i32 to index
      %swap3A_570 = arith.index_cast %swap3A_568 : i32 to index
      %swap3A_571 = arith.index_cast %scan3A_562 : i32 to index
      %swap3A_572 = arith.constant 0 : index
      %swap3A_573 = tpu.vector_load %arg8[%swap3A_569, %swap3A_570, %swap3A_571, %swap3A_572] {strides = array<i32>} : memref<2x2x200x64xf32, #tpu.memory_space<vmem>>, vector<1x1x1x16xf32>,
      %swap3A_574 = vector.shape_cast %swap3A_573 : vector<1x1x1x16xf32> to vector<16xf32>
      %swap3A_575 = vector.shape_cast %get3A_566 : vector<16xf32> to vector<1x1x1x16xf32>
      tpu.vector_store %arg8[%swap3A_569, %swap3A_570, %swap3A_571, %swap3A_572], %swap3A_575 {add = true, strides = array<i32>} : memref<2x2x200x64xf32, #tpu.memory_space<vmem>>, vector<1x1x1x16xf32>,
      %get3A_576 = arith.index_cast %scan3A_562 : i32 to index
      %get3A_577 = arith.constant 16 : index
      %get3A_578 = tpu.vector_load %arg7[%get3A_576, %get3A_577] {strides = array<i32>} : memref<200x64xf32, #tpu.memory_space<vmem>>, vector<1x16xf32>,
      %get3A_579 = vector.shape_cast %get3A_578 : vector<1x16xf32> to vector<16xf32>
      %swap3A_580 = arith.constant 1 : i32
      %swap3A_581 = arith.constant 1 : i32
      %swap3A_582 = arith.index_cast %swap3A_580 : i32 to index
      %swap3A_583 = arith.index_cast %swap3A_581 : i32 to index
      %swap3A_584 = arith.index_cast %scan3A_562 : i32 to index
      %swap3A_585 = arith.constant 16 : index
      %swap3A_586 = tpu.vector_load %arg8[%swap3A_582, %swap3A_583, %swap3A_584, %swap3A_585] {strides = array<i32>} : memref<2x2x200x64xf32, #tpu.memory_space<vmem>>, vector<1x1x1x16xf32>,
      %swap3A_587 = vector.shape_cast %swap3A_586 : vector<1x1x1x16xf32> to vector<16xf32>
      %swap3A_588 = vector.shape_cast %get3A_579 : vector<16xf32> to vector<1x1x1x16xf32>
      tpu.vector_store %arg8[%swap3A_582, %swap3A_583, %swap3A_584, %swap3A_585], %swap3A_588 {add = true, strides = array<i32>} : memref<2x2x200x64xf32, #tpu.memory_space<vmem>>, vector<1x1x1x16xf32>,
      %get3A_589 = arith.index_cast %scan3A_562 : i32 to index
      %get3A_590 = arith.constant 32 : index
      %get3A_591 = tpu.vector_load %arg7[%get3A_589, %get3A_590] {strides = array<i32>} : memref<200x64xf32, #tpu.memory_space<vmem>>, vector<1x16xf32>,
      %get3A_592 = vector.shape_cast %get3A_591 : vector<1x16xf32> to vector<16xf32>
      %swap3A_593 = arith.constant 1 : i32
      %swap3A_594 = arith.constant 1 : i32
      %swap3A_595 = arith.index_cast %swap3A_593 : i32 to index
      %swap3A_596 = arith.index_cast %swap3A_594 : i32 to index
      %swap3A_597 = arith.index_cast %scan3A_562 : i32 to index
      %swap3A_598 = arith.constant 32 : index
      %swap3A_599 = tpu.vector_load %arg8[%swap3A_595, %swap3A_596, %swap3A_597, %swap3A_598] {strides = array<i32>} : memref<2x2x200x64xf32, #tpu.memory_space<vmem>>, vector<1x1x1x16xf32>,
      %swap3A_600 = vector.shape_cast %swap3A_599 : vector<1x1x1x16xf32> to vector<16xf32>
      %swap3A_601 = vector.shape_cast %get3A_592 : vector<16xf32> to vector<1x1x1x16xf32>
      tpu.vector_store %arg8[%swap3A_595, %swap3A_596, %swap3A_597, %swap3A_598], %swap3A_601 {add = true, strides = array<i32>} : memref<2x2x200x64xf32, #tpu.memory_space<vmem>>, vector<1x1x1x16xf32>,
      %get3A_602 = arith.index_cast %scan3A_562 : i32 to index
      %get3A_603 = arith.constant 48 : index
      %get3A_604 = tpu.vector_load %arg7[%get3A_602, %get3A_603] {strides = array<i32>} : memref<200x64xf32, #tpu.memory_space<vmem>>, vector<1x16xf32>,
      %get3A_605 = vector.shape_cast %get3A_604 : vector<1x16xf32> to vector<16xf32>
      %swap3A_606 = arith.constant 1 : i32
      %swap3A_607 = arith.constant 1 : i32
      %swap3A_608 = arith.index_cast %swap3A_606 : i32 to index
      %swap3A_609 = arith.index_cast %swap3A_607 : i32 to index
      %swap3A_610 = arith.index_cast %scan3A_562 : i32 to index
      %swap3A_611 = arith.constant 48 : index
      %swap3A_612 = tpu.vector_load %arg8[%swap3A_608, %swap3A_609, %swap3A_610, %swap3A_611] {strides = array<i32>} : memref<2x2x200x64xf32, #tpu.memory_space<vmem>>, vector<1x1x1x16xf32>,
      %swap3A_613 = vector.shape_cast %swap3A_612 : vector<1x1x1x16xf32> to vector<16xf32>
      %swap3A_614 = vector.shape_cast %get3A_605 : vector<16xf32> to vector<1x1x1x16xf32>
      tpu.vector_store %arg8[%swap3A_608, %swap3A_609, %swap3A_610, %swap3A_611], %swap3A_614 {add = true, strides = array<i32>} : memref<2x2x200x64xf32, #tpu.memory_space<vmem>>, vector<1x1x1x16xf32>,
      %scan3A_615 = arith.constant 2 : i32
      %scan3A_616 = arith.addi %scan3A_510, %scan3A_615 : i32
      %get3A_617 = arith.index_cast %scan3A_616 : i32 to index
      %get3A_618 = arith.constant 0 : index
      %get3A_619 = tpu.vector_load %arg7[%get3A_617, %get3A_618] {strides = array<i32>} : memref<200x64xf32, #tpu.memory_space<vmem>>, vector<1x16xf32>,
      %get3A_620 = vector.shape_cast %get3A_619 : vector<1x16xf32> to vector<16xf32>
      %swap3A_621 = arith.constant 1 : i32
      %swap3A_622 = arith.constant 1 : i32
      %swap3A_623 = arith.index_cast %swap3A_621 : i32 to index
      %swap3A_624 = arith.index_cast %swap3A_622 : i32 to index
      %swap3A_625 = arith.index_cast %scan3A_616 : i32 to index
      %swap3A_626 = arith.constant 0 : index
      %swap3A_627 = tpu.vector_load %arg8[%swap3A_623, %swap3A_624, %swap3A_625, %swap3A_626] {strides = array<i32>} : memref<2x2x200x64xf32, #tpu.memory_space<vmem>>, vector<1x1x1x16xf32>,
      %swap3A_628 = vector.shape_cast %swap3A_627 : vector<1x1x1x16xf32> to vector<16xf32>
      %swap3A_629 = vector.shape_cast %get3A_620 : vector<16xf32> to vector<1x1x1x16xf32>
      tpu.vector_store %arg8[%swap3A_623, %swap3A_624, %swap3A_625, %swap3A_626], %swap3A_629 {add = true, strides = array<i32>} : memref<2x2x200x64xf32, #tpu.memory_space<vmem>>, vector<1x1x1x16xf32>,
      %get3A_630 = arith.index_cast %scan3A_616 : i32 to index
      %get3A_631 = arith.constant 16 : index
      %get3A_632 = tpu.vector_load %arg7[%get3A_630, %get3A_631] {strides = array<i32>} : memref<200x64xf32, #tpu.memory_space<vmem>>, vector<1x16xf32>,
      %get3A_633 = vector.shape_cast %get3A_632 : vector<1x16xf32> to vector<16xf32>
      %swap3A_634 = arith.constant 1 : i32
      %swap3A_635 = arith.constant 1 : i32
      %swap3A_636 = arith.index_cast %swap3A_634 : i32 to index
      %swap3A_637 = arith.index_cast %swap3A_635 : i32 to index
      %swap3A_638 = arith.index_cast %scan3A_616 : i32 to index
      %swap3A_639 = arith.constant 16 : index
      %swap3A_640 = tpu.vector_load %arg8[%swap3A_636, %swap3A_637, %swap3A_638, %swap3A_639] {strides = array<i32>} : memref<2x2x200x64xf32, #tpu.memory_space<vmem>>, vector<1x1x1x16xf32>,
      %swap3A_641 = vector.shape_cast %swap3A_640 : vector<1x1x1x16xf32> to vector<16xf32>
      %swap3A_642 = vector.shape_cast %get3A_633 : vector<16xf32> to vector<1x1x1x16xf32>
      tpu.vector_store %arg8[%swap3A_636, %swap3A_637, %swap3A_638, %swap3A_639], %swap3A_642 {add = true, strides = array<i32>} : memref<2x2x200x64xf32, #tpu.memory_space<vmem>>, vector<1x1x1x16xf32>,
      %get3A_643 = arith.index_cast %scan3A_616 : i32 to index
      %get3A_644 = arith.constant 32 : index
      %get3A_645 = tpu.vector_load %arg7[%get3A_643, %get3A_644] {strides = array<i32>} : memref<200x64xf32, #tpu.memory_space<vmem>>, vector<1x16xf32>,
      %get3A_646 = vector.shape_cast %get3A_645 : vector<1x16xf32> to vector<16xf32>
      %swap3A_647 = arith.constant 1 : i32
      %swap3A_648 = arith.constant 1 : i32
      %swap3A_649 = arith.index_cast %swap3A_647 : i32 to index
      %swap3A_650 = arith.index_cast %swap3A_648 : i32 to index
      %swap3A_651 = arith.index_cast %scan3A_616 : i32 to index
      %swap3A_652 = arith.constant 32 : index
      %swap3A_653 = tpu.vector_load %arg8[%swap3A_649, %swap3A_650, %swap3A_651, %swap3A_652] {strides = array<i32>} : memref<2x2x200x64xf32, #tpu.memory_space<vmem>>, vector<1x1x1x16xf32>,
      %swap3A_654 = vector.shape_cast %swap3A_653 : vector<1x1x1x16xf32> to vector<16xf32>
      %swap3A_655 = vector.shape_cast %get3A_646 : vector<16xf32> to vector<1x1x1x16xf32>
      tpu.vector_store %arg8[%swap3A_649, %swap3A_650, %swap3A_651, %swap3A_652], %swap3A_655 {add = true, strides = array<i32>} : memref<2x2x200x64xf32, #tpu.memory_space<vmem>>, vector<1x1x1x16xf32>,
      %get3A_656 = arith.index_cast %scan3A_616 : i32 to index
      %get3A_657 = arith.constant 48 : index
      %get3A_658 = tpu.vector_load %arg7[%get3A_656, %get3A_657] {strides = array<i32>} : memref<200x64xf32, #tpu.memory_space<vmem>>, vector<1x16xf32>,
      %get3A_659 = vector.shape_cast %get3A_658 : vector<1x16xf32> to vector<16xf32>
      %swap3A_660 = arith.constant 1 : i32
      %swap3A_661 = arith.constant 1 : i32
      %swap3A_662 = arith.index_cast %swap3A_660 : i32 to index
      %swap3A_663 = arith.index_cast %swap3A_661 : i32 to index
      %swap3A_664 = arith.index_cast %scan3A_616 : i32 to index
      %swap3A_665 = arith.constant 48 : index
      %swap3A_666 = tpu.vector_load %arg8[%swap3A_662, %swap3A_663, %swap3A_664, %swap3A_665] {strides = array<i32>} : memref<2x2x200x64xf32, #tpu.memory_space<vmem>>, vector<1x1x1x16xf32>,
      %swap3A_667 = vector.shape_cast %swap3A_666 : vector<1x1x1x16xf32> to vector<16xf32>
      %swap3A_668 = vector.shape_cast %get3A_659 : vector<16xf32> to vector<1x1x1x16xf32>
      tpu.vector_store %arg8[%swap3A_662, %swap3A_663, %swap3A_664, %swap3A_665], %swap3A_668 {add = true, strides = array<i32>} : memref<2x2x200x64xf32, #tpu.memory_space<vmem>>, vector<1x1x1x16xf32>,
      %scan3A_669 = arith.constant 3 : i32
      %scan3A_670 = arith.addi %scan3A_510, %scan3A_669 : i32
      %get3A_671 = arith.index_cast %scan3A_670 : i32 to index
      %get3A_672 = arith.constant 0 : index
      %get3A_673 = tpu.vector_load %arg7[%get3A_671, %get3A_672] {strides = array<i32>} : memref<200x64xf32, #tpu.memory_space<vmem>>, vector<1x16xf32>,
      %get3A_674 = vector.shape_cast %get3A_673 : vector<1x16xf32> to vector<16xf32>
      %swap3A_675 = arith.constant 1 : i32
      %swap3A_676 = arith.constant 1 : i32
      %swap3A_677 = arith.index_cast %swap3A_675 : i32 to index
      %swap3A_678 = arith.index_cast %swap3A_676 : i32 to index
      %swap3A_679 = arith.index_cast %scan3A_670 : i32 to index
      %swap3A_680 = arith.constant 0 : index
      %swap3A_681 = tpu.vector_load %arg8[%swap3A_677, %swap3A_678, %swap3A_679, %swap3A_680] {strides = array<i32>} : memref<2x2x200x64xf32, #tpu.memory_space<vmem>>, vector<1x1x1x16xf32>,
      %swap3A_682 = vector.shape_cast %swap3A_681 : vector<1x1x1x16xf32> to vector<16xf32>
      %swap3A_683 = vector.shape_cast %get3A_674 : vector<16xf32> to vector<1x1x1x16xf32>
      tpu.vector_store %arg8[%swap3A_677, %swap3A_678, %swap3A_679, %swap3A_680], %swap3A_683 {add = true, strides = array<i32>} : memref<2x2x200x64xf32, #tpu.memory_space<vmem>>, vector<1x1x1x16xf32>,
      %get3A_684 = arith.index_cast %scan3A_670 : i32 to index
      %get3A_685 = arith.constant 16 : index
      %get3A_686 = tpu.vector_load %arg7[%get3A_684, %get3A_685] {strides = array<i32>} : memref<200x64xf32, #tpu.memory_space<vmem>>, vector<1x16xf32>,
      %get3A_687 = vector.shape_cast %get3A_686 : vector<1x16xf32> to vector<16xf32>
      %swap3A_688 = arith.constant 1 : i32
      %swap3A_689 = arith.constant 1 : i32
      %swap3A_690 = arith.index_cast %swap3A_688 : i32 to index
      %swap3A_691 = arith.index_cast %swap3A_689 : i32 to index
      %swap3A_692 = arith.index_cast %scan3A_670 : i32 to index
      %swap3A_693 = arith.constant 16 : index
      %swap3A_694 = tpu.vector_load %arg8[%swap3A_690, %swap3A_691, %swap3A_692, %swap3A_693] {strides = array<i32>} : memref<2x2x200x64xf32, #tpu.memory_space<vmem>>, vector<1x1x1x16xf32>,
      %swap3A_695 = vector.shape_cast %swap3A_694 : vector<1x1x1x16xf32> to vector<16xf32>
      %swap3A_696 = vector.shape_cast %get3A_687 : vector<16xf32> to vector<1x1x1x16xf32>
      tpu.vector_store %arg8[%swap3A_690, %swap3A_691, %swap3A_692, %swap3A_693], %swap3A_696 {add = true, strides = array<i32>} : memref<2x2x200x64xf32, #tpu.memory_space<vmem>>, vector<1x1x1x16xf32>,
      %get3A_697 = arith.index_cast %scan3A_670 : i32 to index
      %get3A_698 = arith.constant 32 : index
      %get3A_699 = tpu.vector_load %arg7[%get3A_697, %get3A_698] {strides = array<i32>} : memref<200x64xf32, #tpu.memory_space<vmem>>, vector<1x16xf32>,
      %get3A_700 = vector.shape_cast %get3A_699 : vector<1x16xf32> to vector<16xf32>
      %swap3A_701 = arith.constant 1 : i32
      %swap3A_702 = arith.constant 1 : i32
      %swap3A_703 = arith.index_cast %swap3A_701 : i32 to index
      %swap3A_704 = arith.index_cast %swap3A_702 : i32 to index
      %swap3A_705 = arith.index_cast %scan3A_670 : i32 to index
      %swap3A_706 = arith.constant 32 : index
      %swap3A_707 = tpu.vector_load %arg8[%swap3A_703, %swap3A_704, %swap3A_705, %swap3A_706] {strides = array<i32>} : memref<2x2x200x64xf32, #tpu.memory_space<vmem>>, vector<1x1x1x16xf32>,
      %swap3A_708 = vector.shape_cast %swap3A_707 : vector<1x1x1x16xf32> to vector<16xf32>
      %swap3A_709 = vector.shape_cast %get3A_700 : vector<16xf32> to vector<1x1x1x16xf32>
      tpu.vector_store %arg8[%swap3A_703, %swap3A_704, %swap3A_705, %swap3A_706], %swap3A_709 {add = true, strides = array<i32>} : memref<2x2x200x64xf32, #tpu.memory_space<vmem>>, vector<1x1x1x16xf32>,
      %get3A_710 = arith.index_cast %scan3A_670 : i32 to index
      %get3A_711 = arith.constant 48 : index
      %get3A_712 = tpu.vector_load %arg7[%get3A_710, %get3A_711] {strides = array<i32>} : memref<200x64xf32, #tpu.memory_space<vmem>>, vector<1x16xf32>,
      %get3A_713 = vector.shape_cast %get3A_712 : vector<1x16xf32> to vector<16xf32>
      %swap3A_714 = arith.constant 1 : i32
      %swap3A_715 = arith.constant 1 : i32
      %swap3A_716 = arith.index_cast %swap3A_714 : i32 to index
      %swap3A_717 = arith.index_cast %swap3A_715 : i32 to index
      %swap3A_718 = arith.index_cast %scan3A_670 : i32 to index
      %swap3A_719 = arith.constant 48 : index
      %swap3A_720 = tpu.vector_load %arg8[%swap3A_716, %swap3A_717, %swap3A_718, %swap3A_719] {strides = array<i32>} : memref<2x2x200x64xf32, #tpu.memory_space<vmem>>, vector<1x1x1x16xf32>,
      %swap3A_721 = vector.shape_cast %swap3A_720 : vector<1x1x1x16xf32> to vector<16xf32>
      %swap3A_722 = vector.shape_cast %get3A_713 : vector<16xf32> to vector<1x1x1x16xf32>
      tpu.vector_store %arg8[%swap3A_716, %swap3A_717, %swap3A_718, %swap3A_719], %swap3A_722 {add = true, strides = array<i32>} : memref<2x2x200x64xf32, #tpu.memory_space<vmem>>, vector<1x1x1x16xf32>,
    }
    %scan3A_262 = arith.constant 200 : i32
    %mul3A_263 = arith.constant 1 : i32
    %mul3A_264 = arith.constant 2 : i32
    %mul3A_265 = arith.muli %mul3A_263, %mul3A_264 : i32
    %add3A_266 = arith.addi %mul3A_2, %mul3A_265 : i32
    %dma_start3A_267 = arith.constant 1 : i32
    %dma_start3A_268 = arith.constant 0 : i32
    %dma_start3A_269 = arith.constant 0 : i32
    %dma_start3A_270 = arith.constant 0 : i32
    %dma_start3A_271 = tpu.memref_slice %arg8[%dma_start3A_267, %dma_start3A_268, %dma_start3A_269, %dma_start3A_270] : memref<2x2x200x64xf32, #tpu.memory_space<vmem>> -> memref<1x2x200x64xf32, #tpu.memory_space<vmem>>
    %dma_start3A_272 = tpu.memref_squeeze %dma_start3A_271 : memref<1x2x200x64xf32, #tpu.memory_space<vmem>> -> memref<2x200x64xf32, #tpu.memory_space<vmem>>
    %dma_start3A_273 = arith.constant 0 : i32
    %dma_start3A_274 = arith.constant 0 : i32
    %dma_start3A_275 = tpu.memref_slice %arg5[%add3A_266, %dma_start3A_273, %dma_start3A_274] : memref<4096x200x64xf32, #tpu.memory_space<hbm>> -> memref<2x200x64xf32, #tpu.memory_space<hbm>>
    %dma_start3A_276 = arith.constant 0 : i32
    %dma_start3A_277 = arith.constant 0 : i32
    %dma_start3A_278 = tpu.memref_slice %arg5[%add3A_266, %dma_start3A_276, %dma_start3A_277] : memref<4096x200x64xf32, #tpu.memory_space<hbm>> -> memref<2x200x64xf32, #tpu.memory_space<hbm>>
    %dma_start3A_279 = arith.constant 0 : i32
    %dma_start3A_280 = arith.constant 0 : i32
    %dma_start3A_281 = arith.constant 0 : i32
    %dma_start3A_282 = tpu.memref_slice %arg8[%dma_start3A_267, %dma_start3A_279, %dma_start3A_280, %dma_start3A_281] : memref<2x2x200x64xf32, #tpu.memory_space<vmem>> -> memref<1x2x200x64xf32, #tpu.memory_space<vmem>>
    %dma_start3A_283 = tpu.memref_squeeze %dma_start3A_282 : memref<1x2x200x64xf32, #tpu.memory_space<vmem>> -> memref<2x200x64xf32, #tpu.memory_space<vmem>>
    tpu.enqueue_dma source(%dma_start3A_283 : memref<2x200x64xf32, #tpu.memory_space<vmem>>) target(%dma_start3A_278 : memref<2x200x64xf32, #tpu.memory_space<hbm>>) target_semaphore(%arg12 : memref<!tpu.dma_semaphore, #tpu.memory_space<semaphore_mem>>)
    %scan3A_284 = arith.constant 0 : i32
    %scan3A_285 = arith.constant 1 : i32
    %scan3A_286 = arith.constant 30 : i32
    %scan3A_287 = arith.addi %scan3A_285, %scan3A_286 : i32
    %scan3A_288 = arith.constant 1 : i32
    scf.for %scan3A_510 = %scan3A_285 to %scan3A_287 step %scan3A_288  : i32 {
      %mul3A_511 = arith.constant 2 : i32
      %mul3A_512 = arith.muli %scan3A_510, %mul3A_511 : i32
      %dma_wait3A_513 = arith.constant 0 : i32
      %dma_wait3A_514 = arith.constant 0 : i32
      %dma_wait3A_515 = arith.constant 0 : i32
      %dma_wait3A_516 = arith.constant 0 : i32
      %dma_wait3A_517 = tpu.memref_slice %arg8[%dma_wait3A_513, %dma_wait3A_514, %dma_wait3A_515, %dma_wait3A_516] : memref<2x2x200x64xf32, #tpu.memory_space<vmem>> -> memref<1x2x200x64xf32, #tpu.memory_space<vmem>>
      %dma_wait3A_518 = tpu.memref_squeeze %dma_wait3A_517 : memref<1x2x200x64xf32, #tpu.memory_space<vmem>> -> memref<2x200x64xf32, #tpu.memory_space<vmem>>
      %dma_wait3A_519 = arith.constant 0 : i32
      %dma_wait3A_520 = arith.constant 0 : i32
      %dma_wait3A_521 = arith.constant 0 : i32
      %dma_wait3A_522 = tpu.memref_slice %arg5[%dma_wait3A_519, %dma_wait3A_520, %dma_wait3A_521] : memref<4096x200x64xf32, #tpu.memory_space<hbm>> -> memref<2x200x64xf32, #tpu.memory_space<hbm>>
      %dma_wait3A_523 = arith.constant 0 : i32
      %dma_wait3A_524 = arith.constant 0 : i32
      %dma_wait3A_525 = arith.constant 0 : i32
      %dma_wait3A_526 = tpu.memref_slice %arg8[%dma_wait3A_513, %dma_wait3A_523, %dma_wait3A_524, %dma_wait3A_525] : memref<2x2x200x64xf32, #tpu.memory_space<vmem>> -> memref<1x2x200x64xf32, #tpu.memory_space<vmem>>
      %dma_wait3A_527 = tpu.memref_squeeze %dma_wait3A_526 : memref<1x2x200x64xf32, #tpu.memory_space<vmem>> -> memref<2x200x64xf32, #tpu.memory_space<vmem>>
      %dma_wait3A_528 = arith.constant 0 : i32
      %dma_wait3A_529 = arith.constant 0 : i32
      %dma_wait3A_530 = arith.constant 0 : i32
      %dma_wait3A_531 = tpu.memref_slice %arg5[%dma_wait3A_528, %dma_wait3A_529, %dma_wait3A_530] : memref<4096x200x64xf32, #tpu.memory_space<hbm>> -> memref<2x200x64xf32, #tpu.memory_space<hbm>>
      tpu.wait_dma2 semaphore(%arg9 : memref<!tpu.dma_semaphore, #tpu.memory_space<semaphore_mem>>) src(%dma_wait3A_531 : memref<2x200x64xf32, #tpu.memory_space<hbm>>) dst(%dma_wait3A_527 : memref<2x200x64xf32, #tpu.memory_space<vmem>>)
      %dma_wait3A_532 = arith.constant 1 : i32
      %dma_wait3A_533 = arith.constant 0 : i32
      %dma_wait3A_534 = arith.constant 0 : i32
      %dma_wait3A_535 = arith.constant 0 : i32
      %dma_wait3A_536 = tpu.memref_slice %arg8[%dma_wait3A_532, %dma_wait3A_533, %dma_wait3A_534, %dma_wait3A_535] : memref<2x2x200x64xf32, #tpu.memory_space<vmem>> -> memref<1x2x200x64xf32, #tpu.memory_space<vmem>>
      %dma_wait3A_537 = tpu.memref_squeeze %dma_wait3A_536 : memref<1x2x200x64xf32, #tpu.memory_space<vmem>> -> memref<2x200x64xf32, #tpu.memory_space<vmem>>
      %dma_wait3A_538 = arith.constant 0 : i32
      %dma_wait3A_539 = arith.constant 0 : i32
      %dma_wait3A_540 = arith.constant 0 : i32
      %dma_wait3A_541 = tpu.memref_slice %arg5[%dma_wait3A_538, %dma_wait3A_539, %dma_wait3A_540] : memref<4096x200x64xf32, #tpu.memory_space<hbm>> -> memref<2x200x64xf32, #tpu.memory_space<hbm>>
      %dma_wait3A_542 = arith.constant 0 : i32
      %dma_wait3A_543 = arith.constant 0 : i32
      %dma_wait3A_544 = arith.constant 0 : i32
      %dma_wait3A_545 = tpu.memref_slice %arg5[%dma_wait3A_542, %dma_wait3A_543, %dma_wait3A_544] : memref<4096x200x64xf32, #tpu.memory_space<hbm>> -> memref<2x200x64xf32, #tpu.memory_space<hbm>>
      %dma_wait3A_546 = arith.constant 0 : i32
      %dma_wait3A_547 = arith.constant 0 : i32
      %dma_wait3A_548 = arith.constant 0 : i32
      %dma_wait3A_549 = tpu.memref_slice %arg8[%dma_wait3A_532, %dma_wait3A_546, %dma_wait3A_547, %dma_wait3A_548] : memref<2x2x200x64xf32, #tpu.memory_space<vmem>> -> memref<1x2x200x64xf32, #tpu.memory_space<vmem>>
      %dma_wait3A_550 = tpu.memref_squeeze %dma_wait3A_549 : memref<1x2x200x64xf32, #tpu.memory_space<vmem>> -> memref<2x200x64xf32, #tpu.memory_space<vmem>>
      tpu.wait_dma2 semaphore(%arg12 : memref<!tpu.dma_semaphore, #tpu.memory_space<semaphore_mem>>) src(%dma_wait3A_550 : memref<2x200x64xf32, #tpu.memory_space<vmem>>) dst(%dma_wait3A_545 : memref<2x200x64xf32, #tpu.memory_space<hbm>>)
      %add3A_551 = arith.constant 1 : i32
      %add3A_552 = arith.addi %mul3A_512, %add3A_551 : i32
      %mul3A_553 = arith.constant 2 : i32
      %mul3A_554 = arith.muli %add3A_552, %mul3A_553 : i32
      %add3A_555 = arith.constant 0 : i32
      %add3A_556 = arith.addi %mul3A_554, %add3A_555 : i32
      %dma_start3A_557 = arith.constant 1 : i32
      %dma_start3A_558 = arith.constant 0 : i32
      %dma_start3A_559 = arith.constant 0 : i32
      %dma_start3A_560 = arith.constant 0 : i32
      %dma_start3A_561 = tpu.memref_slice %arg8[%dma_start3A_557, %dma_start3A_558, %dma_start3A_559, %dma_start3A_560] : memref<2x2x200x64xf32, #tpu.memory_space<vmem>> -> memref<1x1x128x64xf32, #tpu.memory_space<vmem>>
      %dma_start3A_562 = tpu.memref_squeeze %dma_start3A_561 : memref<1x1x128x64xf32, #tpu.memory_space<vmem>> -> memref<128x64xf32, #tpu.memory_space<vmem>>
      %dma_start3A_563 = arith.constant 0 : i32
      %dma_start3A_564 = tpu.memref_slice %arg6[%add3A_556, %dma_start3A_563] : memref<128x200xi32, #tpu.memory_space<vmem>> -> memref<1x128xi32, #tpu.memory_space<vmem>>
      %dma_start3A_565 = tpu.memref_squeeze %dma_start3A_564 : memref<1x128xi32, #tpu.memory_space<vmem>> -> memref<128xi32, #tpu.memory_space<vmem>>
      %dma_start3A_566 = arith.constant 0 : i32
      %dma_start3A_567 = arith.constant 0 : i32
      %dma_start3A_568 = tpu.memref_slice %arg3[%dma_start3A_566, %dma_start3A_567] : memref<1000000x64xf32, #tpu.memory_space<hbm>> -> memref<1000000x64xf32, #tpu.memory_space<hbm>>
      tpu.enqueue_indirect_dma source(%dma_start3A_568 : memref<1000000x64xf32, #tpu.memory_space<hbm>>) target(%dma_start3A_562 : memref<128x64xf32, #tpu.memory_space<vmem>>) offsets(%dma_start3A_565 : memref<128xi32, #tpu.memory_space<vmem>>) semaphore(%arg10 : memref<!tpu.dma_semaphore, #tpu.memory_space<semaphore_mem>>)
      %dma_start3A_569 = arith.constant 1 : i32
      %dma_start3A_570 = arith.constant 0 : i32
      %dma_start3A_571 = arith.constant 128 : i32
      %dma_start3A_572 = arith.constant 0 : i32
      %dma_start3A_573 = tpu.memref_slice %arg8[%dma_start3A_569, %dma_start3A_570, %dma_start3A_571, %dma_start3A_572] : memref<2x2x200x64xf32, #tpu.memory_space<vmem>> -> memref<1x1x72x64xf32, #tpu.memory_space<vmem>>
      %dma_start3A_574 = tpu.memref_squeeze %dma_start3A_573 : memref<1x1x72x64xf32, #tpu.memory_space<vmem>> -> memref<72x64xf32, #tpu.memory_space<vmem>>
      %dma_start3A_575 = arith.constant 128 : i32
      %dma_start3A_576 = tpu.memref_slice %arg6[%add3A_556, %dma_start3A_575] : memref<128x200xi32, #tpu.memory_space<vmem>> -> memref<1x72xi32, #tpu.memory_space<vmem>>
      %dma_start3A_577 = tpu.memref_squeeze %dma_start3A_576 : memref<1x72xi32, #tpu.memory_space<vmem>> -> memref<72xi32, #tpu.memory_space<vmem>>
      %dma_start3A_578 = arith.constant 0 : i32
      %dma_start3A_579 = arith.constant 0 : i32
      %dma_start3A_580 = tpu.memref_slice %arg3[%dma_start3A_578, %dma_start3A_579] : memref<1000000x64xf32, #tpu.memory_space<hbm>> -> memref<1000000x64xf32, #tpu.memory_space<hbm>>
      tpu.enqueue_indirect_dma source(%dma_start3A_580 : memref<1000000x64xf32, #tpu.memory_space<hbm>>) target(%dma_start3A_574 : memref<72x64xf32, #tpu.memory_space<vmem>>) offsets(%dma_start3A_577 : memref<72xi32, #tpu.memory_space<vmem>>) semaphore(%arg10 : memref<!tpu.dma_semaphore, #tpu.memory_space<semaphore_mem>>)
      %mul3A_581 = arith.constant 2 : i32
      %mul3A_582 = arith.muli %add3A_552, %mul3A_581 : i32
      %add3A_583 = arith.constant 1 : i32
      %add3A_584 = arith.addi %mul3A_582, %add3A_583 : i32
      %dma_start3A_585 = arith.constant 1 : i32
      %dma_start3A_586 = arith.constant 1 : i32
      %dma_start3A_587 = arith.constant 0 : i32
      %dma_start3A_588 = arith.constant 0 : i32
      %dma_start3A_589 = tpu.memref_slice %arg8[%dma_start3A_585, %dma_start3A_586, %dma_start3A_587, %dma_start3A_588] : memref<2x2x200x64xf32, #tpu.memory_space<vmem>> -> memref<1x1x128x64xf32, #tpu.memory_space<vmem>>
      %dma_start3A_590 = tpu.memref_squeeze %dma_start3A_589 : memref<1x1x128x64xf32, #tpu.memory_space<vmem>> -> memref<128x64xf32, #tpu.memory_space<vmem>>
      %dma_start3A_591 = arith.constant 0 : i32
      %dma_start3A_592 = tpu.memref_slice %arg6[%add3A_584, %dma_start3A_591] : memref<128x200xi32, #tpu.memory_space<vmem>> -> memref<1x128xi32, #tpu.memory_space<vmem>>
      %dma_start3A_593 = tpu.memref_squeeze %dma_start3A_592 : memref<1x128xi32, #tpu.memory_space<vmem>> -> memref<128xi32, #tpu.memory_space<vmem>>
      %dma_start3A_594 = arith.constant 0 : i32
      %dma_start3A_595 = arith.constant 0 : i32
      %dma_start3A_596 = tpu.memref_slice %arg3[%dma_start3A_594, %dma_start3A_595] : memref<1000000x64xf32, #tpu.memory_space<hbm>> -> memref<1000000x64xf32, #tpu.memory_space<hbm>>
      tpu.enqueue_indirect_dma source(%dma_start3A_596 : memref<1000000x64xf32, #tpu.memory_space<hbm>>) target(%dma_start3A_590 : memref<128x64xf32, #tpu.memory_space<vmem>>) offsets(%dma_start3A_593 : memref<128xi32, #tpu.memory_space<vmem>>) semaphore(%arg10 : memref<!tpu.dma_semaphore, #tpu.memory_space<semaphore_mem>>)
      %dma_start3A_597 = arith.constant 1 : i32
      %dma_start3A_598 = arith.constant 1 : i32
      %dma_start3A_599 = arith.constant 128 : i32
      %dma_start3A_600 = arith.constant 0 : i32
      %dma_start3A_601 = tpu.memref_slice %arg8[%dma_start3A_597, %dma_start3A_598, %dma_start3A_599, %dma_start3A_600] : memref<2x2x200x64xf32, #tpu.memory_space<vmem>> -> memref<1x1x72x64xf32, #tpu.memory_space<vmem>>
      %dma_start3A_602 = tpu.memref_squeeze %dma_start3A_601 : memref<1x1x72x64xf32, #tpu.memory_space<vmem>> -> memref<72x64xf32, #tpu.memory_space<vmem>>
      %dma_start3A_603 = arith.constant 128 : i32
      %dma_start3A_604 = tpu.memref_slice %arg6[%add3A_584, %dma_start3A_603] : memref<128x200xi32, #tpu.memory_space<vmem>> -> memref<1x72xi32, #tpu.memory_space<vmem>>
      %dma_start3A_605 = tpu.memref_squeeze %dma_start3A_604 : memref<1x72xi32, #tpu.memory_space<vmem>> -> memref<72xi32, #tpu.memory_space<vmem>>
      %dma_start3A_606 = arith.constant 0 : i32
      %dma_start3A_607 = arith.constant 0 : i32
      %dma_start3A_608 = tpu.memref_slice %arg3[%dma_start3A_606, %dma_start3A_607] : memref<1000000x64xf32, #tpu.memory_space<hbm>> -> memref<1000000x64xf32, #tpu.memory_space<hbm>>
      tpu.enqueue_indirect_dma source(%dma_start3A_608 : memref<1000000x64xf32, #tpu.memory_space<hbm>>) target(%dma_start3A_602 : memref<72x64xf32, #tpu.memory_space<vmem>>) offsets(%dma_start3A_605 : memref<72xi32, #tpu.memory_space<vmem>>) semaphore(%arg10 : memref<!tpu.dma_semaphore, #tpu.memory_space<semaphore_mem>>)
      %scan3A_609 = arith.constant 0 : i32
      %scan3A_610 = arith.constant 0 : i32
      %scan3A_611 = arith.constant 200 : i32
      %scan3A_612 = arith.addi %scan3A_610, %scan3A_611 : i32
      %scan3A_613 = arith.constant 4 : i32
      scf.for %scan3A_771 = %scan3A_610 to %scan3A_612 step %scan3A_613  : i32 {
        %get3A = arith.index_cast %scan3A_771 : i32 to index
        %get3A_772 = arith.constant 0 : index
        %get3A_773 = tpu.vector_load %arg7[%get3A, %get3A_772] {strides = array<i32>} : memref<200x64xf32, #tpu.memory_space<vmem>>, vector<1x16xf32>,
        %get3A_774 = vector.shape_cast %get3A_773 : vector<1x16xf32> to vector<16xf32>
        %swap3A = arith.constant 0 : i32
        %swap3A_775 = arith.constant 0 : i32
        %swap3A_776 = arith.index_cast %swap3A : i32 to index
        %swap3A_777 = arith.index_cast %swap3A_775 : i32 to index
        %swap3A_778 = arith.index_cast %scan3A_771 : i32 to index
        %swap3A_779 = arith.constant 0 : index
        %swap3A_780 = tpu.vector_load %arg8[%swap3A_776, %swap3A_777, %swap3A_778, %swap3A_779] {strides = array<i32>} : memref<2x2x200x64xf32, #tpu.memory_space<vmem>>, vector<1x1x1x16xf32>,
        %swap3A_781 = vector.shape_cast %swap3A_780 : vector<1x1x1x16xf32> to vector<16xf32>
        %swap3A_782 = vector.shape_cast %get3A_774 : vector<16xf32> to vector<1x1x1x16xf32>
        tpu.vector_store %arg8[%swap3A_776, %swap3A_777, %swap3A_778, %swap3A_779], %swap3A_782 {add = true, strides = array<i32>} : memref<2x2x200x64xf32, #tpu.memory_space<vmem>>, vector<1x1x1x16xf32>,
        %get3A_783 = arith.index_cast %scan3A_771 : i32 to index
        %get3A_784 = arith.constant 16 : index
        %get3A_785 = tpu.vector_load %arg7[%get3A_783, %get3A_784] {strides = array<i32>} : memref<200x64xf32, #tpu.memory_space<vmem>>, vector<1x16xf32>,
        %get3A_786 = vector.shape_cast %get3A_785 : vector<1x16xf32> to vector<16xf32>
        %swap3A_787 = arith.constant 0 : i32
        %swap3A_788 = arith.constant 0 : i32
        %swap3A_789 = arith.index_cast %swap3A_787 : i32 to index
        %swap3A_790 = arith.index_cast %swap3A_788 : i32 to index
        %swap3A_791 = arith.index_cast %scan3A_771 : i32 to index
        %swap3A_792 = arith.constant 16 : index
        %swap3A_793 = tpu.vector_load %arg8[%swap3A_789, %swap3A_790, %swap3A_791, %swap3A_792] {strides = array<i32>} : memref<2x2x200x64xf32, #tpu.memory_space<vmem>>, vector<1x1x1x16xf32>,
        %swap3A_794 = vector.shape_cast %swap3A_793 : vector<1x1x1x16xf32> to vector<16xf32>
        %swap3A_795 = vector.shape_cast %get3A_786 : vector<16xf32> to vector<1x1x1x16xf32>
        tpu.vector_store %arg8[%swap3A_789, %swap3A_790, %swap3A_791, %swap3A_792], %swap3A_795 {add = true, strides = array<i32>} : memref<2x2x200x64xf32, #tpu.memory_space<vmem>>, vector<1x1x1x16xf32>,
        %get3A_796 = arith.index_cast %scan3A_771 : i32 to index
        %get3A_797 = arith.constant 32 : index
        %get3A_798 = tpu.vector_load %arg7[%get3A_796, %get3A_797] {strides = array<i32>} : memref<200x64xf32, #tpu.memory_space<vmem>>, vector<1x16xf32>,
        %get3A_799 = vector.shape_cast %get3A_798 : vector<1x16xf32> to vector<16xf32>
        %swap3A_800 = arith.constant 0 : i32
        %swap3A_801 = arith.constant 0 : i32
        %swap3A_802 = arith.index_cast %swap3A_800 : i32 to index
        %swap3A_803 = arith.index_cast %swap3A_801 : i32 to index
        %swap3A_804 = arith.index_cast %scan3A_771 : i32 to index
        %swap3A_805 = arith.constant 32 : index
        %swap3A_806 = tpu.vector_load %arg8[%swap3A_802, %swap3A_803, %swap3A_804, %swap3A_805] {strides = array<i32>} : memref<2x2x200x64xf32, #tpu.memory_space<vmem>>, vector<1x1x1x16xf32>,
        %swap3A_807 = vector.shape_cast %swap3A_806 : vector<1x1x1x16xf32> to vector<16xf32>
        %swap3A_808 = vector.shape_cast %get3A_799 : vector<16xf32> to vector<1x1x1x16xf32>
        tpu.vector_store %arg8[%swap3A_802, %swap3A_803, %swap3A_804, %swap3A_805], %swap3A_808 {add = true, strides = array<i32>} : memref<2x2x200x64xf32, #tpu.memory_space<vmem>>, vector<1x1x1x16xf32>,
        %get3A_809 = arith.index_cast %scan3A_771 : i32 to index
        %get3A_810 = arith.constant 48 : index
        %get3A_811 = tpu.vector_load %arg7[%get3A_809, %get3A_810] {strides = array<i32>} : memref<200x64xf32, #tpu.memory_space<vmem>>, vector<1x16xf32>,
        %get3A_812 = vector.shape_cast %get3A_811 : vector<1x16xf32> to vector<16xf32>
        %swap3A_813 = arith.constant 0 : i32
        %swap3A_814 = arith.constant 0 : i32
        %swap3A_815 = arith.index_cast %swap3A_813 : i32 to index
        %swap3A_816 = arith.index_cast %swap3A_814 : i32 to index
        %swap3A_817 = arith.index_cast %scan3A_771 : i32 to index
        %swap3A_818 = arith.constant 48 : index
        %swap3A_819 = tpu.vector_load %arg8[%swap3A_815, %swap3A_816, %swap3A_817, %swap3A_818] {strides = array<i32>} : memref<2x2x200x64xf32, #tpu.memory_space<vmem>>, vector<1x1x1x16xf32>,
        %swap3A_820 = vector.shape_cast %swap3A_819 : vector<1x1x1x16xf32> to vector<16xf32>
        %swap3A_821 = vector.shape_cast %get3A_812 : vector<16xf32> to vector<1x1x1x16xf32>
        tpu.vector_store %arg8[%swap3A_815, %swap3A_816, %swap3A_817, %swap3A_818], %swap3A_821 {add = true, strides = array<i32>} : memref<2x2x200x64xf32, #tpu.memory_space<vmem>>, vector<1x1x1x16xf32>,
        %scan3A_822 = arith.constant 1 : i32
        %scan3A_823 = arith.addi %scan3A_771, %scan3A_822 : i32
        %get3A_824 = arith.index_cast %scan3A_823 : i32 to index
        %get3A_825 = arith.constant 0 : index
        %get3A_826 = tpu.vector_load %arg7[%get3A_824, %get3A_825] {strides = array<i32>} : memref<200x64xf32, #tpu.memory_space<vmem>>, vector<1x16xf32>,
        %get3A_827 = vector.shape_cast %get3A_826 : vector<1x16xf32> to vector<16xf32>
        %swap3A_828 = arith.constant 0 : i32
        %swap3A_829 = arith.constant 0 : i32
        %swap3A_830 = arith.index_cast %swap3A_828 : i32 to index
        %swap3A_831 = arith.index_cast %swap3A_829 : i32 to index
        %swap3A_832 = arith.index_cast %scan3A_823 : i32 to index
        %swap3A_833 = arith.constant 0 : index
        %swap3A_834 = tpu.vector_load %arg8[%swap3A_830, %swap3A_831, %swap3A_832, %swap3A_833] {strides = array<i32>} : memref<2x2x200x64xf32, #tpu.memory_space<vmem>>, vector<1x1x1x16xf32>,
        %swap3A_835 = vector.shape_cast %swap3A_834 : vector<1x1x1x16xf32> to vector<16xf32>
        %swap3A_836 = vector.shape_cast %get3A_827 : vector<16xf32> to vector<1x1x1x16xf32>
        tpu.vector_store %arg8[%swap3A_830, %swap3A_831, %swap3A_832, %swap3A_833], %swap3A_836 {add = true, strides = array<i32>} : memref<2x2x200x64xf32, #tpu.memory_space<vmem>>, vector<1x1x1x16xf32>,
        %get3A_837 = arith.index_cast %scan3A_823 : i32 to index
        %get3A_838 = arith.constant 16 : index
        %get3A_839 = tpu.vector_load %arg7[%get3A_837, %get3A_838] {strides = array<i32>} : memref<200x64xf32, #tpu.memory_space<vmem>>, vector<1x16xf32>,
        %get3A_840 = vector.shape_cast %get3A_839 : vector<1x16xf32> to vector<16xf32>
        %swap3A_841 = arith.constant 0 : i32
        %swap3A_842 = arith.constant 0 : i32
        %swap3A_843 = arith.index_cast %swap3A_841 : i32 to index
        %swap3A_844 = arith.index_cast %swap3A_842 : i32 to index
        %swap3A_845 = arith.index_cast %scan3A_823 : i32 to index
        %swap3A_846 = arith.constant 16 : index
        %swap3A_847 = tpu.vector_load %arg8[%swap3A_843, %swap3A_844, %swap3A_845, %swap3A_846] {strides = array<i32>} : memref<2x2x200x64xf32, #tpu.memory_space<vmem>>, vector<1x1x1x16xf32>,
        %swap3A_848 = vector.shape_cast %swap3A_847 : vector<1x1x1x16xf32> to vector<16xf32>
        %swap3A_849 = vector.shape_cast %get3A_840 : vector<16xf32> to vector<1x1x1x16xf32>
        tpu.vector_store %arg8[%swap3A_843, %swap3A_844, %swap3A_845, %swap3A_846], %swap3A_849 {add = true, strides = array<i32>} : memref<2x2x200x64xf32, #tpu.memory_space<vmem>>, vector<1x1x1x16xf32>,
        %get3A_850 = arith.index_cast %scan3A_823 : i32 to index
        %get3A_851 = arith.constant 32 : index
        %get3A_852 = tpu.vector_load %arg7[%get3A_850, %get3A_851] {strides = array<i32>} : memref<200x64xf32, #tpu.memory_space<vmem>>, vector<1x16xf32>,
        %get3A_853 = vector.shape_cast %get3A_852 : vector<1x16xf32> to vector<16xf32>
        %swap3A_854 = arith.constant 0 : i32
        %swap3A_855 = arith.constant 0 : i32
        %swap3A_856 = arith.index_cast %swap3A_854 : i32 to index
        %swap3A_857 = arith.index_cast %swap3A_855 : i32 to index
        %swap3A_858 = arith.index_cast %scan3A_823 : i32 to index
        %swap3A_859 = arith.constant 32 : index
        %swap3A_860 = tpu.vector_load %arg8[%swap3A_856, %swap3A_857, %swap3A_858, %swap3A_859] {strides = array<i32>} : memref<2x2x200x64xf32, #tpu.memory_space<vmem>>, vector<1x1x1x16xf32>,
        %swap3A_861 = vector.shape_cast %swap3A_860 : vector<1x1x1x16xf32> to vector<16xf32>
        %swap3A_862 = vector.shape_cast %get3A_853 : vector<16xf32> to vector<1x1x1x16xf32>
        tpu.vector_store %arg8[%swap3A_856, %swap3A_857, %swap3A_858, %swap3A_859], %swap3A_862 {add = true, strides = array<i32>} : memref<2x2x200x64xf32, #tpu.memory_space<vmem>>, vector<1x1x1x16xf32>,
        %get3A_863 = arith.index_cast %scan3A_823 : i32 to index
        %get3A_864 = arith.constant 48 : index
        %get3A_865 = tpu.vector_load %arg7[%get3A_863, %get3A_864] {strides = array<i32>} : memref<200x64xf32, #tpu.memory_space<vmem>>, vector<1x16xf32>,
        %get3A_866 = vector.shape_cast %get3A_865 : vector<1x16xf32> to vector<16xf32>
        %swap3A_867 = arith.constant 0 : i32
        %swap3A_868 = arith.constant 0 : i32
        %swap3A_869 = arith.index_cast %swap3A_867 : i32 to index
        %swap3A_870 = arith.index_cast %swap3A_868 : i32 to index
        %swap3A_871 = arith.index_cast %scan3A_823 : i32 to index
        %swap3A_872 = arith.constant 48 : index
        %swap3A_873 = tpu.vector_load %arg8[%swap3A_869, %swap3A_870, %swap3A_871, %swap3A_872] {strides = array<i32>} : memref<2x2x200x64xf32, #tpu.memory_space<vmem>>, vector<1x1x1x16xf32>,
        %swap3A_874 = vector.shape_cast %swap3A_873 : vector<1x1x1x16xf32> to vector<16xf32>
        %swap3A_875 = vector.shape_cast %get3A_866 : vector<16xf32> to vector<1x1x1x16xf32>
        tpu.vector_store %arg8[%swap3A_869, %swap3A_870, %swap3A_871, %swap3A_872], %swap3A_875 {add = true, strides = array<i32>} : memref<2x2x200x64xf32, #tpu.memory_space<vmem>>, vector<1x1x1x16xf32>,
        %scan3A_876 = arith.constant 2 : i32
        %scan3A_877 = arith.addi %scan3A_771, %scan3A_876 : i32
        %get3A_878 = arith.index_cast %scan3A_877 : i32 to index
        %get3A_879 = arith.constant 0 : index
        %get3A_880 = tpu.vector_load %arg7[%get3A_878, %get3A_879] {strides = array<i32>} : memref<200x64xf32, #tpu.memory_space<vmem>>, vector<1x16xf32>,
        %get3A_881 = vector.shape_cast %get3A_880 : vector<1x16xf32> to vector<16xf32>
        %swap3A_882 = arith.constant 0 : i32
        %swap3A_883 = arith.constant 0 : i32
        %swap3A_884 = arith.index_cast %swap3A_882 : i32 to index
        %swap3A_885 = arith.index_cast %swap3A_883 : i32 to index
        %swap3A_886 = arith.index_cast %scan3A_877 : i32 to index
        %swap3A_887 = arith.constant 0 : index
        %swap3A_888 = tpu.vector_load %arg8[%swap3A_884, %swap3A_885, %swap3A_886, %swap3A_887] {strides = array<i32>} : memref<2x2x200x64xf32, #tpu.memory_space<vmem>>, vector<1x1x1x16xf32>,
        %swap3A_889 = vector.shape_cast %swap3A_888 : vector<1x1x1x16xf32> to vector<16xf32>
        %swap3A_890 = vector.shape_cast %get3A_881 : vector<16xf32> to vector<1x1x1x16xf32>
        tpu.vector_store %arg8[%swap3A_884, %swap3A_885, %swap3A_886, %swap3A_887], %swap3A_890 {add = true, strides = array<i32>} : memref<2x2x200x64xf32, #tpu.memory_space<vmem>>, vector<1x1x1x16xf32>,
        %get3A_891 = arith.index_cast %scan3A_877 : i32 to index
        %get3A_892 = arith.constant 16 : index
        %get3A_893 = tpu.vector_load %arg7[%get3A_891, %get3A_892] {strides = array<i32>} : memref<200x64xf32, #tpu.memory_space<vmem>>, vector<1x16xf32>,
        %get3A_894 = vector.shape_cast %get3A_893 : vector<1x16xf32> to vector<16xf32>
        %swap3A_895 = arith.constant 0 : i32
        %swap3A_896 = arith.constant 0 : i32
        %swap3A_897 = arith.index_cast %swap3A_895 : i32 to index
        %swap3A_898 = arith.index_cast %swap3A_896 : i32 to index
        %swap3A_899 = arith.index_cast %scan3A_877 : i32 to index
        %swap3A_900 = arith.constant 16 : index
        %swap3A_901 = tpu.vector_load %arg8[%swap3A_897, %swap3A_898, %swap3A_899, %swap3A_900] {strides = array<i32>} : memref<2x2x200x64xf32, #tpu.memory_space<vmem>>, vector<1x1x1x16xf32>,
        %swap3A_902 = vector.shape_cast %swap3A_901 : vector<1x1x1x16xf32> to vector<16xf32>
        %swap3A_903 = vector.shape_cast %get3A_894 : vector<16xf32> to vector<1x1x1x16xf32>
        tpu.vector_store %arg8[%swap3A_897, %swap3A_898, %swap3A_899, %swap3A_900], %swap3A_903 {add = true, strides = array<i32>} : memref<2x2x200x64xf32, #tpu.memory_space<vmem>>, vector<1x1x1x16xf32>,
        %get3A_904 = arith.index_cast %scan3A_877 : i32 to index
        %get3A_905 = arith.constant 32 : index
        %get3A_906 = tpu.vector_load %arg7[%get3A_904, %get3A_905] {strides = array<i32>} : memref<200x64xf32, #tpu.memory_space<vmem>>, vector<1x16xf32>,
        %get3A_907 = vector.shape_cast %get3A_906 : vector<1x16xf32> to vector<16xf32>
        %swap3A_908 = arith.constant 0 : i32
        %swap3A_909 = arith.constant 0 : i32
        %swap3A_910 = arith.index_cast %swap3A_908 : i32 to index
        %swap3A_911 = arith.index_cast %swap3A_909 : i32 to index
        %swap3A_912 = arith.index_cast %scan3A_877 : i32 to index
        %swap3A_913 = arith.constant 32 : index
        %swap3A_914 = tpu.vector_load %arg8[%swap3A_910, %swap3A_911, %swap3A_912, %swap3A_913] {strides = array<i32>} : memref<2x2x200x64xf32, #tpu.memory_space<vmem>>, vector<1x1x1x16xf32>,
        %swap3A_915 = vector.shape_cast %swap3A_914 : vector<1x1x1x16xf32> to vector<16xf32>
        %swap3A_916 = vector.shape_cast %get3A_907 : vector<16xf32> to vector<1x1x1x16xf32>
        tpu.vector_store %arg8[%swap3A_910, %swap3A_911, %swap3A_912, %swap3A_913], %swap3A_916 {add = true, strides = array<i32>} : memref<2x2x200x64xf32, #tpu.memory_space<vmem>>, vector<1x1x1x16xf32>,
        %get3A_917 = arith.index_cast %scan3A_877 : i32 to index
        %get3A_918 = arith.constant 48 : index
        %get3A_919 = tpu.vector_load %arg7[%get3A_917, %get3A_918] {strides = array<i32>} : memref<200x64xf32, #tpu.memory_space<vmem>>, vector<1x16xf32>,
        %get3A_920 = vector.shape_cast %get3A_919 : vector<1x16xf32> to vector<16xf32>
        %swap3A_921 = arith.constant 0 : i32
        %swap3A_922 = arith.constant 0 : i32
        %swap3A_923 = arith.index_cast %swap3A_921 : i32 to index
        %swap3A_924 = arith.index_cast %swap3A_922 : i32 to index
        %swap3A_925 = arith.index_cast %scan3A_877 : i32 to index
        %swap3A_926 = arith.constant 48 : index
        %swap3A_927 = tpu.vector_load %arg8[%swap3A_923, %swap3A_924, %swap3A_925, %swap3A_926] {strides = array<i32>} : memref<2x2x200x64xf32, #tpu.memory_space<vmem>>, vector<1x1x1x16xf32>,
        %swap3A_928 = vector.shape_cast %swap3A_927 : vector<1x1x1x16xf32> to vector<16xf32>
        %swap3A_929 = vector.shape_cast %get3A_920 : vector<16xf32> to vector<1x1x1x16xf32>
        tpu.vector_store %arg8[%swap3A_923, %swap3A_924, %swap3A_925, %swap3A_926], %swap3A_929 {add = true, strides = array<i32>} : memref<2x2x200x64xf32, #tpu.memory_space<vmem>>, vector<1x1x1x16xf32>,
        %scan3A_930 = arith.constant 3 : i32
        %scan3A_931 = arith.addi %scan3A_771, %scan3A_930 : i32
        %get3A_932 = arith.index_cast %scan3A_931 : i32 to index
        %get3A_933 = arith.constant 0 : index
        %get3A_934 = tpu.vector_load %arg7[%get3A_932, %get3A_933] {strides = array<i32>} : memref<200x64xf32, #tpu.memory_space<vmem>>, vector<1x16xf32>,
        %get3A_935 = vector.shape_cast %get3A_934 : vector<1x16xf32> to vector<16xf32>
        %swap3A_936 = arith.constant 0 : i32
        %swap3A_937 = arith.constant 0 : i32
        %swap3A_938 = arith.index_cast %swap3A_936 : i32 to index
        %swap3A_939 = arith.index_cast %swap3A_937 : i32 to index
        %swap3A_940 = arith.index_cast %scan3A_931 : i32 to index
        %swap3A_941 = arith.constant 0 : index
        %swap3A_942 = tpu.vector_load %arg8[%swap3A_938, %swap3A_939, %swap3A_940, %swap3A_941] {strides = array<i32>} : memref<2x2x200x64xf32, #tpu.memory_space<vmem>>, vector<1x1x1x16xf32>,
        %swap3A_943 = vector.shape_cast %swap3A_942 : vector<1x1x1x16xf32> to vector<16xf32>
        %swap3A_944 = vector.shape_cast %get3A_935 : vector<16xf32> to vector<1x1x1x16xf32>
        tpu.vector_store %arg8[%swap3A_938, %swap3A_939, %swap3A_940, %swap3A_941], %swap3A_944 {add = true, strides = array<i32>} : memref<2x2x200x64xf32, #tpu.memory_space<vmem>>, vector<1x1x1x16xf32>,
        %get3A_945 = arith.index_cast %scan3A_931 : i32 to index
        %get3A_946 = arith.constant 16 : index
        %get3A_947 = tpu.vector_load %arg7[%get3A_945, %get3A_946] {strides = array<i32>} : memref<200x64xf32, #tpu.memory_space<vmem>>, vector<1x16xf32>,
        %get3A_948 = vector.shape_cast %get3A_947 : vector<1x16xf32> to vector<16xf32>
        %swap3A_949 = arith.constant 0 : i32
        %swap3A_950 = arith.constant 0 : i32
        %swap3A_951 = arith.index_cast %swap3A_949 : i32 to index
        %swap3A_952 = arith.index_cast %swap3A_950 : i32 to index
        %swap3A_953 = arith.index_cast %scan3A_931 : i32 to index
        %swap3A_954 = arith.constant 16 : index
        %swap3A_955 = tpu.vector_load %arg8[%swap3A_951, %swap3A_952, %swap3A_953, %swap3A_954] {strides = array<i32>} : memref<2x2x200x64xf32, #tpu.memory_space<vmem>>, vector<1x1x1x16xf32>,
        %swap3A_956 = vector.shape_cast %swap3A_955 : vector<1x1x1x16xf32> to vector<16xf32>
        %swap3A_957 = vector.shape_cast %get3A_948 : vector<16xf32> to vector<1x1x1x16xf32>
        tpu.vector_store %arg8[%swap3A_951, %swap3A_952, %swap3A_953, %swap3A_954], %swap3A_957 {add = true, strides = array<i32>} : memref<2x2x200x64xf32, #tpu.memory_space<vmem>>, vector<1x1x1x16xf32>,
        %get3A_958 = arith.index_cast %scan3A_931 : i32 to index
        %get3A_959 = arith.constant 32 : index
        %get3A_960 = tpu.vector_load %arg7[%get3A_958, %get3A_959] {strides = array<i32>} : memref<200x64xf32, #tpu.memory_space<vmem>>, vector<1x16xf32>,
        %get3A_961 = vector.shape_cast %get3A_960 : vector<1x16xf32> to vector<16xf32>
        %swap3A_962 = arith.constant 0 : i32
        %swap3A_963 = arith.constant 0 : i32
        %swap3A_964 = arith.index_cast %swap3A_962 : i32 to index
        %swap3A_965 = arith.index_cast %swap3A_963 : i32 to index
        %swap3A_966 = arith.index_cast %scan3A_931 : i32 to index
        %swap3A_967 = arith.constant 32 : index
        %swap3A_968 = tpu.vector_load %arg8[%swap3A_964, %swap3A_965, %swap3A_966, %swap3A_967] {strides = array<i32>} : memref<2x2x200x64xf32, #tpu.memory_space<vmem>>, vector<1x1x1x16xf32>,
        %swap3A_969 = vector.shape_cast %swap3A_968 : vector<1x1x1x16xf32> to vector<16xf32>
        %swap3A_970 = vector.shape_cast %get3A_961 : vector<16xf32> to vector<1x1x1x16xf32>
        tpu.vector_store %arg8[%swap3A_964, %swap3A_965, %swap3A_966, %swap3A_967], %swap3A_970 {add = true, strides = array<i32>} : memref<2x2x200x64xf32, #tpu.memory_space<vmem>>, vector<1x1x1x16xf32>,
        %get3A_971 = arith.index_cast %scan3A_931 : i32 to index
        %get3A_972 = arith.constant 48 : index
        %get3A_973 = tpu.vector_load %arg7[%get3A_971, %get3A_972] {strides = array<i32>} : memref<200x64xf32, #tpu.memory_space<vmem>>, vector<1x16xf32>,
        %get3A_974 = vector.shape_cast %get3A_973 : vector<1x16xf32> to vector<16xf32>
        %swap3A_975 = arith.constant 0 : i32
        %swap3A_976 = arith.constant 0 : i32
        %swap3A_977 = arith.index_cast %swap3A_975 : i32 to index
        %swap3A_978 = arith.index_cast %swap3A_976 : i32 to index
        %swap3A_979 = arith.index_cast %scan3A_931 : i32 to index
        %swap3A_980 = arith.constant 48 : index
        %swap3A_981 = tpu.vector_load %arg8[%swap3A_977, %swap3A_978, %swap3A_979, %swap3A_980] {strides = array<i32>} : memref<2x2x200x64xf32, #tpu.memory_space<vmem>>, vector<1x1x1x16xf32>,
        %swap3A_982 = vector.shape_cast %swap3A_981 : vector<1x1x1x16xf32> to vector<16xf32>
        %swap3A_983 = vector.shape_cast %get3A_974 : vector<16xf32> to vector<1x1x1x16xf32>
        tpu.vector_store %arg8[%swap3A_977, %swap3A_978, %swap3A_979, %swap3A_980], %swap3A_983 {add = true, strides = array<i32>} : memref<2x2x200x64xf32, #tpu.memory_space<vmem>>, vector<1x1x1x16xf32>,
      }
      %scan3A_614 = arith.constant 200 : i32
      %scan3A_615 = arith.constant 0 : i32
      %scan3A_616 = arith.constant 0 : i32
      %scan3A_617 = arith.constant 200 : i32
      %scan3A_618 = arith.addi %scan3A_616, %scan3A_617 : i32
      %scan3A_619 = arith.constant 4 : i32
      scf.for %scan3A_771 = %scan3A_616 to %scan3A_618 step %scan3A_619  : i32 {
        %get3A = arith.index_cast %scan3A_771 : i32 to index
        %get3A_772 = arith.constant 0 : index
        %get3A_773 = tpu.vector_load %arg7[%get3A, %get3A_772] {strides = array<i32>} : memref<200x64xf32, #tpu.memory_space<vmem>>, vector<1x16xf32>,
        %get3A_774 = vector.shape_cast %get3A_773 : vector<1x16xf32> to vector<16xf32>
        %swap3A = arith.constant 0 : i32
        %swap3A_775 = arith.constant 1 : i32
        %swap3A_776 = arith.index_cast %swap3A : i32 to index
        %swap3A_777 = arith.index_cast %swap3A_775 : i32 to index
        %swap3A_778 = arith.index_cast %scan3A_771 : i32 to index
        %swap3A_779 = arith.constant 0 : index
        %swap3A_780 = tpu.vector_load %arg8[%swap3A_776, %swap3A_777, %swap3A_778, %swap3A_779] {strides = array<i32>} : memref<2x2x200x64xf32, #tpu.memory_space<vmem>>, vector<1x1x1x16xf32>,
        %swap3A_781 = vector.shape_cast %swap3A_780 : vector<1x1x1x16xf32> to vector<16xf32>
        %swap3A_782 = vector.shape_cast %get3A_774 : vector<16xf32> to vector<1x1x1x16xf32>
        tpu.vector_store %arg8[%swap3A_776, %swap3A_777, %swap3A_778, %swap3A_779], %swap3A_782 {add = true, strides = array<i32>} : memref<2x2x200x64xf32, #tpu.memory_space<vmem>>, vector<1x1x1x16xf32>,
        %get3A_783 = arith.index_cast %scan3A_771 : i32 to index
        %get3A_784 = arith.constant 16 : index
        %get3A_785 = tpu.vector_load %arg7[%get3A_783, %get3A_784] {strides = array<i32>} : memref<200x64xf32, #tpu.memory_space<vmem>>, vector<1x16xf32>,
        %get3A_786 = vector.shape_cast %get3A_785 : vector<1x16xf32> to vector<16xf32>
        %swap3A_787 = arith.constant 0 : i32
        %swap3A_788 = arith.constant 1 : i32
        %swap3A_789 = arith.index_cast %swap3A_787 : i32 to index
        %swap3A_790 = arith.index_cast %swap3A_788 : i32 to index
        %swap3A_791 = arith.index_cast %scan3A_771 : i32 to index
        %swap3A_792 = arith.constant 16 : index
        %swap3A_793 = tpu.vector_load %arg8[%swap3A_789, %swap3A_790, %swap3A_791, %swap3A_792] {strides = array<i32>} : memref<2x2x200x64xf32, #tpu.memory_space<vmem>>, vector<1x1x1x16xf32>,
        %swap3A_794 = vector.shape_cast %swap3A_793 : vector<1x1x1x16xf32> to vector<16xf32>
        %swap3A_795 = vector.shape_cast %get3A_786 : vector<16xf32> to vector<1x1x1x16xf32>
        tpu.vector_store %arg8[%swap3A_789, %swap3A_790, %swap3A_791, %swap3A_792], %swap3A_795 {add = true, strides = array<i32>} : memref<2x2x200x64xf32, #tpu.memory_space<vmem>>, vector<1x1x1x16xf32>,
        %get3A_796 = arith.index_cast %scan3A_771 : i32 to index
        %get3A_797 = arith.constant 32 : index
        %get3A_798 = tpu.vector_load %arg7[%get3A_796, %get3A_797] {strides = array<i32>} : memref<200x64xf32, #tpu.memory_space<vmem>>, vector<1x16xf32>,
        %get3A_799 = vector.shape_cast %get3A_798 : vector<1x16xf32> to vector<16xf32>
        %swap3A_800 = arith.constant 0 : i32
        %swap3A_801 = arith.constant 1 : i32
        %swap3A_802 = arith.index_cast %swap3A_800 : i32 to index
        %swap3A_803 = arith.index_cast %swap3A_801 : i32 to index
        %swap3A_804 = arith.index_cast %scan3A_771 : i32 to index
        %swap3A_805 = arith.constant 32 : index
        %swap3A_806 = tpu.vector_load %arg8[%swap3A_802, %swap3A_803, %swap3A_804, %swap3A_805] {strides = array<i32>} : memref<2x2x200x64xf32, #tpu.memory_space<vmem>>, vector<1x1x1x16xf32>,
        %swap3A_807 = vector.shape_cast %swap3A_806 : vector<1x1x1x16xf32> to vector<16xf32>
        %swap3A_808 = vector.shape_cast %get3A_799 : vector<16xf32> to vector<1x1x1x16xf32>
        tpu.vector_store %arg8[%swap3A_802, %swap3A_803, %swap3A_804, %swap3A_805], %swap3A_808 {add = true, strides = array<i32>} : memref<2x2x200x64xf32, #tpu.memory_space<vmem>>, vector<1x1x1x16xf32>,
        %get3A_809 = arith.index_cast %scan3A_771 : i32 to index
        %get3A_810 = arith.constant 48 : index
        %get3A_811 = tpu.vector_load %arg7[%get3A_809, %get3A_810] {strides = array<i32>} : memref<200x64xf32, #tpu.memory_space<vmem>>, vector<1x16xf32>,
        %get3A_812 = vector.shape_cast %get3A_811 : vector<1x16xf32> to vector<16xf32>
        %swap3A_813 = arith.constant 0 : i32
        %swap3A_814 = arith.constant 1 : i32
        %swap3A_815 = arith.index_cast %swap3A_813 : i32 to index
        %swap3A_816 = arith.index_cast %swap3A_814 : i32 to index
        %swap3A_817 = arith.index_cast %scan3A_771 : i32 to index
        %swap3A_818 = arith.constant 48 : index
        %swap3A_819 = tpu.vector_load %arg8[%swap3A_815, %swap3A_816, %swap3A_817, %swap3A_818] {strides = array<i32>} : memref<2x2x200x64xf32, #tpu.memory_space<vmem>>, vector<1x1x1x16xf32>,
        %swap3A_820 = vector.shape_cast %swap3A_819 : vector<1x1x1x16xf32> to vector<16xf32>
        %swap3A_821 = vector.shape_cast %get3A_812 : vector<16xf32> to vector<1x1x1x16xf32>
        tpu.vector_store %arg8[%swap3A_815, %swap3A_816, %swap3A_817, %swap3A_818], %swap3A_821 {add = true, strides = array<i32>} : memref<2x2x200x64xf32, #tpu.memory_space<vmem>>, vector<1x1x1x16xf32>,
        %scan3A_822 = arith.constant 1 : i32
        %scan3A_823 = arith.addi %scan3A_771, %scan3A_822 : i32
        %get3A_824 = arith.index_cast %scan3A_823 : i32 to index
        %get3A_825 = arith.constant 0 : index
        %get3A_826 = tpu.vector_load %arg7[%get3A_824, %get3A_825] {strides = array<i32>} : memref<200x64xf32, #tpu.memory_space<vmem>>, vector<1x16xf32>,
        %get3A_827 = vector.shape_cast %get3A_826 : vector<1x16xf32> to vector<16xf32>
        %swap3A_828 = arith.constant 0 : i32
        %swap3A_829 = arith.constant 1 : i32
        %swap3A_830 = arith.index_cast %swap3A_828 : i32 to index
        %swap3A_831 = arith.index_cast %swap3A_829 : i32 to index
        %swap3A_832 = arith.index_cast %scan3A_823 : i32 to index
        %swap3A_833 = arith.constant 0 : index
        %swap3A_834 = tpu.vector_load %arg8[%swap3A_830, %swap3A_831, %swap3A_832, %swap3A_833] {strides = array<i32>} : memref<2x2x200x64xf32, #tpu.memory_space<vmem>>, vector<1x1x1x16xf32>,
        %swap3A_835 = vector.shape_cast %swap3A_834 : vector<1x1x1x16xf32> to vector<16xf32>
        %swap3A_836 = vector.shape_cast %get3A_827 : vector<16xf32> to vector<1x1x1x16xf32>
        tpu.vector_store %arg8[%swap3A_830, %swap3A_831, %swap3A_832, %swap3A_833], %swap3A_836 {add = true, strides = array<i32>} : memref<2x2x200x64xf32, #tpu.memory_space<vmem>>, vector<1x1x1x16xf32>,
        %get3A_837 = arith.index_cast %scan3A_823 : i32 to index
        %get3A_838 = arith.constant 16 : index
        %get3A_839 = tpu.vector_load %arg7[%get3A_837, %get3A_838] {strides = array<i32>} : memref<200x64xf32, #tpu.memory_space<vmem>>, vector<1x16xf32>,
        %get3A_840 = vector.shape_cast %get3A_839 : vector<1x16xf32> to vector<16xf32>
        %swap3A_841 = arith.constant 0 : i32
        %swap3A_842 = arith.constant 1 : i32
        %swap3A_843 = arith.index_cast %swap3A_841 : i32 to index
        %swap3A_844 = arith.index_cast %swap3A_842 : i32 to index
        %swap3A_845 = arith.index_cast %scan3A_823 : i32 to index
        %swap3A_846 = arith.constant 16 : index
        %swap3A_847 = tpu.vector_load %arg8[%swap3A_843, %swap3A_844, %swap3A_845, %swap3A_846] {strides = array<i32>} : memref<2x2x200x64xf32, #tpu.memory_space<vmem>>, vector<1x1x1x16xf32>,
        %swap3A_848 = vector.shape_cast %swap3A_847 : vector<1x1x1x16xf32> to vector<16xf32>
        %swap3A_849 = vector.shape_cast %get3A_840 : vector<16xf32> to vector<1x1x1x16xf32>
        tpu.vector_store %arg8[%swap3A_843, %swap3A_844, %swap3A_845, %swap3A_846], %swap3A_849 {add = true, strides = array<i32>} : memref<2x2x200x64xf32, #tpu.memory_space<vmem>>, vector<1x1x1x16xf32>,
        %get3A_850 = arith.index_cast %scan3A_823 : i32 to index
        %get3A_851 = arith.constant 32 : index
        %get3A_852 = tpu.vector_load %arg7[%get3A_850, %get3A_851] {strides = array<i32>} : memref<200x64xf32, #tpu.memory_space<vmem>>, vector<1x16xf32>,
        %get3A_853 = vector.shape_cast %get3A_852 : vector<1x16xf32> to vector<16xf32>
        %swap3A_854 = arith.constant 0 : i32
        %swap3A_855 = arith.constant 1 : i32
        %swap3A_856 = arith.index_cast %swap3A_854 : i32 to index
        %swap3A_857 = arith.index_cast %swap3A_855 : i32 to index
        %swap3A_858 = arith.index_cast %scan3A_823 : i32 to index
        %swap3A_859 = arith.constant 32 : index
        %swap3A_860 = tpu.vector_load %arg8[%swap3A_856, %swap3A_857, %swap3A_858, %swap3A_859] {strides = array<i32>} : memref<2x2x200x64xf32, #tpu.memory_space<vmem>>, vector<1x1x1x16xf32>,
        %swap3A_861 = vector.shape_cast %swap3A_860 : vector<1x1x1x16xf32> to vector<16xf32>
        %swap3A_862 = vector.shape_cast %get3A_853 : vector<16xf32> to vector<1x1x1x16xf32>
        tpu.vector_store %arg8[%swap3A_856, %swap3A_857, %swap3A_858, %swap3A_859], %swap3A_862 {add = true, strides = array<i32>} : memref<2x2x200x64xf32, #tpu.memory_space<vmem>>, vector<1x1x1x16xf32>,
        %get3A_863 = arith.index_cast %scan3A_823 : i32 to index
        %get3A_864 = arith.constant 48 : index
        %get3A_865 = tpu.vector_load %arg7[%get3A_863, %get3A_864] {strides = array<i32>} : memref<200x64xf32, #tpu.memory_space<vmem>>, vector<1x16xf32>,
        %get3A_866 = vector.shape_cast %get3A_865 : vector<1x16xf32> to vector<16xf32>
        %swap3A_867 = arith.constant 0 : i32
        %swap3A_868 = arith.constant 1 : i32
        %swap3A_869 = arith.index_cast %swap3A_867 : i32 to index
        %swap3A_870 = arith.index_cast %swap3A_868 : i32 to index
        %swap3A_871 = arith.index_cast %scan3A_823 : i32 to index
        %swap3A_872 = arith.constant 48 : index
        %swap3A_873 = tpu.vector_load %arg8[%swap3A_869, %swap3A_870, %swap3A_871, %swap3A_872] {strides = array<i32>} : memref<2x2x200x64xf32, #tpu.memory_space<vmem>>, vector<1x1x1x16xf32>,
        %swap3A_874 = vector.shape_cast %swap3A_873 : vector<1x1x1x16xf32> to vector<16xf32>
        %swap3A_875 = vector.shape_cast %get3A_866 : vector<16xf32> to vector<1x1x1x16xf32>
        tpu.vector_store %arg8[%swap3A_869, %swap3A_870, %swap3A_871, %swap3A_872], %swap3A_875 {add = true, strides = array<i32>} : memref<2x2x200x64xf32, #tpu.memory_space<vmem>>, vector<1x1x1x16xf32>,
        %scan3A_876 = arith.constant 2 : i32
        %scan3A_877 = arith.addi %scan3A_771, %scan3A_876 : i32
        %get3A_878 = arith.index_cast %scan3A_877 : i32 to index
        %get3A_879 = arith.constant 0 : index
        %get3A_880 = tpu.vector_load %arg7[%get3A_878, %get3A_879] {strides = array<i32>} : memref<200x64xf32, #tpu.memory_space<vmem>>, vector<1x16xf32>,
        %get3A_881 = vector.shape_cast %get3A_880 : vector<1x16xf32> to vector<16xf32>
        %swap3A_882 = arith.constant 0 : i32
        %swap3A_883 = arith.constant 1 : i32
        %swap3A_884 = arith.index_cast %swap3A_882 : i32 to index
        %swap3A_885 = arith.index_cast %swap3A_883 : i32 to index
        %swap3A_886 = arith.index_cast %scan3A_877 : i32 to index
        %swap3A_887 = arith.constant 0 : index
        %swap3A_888 = tpu.vector_load %arg8[%swap3A_884, %swap3A_885, %swap3A_886, %swap3A_887] {strides = array<i32>} : memref<2x2x200x64xf32, #tpu.memory_space<vmem>>, vector<1x1x1x16xf32>,
        %swap3A_889 = vector.shape_cast %swap3A_888 : vector<1x1x1x16xf32> to vector<16xf32>
        %swap3A_890 = vector.shape_cast %get3A_881 : vector<16xf32> to vector<1x1x1x16xf32>
        tpu.vector_store %arg8[%swap3A_884, %swap3A_885, %swap3A_886, %swap3A_887], %swap3A_890 {add = true, strides = array<i32>} : memref<2x2x200x64xf32, #tpu.memory_space<vmem>>, vector<1x1x1x16xf32>,
        %get3A_891 = arith.index_cast %scan3A_877 : i32 to index
        %get3A_892 = arith.constant 16 : index
        %get3A_893 = tpu.vector_load %arg7[%get3A_891, %get3A_892] {strides = array<i32>} : memref<200x64xf32, #tpu.memory_space<vmem>>, vector<1x16xf32>,
        %get3A_894 = vector.shape_cast %get3A_893 : vector<1x16xf32> to vector<16xf32>
        %swap3A_895 = arith.constant 0 : i32
        %swap3A_896 = arith.constant 1 : i32
        %swap3A_897 = arith.index_cast %swap3A_895 : i32 to index
        %swap3A_898 = arith.index_cast %swap3A_896 : i32 to index
        %swap3A_899 = arith.index_cast %scan3A_877 : i32 to index
        %swap3A_900 = arith.constant 16 : index
        %swap3A_901 = tpu.vector_load %arg8[%swap3A_897, %swap3A_898, %swap3A_899, %swap3A_900] {strides = array<i32>} : memref<2x2x200x64xf32, #tpu.memory_space<vmem>>, vector<1x1x1x16xf32>,
        %swap3A_902 = vector.shape_cast %swap3A_901 : vector<1x1x1x16xf32> to vector<16xf32>
        %swap3A_903 = vector.shape_cast %get3A_894 : vector<16xf32> to vector<1x1x1x16xf32>
        tpu.vector_store %arg8[%swap3A_897, %swap3A_898, %swap3A_899, %swap3A_900], %swap3A_903 {add = true, strides = array<i32>} : memref<2x2x200x64xf32, #tpu.memory_space<vmem>>, vector<1x1x1x16xf32>,
        %get3A_904 = arith.index_cast %scan3A_877 : i32 to index
        %get3A_905 = arith.constant 32 : index
        %get3A_906 = tpu.vector_load %arg7[%get3A_904, %get3A_905] {strides = array<i32>} : memref<200x64xf32, #tpu.memory_space<vmem>>, vector<1x16xf32>,
        %get3A_907 = vector.shape_cast %get3A_906 : vector<1x16xf32> to vector<16xf32>
        %swap3A_908 = arith.constant 0 : i32
        %swap3A_909 = arith.constant 1 : i32
        %swap3A_910 = arith.index_cast %swap3A_908 : i32 to index
        %swap3A_911 = arith.index_cast %swap3A_909 : i32 to index
        %swap3A_912 = arith.index_cast %scan3A_877 : i32 to index
        %swap3A_913 = arith.constant 32 : index
        %swap3A_914 = tpu.vector_load %arg8[%swap3A_910, %swap3A_911, %swap3A_912, %swap3A_913] {strides = array<i32>} : memref<2x2x200x64xf32, #tpu.memory_space<vmem>>, vector<1x1x1x16xf32>,
        %swap3A_915 = vector.shape_cast %swap3A_914 : vector<1x1x1x16xf32> to vector<16xf32>
        %swap3A_916 = vector.shape_cast %get3A_907 : vector<16xf32> to vector<1x1x1x16xf32>
        tpu.vector_store %arg8[%swap3A_910, %swap3A_911, %swap3A_912, %swap3A_913], %swap3A_916 {add = true, strides = array<i32>} : memref<2x2x200x64xf32, #tpu.memory_space<vmem>>, vector<1x1x1x16xf32>,
        %get3A_917 = arith.index_cast %scan3A_877 : i32 to index
        %get3A_918 = arith.constant 48 : index
        %get3A_919 = tpu.vector_load %arg7[%get3A_917, %get3A_918] {strides = array<i32>} : memref<200x64xf32, #tpu.memory_space<vmem>>, vector<1x16xf32>,
        %get3A_920 = vector.shape_cast %get3A_919 : vector<1x16xf32> to vector<16xf32>
        %swap3A_921 = arith.constant 0 : i32
        %swap3A_922 = arith.constant 1 : i32
        %swap3A_923 = arith.index_cast %swap3A_921 : i32 to index
        %swap3A_924 = arith.index_cast %swap3A_922 : i32 to index
        %swap3A_925 = arith.index_cast %scan3A_877 : i32 to index
        %swap3A_926 = arith.constant 48 : index
        %swap3A_927 = tpu.vector_load %arg8[%swap3A_923, %swap3A_924, %swap3A_925, %swap3A_926] {strides = array<i32>} : memref<2x2x200x64xf32, #tpu.memory_space<vmem>>, vector<1x1x1x16xf32>,
        %swap3A_928 = vector.shape_cast %swap3A_927 : vector<1x1x1x16xf32> to vector<16xf32>
        %swap3A_929 = vector.shape_cast %get3A_920 : vector<16xf32> to vector<1x1x1x16xf32>
        tpu.vector_store %arg8[%swap3A_923, %swap3A_924, %swap3A_925, %swap3A_926], %swap3A_929 {add = true, strides = array<i32>} : memref<2x2x200x64xf32, #tpu.memory_space<vmem>>, vector<1x1x1x16xf32>,
        %scan3A_930 = arith.constant 3 : i32
        %scan3A_931 = arith.addi %scan3A_771, %scan3A_930 : i32
        %get3A_932 = arith.index_cast %scan3A_931 : i32 to index
        %get3A_933 = arith.constant 0 : index
        %get3A_934 = tpu.vector_load %arg7[%get3A_932, %get3A_933] {strides = array<i32>} : memref<200x64xf32, #tpu.memory_space<vmem>>, vector<1x16xf32>,
        %get3A_935 = vector.shape_cast %get3A_934 : vector<1x16xf32> to vector<16xf32>
        %swap3A_936 = arith.constant 0 : i32
        %swap3A_937 = arith.constant 1 : i32
        %swap3A_938 = arith.index_cast %swap3A_936 : i32 to index
        %swap3A_939 = arith.index_cast %swap3A_937 : i32 to index
        %swap3A_940 = arith.index_cast %scan3A_931 : i32 to index
        %swap3A_941 = arith.constant 0 : index
        %swap3A_942 = tpu.vector_load %arg8[%swap3A_938, %swap3A_939, %swap3A_940, %swap3A_941] {strides = array<i32>} : memref<2x2x200x64xf32, #tpu.memory_space<vmem>>, vector<1x1x1x16xf32>,
        %swap3A_943 = vector.shape_cast %swap3A_942 : vector<1x1x1x16xf32> to vector<16xf32>
        %swap3A_944 = vector.shape_cast %get3A_935 : vector<16xf32> to vector<1x1x1x16xf32>
        tpu.vector_store %arg8[%swap3A_938, %swap3A_939, %swap3A_940, %swap3A_941], %swap3A_944 {add = true, strides = array<i32>} : memref<2x2x200x64xf32, #tpu.memory_space<vmem>>, vector<1x1x1x16xf32>,
        %get3A_945 = arith.index_cast %scan3A_931 : i32 to index
        %get3A_946 = arith.constant 16 : index
        %get3A_947 = tpu.vector_load %arg7[%get3A_945, %get3A_946] {strides = array<i32>} : memref<200x64xf32, #tpu.memory_space<vmem>>, vector<1x16xf32>,
        %get3A_948 = vector.shape_cast %get3A_947 : vector<1x16xf32> to vector<16xf32>
        %swap3A_949 = arith.constant 0 : i32
        %swap3A_950 = arith.constant 1 : i32
        %swap3A_951 = arith.index_cast %swap3A_949 : i32 to index
        %swap3A_952 = arith.index_cast %swap3A_950 : i32 to index
        %swap3A_953 = arith.index_cast %scan3A_931 : i32 to index
        %swap3A_954 = arith.constant 16 : index
        %swap3A_955 = tpu.vector_load %arg8[%swap3A_951, %swap3A_952, %swap3A_953, %swap3A_954] {strides = array<i32>} : memref<2x2x200x64xf32, #tpu.memory_space<vmem>>, vector<1x1x1x16xf32>,
        %swap3A_956 = vector.shape_cast %swap3A_955 : vector<1x1x1x16xf32> to vector<16xf32>
        %swap3A_957 = vector.shape_cast %get3A_948 : vector<16xf32> to vector<1x1x1x16xf32>
        tpu.vector_store %arg8[%swap3A_951, %swap3A_952, %swap3A_953, %swap3A_954], %swap3A_957 {add = true, strides = array<i32>} : memref<2x2x200x64xf32, #tpu.memory_space<vmem>>, vector<1x1x1x16xf32>,
        %get3A_958 = arith.index_cast %scan3A_931 : i32 to index
        %get3A_959 = arith.constant 32 : index
        %get3A_960 = tpu.vector_load %arg7[%get3A_958, %get3A_959] {strides = array<i32>} : memref<200x64xf32, #tpu.memory_space<vmem>>, vector<1x16xf32>,
        %get3A_961 = vector.shape_cast %get3A_960 : vector<1x16xf32> to vector<16xf32>
        %swap3A_962 = arith.constant 0 : i32
        %swap3A_963 = arith.constant 1 : i32
        %swap3A_964 = arith.index_cast %swap3A_962 : i32 to index
        %swap3A_965 = arith.index_cast %swap3A_963 : i32 to index
        %swap3A_966 = arith.index_cast %scan3A_931 : i32 to index
        %swap3A_967 = arith.constant 32 : index
        %swap3A_968 = tpu.vector_load %arg8[%swap3A_964, %swap3A_965, %swap3A_966, %swap3A_967] {strides = array<i32>} : memref<2x2x200x64xf32, #tpu.memory_space<vmem>>, vector<1x1x1x16xf32>,
        %swap3A_969 = vector.shape_cast %swap3A_968 : vector<1x1x1x16xf32> to vector<16xf32>
        %swap3A_970 = vector.shape_cast %get3A_961 : vector<16xf32> to vector<1x1x1x16xf32>
        tpu.vector_store %arg8[%swap3A_964, %swap3A_965, %swap3A_966, %swap3A_967], %swap3A_970 {add = true, strides = array<i32>} : memref<2x2x200x64xf32, #tpu.memory_space<vmem>>, vector<1x1x1x16xf32>,
        %get3A_971 = arith.index_cast %scan3A_931 : i32 to index
        %get3A_972 = arith.constant 48 : index
        %get3A_973 = tpu.vector_load %arg7[%get3A_971, %get3A_972] {strides = array<i32>} : memref<200x64xf32, #tpu.memory_space<vmem>>, vector<1x16xf32>,
        %get3A_974 = vector.shape_cast %get3A_973 : vector<1x16xf32> to vector<16xf32>
        %swap3A_975 = arith.constant 0 : i32
        %swap3A_976 = arith.constant 1 : i32
        %swap3A_977 = arith.index_cast %swap3A_975 : i32 to index
        %swap3A_978 = arith.index_cast %swap3A_976 : i32 to index
        %swap3A_979 = arith.index_cast %scan3A_931 : i32 to index
        %swap3A_980 = arith.constant 48 : index
        %swap3A_981 = tpu.vector_load %arg8[%swap3A_977, %swap3A_978, %swap3A_979, %swap3A_980] {strides = array<i32>} : memref<2x2x200x64xf32, #tpu.memory_space<vmem>>, vector<1x1x1x16xf32>,
        %swap3A_982 = vector.shape_cast %swap3A_981 : vector<1x1x1x16xf32> to vector<16xf32>
        %swap3A_983 = vector.shape_cast %get3A_974 : vector<16xf32> to vector<1x1x1x16xf32>
        tpu.vector_store %arg8[%swap3A_977, %swap3A_978, %swap3A_979, %swap3A_980], %swap3A_983 {add = true, strides = array<i32>} : memref<2x2x200x64xf32, #tpu.memory_space<vmem>>, vector<1x1x1x16xf32>,
      }
      %scan3A_620 = arith.constant 200 : i32
      %mul3A_621 = arith.constant 2 : i32
      %mul3A_622 = arith.muli %mul3A_512, %mul3A_621 : i32
      %add3A_623 = arith.addi %mul3A_2, %mul3A_622 : i32
      %dma_start3A_624 = arith.constant 0 : i32
      %dma_start3A_625 = arith.constant 0 : i32
      %dma_start3A_626 = arith.constant 0 : i32
      %dma_start3A_627 = arith.constant 0 : i32
      %dma_start3A_628 = tpu.memref_slice %arg8[%dma_start3A_624, %dma_start3A_625, %dma_start3A_626, %dma_start3A_627] : memref<2x2x200x64xf32, #tpu.memory_space<vmem>> -> memref<1x2x200x64xf32, #tpu.memory_space<vmem>>
      %dma_start3A_629 = tpu.memref_squeeze %dma_start3A_628 : memref<1x2x200x64xf32, #tpu.memory_space<vmem>> -> memref<2x200x64xf32, #tpu.memory_space<vmem>>
      %dma_start3A_630 = arith.constant 0 : i32
      %dma_start3A_631 = arith.constant 0 : i32
      %dma_start3A_632 = tpu.memref_slice %arg5[%add3A_623, %dma_start3A_630, %dma_start3A_631] : memref<4096x200x64xf32, #tpu.memory_space<hbm>> -> memref<2x200x64xf32, #tpu.memory_space<hbm>>
      %dma_start3A_633 = arith.constant 0 : i32
      %dma_start3A_634 = arith.constant 0 : i32
      %dma_start3A_635 = tpu.memref_slice %arg5[%add3A_623, %dma_start3A_633, %dma_start3A_634] : memref<4096x200x64xf32, #tpu.memory_space<hbm>> -> memref<2x200x64xf32, #tpu.memory_space<hbm>>
      %dma_start3A_636 = arith.constant 0 : i32
      %dma_start3A_637 = arith.constant 0 : i32
      %dma_start3A_638 = arith.constant 0 : i32
      %dma_start3A_639 = tpu.memref_slice %arg8[%dma_start3A_624, %dma_start3A_636, %dma_start3A_637, %dma_start3A_638] : memref<2x2x200x64xf32, #tpu.memory_space<vmem>> -> memref<1x2x200x64xf32, #tpu.memory_space<vmem>>
      %dma_start3A_640 = tpu.memref_squeeze %dma_start3A_639 : memref<1x2x200x64xf32, #tpu.memory_space<vmem>> -> memref<2x200x64xf32, #tpu.memory_space<vmem>>
      tpu.enqueue_dma source(%dma_start3A_640 : memref<2x200x64xf32, #tpu.memory_space<vmem>>) target(%dma_start3A_635 : memref<2x200x64xf32, #tpu.memory_space<hbm>>) target_semaphore(%arg11 : memref<!tpu.dma_semaphore, #tpu.memory_space<semaphore_mem>>)
      %add3A_641 = arith.constant 1 : i32
      %add3A_642 = arith.addi %mul3A_512, %add3A_641 : i32
      %dma_wait3A_643 = arith.constant 1 : i32
      %dma_wait3A_644 = arith.constant 0 : i32
      %dma_wait3A_645 = arith.constant 0 : i32
      %dma_wait3A_646 = arith.constant 0 : i32
      %dma_wait3A_647 = tpu.memref_slice %arg8[%dma_wait3A_643, %dma_wait3A_644, %dma_wait3A_645, %dma_wait3A_646] : memref<2x2x200x64xf32, #tpu.memory_space<vmem>> -> memref<1x2x200x64xf32, #tpu.memory_space<vmem>>
      %dma_wait3A_648 = tpu.memref_squeeze %dma_wait3A_647 : memref<1x2x200x64xf32, #tpu.memory_space<vmem>> -> memref<2x200x64xf32, #tpu.memory_space<vmem>>
      %dma_wait3A_649 = arith.constant 0 : i32
      %dma_wait3A_650 = arith.constant 0 : i32
      %dma_wait3A_651 = arith.constant 0 : i32
      %dma_wait3A_652 = tpu.memref_slice %arg5[%dma_wait3A_649, %dma_wait3A_650, %dma_wait3A_651] : memref<4096x200x64xf32, #tpu.memory_space<hbm>> -> memref<2x200x64xf32, #tpu.memory_space<hbm>>
      %dma_wait3A_653 = arith.constant 0 : i32
      %dma_wait3A_654 = arith.constant 0 : i32
      %dma_wait3A_655 = arith.constant 0 : i32
      %dma_wait3A_656 = tpu.memref_slice %arg8[%dma_wait3A_643, %dma_wait3A_653, %dma_wait3A_654, %dma_wait3A_655] : memref<2x2x200x64xf32, #tpu.memory_space<vmem>> -> memref<1x2x200x64xf32, #tpu.memory_space<vmem>>
      %dma_wait3A_657 = tpu.memref_squeeze %dma_wait3A_656 : memref<1x2x200x64xf32, #tpu.memory_space<vmem>> -> memref<2x200x64xf32, #tpu.memory_space<vmem>>
      %dma_wait3A_658 = arith.constant 0 : i32
      %dma_wait3A_659 = arith.constant 0 : i32
      %dma_wait3A_660 = arith.constant 0 : i32
      %dma_wait3A_661 = tpu.memref_slice %arg5[%dma_wait3A_658, %dma_wait3A_659, %dma_wait3A_660] : memref<4096x200x64xf32, #tpu.memory_space<hbm>> -> memref<2x200x64xf32, #tpu.memory_space<hbm>>
      tpu.wait_dma2 semaphore(%arg10 : memref<!tpu.dma_semaphore, #tpu.memory_space<semaphore_mem>>) src(%dma_wait3A_661 : memref<2x200x64xf32, #tpu.memory_space<hbm>>) dst(%dma_wait3A_657 : memref<2x200x64xf32, #tpu.memory_space<vmem>>)
      %dma_wait3A_662 = arith.constant 0 : i32
      %dma_wait3A_663 = arith.constant 0 : i32
      %dma_wait3A_664 = arith.constant 0 : i32
      %dma_wait3A_665 = arith.constant 0 : i32
      %dma_wait3A_666 = tpu.memref_slice %arg8[%dma_wait3A_662, %dma_wait3A_663, %dma_wait3A_664, %dma_wait3A_665] : memref<2x2x200x64xf32, #tpu.memory_space<vmem>> -> memref<1x2x200x64xf32, #tpu.memory_space<vmem>>
      %dma_wait3A_667 = tpu.memref_squeeze %dma_wait3A_666 : memref<1x2x200x64xf32, #tpu.memory_space<vmem>> -> memref<2x200x64xf32, #tpu.memory_space<vmem>>
      %dma_wait3A_668 = arith.constant 0 : i32
      %dma_wait3A_669 = arith.constant 0 : i32
      %dma_wait3A_670 = arith.constant 0 : i32
      %dma_wait3A_671 = tpu.memref_slice %arg5[%dma_wait3A_668, %dma_wait3A_669, %dma_wait3A_670] : memref<4096x200x64xf32, #tpu.memory_space<hbm>> -> memref<2x200x64xf32, #tpu.memory_space<hbm>>
      %dma_wait3A_672 = arith.constant 0 : i32
      %dma_wait3A_673 = arith.constant 0 : i32
      %dma_wait3A_674 = arith.constant 0 : i32
      %dma_wait3A_675 = tpu.memref_slice %arg5[%dma_wait3A_672, %dma_wait3A_673, %dma_wait3A_674] : memref<4096x200x64xf32, #tpu.memory_space<hbm>> -> memref<2x200x64xf32, #tpu.memory_space<hbm>>
      %dma_wait3A_676 = arith.constant 0 : i32
      %dma_wait3A_677 = arith.constant 0 : i32
      %dma_wait3A_678 = arith.constant 0 : i32
      %dma_wait3A_679 = tpu.memref_slice %arg8[%dma_wait3A_662, %dma_wait3A_676, %dma_wait3A_677, %dma_wait3A_678] : memref<2x2x200x64xf32, #tpu.memory_space<vmem>> -> memref<1x2x200x64xf32, #tpu.memory_space<vmem>>
      %dma_wait3A_680 = tpu.memref_squeeze %dma_wait3A_679 : memref<1x2x200x64xf32, #tpu.memory_space<vmem>> -> memref<2x200x64xf32, #tpu.memory_space<vmem>>
      tpu.wait_dma2 semaphore(%arg11 : memref<!tpu.dma_semaphore, #tpu.memory_space<semaphore_mem>>) src(%dma_wait3A_680 : memref<2x200x64xf32, #tpu.memory_space<vmem>>) dst(%dma_wait3A_675 : memref<2x200x64xf32, #tpu.memory_space<hbm>>)
      %add3A_681 = arith.constant 1 : i32
      %add3A_682 = arith.addi %add3A_642, %add3A_681 : i32
      %mul3A_683 = arith.constant 2 : i32
      %mul3A_684 = arith.muli %add3A_682, %mul3A_683 : i32
      %add3A_685 = arith.constant 0 : i32
      %add3A_686 = arith.addi %mul3A_684, %add3A_685 : i32
      %dma_start3A_687 = arith.constant 0 : i32
      %dma_start3A_688 = arith.constant 0 : i32
      %dma_start3A_689 = arith.constant 0 : i32
      %dma_start3A_690 = arith.constant 0 : i32
      %dma_start3A_691 = tpu.memref_slice %arg8[%dma_start3A_687, %dma_start3A_688, %dma_start3A_689, %dma_start3A_690] : memref<2x2x200x64xf32, #tpu.memory_space<vmem>> -> memref<1x1x128x64xf32, #tpu.memory_space<vmem>>
      %dma_start3A_692 = tpu.memref_squeeze %dma_start3A_691 : memref<1x1x128x64xf32, #tpu.memory_space<vmem>> -> memref<128x64xf32, #tpu.memory_space<vmem>>
      %dma_start3A_693 = arith.constant 0 : i32
      %dma_start3A_694 = tpu.memref_slice %arg6[%add3A_686, %dma_start3A_693] : memref<128x200xi32, #tpu.memory_space<vmem>> -> memref<1x128xi32, #tpu.memory_space<vmem>>
      %dma_start3A_695 = tpu.memref_squeeze %dma_start3A_694 : memref<1x128xi32, #tpu.memory_space<vmem>> -> memref<128xi32, #tpu.memory_space<vmem>>
      %dma_start3A_696 = arith.constant 0 : i32
      %dma_start3A_697 = arith.constant 0 : i32
      %dma_start3A_698 = tpu.memref_slice %arg3[%dma_start3A_696, %dma_start3A_697] : memref<1000000x64xf32, #tpu.memory_space<hbm>> -> memref<1000000x64xf32, #tpu.memory_space<hbm>>
      tpu.enqueue_indirect_dma source(%dma_start3A_698 : memref<1000000x64xf32, #tpu.memory_space<hbm>>) target(%dma_start3A_692 : memref<128x64xf32, #tpu.memory_space<vmem>>) offsets(%dma_start3A_695 : memref<128xi32, #tpu.memory_space<vmem>>) semaphore(%arg9 : memref<!tpu.dma_semaphore, #tpu.memory_space<semaphore_mem>>)
      %dma_start3A_699 = arith.constant 0 : i32
      %dma_start3A_700 = arith.constant 0 : i32
      %dma_start3A_701 = arith.constant 128 : i32
      %dma_start3A_702 = arith.constant 0 : i32
      %dma_start3A_703 = tpu.memref_slice %arg8[%dma_start3A_699, %dma_start3A_700, %dma_start3A_701, %dma_start3A_702] : memref<2x2x200x64xf32, #tpu.memory_space<vmem>> -> memref<1x1x72x64xf32, #tpu.memory_space<vmem>>
      %dma_start3A_704 = tpu.memref_squeeze %dma_start3A_703 : memref<1x1x72x64xf32, #tpu.memory_space<vmem>> -> memref<72x64xf32, #tpu.memory_space<vmem>>
      %dma_start3A_705 = arith.constant 128 : i32
      %dma_start3A_706 = tpu.memref_slice %arg6[%add3A_686, %dma_start3A_705] : memref<128x200xi32, #tpu.memory_space<vmem>> -> memref<1x72xi32, #tpu.memory_space<vmem>>
      %dma_start3A_707 = tpu.memref_squeeze %dma_start3A_706 : memref<1x72xi32, #tpu.memory_space<vmem>> -> memref<72xi32, #tpu.memory_space<vmem>>
      %dma_start3A_708 = arith.constant 0 : i32
      %dma_start3A_709 = arith.constant 0 : i32
      %dma_start3A_710 = tpu.memref_slice %arg3[%dma_start3A_708, %dma_start3A_709] : memref<1000000x64xf32, #tpu.memory_space<hbm>> -> memref<1000000x64xf32, #tpu.memory_space<hbm>>
      tpu.enqueue_indirect_dma source(%dma_start3A_710 : memref<1000000x64xf32, #tpu.memory_space<hbm>>) target(%dma_start3A_704 : memref<72x64xf32, #tpu.memory_space<vmem>>) offsets(%dma_start3A_707 : memref<72xi32, #tpu.memory_space<vmem>>) semaphore(%arg9 : memref<!tpu.dma_semaphore, #tpu.memory_space<semaphore_mem>>)
      %mul3A_711 = arith.constant 2 : i32
      %mul3A_712 = arith.muli %add3A_682, %mul3A_711 : i32
      %add3A_713 = arith.constant 1 : i32
      %add3A_714 = arith.addi %mul3A_712, %add3A_713 : i32
      %dma_start3A_715 = arith.constant 0 : i32
      %dma_start3A_716 = arith.constant 1 : i32
      %dma_start3A_717 = arith.constant 0 : i32
      %dma_start3A_718 = arith.constant 0 : i32
      %dma_start3A_719 = tpu.memref_slice %arg8[%dma_start3A_715, %dma_start3A_716, %dma_start3A_717, %dma_start3A_718] : memref<2x2x200x64xf32, #tpu.memory_space<vmem>> -> memref<1x1x128x64xf32, #tpu.memory_space<vmem>>
      %dma_start3A_720 = tpu.memref_squeeze %dma_start3A_719 : memref<1x1x128x64xf32, #tpu.memory_space<vmem>> -> memref<128x64xf32, #tpu.memory_space<vmem>>
      %dma_start3A_721 = arith.constant 0 : i32
      %dma_start3A_722 = tpu.memref_slice %arg6[%add3A_714, %dma_start3A_721] : memref<128x200xi32, #tpu.memory_space<vmem>> -> memref<1x128xi32, #tpu.memory_space<vmem>>
      %dma_start3A_723 = tpu.memref_squeeze %dma_start3A_722 : memref<1x128xi32, #tpu.memory_space<vmem>> -> memref<128xi32, #tpu.memory_space<vmem>>
      %dma_start3A_724 = arith.constant 0 : i32
      %dma_start3A_725 = arith.constant 0 : i32
      %dma_start3A_726 = tpu.memref_slice %arg3[%dma_start3A_724, %dma_start3A_725] : memref<1000000x64xf32, #tpu.memory_space<hbm>> -> memref<1000000x64xf32, #tpu.memory_space<hbm>>
      tpu.enqueue_indirect_dma source(%dma_start3A_726 : memref<1000000x64xf32, #tpu.memory_space<hbm>>) target(%dma_start3A_720 : memref<128x64xf32, #tpu.memory_space<vmem>>) offsets(%dma_start3A_723 : memref<128xi32, #tpu.memory_space<vmem>>) semaphore(%arg9 : memref<!tpu.dma_semaphore, #tpu.memory_space<semaphore_mem>>)
      %dma_start3A_727 = arith.constant 0 : i32
      %dma_start3A_728 = arith.constant 1 : i32
      %dma_start3A_729 = arith.constant 128 : i32
      %dma_start3A_730 = arith.constant 0 : i32
      %dma_start3A_731 = tpu.memref_slice %arg8[%dma_start3A_727, %dma_start3A_728, %dma_start3A_729, %dma_start3A_730] : memref<2x2x200x64xf32, #tpu.memory_space<vmem>> -> memref<1x1x72x64xf32, #tpu.memory_space<vmem>>
      %dma_start3A_732 = tpu.memref_squeeze %dma_start3A_731 : memref<1x1x72x64xf32, #tpu.memory_space<vmem>> -> memref<72x64xf32, #tpu.memory_space<vmem>>
      %dma_start3A_733 = arith.constant 128 : i32
      %dma_start3A_734 = tpu.memref_slice %arg6[%add3A_714, %dma_start3A_733] : memref<128x200xi32, #tpu.memory_space<vmem>> -> memref<1x72xi32, #tpu.memory_space<vmem>>
      %dma_start3A_735 = tpu.memref_squeeze %dma_start3A_734 : memref<1x72xi32, #tpu.memory_space<vmem>> -> memref<72xi32, #tpu.memory_space<vmem>>
      %dma_start3A_736 = arith.constant 0 : i32
      %dma_start3A_737 = arith.constant 0 : i32
      %dma_start3A_738 = tpu.memref_slice %arg3[%dma_start3A_736, %dma_start3A_737] : memref<1000000x64xf32, #tpu.memory_space<hbm>> -> memref<1000000x64xf32, #tpu.memory_space<hbm>>
      tpu.enqueue_indirect_dma source(%dma_start3A_738 : memref<1000000x64xf32, #tpu.memory_space<hbm>>) target(%dma_start3A_732 : memref<72x64xf32, #tpu.memory_space<vmem>>) offsets(%dma_start3A_735 : memref<72xi32, #tpu.memory_space<vmem>>) semaphore(%arg9 : memref<!tpu.dma_semaphore, #tpu.memory_space<semaphore_mem>>)
      %scan3A_739 = arith.constant 0 : i32
      %scan3A_740 = arith.constant 0 : i32
      %scan3A_741 = arith.constant 200 : i32
      %scan3A_742 = arith.addi %scan3A_740, %scan3A_741 : i32
      %scan3A_743 = arith.constant 4 : i32
      scf.for %scan3A_771 = %scan3A_740 to %scan3A_742 step %scan3A_743  : i32 {
        %get3A = arith.index_cast %scan3A_771 : i32 to index
        %get3A_772 = arith.constant 0 : index
        %get3A_773 = tpu.vector_load %arg7[%get3A, %get3A_772] {strides = array<i32>} : memref<200x64xf32, #tpu.memory_space<vmem>>, vector<1x16xf32>,
        %get3A_774 = vector.shape_cast %get3A_773 : vector<1x16xf32> to vector<16xf32>
        %swap3A = arith.constant 1 : i32
        %swap3A_775 = arith.constant 0 : i32
        %swap3A_776 = arith.index_cast %swap3A : i32 to index
        %swap3A_777 = arith.index_cast %swap3A_775 : i32 to index
        %swap3A_778 = arith.index_cast %scan3A_771 : i32 to index
        %swap3A_779 = arith.constant 0 : index
        %swap3A_780 = tpu.vector_load %arg8[%swap3A_776, %swap3A_777, %swap3A_778, %swap3A_779] {strides = array<i32>} : memref<2x2x200x64xf32, #tpu.memory_space<vmem>>, vector<1x1x1x16xf32>,
        %swap3A_781 = vector.shape_cast %swap3A_780 : vector<1x1x1x16xf32> to vector<16xf32>
        %swap3A_782 = vector.shape_cast %get3A_774 : vector<16xf32> to vector<1x1x1x16xf32>
        tpu.vector_store %arg8[%swap3A_776, %swap3A_777, %swap3A_778, %swap3A_779], %swap3A_782 {add = true, strides = array<i32>} : memref<2x2x200x64xf32, #tpu.memory_space<vmem>>, vector<1x1x1x16xf32>,
        %get3A_783 = arith.index_cast %scan3A_771 : i32 to index
        %get3A_784 = arith.constant 16 : index
        %get3A_785 = tpu.vector_load %arg7[%get3A_783, %get3A_784] {strides = array<i32>} : memref<200x64xf32, #tpu.memory_space<vmem>>, vector<1x16xf32>,
        %get3A_786 = vector.shape_cast %get3A_785 : vector<1x16xf32> to vector<16xf32>
        %swap3A_787 = arith.constant 1 : i32
        %swap3A_788 = arith.constant 0 : i32
        %swap3A_789 = arith.index_cast %swap3A_787 : i32 to index
        %swap3A_790 = arith.index_cast %swap3A_788 : i32 to index
        %swap3A_791 = arith.index_cast %scan3A_771 : i32 to index
        %swap3A_792 = arith.constant 16 : index
        %swap3A_793 = tpu.vector_load %arg8[%swap3A_789, %swap3A_790, %swap3A_791, %swap3A_792] {strides = array<i32>} : memref<2x2x200x64xf32, #tpu.memory_space<vmem>>, vector<1x1x1x16xf32>,
        %swap3A_794 = vector.shape_cast %swap3A_793 : vector<1x1x1x16xf32> to vector<16xf32>
        %swap3A_795 = vector.shape_cast %get3A_786 : vector<16xf32> to vector<1x1x1x16xf32>
        tpu.vector_store %arg8[%swap3A_789, %swap3A_790, %swap3A_791, %swap3A_792], %swap3A_795 {add = true, strides = array<i32>} : memref<2x2x200x64xf32, #tpu.memory_space<vmem>>, vector<1x1x1x16xf32>,
        %get3A_796 = arith.index_cast %scan3A_771 : i32 to index
        %get3A_797 = arith.constant 32 : index
        %get3A_798 = tpu.vector_load %arg7[%get3A_796, %get3A_797] {strides = array<i32>} : memref<200x64xf32, #tpu.memory_space<vmem>>, vector<1x16xf32>,
        %get3A_799 = vector.shape_cast %get3A_798 : vector<1x16xf32> to vector<16xf32>
        %swap3A_800 = arith.constant 1 : i32
        %swap3A_801 = arith.constant 0 : i32
        %swap3A_802 = arith.index_cast %swap3A_800 : i32 to index
        %swap3A_803 = arith.index_cast %swap3A_801 : i32 to index
        %swap3A_804 = arith.index_cast %scan3A_771 : i32 to index
        %swap3A_805 = arith.constant 32 : index
        %swap3A_806 = tpu.vector_load %arg8[%swap3A_802, %swap3A_803, %swap3A_804, %swap3A_805] {strides = array<i32>} : memref<2x2x200x64xf32, #tpu.memory_space<vmem>>, vector<1x1x1x16xf32>,
        %swap3A_807 = vector.shape_cast %swap3A_806 : vector<1x1x1x16xf32> to vector<16xf32>
        %swap3A_808 = vector.shape_cast %get3A_799 : vector<16xf32> to vector<1x1x1x16xf32>
        tpu.vector_store %arg8[%swap3A_802, %swap3A_803, %swap3A_804, %swap3A_805], %swap3A_808 {add = true, strides = array<i32>} : memref<2x2x200x64xf32, #tpu.memory_space<vmem>>, vector<1x1x1x16xf32>,
        %get3A_809 = arith.index_cast %scan3A_771 : i32 to index
        %get3A_810 = arith.constant 48 : index
        %get3A_811 = tpu.vector_load %arg7[%get3A_809, %get3A_810] {strides = array<i32>} : memref<200x64xf32, #tpu.memory_space<vmem>>, vector<1x16xf32>,
        %get3A_812 = vector.shape_cast %get3A_811 : vector<1x16xf32> to vector<16xf32>
        %swap3A_813 = arith.constant 1 : i32
        %swap3A_814 = arith.constant 0 : i32
        %swap3A_815 = arith.index_cast %swap3A_813 : i32 to index
        %swap3A_816 = arith.index_cast %swap3A_814 : i32 to index
        %swap3A_817 = arith.index_cast %scan3A_771 : i32 to index
        %swap3A_818 = arith.constant 48 : index
        %swap3A_819 = tpu.vector_load %arg8[%swap3A_815, %swap3A_816, %swap3A_817, %swap3A_818] {strides = array<i32>} : memref<2x2x200x64xf32, #tpu.memory_space<vmem>>, vector<1x1x1x16xf32>,
        %swap3A_820 = vector.shape_cast %swap3A_819 : vector<1x1x1x16xf32> to vector<16xf32>
        %swap3A_821 = vector.shape_cast %get3A_812 : vector<16xf32> to vector<1x1x1x16xf32>
        tpu.vector_store %arg8[%swap3A_815, %swap3A_816, %swap3A_817, %swap3A_818], %swap3A_821 {add = true, strides = array<i32>} : memref<2x2x200x64xf32, #tpu.memory_space<vmem>>, vector<1x1x1x16xf32>,
        %scan3A_822 = arith.constant 1 : i32
        %scan3A_823 = arith.addi %scan3A_771, %scan3A_822 : i32
        %get3A_824 = arith.index_cast %scan3A_823 : i32 to index
        %get3A_825 = arith.constant 0 : index
        %get3A_826 = tpu.vector_load %arg7[%get3A_824, %get3A_825] {strides = array<i32>} : memref<200x64xf32, #tpu.memory_space<vmem>>, vector<1x16xf32>,
        %get3A_827 = vector.shape_cast %get3A_826 : vector<1x16xf32> to vector<16xf32>
        %swap3A_828 = arith.constant 1 : i32
        %swap3A_829 = arith.constant 0 : i32
        %swap3A_830 = arith.index_cast %swap3A_828 : i32 to index
        %swap3A_831 = arith.index_cast %swap3A_829 : i32 to index
        %swap3A_832 = arith.index_cast %scan3A_823 : i32 to index
        %swap3A_833 = arith.constant 0 : index
        %swap3A_834 = tpu.vector_load %arg8[%swap3A_830, %swap3A_831, %swap3A_832, %swap3A_833] {strides = array<i32>} : memref<2x2x200x64xf32, #tpu.memory_space<vmem>>, vector<1x1x1x16xf32>,
        %swap3A_835 = vector.shape_cast %swap3A_834 : vector<1x1x1x16xf32> to vector<16xf32>
        %swap3A_836 = vector.shape_cast %get3A_827 : vector<16xf32> to vector<1x1x1x16xf32>
        tpu.vector_store %arg8[%swap3A_830, %swap3A_831, %swap3A_832, %swap3A_833], %swap3A_836 {add = true, strides = array<i32>} : memref<2x2x200x64xf32, #tpu.memory_space<vmem>>, vector<1x1x1x16xf32>,
        %get3A_837 = arith.index_cast %scan3A_823 : i32 to index
        %get3A_838 = arith.constant 16 : index
        %get3A_839 = tpu.vector_load %arg7[%get3A_837, %get3A_838] {strides = array<i32>} : memref<200x64xf32, #tpu.memory_space<vmem>>, vector<1x16xf32>,
        %get3A_840 = vector.shape_cast %get3A_839 : vector<1x16xf32> to vector<16xf32>
        %swap3A_841 = arith.constant 1 : i32
        %swap3A_842 = arith.constant 0 : i32
        %swap3A_843 = arith.index_cast %swap3A_841 : i32 to index
        %swap3A_844 = arith.index_cast %swap3A_842 : i32 to index
        %swap3A_845 = arith.index_cast %scan3A_823 : i32 to index
        %swap3A_846 = arith.constant 16 : index
        %swap3A_847 = tpu.vector_load %arg8[%swap3A_843, %swap3A_844, %swap3A_845, %swap3A_846] {strides = array<i32>} : memref<2x2x200x64xf32, #tpu.memory_space<vmem>>, vector<1x1x1x16xf32>,
        %swap3A_848 = vector.shape_cast %swap3A_847 : vector<1x1x1x16xf32> to vector<16xf32>
        %swap3A_849 = vector.shape_cast %get3A_840 : vector<16xf32> to vector<1x1x1x16xf32>
        tpu.vector_store %arg8[%swap3A_843, %swap3A_844, %swap3A_845, %swap3A_846], %swap3A_849 {add = true, strides = array<i32>} : memref<2x2x200x64xf32, #tpu.memory_space<vmem>>, vector<1x1x1x16xf32>,
        %get3A_850 = arith.index_cast %scan3A_823 : i32 to index
        %get3A_851 = arith.constant 32 : index
        %get3A_852 = tpu.vector_load %arg7[%get3A_850, %get3A_851] {strides = array<i32>} : memref<200x64xf32, #tpu.memory_space<vmem>>, vector<1x16xf32>,
        %get3A_853 = vector.shape_cast %get3A_852 : vector<1x16xf32> to vector<16xf32>
        %swap3A_854 = arith.constant 1 : i32
        %swap3A_855 = arith.constant 0 : i32
        %swap3A_856 = arith.index_cast %swap3A_854 : i32 to index
        %swap3A_857 = arith.index_cast %swap3A_855 : i32 to index
        %swap3A_858 = arith.index_cast %scan3A_823 : i32 to index
        %swap3A_859 = arith.constant 32 : index
        %swap3A_860 = tpu.vector_load %arg8[%swap3A_856, %swap3A_857, %swap3A_858, %swap3A_859] {strides = array<i32>} : memref<2x2x200x64xf32, #tpu.memory_space<vmem>>, vector<1x1x1x16xf32>,
        %swap3A_861 = vector.shape_cast %swap3A_860 : vector<1x1x1x16xf32> to vector<16xf32>
        %swap3A_862 = vector.shape_cast %get3A_853 : vector<16xf32> to vector<1x1x1x16xf32>
        tpu.vector_store %arg8[%swap3A_856, %swap3A_857, %swap3A_858, %swap3A_859], %swap3A_862 {add = true, strides = array<i32>} : memref<2x2x200x64xf32, #tpu.memory_space<vmem>>, vector<1x1x1x16xf32>,
        %get3A_863 = arith.index_cast %scan3A_823 : i32 to index
        %get3A_864 = arith.constant 48 : index
        %get3A_865 = tpu.vector_load %arg7[%get3A_863, %get3A_864] {strides = array<i32>} : memref<200x64xf32, #tpu.memory_space<vmem>>, vector<1x16xf32>,
        %get3A_866 = vector.shape_cast %get3A_865 : vector<1x16xf32> to vector<16xf32>
        %swap3A_867 = arith.constant 1 : i32
        %swap3A_868 = arith.constant 0 : i32
        %swap3A_869 = arith.index_cast %swap3A_867 : i32 to index
        %swap3A_870 = arith.index_cast %swap3A_868 : i32 to index
        %swap3A_871 = arith.index_cast %scan3A_823 : i32 to index
        %swap3A_872 = arith.constant 48 : index
        %swap3A_873 = tpu.vector_load %arg8[%swap3A_869, %swap3A_870, %swap3A_871, %swap3A_872] {strides = array<i32>} : memref<2x2x200x64xf32, #tpu.memory_space<vmem>>, vector<1x1x1x16xf32>,
        %swap3A_874 = vector.shape_cast %swap3A_873 : vector<1x1x1x16xf32> to vector<16xf32>
        %swap3A_875 = vector.shape_cast %get3A_866 : vector<16xf32> to vector<1x1x1x16xf32>
        tpu.vector_store %arg8[%swap3A_869, %swap3A_870, %swap3A_871, %swap3A_872], %swap3A_875 {add = true, strides = array<i32>} : memref<2x2x200x64xf32, #tpu.memory_space<vmem>>, vector<1x1x1x16xf32>,
        %scan3A_876 = arith.constant 2 : i32
        %scan3A_877 = arith.addi %scan3A_771, %scan3A_876 : i32
        %get3A_878 = arith.index_cast %scan3A_877 : i32 to index
        %get3A_879 = arith.constant 0 : index
        %get3A_880 = tpu.vector_load %arg7[%get3A_878, %get3A_879] {strides = array<i32>} : memref<200x64xf32, #tpu.memory_space<vmem>>, vector<1x16xf32>,
        %get3A_881 = vector.shape_cast %get3A_880 : vector<1x16xf32> to vector<16xf32>
        %swap3A_882 = arith.constant 1 : i32
        %swap3A_883 = arith.constant 0 : i32
        %swap3A_884 = arith.index_cast %swap3A_882 : i32 to index
        %swap3A_885 = arith.index_cast %swap3A_883 : i32 to index
        %swap3A_886 = arith.index_cast %scan3A_877 : i32 to index
        %swap3A_887 = arith.constant 0 : index
        %swap3A_888 = tpu.vector_load %arg8[%swap3A_884, %swap3A_885, %swap3A_886, %swap3A_887] {strides = array<i32>} : memref<2x2x200x64xf32, #tpu.memory_space<vmem>>, vector<1x1x1x16xf32>,
        %swap3A_889 = vector.shape_cast %swap3A_888 : vector<1x1x1x16xf32> to vector<16xf32>
        %swap3A_890 = vector.shape_cast %get3A_881 : vector<16xf32> to vector<1x1x1x16xf32>
        tpu.vector_store %arg8[%swap3A_884, %swap3A_885, %swap3A_886, %swap3A_887], %swap3A_890 {add = true, strides = array<i32>} : memref<2x2x200x64xf32, #tpu.memory_space<vmem>>, vector<1x1x1x16xf32>,
        %get3A_891 = arith.index_cast %scan3A_877 : i32 to index
        %get3A_892 = arith.constant 16 : index
        %get3A_893 = tpu.vector_load %arg7[%get3A_891, %get3A_892] {strides = array<i32>} : memref<200x64xf32, #tpu.memory_space<vmem>>, vector<1x16xf32>,
        %get3A_894 = vector.shape_cast %get3A_893 : vector<1x16xf32> to vector<16xf32>
        %swap3A_895 = arith.constant 1 : i32
        %swap3A_896 = arith.constant 0 : i32
        %swap3A_897 = arith.index_cast %swap3A_895 : i32 to index
        %swap3A_898 = arith.index_cast %swap3A_896 : i32 to index
        %swap3A_899 = arith.index_cast %scan3A_877 : i32 to index
        %swap3A_900 = arith.constant 16 : index
        %swap3A_901 = tpu.vector_load %arg8[%swap3A_897, %swap3A_898, %swap3A_899, %swap3A_900] {strides = array<i32>} : memref<2x2x200x64xf32, #tpu.memory_space<vmem>>, vector<1x1x1x16xf32>,
        %swap3A_902 = vector.shape_cast %swap3A_901 : vector<1x1x1x16xf32> to vector<16xf32>
        %swap3A_903 = vector.shape_cast %get3A_894 : vector<16xf32> to vector<1x1x1x16xf32>
        tpu.vector_store %arg8[%swap3A_897, %swap3A_898, %swap3A_899, %swap3A_900], %swap3A_903 {add = true, strides = array<i32>} : memref<2x2x200x64xf32, #tpu.memory_space<vmem>>, vector<1x1x1x16xf32>,
        %get3A_904 = arith.index_cast %scan3A_877 : i32 to index
        %get3A_905 = arith.constant 32 : index
        %get3A_906 = tpu.vector_load %arg7[%get3A_904, %get3A_905] {strides = array<i32>} : memref<200x64xf32, #tpu.memory_space<vmem>>, vector<1x16xf32>,
        %get3A_907 = vector.shape_cast %get3A_906 : vector<1x16xf32> to vector<16xf32>
        %swap3A_908 = arith.constant 1 : i32
        %swap3A_909 = arith.constant 0 : i32
        %swap3A_910 = arith.index_cast %swap3A_908 : i32 to index
        %swap3A_911 = arith.index_cast %swap3A_909 : i32 to index
        %swap3A_912 = arith.index_cast %scan3A_877 : i32 to index
        %swap3A_913 = arith.constant 32 : index
        %swap3A_914 = tpu.vector_load %arg8[%swap3A_910, %swap3A_911, %swap3A_912, %swap3A_913] {strides = array<i32>} : memref<2x2x200x64xf32, #tpu.memory_space<vmem>>, vector<1x1x1x16xf32>,
        %swap3A_915 = vector.shape_cast %swap3A_914 : vector<1x1x1x16xf32> to vector<16xf32>
        %swap3A_916 = vector.shape_cast %get3A_907 : vector<16xf32> to vector<1x1x1x16xf32>
        tpu.vector_store %arg8[%swap3A_910, %swap3A_911, %swap3A_912, %swap3A_913], %swap3A_916 {add = true, strides = array<i32>} : memref<2x2x200x64xf32, #tpu.memory_space<vmem>>, vector<1x1x1x16xf32>,
        %get3A_917 = arith.index_cast %scan3A_877 : i32 to index
        %get3A_918 = arith.constant 48 : index
        %get3A_919 = tpu.vector_load %arg7[%get3A_917, %get3A_918] {strides = array<i32>} : memref<200x64xf32, #tpu.memory_space<vmem>>, vector<1x16xf32>,
        %get3A_920 = vector.shape_cast %get3A_919 : vector<1x16xf32> to vector<16xf32>
        %swap3A_921 = arith.constant 1 : i32
        %swap3A_922 = arith.constant 0 : i32
        %swap3A_923 = arith.index_cast %swap3A_921 : i32 to index
        %swap3A_924 = arith.index_cast %swap3A_922 : i32 to index
        %swap3A_925 = arith.index_cast %scan3A_877 : i32 to index
        %swap3A_926 = arith.constant 48 : index
        %swap3A_927 = tpu.vector_load %arg8[%swap3A_923, %swap3A_924, %swap3A_925, %swap3A_926] {strides = array<i32>} : memref<2x2x200x64xf32, #tpu.memory_space<vmem>>, vector<1x1x1x16xf32>,
        %swap3A_928 = vector.shape_cast %swap3A_927 : vector<1x1x1x16xf32> to vector<16xf32>
        %swap3A_929 = vector.shape_cast %get3A_920 : vector<16xf32> to vector<1x1x1x16xf32>
        tpu.vector_store %arg8[%swap3A_923, %swap3A_924, %swap3A_925, %swap3A_926], %swap3A_929 {add = true, strides = array<i32>} : memref<2x2x200x64xf32, #tpu.memory_space<vmem>>, vector<1x1x1x16xf32>,
        %scan3A_930 = arith.constant 3 : i32
        %scan3A_931 = arith.addi %scan3A_771, %scan3A_930 : i32
        %get3A_932 = arith.index_cast %scan3A_931 : i32 to index
        %get3A_933 = arith.constant 0 : index
        %get3A_934 = tpu.vector_load %arg7[%get3A_932, %get3A_933] {strides = array<i32>} : memref<200x64xf32, #tpu.memory_space<vmem>>, vector<1x16xf32>,
        %get3A_935 = vector.shape_cast %get3A_934 : vector<1x16xf32> to vector<16xf32>
        %swap3A_936 = arith.constant 1 : i32
        %swap3A_937 = arith.constant 0 : i32
        %swap3A_938 = arith.index_cast %swap3A_936 : i32 to index
        %swap3A_939 = arith.index_cast %swap3A_937 : i32 to index
        %swap3A_940 = arith.index_cast %scan3A_931 : i32 to index
        %swap3A_941 = arith.constant 0 : index
        %swap3A_942 = tpu.vector_load %arg8[%swap3A_938, %swap3A_939, %swap3A_940, %swap3A_941] {strides = array<i32>} : memref<2x2x200x64xf32, #tpu.memory_space<vmem>>, vector<1x1x1x16xf32>,
        %swap3A_943 = vector.shape_cast %swap3A_942 : vector<1x1x1x16xf32> to vector<16xf32>
        %swap3A_944 = vector.shape_cast %get3A_935 : vector<16xf32> to vector<1x1x1x16xf32>
        tpu.vector_store %arg8[%swap3A_938, %swap3A_939, %swap3A_940, %swap3A_941], %swap3A_944 {add = true, strides = array<i32>} : memref<2x2x200x64xf32, #tpu.memory_space<vmem>>, vector<1x1x1x16xf32>,
        %get3A_945 = arith.index_cast %scan3A_931 : i32 to index
        %get3A_946 = arith.constant 16 : index
        %get3A_947 = tpu.vector_load %arg7[%get3A_945, %get3A_946] {strides = array<i32>} : memref<200x64xf32, #tpu.memory_space<vmem>>, vector<1x16xf32>,
        %get3A_948 = vector.shape_cast %get3A_947 : vector<1x16xf32> to vector<16xf32>
        %swap3A_949 = arith.constant 1 : i32
        %swap3A_950 = arith.constant 0 : i32
        %swap3A_951 = arith.index_cast %swap3A_949 : i32 to index
        %swap3A_952 = arith.index_cast %swap3A_950 : i32 to index
        %swap3A_953 = arith.index_cast %scan3A_931 : i32 to index
        %swap3A_954 = arith.constant 16 : index
        %swap3A_955 = tpu.vector_load %arg8[%swap3A_951, %swap3A_952, %swap3A_953, %swap3A_954] {strides = array<i32>} : memref<2x2x200x64xf32, #tpu.memory_space<vmem>>, vector<1x1x1x16xf32>,
        %swap3A_956 = vector.shape_cast %swap3A_955 : vector<1x1x1x16xf32> to vector<16xf32>
        %swap3A_957 = vector.shape_cast %get3A_948 : vector<16xf32> to vector<1x1x1x16xf32>
        tpu.vector_store %arg8[%swap3A_951, %swap3A_952, %swap3A_953, %swap3A_954], %swap3A_957 {add = true, strides = array<i32>} : memref<2x2x200x64xf32, #tpu.memory_space<vmem>>, vector<1x1x1x16xf32>,
        %get3A_958 = arith.index_cast %scan3A_931 : i32 to index
        %get3A_959 = arith.constant 32 : index
        %get3A_960 = tpu.vector_load %arg7[%get3A_958, %get3A_959] {strides = array<i32>} : memref<200x64xf32, #tpu.memory_space<vmem>>, vector<1x16xf32>,
        %get3A_961 = vector.shape_cast %get3A_960 : vector<1x16xf32> to vector<16xf32>
        %swap3A_962 = arith.constant 1 : i32
        %swap3A_963 = arith.constant 0 : i32
        %swap3A_964 = arith.index_cast %swap3A_962 : i32 to index
        %swap3A_965 = arith.index_cast %swap3A_963 : i32 to index
        %swap3A_966 = arith.index_cast %scan3A_931 : i32 to index
        %swap3A_967 = arith.constant 32 : index
        %swap3A_968 = tpu.vector_load %arg8[%swap3A_964, %swap3A_965, %swap3A_966, %swap3A_967] {strides = array<i32>} : memref<2x2x200x64xf32, #tpu.memory_space<vmem>>, vector<1x1x1x16xf32>,
        %swap3A_969 = vector.shape_cast %swap3A_968 : vector<1x1x1x16xf32> to vector<16xf32>
        %swap3A_970 = vector.shape_cast %get3A_961 : vector<16xf32> to vector<1x1x1x16xf32>
        tpu.vector_store %arg8[%swap3A_964, %swap3A_965, %swap3A_966, %swap3A_967], %swap3A_970 {add = true, strides = array<i32>} : memref<2x2x200x64xf32, #tpu.memory_space<vmem>>, vector<1x1x1x16xf32>,
        %get3A_971 = arith.index_cast %scan3A_931 : i32 to index
        %get3A_972 = arith.constant 48 : index
        %get3A_973 = tpu.vector_load %arg7[%get3A_971, %get3A_972] {strides = array<i32>} : memref<200x64xf32, #tpu.memory_space<vmem>>, vector<1x16xf32>,
        %get3A_974 = vector.shape_cast %get3A_973 : vector<1x16xf32> to vector<16xf32>
        %swap3A_975 = arith.constant 1 : i32
        %swap3A_976 = arith.constant 0 : i32
        %swap3A_977 = arith.index_cast %swap3A_975 : i32 to index
        %swap3A_978 = arith.index_cast %swap3A_976 : i32 to index
        %swap3A_979 = arith.index_cast %scan3A_931 : i32 to index
        %swap3A_980 = arith.constant 48 : index
        %swap3A_981 = tpu.vector_load %arg8[%swap3A_977, %swap3A_978, %swap3A_979, %swap3A_980] {strides = array<i32>} : memref<2x2x200x64xf32, #tpu.memory_space<vmem>>, vector<1x1x1x16xf32>,
        %swap3A_982 = vector.shape_cast %swap3A_981 : vector<1x1x1x16xf32> to vector<16xf32>
        %swap3A_983 = vector.shape_cast %get3A_974 : vector<16xf32> to vector<1x1x1x16xf32>
        tpu.vector_store %arg8[%swap3A_977, %swap3A_978, %swap3A_979, %swap3A_980], %swap3A_983 {add = true, strides = array<i32>} : memref<2x2x200x64xf32, #tpu.memory_space<vmem>>, vector<1x1x1x16xf32>,
      }
      %scan3A_744 = arith.constant 200 : i32
      %scan3A_745 = arith.constant 0 : i32
      %scan3A_746 = arith.constant 0 : i32
      %scan3A_747 = arith.constant 200 : i32
      %scan3A_748 = arith.addi %scan3A_746, %scan3A_747 : i32
      %scan3A_749 = arith.constant 4 : i32
      scf.for %scan3A_771 = %scan3A_746 to %scan3A_748 step %scan3A_749  : i32 {
        %get3A = arith.index_cast %scan3A_771 : i32 to index
        %get3A_772 = arith.constant 0 : index
        %get3A_773 = tpu.vector_load %arg7[%get3A, %get3A_772] {strides = array<i32>} : memref<200x64xf32, #tpu.memory_space<vmem>>, vector<1x16xf32>,
        %get3A_774 = vector.shape_cast %get3A_773 : vector<1x16xf32> to vector<16xf32>
        %swap3A = arith.constant 1 : i32
        %swap3A_775 = arith.constant 1 : i32
        %swap3A_776 = arith.index_cast %swap3A : i32 to index
        %swap3A_777 = arith.index_cast %swap3A_775 : i32 to index
        %swap3A_778 = arith.index_cast %scan3A_771 : i32 to index
        %swap3A_779 = arith.constant 0 : index
        %swap3A_780 = tpu.vector_load %arg8[%swap3A_776, %swap3A_777, %swap3A_778, %swap3A_779] {strides = array<i32>} : memref<2x2x200x64xf32, #tpu.memory_space<vmem>>, vector<1x1x1x16xf32>,
        %swap3A_781 = vector.shape_cast %swap3A_780 : vector<1x1x1x16xf32> to vector<16xf32>
        %swap3A_782 = vector.shape_cast %get3A_774 : vector<16xf32> to vector<1x1x1x16xf32>
        tpu.vector_store %arg8[%swap3A_776, %swap3A_777, %swap3A_778, %swap3A_779], %swap3A_782 {add = true, strides = array<i32>} : memref<2x2x200x64xf32, #tpu.memory_space<vmem>>, vector<1x1x1x16xf32>,
        %get3A_783 = arith.index_cast %scan3A_771 : i32 to index
        %get3A_784 = arith.constant 16 : index
        %get3A_785 = tpu.vector_load %arg7[%get3A_783, %get3A_784] {strides = array<i32>} : memref<200x64xf32, #tpu.memory_space<vmem>>, vector<1x16xf32>,
        %get3A_786 = vector.shape_cast %get3A_785 : vector<1x16xf32> to vector<16xf32>
        %swap3A_787 = arith.constant 1 : i32
        %swap3A_788 = arith.constant 1 : i32
        %swap3A_789 = arith.index_cast %swap3A_787 : i32 to index
        %swap3A_790 = arith.index_cast %swap3A_788 : i32 to index
        %swap3A_791 = arith.index_cast %scan3A_771 : i32 to index
        %swap3A_792 = arith.constant 16 : index
        %swap3A_793 = tpu.vector_load %arg8[%swap3A_789, %swap3A_790, %swap3A_791, %swap3A_792] {strides = array<i32>} : memref<2x2x200x64xf32, #tpu.memory_space<vmem>>, vector<1x1x1x16xf32>,
        %swap3A_794 = vector.shape_cast %swap3A_793 : vector<1x1x1x16xf32> to vector<16xf32>
        %swap3A_795 = vector.shape_cast %get3A_786 : vector<16xf32> to vector<1x1x1x16xf32>
        tpu.vector_store %arg8[%swap3A_789, %swap3A_790, %swap3A_791, %swap3A_792], %swap3A_795 {add = true, strides = array<i32>} : memref<2x2x200x64xf32, #tpu.memory_space<vmem>>, vector<1x1x1x16xf32>,
        %get3A_796 = arith.index_cast %scan3A_771 : i32 to index
        %get3A_797 = arith.constant 32 : index
        %get3A_798 = tpu.vector_load %arg7[%get3A_796, %get3A_797] {strides = array<i32>} : memref<200x64xf32, #tpu.memory_space<vmem>>, vector<1x16xf32>,
        %get3A_799 = vector.shape_cast %get3A_798 : vector<1x16xf32> to vector<16xf32>
        %swap3A_800 = arith.constant 1 : i32
        %swap3A_801 = arith.constant 1 : i32
        %swap3A_802 = arith.index_cast %swap3A_800 : i32 to index
        %swap3A_803 = arith.index_cast %swap3A_801 : i32 to index
        %swap3A_804 = arith.index_cast %scan3A_771 : i32 to index
        %swap3A_805 = arith.constant 32 : index
        %swap3A_806 = tpu.vector_load %arg8[%swap3A_802, %swap3A_803, %swap3A_804, %swap3A_805] {strides = array<i32>} : memref<2x2x200x64xf32, #tpu.memory_space<vmem>>, vector<1x1x1x16xf32>,
        %swap3A_807 = vector.shape_cast %swap3A_806 : vector<1x1x1x16xf32> to vector<16xf32>
        %swap3A_808 = vector.shape_cast %get3A_799 : vector<16xf32> to vector<1x1x1x16xf32>
        tpu.vector_store %arg8[%swap3A_802, %swap3A_803, %swap3A_804, %swap3A_805], %swap3A_808 {add = true, strides = array<i32>} : memref<2x2x200x64xf32, #tpu.memory_space<vmem>>, vector<1x1x1x16xf32>,
        %get3A_809 = arith.index_cast %scan3A_771 : i32 to index
        %get3A_810 = arith.constant 48 : index
        %get3A_811 = tpu.vector_load %arg7[%get3A_809, %get3A_810] {strides = array<i32>} : memref<200x64xf32, #tpu.memory_space<vmem>>, vector<1x16xf32>,
        %get3A_812 = vector.shape_cast %get3A_811 : vector<1x16xf32> to vector<16xf32>
        %swap3A_813 = arith.constant 1 : i32
        %swap3A_814 = arith.constant 1 : i32
        %swap3A_815 = arith.index_cast %swap3A_813 : i32 to index
        %swap3A_816 = arith.index_cast %swap3A_814 : i32 to index
        %swap3A_817 = arith.index_cast %scan3A_771 : i32 to index
        %swap3A_818 = arith.constant 48 : index
        %swap3A_819 = tpu.vector_load %arg8[%swap3A_815, %swap3A_816, %swap3A_817, %swap3A_818] {strides = array<i32>} : memref<2x2x200x64xf32, #tpu.memory_space<vmem>>, vector<1x1x1x16xf32>,
        %swap3A_820 = vector.shape_cast %swap3A_819 : vector<1x1x1x16xf32> to vector<16xf32>
        %swap3A_821 = vector.shape_cast %get3A_812 : vector<16xf32> to vector<1x1x1x16xf32>
        tpu.vector_store %arg8[%swap3A_815, %swap3A_816, %swap3A_817, %swap3A_818], %swap3A_821 {add = true, strides = array<i32>} : memref<2x2x200x64xf32, #tpu.memory_space<vmem>>, vector<1x1x1x16xf32>,
        %scan3A_822 = arith.constant 1 : i32
        %scan3A_823 = arith.addi %scan3A_771, %scan3A_822 : i32
        %get3A_824 = arith.index_cast %scan3A_823 : i32 to index
        %get3A_825 = arith.constant 0 : index
        %get3A_826 = tpu.vector_load %arg7[%get3A_824, %get3A_825] {strides = array<i32>} : memref<200x64xf32, #tpu.memory_space<vmem>>, vector<1x16xf32>,
        %get3A_827 = vector.shape_cast %get3A_826 : vector<1x16xf32> to vector<16xf32>
        %swap3A_828 = arith.constant 1 : i32
        %swap3A_829 = arith.constant 1 : i32
        %swap3A_830 = arith.index_cast %swap3A_828 : i32 to index
        %swap3A_831 = arith.index_cast %swap3A_829 : i32 to index
        %swap3A_832 = arith.index_cast %scan3A_823 : i32 to index
        %swap3A_833 = arith.constant 0 : index
        %swap3A_834 = tpu.vector_load %arg8[%swap3A_830, %swap3A_831, %swap3A_832, %swap3A_833] {strides = array<i32>} : memref<2x2x200x64xf32, #tpu.memory_space<vmem>>, vector<1x1x1x16xf32>,
        %swap3A_835 = vector.shape_cast %swap3A_834 : vector<1x1x1x16xf32> to vector<16xf32>
        %swap3A_836 = vector.shape_cast %get3A_827 : vector<16xf32> to vector<1x1x1x16xf32>
        tpu.vector_store %arg8[%swap3A_830, %swap3A_831, %swap3A_832, %swap3A_833], %swap3A_836 {add = true, strides = array<i32>} : memref<2x2x200x64xf32, #tpu.memory_space<vmem>>, vector<1x1x1x16xf32>,
        %get3A_837 = arith.index_cast %scan3A_823 : i32 to index
        %get3A_838 = arith.constant 16 : index
        %get3A_839 = tpu.vector_load %arg7[%get3A_837, %get3A_838] {strides = array<i32>} : memref<200x64xf32, #tpu.memory_space<vmem>>, vector<1x16xf32>,
        %get3A_840 = vector.shape_cast %get3A_839 : vector<1x16xf32> to vector<16xf32>
        %swap3A_841 = arith.constant 1 : i32
        %swap3A_842 = arith.constant 1 : i32
        %swap3A_843 = arith.index_cast %swap3A_841 : i32 to index
        %swap3A_844 = arith.index_cast %swap3A_842 : i32 to index
        %swap3A_845 = arith.index_cast %scan3A_823 : i32 to index
        %swap3A_846 = arith.constant 16 : index
        %swap3A_847 = tpu.vector_load %arg8[%swap3A_843, %swap3A_844, %swap3A_845, %swap3A_846] {strides = array<i32>} : memref<2x2x200x64xf32, #tpu.memory_space<vmem>>, vector<1x1x1x16xf32>,
        %swap3A_848 = vector.shape_cast %swap3A_847 : vector<1x1x1x16xf32> to vector<16xf32>
        %swap3A_849 = vector.shape_cast %get3A_840 : vector<16xf32> to vector<1x1x1x16xf32>
        tpu.vector_store %arg8[%swap3A_843, %swap3A_844, %swap3A_845, %swap3A_846], %swap3A_849 {add = true, strides = array<i32>} : memref<2x2x200x64xf32, #tpu.memory_space<vmem>>, vector<1x1x1x16xf32>,
        %get3A_850 = arith.index_cast %scan3A_823 : i32 to index
        %get3A_851 = arith.constant 32 : index
        %get3A_852 = tpu.vector_load %arg7[%get3A_850, %get3A_851] {strides = array<i32>} : memref<200x64xf32, #tpu.memory_space<vmem>>, vector<1x16xf32>,
        %get3A_853 = vector.shape_cast %get3A_852 : vector<1x16xf32> to vector<16xf32>
        %swap3A_854 = arith.constant 1 : i32
        %swap3A_855 = arith.constant 1 : i32
        %swap3A_856 = arith.index_cast %swap3A_854 : i32 to index
        %swap3A_857 = arith.index_cast %swap3A_855 : i32 to index
        %swap3A_858 = arith.index_cast %scan3A_823 : i32 to index
        %swap3A_859 = arith.constant 32 : index
        %swap3A_860 = tpu.vector_load %arg8[%swap3A_856, %swap3A_857, %swap3A_858, %swap3A_859] {strides = array<i32>} : memref<2x2x200x64xf32, #tpu.memory_space<vmem>>, vector<1x1x1x16xf32>,
        %swap3A_861 = vector.shape_cast %swap3A_860 : vector<1x1x1x16xf32> to vector<16xf32>
        %swap3A_862 = vector.shape_cast %get3A_853 : vector<16xf32> to vector<1x1x1x16xf32>
        tpu.vector_store %arg8[%swap3A_856, %swap3A_857, %swap3A_858, %swap3A_859], %swap3A_862 {add = true, strides = array<i32>} : memref<2x2x200x64xf32, #tpu.memory_space<vmem>>, vector<1x1x1x16xf32>,
        %get3A_863 = arith.index_cast %scan3A_823 : i32 to index
        %get3A_864 = arith.constant 48 : index
        %get3A_865 = tpu.vector_load %arg7[%get3A_863, %get3A_864] {strides = array<i32>} : memref<200x64xf32, #tpu.memory_space<vmem>>, vector<1x16xf32>,
        %get3A_866 = vector.shape_cast %get3A_865 : vector<1x16xf32> to vector<16xf32>
        %swap3A_867 = arith.constant 1 : i32
        %swap3A_868 = arith.constant 1 : i32
        %swap3A_869 = arith.index_cast %swap3A_867 : i32 to index
        %swap3A_870 = arith.index_cast %swap3A_868 : i32 to index
        %swap3A_871 = arith.index_cast %scan3A_823 : i32 to index
        %swap3A_872 = arith.constant 48 : index
        %swap3A_873 = tpu.vector_load %arg8[%swap3A_869, %swap3A_870, %swap3A_871, %swap3A_872] {strides = array<i32>} : memref<2x2x200x64xf32, #tpu.memory_space<vmem>>, vector<1x1x1x16xf32>,
        %swap3A_874 = vector.shape_cast %swap3A_873 : vector<1x1x1x16xf32> to vector<16xf32>
        %swap3A_875 = vector.shape_cast %get3A_866 : vector<16xf32> to vector<1x1x1x16xf32>
        tpu.vector_store %arg8[%swap3A_869, %swap3A_870, %swap3A_871, %swap3A_872], %swap3A_875 {add = true, strides = array<i32>} : memref<2x2x200x64xf32, #tpu.memory_space<vmem>>, vector<1x1x1x16xf32>,
        %scan3A_876 = arith.constant 2 : i32
        %scan3A_877 = arith.addi %scan3A_771, %scan3A_876 : i32
        %get3A_878 = arith.index_cast %scan3A_877 : i32 to index
        %get3A_879 = arith.constant 0 : index
        %get3A_880 = tpu.vector_load %arg7[%get3A_878, %get3A_879] {strides = array<i32>} : memref<200x64xf32, #tpu.memory_space<vmem>>, vector<1x16xf32>,
        %get3A_881 = vector.shape_cast %get3A_880 : vector<1x16xf32> to vector<16xf32>
        %swap3A_882 = arith.constant 1 : i32
        %swap3A_883 = arith.constant 1 : i32
        %swap3A_884 = arith.index_cast %swap3A_882 : i32 to index
        %swap3A_885 = arith.index_cast %swap3A_883 : i32 to index
        %swap3A_886 = arith.index_cast %scan3A_877 : i32 to index
        %swap3A_887 = arith.constant 0 : index
        %swap3A_888 = tpu.vector_load %arg8[%swap3A_884, %swap3A_885, %swap3A_886, %swap3A_887] {strides = array<i32>} : memref<2x2x200x64xf32, #tpu.memory_space<vmem>>, vector<1x1x1x16xf32>,
        %swap3A_889 = vector.shape_cast %swap3A_888 : vector<1x1x1x16xf32> to vector<16xf32>
        %swap3A_890 = vector.shape_cast %get3A_881 : vector<16xf32> to vector<1x1x1x16xf32>
        tpu.vector_store %arg8[%swap3A_884, %swap3A_885, %swap3A_886, %swap3A_887], %swap3A_890 {add = true, strides = array<i32>} : memref<2x2x200x64xf32, #tpu.memory_space<vmem>>, vector<1x1x1x16xf32>,
        %get3A_891 = arith.index_cast %scan3A_877 : i32 to index
        %get3A_892 = arith.constant 16 : index
        %get3A_893 = tpu.vector_load %arg7[%get3A_891, %get3A_892] {strides = array<i32>} : memref<200x64xf32, #tpu.memory_space<vmem>>, vector<1x16xf32>,
        %get3A_894 = vector.shape_cast %get3A_893 : vector<1x16xf32> to vector<16xf32>
        %swap3A_895 = arith.constant 1 : i32
        %swap3A_896 = arith.constant 1 : i32
        %swap3A_897 = arith.index_cast %swap3A_895 : i32 to index
        %swap3A_898 = arith.index_cast %swap3A_896 : i32 to index
        %swap3A_899 = arith.index_cast %scan3A_877 : i32 to index
        %swap3A_900 = arith.constant 16 : index
        %swap3A_901 = tpu.vector_load %arg8[%swap3A_897, %swap3A_898, %swap3A_899, %swap3A_900] {strides = array<i32>} : memref<2x2x200x64xf32, #tpu.memory_space<vmem>>, vector<1x1x1x16xf32>,
        %swap3A_902 = vector.shape_cast %swap3A_901 : vector<1x1x1x16xf32> to vector<16xf32>
        %swap3A_903 = vector.shape_cast %get3A_894 : vector<16xf32> to vector<1x1x1x16xf32>
        tpu.vector_store %arg8[%swap3A_897, %swap3A_898, %swap3A_899, %swap3A_900], %swap3A_903 {add = true, strides = array<i32>} : memref<2x2x200x64xf32, #tpu.memory_space<vmem>>, vector<1x1x1x16xf32>,
        %get3A_904 = arith.index_cast %scan3A_877 : i32 to index
        %get3A_905 = arith.constant 32 : index
        %get3A_906 = tpu.vector_load %arg7[%get3A_904, %get3A_905] {strides = array<i32>} : memref<200x64xf32, #tpu.memory_space<vmem>>, vector<1x16xf32>,
        %get3A_907 = vector.shape_cast %get3A_906 : vector<1x16xf32> to vector<16xf32>
        %swap3A_908 = arith.constant 1 : i32
        %swap3A_909 = arith.constant 1 : i32
        %swap3A_910 = arith.index_cast %swap3A_908 : i32 to index
        %swap3A_911 = arith.index_cast %swap3A_909 : i32 to index
        %swap3A_912 = arith.index_cast %scan3A_877 : i32 to index
        %swap3A_913 = arith.constant 32 : index
        %swap3A_914 = tpu.vector_load %arg8[%swap3A_910, %swap3A_911, %swap3A_912, %swap3A_913] {strides = array<i32>} : memref<2x2x200x64xf32, #tpu.memory_space<vmem>>, vector<1x1x1x16xf32>,
        %swap3A_915 = vector.shape_cast %swap3A_914 : vector<1x1x1x16xf32> to vector<16xf32>
        %swap3A_916 = vector.shape_cast %get3A_907 : vector<16xf32> to vector<1x1x1x16xf32>
        tpu.vector_store %arg8[%swap3A_910, %swap3A_911, %swap3A_912, %swap3A_913], %swap3A_916 {add = true, strides = array<i32>} : memref<2x2x200x64xf32, #tpu.memory_space<vmem>>, vector<1x1x1x16xf32>,
        %get3A_917 = arith.index_cast %scan3A_877 : i32 to index
        %get3A_918 = arith.constant 48 : index
        %get3A_919 = tpu.vector_load %arg7[%get3A_917, %get3A_918] {strides = array<i32>} : memref<200x64xf32, #tpu.memory_space<vmem>>, vector<1x16xf32>,
        %get3A_920 = vector.shape_cast %get3A_919 : vector<1x16xf32> to vector<16xf32>
        %swap3A_921 = arith.constant 1 : i32
        %swap3A_922 = arith.constant 1 : i32
        %swap3A_923 = arith.index_cast %swap3A_921 : i32 to index
        %swap3A_924 = arith.index_cast %swap3A_922 : i32 to index
        %swap3A_925 = arith.index_cast %scan3A_877 : i32 to index
        %swap3A_926 = arith.constant 48 : index
        %swap3A_927 = tpu.vector_load %arg8[%swap3A_923, %swap3A_924, %swap3A_925, %swap3A_926] {strides = array<i32>} : memref<2x2x200x64xf32, #tpu.memory_space<vmem>>, vector<1x1x1x16xf32>,
        %swap3A_928 = vector.shape_cast %swap3A_927 : vector<1x1x1x16xf32> to vector<16xf32>
        %swap3A_929 = vector.shape_cast %get3A_920 : vector<16xf32> to vector<1x1x1x16xf32>
        tpu.vector_store %arg8[%swap3A_923, %swap3A_924, %swap3A_925, %swap3A_926], %swap3A_929 {add = true, strides = array<i32>} : memref<2x2x200x64xf32, #tpu.memory_space<vmem>>, vector<1x1x1x16xf32>,
        %scan3A_930 = arith.constant 3 : i32
        %scan3A_931 = arith.addi %scan3A_771, %scan3A_930 : i32
        %get3A_932 = arith.index_cast %scan3A_931 : i32 to index
        %get3A_933 = arith.constant 0 : index
        %get3A_934 = tpu.vector_load %arg7[%get3A_932, %get3A_933] {strides = array<i32>} : memref<200x64xf32, #tpu.memory_space<vmem>>, vector<1x16xf32>,
        %get3A_935 = vector.shape_cast %get3A_934 : vector<1x16xf32> to vector<16xf32>
        %swap3A_936 = arith.constant 1 : i32
        %swap3A_937 = arith.constant 1 : i32
        %swap3A_938 = arith.index_cast %swap3A_936 : i32 to index
        %swap3A_939 = arith.index_cast %swap3A_937 : i32 to index
        %swap3A_940 = arith.index_cast %scan3A_931 : i32 to index
        %swap3A_941 = arith.constant 0 : index
        %swap3A_942 = tpu.vector_load %arg8[%swap3A_938, %swap3A_939, %swap3A_940, %swap3A_941] {strides = array<i32>} : memref<2x2x200x64xf32, #tpu.memory_space<vmem>>, vector<1x1x1x16xf32>,
        %swap3A_943 = vector.shape_cast %swap3A_942 : vector<1x1x1x16xf32> to vector<16xf32>
        %swap3A_944 = vector.shape_cast %get3A_935 : vector<16xf32> to vector<1x1x1x16xf32>
        tpu.vector_store %arg8[%swap3A_938, %swap3A_939, %swap3A_940, %swap3A_941], %swap3A_944 {add = true, strides = array<i32>} : memref<2x2x200x64xf32, #tpu.memory_space<vmem>>, vector<1x1x1x16xf32>,
        %get3A_945 = arith.index_cast %scan3A_931 : i32 to index
        %get3A_946 = arith.constant 16 : index
        %get3A_947 = tpu.vector_load %arg7[%get3A_945, %get3A_946] {strides = array<i32>} : memref<200x64xf32, #tpu.memory_space<vmem>>, vector<1x16xf32>,
        %get3A_948 = vector.shape_cast %get3A_947 : vector<1x16xf32> to vector<16xf32>
        %swap3A_949 = arith.constant 1 : i32
        %swap3A_950 = arith.constant 1 : i32
        %swap3A_951 = arith.index_cast %swap3A_949 : i32 to index
        %swap3A_952 = arith.index_cast %swap3A_950 : i32 to index
        %swap3A_953 = arith.index_cast %scan3A_931 : i32 to index
        %swap3A_954 = arith.constant 16 : index
        %swap3A_955 = tpu.vector_load %arg8[%swap3A_951, %swap3A_952, %swap3A_953, %swap3A_954] {strides = array<i32>} : memref<2x2x200x64xf32, #tpu.memory_space<vmem>>, vector<1x1x1x16xf32>,
        %swap3A_956 = vector.shape_cast %swap3A_955 : vector<1x1x1x16xf32> to vector<16xf32>
        %swap3A_957 = vector.shape_cast %get3A_948 : vector<16xf32> to vector<1x1x1x16xf32>
        tpu.vector_store %arg8[%swap3A_951, %swap3A_952, %swap3A_953, %swap3A_954], %swap3A_957 {add = true, strides = array<i32>} : memref<2x2x200x64xf32, #tpu.memory_space<vmem>>, vector<1x1x1x16xf32>,
        %get3A_958 = arith.index_cast %scan3A_931 : i32 to index
        %get3A_959 = arith.constant 32 : index
        %get3A_960 = tpu.vector_load %arg7[%get3A_958, %get3A_959] {strides = array<i32>} : memref<200x64xf32, #tpu.memory_space<vmem>>, vector<1x16xf32>,
        %get3A_961 = vector.shape_cast %get3A_960 : vector<1x16xf32> to vector<16xf32>
        %swap3A_962 = arith.constant 1 : i32
        %swap3A_963 = arith.constant 1 : i32
        %swap3A_964 = arith.index_cast %swap3A_962 : i32 to index
        %swap3A_965 = arith.index_cast %swap3A_963 : i32 to index
        %swap3A_966 = arith.index_cast %scan3A_931 : i32 to index
        %swap3A_967 = arith.constant 32 : index
        %swap3A_968 = tpu.vector_load %arg8[%swap3A_964, %swap3A_965, %swap3A_966, %swap3A_967] {strides = array<i32>} : memref<2x2x200x64xf32, #tpu.memory_space<vmem>>, vector<1x1x1x16xf32>,
        %swap3A_969 = vector.shape_cast %swap3A_968 : vector<1x1x1x16xf32> to vector<16xf32>
        %swap3A_970 = vector.shape_cast %get3A_961 : vector<16xf32> to vector<1x1x1x16xf32>
        tpu.vector_store %arg8[%swap3A_964, %swap3A_965, %swap3A_966, %swap3A_967], %swap3A_970 {add = true, strides = array<i32>} : memref<2x2x200x64xf32, #tpu.memory_space<vmem>>, vector<1x1x1x16xf32>,
        %get3A_971 = arith.index_cast %scan3A_931 : i32 to index
        %get3A_972 = arith.constant 48 : index
        %get3A_973 = tpu.vector_load %arg7[%get3A_971, %get3A_972] {strides = array<i32>} : memref<200x64xf32, #tpu.memory_space<vmem>>, vector<1x16xf32>,
        %get3A_974 = vector.shape_cast %get3A_973 : vector<1x16xf32> to vector<16xf32>
        %swap3A_975 = arith.constant 1 : i32
        %swap3A_976 = arith.constant 1 : i32
        %swap3A_977 = arith.index_cast %swap3A_975 : i32 to index
        %swap3A_978 = arith.index_cast %swap3A_976 : i32 to index
        %swap3A_979 = arith.index_cast %scan3A_931 : i32 to index
        %swap3A_980 = arith.constant 48 : index
        %swap3A_981 = tpu.vector_load %arg8[%swap3A_977, %swap3A_978, %swap3A_979, %swap3A_980] {strides = array<i32>} : memref<2x2x200x64xf32, #tpu.memory_space<vmem>>, vector<1x1x1x16xf32>,
        %swap3A_982 = vector.shape_cast %swap3A_981 : vector<1x1x1x16xf32> to vector<16xf32>
        %swap3A_983 = vector.shape_cast %get3A_974 : vector<16xf32> to vector<1x1x1x16xf32>
        tpu.vector_store %arg8[%swap3A_977, %swap3A_978, %swap3A_979, %swap3A_980], %swap3A_983 {add = true, strides = array<i32>} : memref<2x2x200x64xf32, #tpu.memory_space<vmem>>, vector<1x1x1x16xf32>,
      }
      %scan3A_750 = arith.constant 200 : i32
      %mul3A_751 = arith.constant 2 : i32
      %mul3A_752 = arith.muli %add3A_642, %mul3A_751 : i32
      %add3A_753 = arith.addi %mul3A_2, %mul3A_752 : i32
      %dma_start3A_754 = arith.constant 1 : i32
      %dma_start3A_755 = arith.constant 0 : i32
      %dma_start3A_756 = arith.constant 0 : i32
      %dma_start3A_757 = arith.constant 0 : i32
      %dma_start3A_758 = tpu.memref_slice %arg8[%dma_start3A_754, %dma_start3A_755, %dma_start3A_756, %dma_start3A_757] : memref<2x2x200x64xf32, #tpu.memory_space<vmem>> -> memref<1x2x200x64xf32, #tpu.memory_space<vmem>>
      %dma_start3A_759 = tpu.memref_squeeze %dma_start3A_758 : memref<1x2x200x64xf32, #tpu.memory_space<vmem>> -> memref<2x200x64xf32, #tpu.memory_space<vmem>>
      %dma_start3A_760 = arith.constant 0 : i32
      %dma_start3A_761 = arith.constant 0 : i32
      %dma_start3A_762 = tpu.memref_slice %arg5[%add3A_753, %dma_start3A_760, %dma_start3A_761] : memref<4096x200x64xf32, #tpu.memory_space<hbm>> -> memref<2x200x64xf32, #tpu.memory_space<hbm>>
      %dma_start3A_763 = arith.constant 0 : i32
      %dma_start3A_764 = arith.constant 0 : i32
      %dma_start3A_765 = tpu.memref_slice %arg5[%add3A_753, %dma_start3A_763, %dma_start3A_764] : memref<4096x200x64xf32, #tpu.memory_space<hbm>> -> memref<2x200x64xf32, #tpu.memory_space<hbm>>
      %dma_start3A_766 = arith.constant 0 : i32
      %dma_start3A_767 = arith.constant 0 : i32
      %dma_start3A_768 = arith.constant 0 : i32
      %dma_start3A_769 = tpu.memref_slice %arg8[%dma_start3A_754, %dma_start3A_766, %dma_start3A_767, %dma_start3A_768] : memref<2x2x200x64xf32, #tpu.memory_space<vmem>> -> memref<1x2x200x64xf32, #tpu.memory_space<vmem>>
      %dma_start3A_770 = tpu.memref_squeeze %dma_start3A_769 : memref<1x2x200x64xf32, #tpu.memory_space<vmem>> -> memref<2x200x64xf32, #tpu.memory_space<vmem>>
      tpu.enqueue_dma source(%dma_start3A_770 : memref<2x200x64xf32, #tpu.memory_space<vmem>>) target(%dma_start3A_765 : memref<2x200x64xf32, #tpu.memory_space<hbm>>) target_semaphore(%arg12 : memref<!tpu.dma_semaphore, #tpu.memory_space<semaphore_mem>>)
    }
    %scan3A_289 = arith.constant 30 : i32
    %dma_wait3A_290 = arith.constant 0 : i32
    %dma_wait3A_291 = arith.constant 0 : i32
    %dma_wait3A_292 = arith.constant 0 : i32
    %dma_wait3A_293 = arith.constant 0 : i32
    %dma_wait3A_294 = tpu.memref_slice %arg8[%dma_wait3A_290, %dma_wait3A_291, %dma_wait3A_292, %dma_wait3A_293] : memref<2x2x200x64xf32, #tpu.memory_space<vmem>> -> memref<1x2x200x64xf32, #tpu.memory_space<vmem>>
    %dma_wait3A_295 = tpu.memref_squeeze %dma_wait3A_294 : memref<1x2x200x64xf32, #tpu.memory_space<vmem>> -> memref<2x200x64xf32, #tpu.memory_space<vmem>>
    %dma_wait3A_296 = arith.constant 0 : i32
    %dma_wait3A_297 = arith.constant 0 : i32
    %dma_wait3A_298 = arith.constant 0 : i32
    %dma_wait3A_299 = tpu.memref_slice %arg5[%dma_wait3A_296, %dma_wait3A_297, %dma_wait3A_298] : memref<4096x200x64xf32, #tpu.memory_space<hbm>> -> memref<2x200x64xf32, #tpu.memory_space<hbm>>
    %dma_wait3A_300 = arith.constant 0 : i32
    %dma_wait3A_301 = arith.constant 0 : i32
    %dma_wait3A_302 = arith.constant 0 : i32
    %dma_wait3A_303 = tpu.memref_slice %arg8[%dma_wait3A_290, %dma_wait3A_300, %dma_wait3A_301, %dma_wait3A_302] : memref<2x2x200x64xf32, #tpu.memory_space<vmem>> -> memref<1x2x200x64xf32, #tpu.memory_space<vmem>>
    %dma_wait3A_304 = tpu.memref_squeeze %dma_wait3A_303 : memref<1x2x200x64xf32, #tpu.memory_space<vmem>> -> memref<2x200x64xf32, #tpu.memory_space<vmem>>
    %dma_wait3A_305 = arith.constant 0 : i32
    %dma_wait3A_306 = arith.constant 0 : i32
    %dma_wait3A_307 = arith.constant 0 : i32
    %dma_wait3A_308 = tpu.memref_slice %arg5[%dma_wait3A_305, %dma_wait3A_306, %dma_wait3A_307] : memref<4096x200x64xf32, #tpu.memory_space<hbm>> -> memref<2x200x64xf32, #tpu.memory_space<hbm>>
    tpu.wait_dma2 semaphore(%arg9 : memref<!tpu.dma_semaphore, #tpu.memory_space<semaphore_mem>>) src(%dma_wait3A_308 : memref<2x200x64xf32, #tpu.memory_space<hbm>>) dst(%dma_wait3A_304 : memref<2x200x64xf32, #tpu.memory_space<vmem>>)
    %dma_wait3A_309 = arith.constant 1 : i32
    %dma_wait3A_310 = arith.constant 0 : i32
    %dma_wait3A_311 = arith.constant 0 : i32
    %dma_wait3A_312 = arith.constant 0 : i32
    %dma_wait3A_313 = tpu.memref_slice %arg8[%dma_wait3A_309, %dma_wait3A_310, %dma_wait3A_311, %dma_wait3A_312] : memref<2x2x200x64xf32, #tpu.memory_space<vmem>> -> memref<1x2x200x64xf32, #tpu.memory_space<vmem>>
    %dma_wait3A_314 = tpu.memref_squeeze %dma_wait3A_313 : memref<1x2x200x64xf32, #tpu.memory_space<vmem>> -> memref<2x200x64xf32, #tpu.memory_space<vmem>>
    %dma_wait3A_315 = arith.constant 0 : i32
    %dma_wait3A_316 = arith.constant 0 : i32
    %dma_wait3A_317 = arith.constant 0 : i32
    %dma_wait3A_318 = tpu.memref_slice %arg5[%dma_wait3A_315, %dma_wait3A_316, %dma_wait3A_317] : memref<4096x200x64xf32, #tpu.memory_space<hbm>> -> memref<2x200x64xf32, #tpu.memory_space<hbm>>
    %dma_wait3A_319 = arith.constant 0 : i32
    %dma_wait3A_320 = arith.constant 0 : i32
    %dma_wait3A_321 = arith.constant 0 : i32
    %dma_wait3A_322 = tpu.memref_slice %arg5[%dma_wait3A_319, %dma_wait3A_320, %dma_wait3A_321] : memref<4096x200x64xf32, #tpu.memory_space<hbm>> -> memref<2x200x64xf32, #tpu.memory_space<hbm>>
    %dma_wait3A_323 = arith.constant 0 : i32
    %dma_wait3A_324 = arith.constant 0 : i32
    %dma_wait3A_325 = arith.constant 0 : i32
    %dma_wait3A_326 = tpu.memref_slice %arg8[%dma_wait3A_309, %dma_wait3A_323, %dma_wait3A_324, %dma_wait3A_325] : memref<2x2x200x64xf32, #tpu.memory_space<vmem>> -> memref<1x2x200x64xf32, #tpu.memory_space<vmem>>
    %dma_wait3A_327 = tpu.memref_squeeze %dma_wait3A_326 : memref<1x2x200x64xf32, #tpu.memory_space<vmem>> -> memref<2x200x64xf32, #tpu.memory_space<vmem>>
    tpu.wait_dma2 semaphore(%arg12 : memref<!tpu.dma_semaphore, #tpu.memory_space<semaphore_mem>>) src(%dma_wait3A_327 : memref<2x200x64xf32, #tpu.memory_space<vmem>>) dst(%dma_wait3A_322 : memref<2x200x64xf32, #tpu.memory_space<hbm>>)
    %add3A_328 = arith.constant 62 : i32
    %add3A_329 = arith.constant 1 : i32
    %add3A_330 = arith.addi %add3A_328, %add3A_329 : i32
    %mul3A_331 = arith.constant 2 : i32
    %mul3A_332 = arith.muli %add3A_330, %mul3A_331 : i32
    %add3A_333 = arith.constant 0 : i32
    %add3A_334 = arith.addi %mul3A_332, %add3A_333 : i32
    %dma_start3A_335 = arith.constant 1 : i32
    %dma_start3A_336 = arith.constant 0 : i32
    %dma_start3A_337 = arith.constant 0 : i32
    %dma_start3A_338 = arith.constant 0 : i32
    %dma_start3A_339 = tpu.memref_slice %arg8[%dma_start3A_335, %dma_start3A_336, %dma_start3A_337, %dma_start3A_338] : memref<2x2x200x64xf32, #tpu.memory_space<vmem>> -> memref<1x1x128x64xf32, #tpu.memory_space<vmem>>
    %dma_start3A_340 = tpu.memref_squeeze %dma_start3A_339 : memref<1x1x128x64xf32, #tpu.memory_space<vmem>> -> memref<128x64xf32, #tpu.memory_space<vmem>>
    %dma_start3A_341 = arith.constant 0 : i32
    %dma_start3A_342 = tpu.memref_slice %arg6[%add3A_334, %dma_start3A_341] : memref<128x200xi32, #tpu.memory_space<vmem>> -> memref<1x128xi32, #tpu.memory_space<vmem>>
    %dma_start3A_343 = tpu.memref_squeeze %dma_start3A_342 : memref<1x128xi32, #tpu.memory_space<vmem>> -> memref<128xi32, #tpu.memory_space<vmem>>
    %dma_start3A_344 = arith.constant 0 : i32
    %dma_start3A_345 = arith.constant 0 : i32
    %dma_start3A_346 = tpu.memref_slice %arg3[%dma_start3A_344, %dma_start3A_345] : memref<1000000x64xf32, #tpu.memory_space<hbm>> -> memref<1000000x64xf32, #tpu.memory_space<hbm>>
    tpu.enqueue_indirect_dma source(%dma_start3A_346 : memref<1000000x64xf32, #tpu.memory_space<hbm>>) target(%dma_start3A_340 : memref<128x64xf32, #tpu.memory_space<vmem>>) offsets(%dma_start3A_343 : memref<128xi32, #tpu.memory_space<vmem>>) semaphore(%arg10 : memref<!tpu.dma_semaphore, #tpu.memory_space<semaphore_mem>>)
    %dma_start3A_347 = arith.constant 1 : i32
    %dma_start3A_348 = arith.constant 0 : i32
    %dma_start3A_349 = arith.constant 128 : i32
    %dma_start3A_350 = arith.constant 0 : i32
    %dma_start3A_351 = tpu.memref_slice %arg8[%dma_start3A_347, %dma_start3A_348, %dma_start3A_349, %dma_start3A_350] : memref<2x2x200x64xf32, #tpu.memory_space<vmem>> -> memref<1x1x72x64xf32, #tpu.memory_space<vmem>>
    %dma_start3A_352 = tpu.memref_squeeze %dma_start3A_351 : memref<1x1x72x64xf32, #tpu.memory_space<vmem>> -> memref<72x64xf32, #tpu.memory_space<vmem>>
    %dma_start3A_353 = arith.constant 128 : i32
    %dma_start3A_354 = tpu.memref_slice %arg6[%add3A_334, %dma_start3A_353] : memref<128x200xi32, #tpu.memory_space<vmem>> -> memref<1x72xi32, #tpu.memory_space<vmem>>
    %dma_start3A_355 = tpu.memref_squeeze %dma_start3A_354 : memref<1x72xi32, #tpu.memory_space<vmem>> -> memref<72xi32, #tpu.memory_space<vmem>>
    %dma_start3A_356 = arith.constant 0 : i32
    %dma_start3A_357 = arith.constant 0 : i32
    %dma_start3A_358 = tpu.memref_slice %arg3[%dma_start3A_356, %dma_start3A_357] : memref<1000000x64xf32, #tpu.memory_space<hbm>> -> memref<1000000x64xf32, #tpu.memory_space<hbm>>
    tpu.enqueue_indirect_dma source(%dma_start3A_358 : memref<1000000x64xf32, #tpu.memory_space<hbm>>) target(%dma_start3A_352 : memref<72x64xf32, #tpu.memory_space<vmem>>) offsets(%dma_start3A_355 : memref<72xi32, #tpu.memory_space<vmem>>) semaphore(%arg10 : memref<!tpu.dma_semaphore, #tpu.memory_space<semaphore_mem>>)
    %mul3A_359 = arith.constant 2 : i32
    %mul3A_360 = arith.muli %add3A_330, %mul3A_359 : i32
    %add3A_361 = arith.constant 1 : i32
    %add3A_362 = arith.addi %mul3A_360, %add3A_361 : i32
    %dma_start3A_363 = arith.constant 1 : i32
    %dma_start3A_364 = arith.constant 1 : i32
    %dma_start3A_365 = arith.constant 0 : i32
    %dma_start3A_366 = arith.constant 0 : i32
    %dma_start3A_367 = tpu.memref_slice %arg8[%dma_start3A_363, %dma_start3A_364, %dma_start3A_365, %dma_start3A_366] : memref<2x2x200x64xf32, #tpu.memory_space<vmem>> -> memref<1x1x128x64xf32, #tpu.memory_space<vmem>>
    %dma_start3A_368 = tpu.memref_squeeze %dma_start3A_367 : memref<1x1x128x64xf32, #tpu.memory_space<vmem>> -> memref<128x64xf32, #tpu.memory_space<vmem>>
    %dma_start3A_369 = arith.constant 0 : i32
    %dma_start3A_370 = tpu.memref_slice %arg6[%add3A_362, %dma_start3A_369] : memref<128x200xi32, #tpu.memory_space<vmem>> -> memref<1x128xi32, #tpu.memory_space<vmem>>
    %dma_start3A_371 = tpu.memref_squeeze %dma_start3A_370 : memref<1x128xi32, #tpu.memory_space<vmem>> -> memref<128xi32, #tpu.memory_space<vmem>>
    %dma_start3A_372 = arith.constant 0 : i32
    %dma_start3A_373 = arith.constant 0 : i32
    %dma_start3A_374 = tpu.memref_slice %arg3[%dma_start3A_372, %dma_start3A_373] : memref<1000000x64xf32, #tpu.memory_space<hbm>> -> memref<1000000x64xf32, #tpu.memory_space<hbm>>
    tpu.enqueue_indirect_dma source(%dma_start3A_374 : memref<1000000x64xf32, #tpu.memory_space<hbm>>) target(%dma_start3A_368 : memref<128x64xf32, #tpu.memory_space<vmem>>) offsets(%dma_start3A_371 : memref<128xi32, #tpu.memory_space<vmem>>) semaphore(%arg10 : memref<!tpu.dma_semaphore, #tpu.memory_space<semaphore_mem>>)
    %dma_start3A_375 = arith.constant 1 : i32
    %dma_start3A_376 = arith.constant 1 : i32
    %dma_start3A_377 = arith.constant 128 : i32
    %dma_start3A_378 = arith.constant 0 : i32
    %dma_start3A_379 = tpu.memref_slice %arg8[%dma_start3A_375, %dma_start3A_376, %dma_start3A_377, %dma_start3A_378] : memref<2x2x200x64xf32, #tpu.memory_space<vmem>> -> memref<1x1x72x64xf32, #tpu.memory_space<vmem>>
    %dma_start3A_380 = tpu.memref_squeeze %dma_start3A_379 : memref<1x1x72x64xf32, #tpu.memory_space<vmem>> -> memref<72x64xf32, #tpu.memory_space<vmem>>
    %dma_start3A_381 = arith.constant 128 : i32
    %dma_start3A_382 = tpu.memref_slice %arg6[%add3A_362, %dma_start3A_381] : memref<128x200xi32, #tpu.memory_space<vmem>> -> memref<1x72xi32, #tpu.memory_space<vmem>>
    %dma_start3A_383 = tpu.memref_squeeze %dma_start3A_382 : memref<1x72xi32, #tpu.memory_space<vmem>> -> memref<72xi32, #tpu.memory_space<vmem>>
    %dma_start3A_384 = arith.constant 0 : i32
    %dma_start3A_385 = arith.constant 0 : i32
    %dma_start3A_386 = tpu.memref_slice %arg3[%dma_start3A_384, %dma_start3A_385] : memref<1000000x64xf32, #tpu.memory_space<hbm>> -> memref<1000000x64xf32, #tpu.memory_space<hbm>>
    tpu.enqueue_indirect_dma source(%dma_start3A_386 : memref<1000000x64xf32, #tpu.memory_space<hbm>>) target(%dma_start3A_380 : memref<72x64xf32, #tpu.memory_space<vmem>>) offsets(%dma_start3A_383 : memref<72xi32, #tpu.memory_space<vmem>>) semaphore(%arg10 : memref<!tpu.dma_semaphore, #tpu.memory_space<semaphore_mem>>)
    %scan3A_387 = arith.constant 0 : i32
    %scan3A_388 = arith.constant 0 : i32
    %scan3A_389 = arith.constant 200 : i32
    %scan3A_390 = arith.addi %scan3A_388, %scan3A_389 : i32
    %scan3A_391 = arith.constant 4 : i32
    scf.for %scan3A_510 = %scan3A_388 to %scan3A_390 step %scan3A_391  : i32 {
      %get3A = arith.index_cast %scan3A_510 : i32 to index
      %get3A_511 = arith.constant 0 : index
      %get3A_512 = tpu.vector_load %arg7[%get3A, %get3A_511] {strides = array<i32>} : memref<200x64xf32, #tpu.memory_space<vmem>>, vector<1x16xf32>,
      %get3A_513 = vector.shape_cast %get3A_512 : vector<1x16xf32> to vector<16xf32>
      %swap3A = arith.constant 0 : i32
      %swap3A_514 = arith.constant 0 : i32
      %swap3A_515 = arith.index_cast %swap3A : i32 to index
      %swap3A_516 = arith.index_cast %swap3A_514 : i32 to index
      %swap3A_517 = arith.index_cast %scan3A_510 : i32 to index
      %swap3A_518 = arith.constant 0 : index
      %swap3A_519 = tpu.vector_load %arg8[%swap3A_515, %swap3A_516, %swap3A_517, %swap3A_518] {strides = array<i32>} : memref<2x2x200x64xf32, #tpu.memory_space<vmem>>, vector<1x1x1x16xf32>,
      %swap3A_520 = vector.shape_cast %swap3A_519 : vector<1x1x1x16xf32> to vector<16xf32>
      %swap3A_521 = vector.shape_cast %get3A_513 : vector<16xf32> to vector<1x1x1x16xf32>
      tpu.vector_store %arg8[%swap3A_515, %swap3A_516, %swap3A_517, %swap3A_518], %swap3A_521 {add = true, strides = array<i32>} : memref<2x2x200x64xf32, #tpu.memory_space<vmem>>, vector<1x1x1x16xf32>,
      %get3A_522 = arith.index_cast %scan3A_510 : i32 to index
      %get3A_523 = arith.constant 16 : index
      %get3A_524 = tpu.vector_load %arg7[%get3A_522, %get3A_523] {strides = array<i32>} : memref<200x64xf32, #tpu.memory_space<vmem>>, vector<1x16xf32>,
      %get3A_525 = vector.shape_cast %get3A_524 : vector<1x16xf32> to vector<16xf32>
      %swap3A_526 = arith.constant 0 : i32
      %swap3A_527 = arith.constant 0 : i32
      %swap3A_528 = arith.index_cast %swap3A_526 : i32 to index
      %swap3A_529 = arith.index_cast %swap3A_527 : i32 to index
      %swap3A_530 = arith.index_cast %scan3A_510 : i32 to index
      %swap3A_531 = arith.constant 16 : index
      %swap3A_532 = tpu.vector_load %arg8[%swap3A_528, %swap3A_529, %swap3A_530, %swap3A_531] {strides = array<i32>} : memref<2x2x200x64xf32, #tpu.memory_space<vmem>>, vector<1x1x1x16xf32>,
      %swap3A_533 = vector.shape_cast %swap3A_532 : vector<1x1x1x16xf32> to vector<16xf32>
      %swap3A_534 = vector.shape_cast %get3A_525 : vector<16xf32> to vector<1x1x1x16xf32>
      tpu.vector_store %arg8[%swap3A_528, %swap3A_529, %swap3A_530, %swap3A_531], %swap3A_534 {add = true, strides = array<i32>} : memref<2x2x200x64xf32, #tpu.memory_space<vmem>>, vector<1x1x1x16xf32>,
      %get3A_535 = arith.index_cast %scan3A_510 : i32 to index
      %get3A_536 = arith.constant 32 : index
      %get3A_537 = tpu.vector_load %arg7[%get3A_535, %get3A_536] {strides = array<i32>} : memref<200x64xf32, #tpu.memory_space<vmem>>, vector<1x16xf32>,
      %get3A_538 = vector.shape_cast %get3A_537 : vector<1x16xf32> to vector<16xf32>
      %swap3A_539 = arith.constant 0 : i32
      %swap3A_540 = arith.constant 0 : i32
      %swap3A_541 = arith.index_cast %swap3A_539 : i32 to index
      %swap3A_542 = arith.index_cast %swap3A_540 : i32 to index
      %swap3A_543 = arith.index_cast %scan3A_510 : i32 to index
      %swap3A_544 = arith.constant 32 : index
      %swap3A_545 = tpu.vector_load %arg8[%swap3A_541, %swap3A_542, %swap3A_543, %swap3A_544] {strides = array<i32>} : memref<2x2x200x64xf32, #tpu.memory_space<vmem>>, vector<1x1x1x16xf32>,
      %swap3A_546 = vector.shape_cast %swap3A_545 : vector<1x1x1x16xf32> to vector<16xf32>
      %swap3A_547 = vector.shape_cast %get3A_538 : vector<16xf32> to vector<1x1x1x16xf32>
      tpu.vector_store %arg8[%swap3A_541, %swap3A_542, %swap3A_543, %swap3A_544], %swap3A_547 {add = true, strides = array<i32>} : memref<2x2x200x64xf32, #tpu.memory_space<vmem>>, vector<1x1x1x16xf32>,
      %get3A_548 = arith.index_cast %scan3A_510 : i32 to index
      %get3A_549 = arith.constant 48 : index
      %get3A_550 = tpu.vector_load %arg7[%get3A_548, %get3A_549] {strides = array<i32>} : memref<200x64xf32, #tpu.memory_space<vmem>>, vector<1x16xf32>,
      %get3A_551 = vector.shape_cast %get3A_550 : vector<1x16xf32> to vector<16xf32>
      %swap3A_552 = arith.constant 0 : i32
      %swap3A_553 = arith.constant 0 : i32
      %swap3A_554 = arith.index_cast %swap3A_552 : i32 to index
      %swap3A_555 = arith.index_cast %swap3A_553 : i32 to index
      %swap3A_556 = arith.index_cast %scan3A_510 : i32 to index
      %swap3A_557 = arith.constant 48 : index
      %swap3A_558 = tpu.vector_load %arg8[%swap3A_554, %swap3A_555, %swap3A_556, %swap3A_557] {strides = array<i32>} : memref<2x2x200x64xf32, #tpu.memory_space<vmem>>, vector<1x1x1x16xf32>,
      %swap3A_559 = vector.shape_cast %swap3A_558 : vector<1x1x1x16xf32> to vector<16xf32>
      %swap3A_560 = vector.shape_cast %get3A_551 : vector<16xf32> to vector<1x1x1x16xf32>
      tpu.vector_store %arg8[%swap3A_554, %swap3A_555, %swap3A_556, %swap3A_557], %swap3A_560 {add = true, strides = array<i32>} : memref<2x2x200x64xf32, #tpu.memory_space<vmem>>, vector<1x1x1x16xf32>,
      %scan3A_561 = arith.constant 1 : i32
      %scan3A_562 = arith.addi %scan3A_510, %scan3A_561 : i32
      %get3A_563 = arith.index_cast %scan3A_562 : i32 to index
      %get3A_564 = arith.constant 0 : index
      %get3A_565 = tpu.vector_load %arg7[%get3A_563, %get3A_564] {strides = array<i32>} : memref<200x64xf32, #tpu.memory_space<vmem>>, vector<1x16xf32>,
      %get3A_566 = vector.shape_cast %get3A_565 : vector<1x16xf32> to vector<16xf32>
      %swap3A_567 = arith.constant 0 : i32
      %swap3A_568 = arith.constant 0 : i32
      %swap3A_569 = arith.index_cast %swap3A_567 : i32 to index
      %swap3A_570 = arith.index_cast %swap3A_568 : i32 to index
      %swap3A_571 = arith.index_cast %scan3A_562 : i32 to index
      %swap3A_572 = arith.constant 0 : index
      %swap3A_573 = tpu.vector_load %arg8[%swap3A_569, %swap3A_570, %swap3A_571, %swap3A_572] {strides = array<i32>} : memref<2x2x200x64xf32, #tpu.memory_space<vmem>>, vector<1x1x1x16xf32>,
      %swap3A_574 = vector.shape_cast %swap3A_573 : vector<1x1x1x16xf32> to vector<16xf32>
      %swap3A_575 = vector.shape_cast %get3A_566 : vector<16xf32> to vector<1x1x1x16xf32>
      tpu.vector_store %arg8[%swap3A_569, %swap3A_570, %swap3A_571, %swap3A_572], %swap3A_575 {add = true, strides = array<i32>} : memref<2x2x200x64xf32, #tpu.memory_space<vmem>>, vector<1x1x1x16xf32>,
      %get3A_576 = arith.index_cast %scan3A_562 : i32 to index
      %get3A_577 = arith.constant 16 : index
      %get3A_578 = tpu.vector_load %arg7[%get3A_576, %get3A_577] {strides = array<i32>} : memref<200x64xf32, #tpu.memory_space<vmem>>, vector<1x16xf32>,
      %get3A_579 = vector.shape_cast %get3A_578 : vector<1x16xf32> to vector<16xf32>
      %swap3A_580 = arith.constant 0 : i32
      %swap3A_581 = arith.constant 0 : i32
      %swap3A_582 = arith.index_cast %swap3A_580 : i32 to index
      %swap3A_583 = arith.index_cast %swap3A_581 : i32 to index
      %swap3A_584 = arith.index_cast %scan3A_562 : i32 to index
      %swap3A_585 = arith.constant 16 : index
      %swap3A_586 = tpu.vector_load %arg8[%swap3A_582, %swap3A_583, %swap3A_584, %swap3A_585] {strides = array<i32>} : memref<2x2x200x64xf32, #tpu.memory_space<vmem>>, vector<1x1x1x16xf32>,
      %swap3A_587 = vector.shape_cast %swap3A_586 : vector<1x1x1x16xf32> to vector<16xf32>
      %swap3A_588 = vector.shape_cast %get3A_579 : vector<16xf32> to vector<1x1x1x16xf32>
      tpu.vector_store %arg8[%swap3A_582, %swap3A_583, %swap3A_584, %swap3A_585], %swap3A_588 {add = true, strides = array<i32>} : memref<2x2x200x64xf32, #tpu.memory_space<vmem>>, vector<1x1x1x16xf32>,
      %get3A_589 = arith.index_cast %scan3A_562 : i32 to index
      %get3A_590 = arith.constant 32 : index
      %get3A_591 = tpu.vector_load %arg7[%get3A_589, %get3A_590] {strides = array<i32>} : memref<200x64xf32, #tpu.memory_space<vmem>>, vector<1x16xf32>,
      %get3A_592 = vector.shape_cast %get3A_591 : vector<1x16xf32> to vector<16xf32>
      %swap3A_593 = arith.constant 0 : i32
      %swap3A_594 = arith.constant 0 : i32
      %swap3A_595 = arith.index_cast %swap3A_593 : i32 to index
      %swap3A_596 = arith.index_cast %swap3A_594 : i32 to index
      %swap3A_597 = arith.index_cast %scan3A_562 : i32 to index
      %swap3A_598 = arith.constant 32 : index
      %swap3A_599 = tpu.vector_load %arg8[%swap3A_595, %swap3A_596, %swap3A_597, %swap3A_598] {strides = array<i32>} : memref<2x2x200x64xf32, #tpu.memory_space<vmem>>, vector<1x1x1x16xf32>,
      %swap3A_600 = vector.shape_cast %swap3A_599 : vector<1x1x1x16xf32> to vector<16xf32>
      %swap3A_601 = vector.shape_cast %get3A_592 : vector<16xf32> to vector<1x1x1x16xf32>
      tpu.vector_store %arg8[%swap3A_595, %swap3A_596, %swap3A_597, %swap3A_598], %swap3A_601 {add = true, strides = array<i32>} : memref<2x2x200x64xf32, #tpu.memory_space<vmem>>, vector<1x1x1x16xf32>,
      %get3A_602 = arith.index_cast %scan3A_562 : i32 to index
      %get3A_603 = arith.constant 48 : index
      %get3A_604 = tpu.vector_load %arg7[%get3A_602, %get3A_603] {strides = array<i32>} : memref<200x64xf32, #tpu.memory_space<vmem>>, vector<1x16xf32>,
      %get3A_605 = vector.shape_cast %get3A_604 : vector<1x16xf32> to vector<16xf32>
      %swap3A_606 = arith.constant 0 : i32
      %swap3A_607 = arith.constant 0 : i32
      %swap3A_608 = arith.index_cast %swap3A_606 : i32 to index
      %swap3A_609 = arith.index_cast %swap3A_607 : i32 to index
      %swap3A_610 = arith.index_cast %scan3A_562 : i32 to index
      %swap3A_611 = arith.constant 48 : index
      %swap3A_612 = tpu.vector_load %arg8[%swap3A_608, %swap3A_609, %swap3A_610, %swap3A_611] {strides = array<i32>} : memref<2x2x200x64xf32, #tpu.memory_space<vmem>>, vector<1x1x1x16xf32>,
      %swap3A_613 = vector.shape_cast %swap3A_612 : vector<1x1x1x16xf32> to vector<16xf32>
      %swap3A_614 = vector.shape_cast %get3A_605 : vector<16xf32> to vector<1x1x1x16xf32>
      tpu.vector_store %arg8[%swap3A_608, %swap3A_609, %swap3A_610, %swap3A_611], %swap3A_614 {add = true, strides = array<i32>} : memref<2x2x200x64xf32, #tpu.memory_space<vmem>>, vector<1x1x1x16xf32>,
      %scan3A_615 = arith.constant 2 : i32
      %scan3A_616 = arith.addi %scan3A_510, %scan3A_615 : i32
      %get3A_617 = arith.index_cast %scan3A_616 : i32 to index
      %get3A_618 = arith.constant 0 : index
      %get3A_619 = tpu.vector_load %arg7[%get3A_617, %get3A_618] {strides = array<i32>} : memref<200x64xf32, #tpu.memory_space<vmem>>, vector<1x16xf32>,
      %get3A_620 = vector.shape_cast %get3A_619 : vector<1x16xf32> to vector<16xf32>
      %swap3A_621 = arith.constant 0 : i32
      %swap3A_622 = arith.constant 0 : i32
      %swap3A_623 = arith.index_cast %swap3A_621 : i32 to index
      %swap3A_624 = arith.index_cast %swap3A_622 : i32 to index
      %swap3A_625 = arith.index_cast %scan3A_616 : i32 to index
      %swap3A_626 = arith.constant 0 : index
      %swap3A_627 = tpu.vector_load %arg8[%swap3A_623, %swap3A_624, %swap3A_625, %swap3A_626] {strides = array<i32>} : memref<2x2x200x64xf32, #tpu.memory_space<vmem>>, vector<1x1x1x16xf32>,
      %swap3A_628 = vector.shape_cast %swap3A_627 : vector<1x1x1x16xf32> to vector<16xf32>
      %swap3A_629 = vector.shape_cast %get3A_620 : vector<16xf32> to vector<1x1x1x16xf32>
      tpu.vector_store %arg8[%swap3A_623, %swap3A_624, %swap3A_625, %swap3A_626], %swap3A_629 {add = true, strides = array<i32>} : memref<2x2x200x64xf32, #tpu.memory_space<vmem>>, vector<1x1x1x16xf32>,
      %get3A_630 = arith.index_cast %scan3A_616 : i32 to index
      %get3A_631 = arith.constant 16 : index
      %get3A_632 = tpu.vector_load %arg7[%get3A_630, %get3A_631] {strides = array<i32>} : memref<200x64xf32, #tpu.memory_space<vmem>>, vector<1x16xf32>,
      %get3A_633 = vector.shape_cast %get3A_632 : vector<1x16xf32> to vector<16xf32>
      %swap3A_634 = arith.constant 0 : i32
      %swap3A_635 = arith.constant 0 : i32
      %swap3A_636 = arith.index_cast %swap3A_634 : i32 to index
      %swap3A_637 = arith.index_cast %swap3A_635 : i32 to index
      %swap3A_638 = arith.index_cast %scan3A_616 : i32 to index
      %swap3A_639 = arith.constant 16 : index
      %swap3A_640 = tpu.vector_load %arg8[%swap3A_636, %swap3A_637, %swap3A_638, %swap3A_639] {strides = array<i32>} : memref<2x2x200x64xf32, #tpu.memory_space<vmem>>, vector<1x1x1x16xf32>,
      %swap3A_641 = vector.shape_cast %swap3A_640 : vector<1x1x1x16xf32> to vector<16xf32>
      %swap3A_642 = vector.shape_cast %get3A_633 : vector<16xf32> to vector<1x1x1x16xf32>
      tpu.vector_store %arg8[%swap3A_636, %swap3A_637, %swap3A_638, %swap3A_639], %swap3A_642 {add = true, strides = array<i32>} : memref<2x2x200x64xf32, #tpu.memory_space<vmem>>, vector<1x1x1x16xf32>,
      %get3A_643 = arith.index_cast %scan3A_616 : i32 to index
      %get3A_644 = arith.constant 32 : index
      %get3A_645 = tpu.vector_load %arg7[%get3A_643, %get3A_644] {strides = array<i32>} : memref<200x64xf32, #tpu.memory_space<vmem>>, vector<1x16xf32>,
      %get3A_646 = vector.shape_cast %get3A_645 : vector<1x16xf32> to vector<16xf32>
      %swap3A_647 = arith.constant 0 : i32
      %swap3A_648 = arith.constant 0 : i32
      %swap3A_649 = arith.index_cast %swap3A_647 : i32 to index
      %swap3A_650 = arith.index_cast %swap3A_648 : i32 to index
      %swap3A_651 = arith.index_cast %scan3A_616 : i32 to index
      %swap3A_652 = arith.constant 32 : index
      %swap3A_653 = tpu.vector_load %arg8[%swap3A_649, %swap3A_650, %swap3A_651, %swap3A_652] {strides = array<i32>} : memref<2x2x200x64xf32, #tpu.memory_space<vmem>>, vector<1x1x1x16xf32>,
      %swap3A_654 = vector.shape_cast %swap3A_653 : vector<1x1x1x16xf32> to vector<16xf32>
      %swap3A_655 = vector.shape_cast %get3A_646 : vector<16xf32> to vector<1x1x1x16xf32>
      tpu.vector_store %arg8[%swap3A_649, %swap3A_650, %swap3A_651, %swap3A_652], %swap3A_655 {add = true, strides = array<i32>} : memref<2x2x200x64xf32, #tpu.memory_space<vmem>>, vector<1x1x1x16xf32>,
      %get3A_656 = arith.index_cast %scan3A_616 : i32 to index
      %get3A_657 = arith.constant 48 : index
      %get3A_658 = tpu.vector_load %arg7[%get3A_656, %get3A_657] {strides = array<i32>} : memref<200x64xf32, #tpu.memory_space<vmem>>, vector<1x16xf32>,
      %get3A_659 = vector.shape_cast %get3A_658 : vector<1x16xf32> to vector<16xf32>
      %swap3A_660 = arith.constant 0 : i32
      %swap3A_661 = arith.constant 0 : i32
      %swap3A_662 = arith.index_cast %swap3A_660 : i32 to index
      %swap3A_663 = arith.index_cast %swap3A_661 : i32 to index
      %swap3A_664 = arith.index_cast %scan3A_616 : i32 to index
      %swap3A_665 = arith.constant 48 : index
      %swap3A_666 = tpu.vector_load %arg8[%swap3A_662, %swap3A_663, %swap3A_664, %swap3A_665] {strides = array<i32>} : memref<2x2x200x64xf32, #tpu.memory_space<vmem>>, vector<1x1x1x16xf32>,
      %swap3A_667 = vector.shape_cast %swap3A_666 : vector<1x1x1x16xf32> to vector<16xf32>
      %swap3A_668 = vector.shape_cast %get3A_659 : vector<16xf32> to vector<1x1x1x16xf32>
      tpu.vector_store %arg8[%swap3A_662, %swap3A_663, %swap3A_664, %swap3A_665], %swap3A_668 {add = true, strides = array<i32>} : memref<2x2x200x64xf32, #tpu.memory_space<vmem>>, vector<1x1x1x16xf32>,
      %scan3A_669 = arith.constant 3 : i32
      %scan3A_670 = arith.addi %scan3A_510, %scan3A_669 : i32
      %get3A_671 = arith.index_cast %scan3A_670 : i32 to index
      %get3A_672 = arith.constant 0 : index
      %get3A_673 = tpu.vector_load %arg7[%get3A_671, %get3A_672] {strides = array<i32>} : memref<200x64xf32, #tpu.memory_space<vmem>>, vector<1x16xf32>,
      %get3A_674 = vector.shape_cast %get3A_673 : vector<1x16xf32> to vector<16xf32>
      %swap3A_675 = arith.constant 0 : i32
      %swap3A_676 = arith.constant 0 : i32
      %swap3A_677 = arith.index_cast %swap3A_675 : i32 to index
      %swap3A_678 = arith.index_cast %swap3A_676 : i32 to index
      %swap3A_679 = arith.index_cast %scan3A_670 : i32 to index
      %swap3A_680 = arith.constant 0 : index
      %swap3A_681 = tpu.vector_load %arg8[%swap3A_677, %swap3A_678, %swap3A_679, %swap3A_680] {strides = array<i32>} : memref<2x2x200x64xf32, #tpu.memory_space<vmem>>, vector<1x1x1x16xf32>,
      %swap3A_682 = vector.shape_cast %swap3A_681 : vector<1x1x1x16xf32> to vector<16xf32>
      %swap3A_683 = vector.shape_cast %get3A_674 : vector<16xf32> to vector<1x1x1x16xf32>
      tpu.vector_store %arg8[%swap3A_677, %swap3A_678, %swap3A_679, %swap3A_680], %swap3A_683 {add = true, strides = array<i32>} : memref<2x2x200x64xf32, #tpu.memory_space<vmem>>, vector<1x1x1x16xf32>,
      %get3A_684 = arith.index_cast %scan3A_670 : i32 to index
      %get3A_685 = arith.constant 16 : index
      %get3A_686 = tpu.vector_load %arg7[%get3A_684, %get3A_685] {strides = array<i32>} : memref<200x64xf32, #tpu.memory_space<vmem>>, vector<1x16xf32>,
      %get3A_687 = vector.shape_cast %get3A_686 : vector<1x16xf32> to vector<16xf32>
      %swap3A_688 = arith.constant 0 : i32
      %swap3A_689 = arith.constant 0 : i32
      %swap3A_690 = arith.index_cast %swap3A_688 : i32 to index
      %swap3A_691 = arith.index_cast %swap3A_689 : i32 to index
      %swap3A_692 = arith.index_cast %scan3A_670 : i32 to index
      %swap3A_693 = arith.constant 16 : index
      %swap3A_694 = tpu.vector_load %arg8[%swap3A_690, %swap3A_691, %swap3A_692, %swap3A_693] {strides = array<i32>} : memref<2x2x200x64xf32, #tpu.memory_space<vmem>>, vector<1x1x1x16xf32>,
      %swap3A_695 = vector.shape_cast %swap3A_694 : vector<1x1x1x16xf32> to vector<16xf32>
      %swap3A_696 = vector.shape_cast %get3A_687 : vector<16xf32> to vector<1x1x1x16xf32>
      tpu.vector_store %arg8[%swap3A_690, %swap3A_691, %swap3A_692, %swap3A_693], %swap3A_696 {add = true, strides = array<i32>} : memref<2x2x200x64xf32, #tpu.memory_space<vmem>>, vector<1x1x1x16xf32>,
      %get3A_697 = arith.index_cast %scan3A_670 : i32 to index
      %get3A_698 = arith.constant 32 : index
      %get3A_699 = tpu.vector_load %arg7[%get3A_697, %get3A_698] {strides = array<i32>} : memref<200x64xf32, #tpu.memory_space<vmem>>, vector<1x16xf32>,
      %get3A_700 = vector.shape_cast %get3A_699 : vector<1x16xf32> to vector<16xf32>
      %swap3A_701 = arith.constant 0 : i32
      %swap3A_702 = arith.constant 0 : i32
      %swap3A_703 = arith.index_cast %swap3A_701 : i32 to index
      %swap3A_704 = arith.index_cast %swap3A_702 : i32 to index
      %swap3A_705 = arith.index_cast %scan3A_670 : i32 to index
      %swap3A_706 = arith.constant 32 : index
      %swap3A_707 = tpu.vector_load %arg8[%swap3A_703, %swap3A_704, %swap3A_705, %swap3A_706] {strides = array<i32>} : memref<2x2x200x64xf32, #tpu.memory_space<vmem>>, vector<1x1x1x16xf32>,
      %swap3A_708 = vector.shape_cast %swap3A_707 : vector<1x1x1x16xf32> to vector<16xf32>
      %swap3A_709 = vector.shape_cast %get3A_700 : vector<16xf32> to vector<1x1x1x16xf32>
      tpu.vector_store %arg8[%swap3A_703, %swap3A_704, %swap3A_705, %swap3A_706], %swap3A_709 {add = true, strides = array<i32>} : memref<2x2x200x64xf32, #tpu.memory_space<vmem>>, vector<1x1x1x16xf32>,
      %get3A_710 = arith.index_cast %scan3A_670 : i32 to index
      %get3A_711 = arith.constant 48 : index
      %get3A_712 = tpu.vector_load %arg7[%get3A_710, %get3A_711] {strides = array<i32>} : memref<200x64xf32, #tpu.memory_space<vmem>>, vector<1x16xf32>,
      %get3A_713 = vector.shape_cast %get3A_712 : vector<1x16xf32> to vector<16xf32>
      %swap3A_714 = arith.constant 0 : i32
      %swap3A_715 = arith.constant 0 : i32
      %swap3A_716 = arith.index_cast %swap3A_714 : i32 to index
      %swap3A_717 = arith.index_cast %swap3A_715 : i32 to index
      %swap3A_718 = arith.index_cast %scan3A_670 : i32 to index
      %swap3A_719 = arith.constant 48 : index
      %swap3A_720 = tpu.vector_load %arg8[%swap3A_716, %swap3A_717, %swap3A_718, %swap3A_719] {strides = array<i32>} : memref<2x2x200x64xf32, #tpu.memory_space<vmem>>, vector<1x1x1x16xf32>,
      %swap3A_721 = vector.shape_cast %swap3A_720 : vector<1x1x1x16xf32> to vector<16xf32>
      %swap3A_722 = vector.shape_cast %get3A_713 : vector<16xf32> to vector<1x1x1x16xf32>
      tpu.vector_store %arg8[%swap3A_716, %swap3A_717, %swap3A_718, %swap3A_719], %swap3A_722 {add = true, strides = array<i32>} : memref<2x2x200x64xf32, #tpu.memory_space<vmem>>, vector<1x1x1x16xf32>,
    }
    %scan3A_392 = arith.constant 200 : i32
    %scan3A_393 = arith.constant 0 : i32
    %scan3A_394 = arith.constant 0 : i32
    %scan3A_395 = arith.constant 200 : i32
    %scan3A_396 = arith.addi %scan3A_394, %scan3A_395 : i32
    %scan3A_397 = arith.constant 4 : i32
    scf.for %scan3A_510 = %scan3A_394 to %scan3A_396 step %scan3A_397  : i32 {
      %get3A = arith.index_cast %scan3A_510 : i32 to index
      %get3A_511 = arith.constant 0 : index
      %get3A_512 = tpu.vector_load %arg7[%get3A, %get3A_511] {strides = array<i32>} : memref<200x64xf32, #tpu.memory_space<vmem>>, vector<1x16xf32>,
      %get3A_513 = vector.shape_cast %get3A_512 : vector<1x16xf32> to vector<16xf32>
      %swap3A = arith.constant 0 : i32
      %swap3A_514 = arith.constant 1 : i32
      %swap3A_515 = arith.index_cast %swap3A : i32 to index
      %swap3A_516 = arith.index_cast %swap3A_514 : i32 to index
      %swap3A_517 = arith.index_cast %scan3A_510 : i32 to index
      %swap3A_518 = arith.constant 0 : index
      %swap3A_519 = tpu.vector_load %arg8[%swap3A_515, %swap3A_516, %swap3A_517, %swap3A_518] {strides = array<i32>} : memref<2x2x200x64xf32, #tpu.memory_space<vmem>>, vector<1x1x1x16xf32>,
      %swap3A_520 = vector.shape_cast %swap3A_519 : vector<1x1x1x16xf32> to vector<16xf32>
      %swap3A_521 = vector.shape_cast %get3A_513 : vector<16xf32> to vector<1x1x1x16xf32>
      tpu.vector_store %arg8[%swap3A_515, %swap3A_516, %swap3A_517, %swap3A_518], %swap3A_521 {add = true, strides = array<i32>} : memref<2x2x200x64xf32, #tpu.memory_space<vmem>>, vector<1x1x1x16xf32>,
      %get3A_522 = arith.index_cast %scan3A_510 : i32 to index
      %get3A_523 = arith.constant 16 : index
      %get3A_524 = tpu.vector_load %arg7[%get3A_522, %get3A_523] {strides = array<i32>} : memref<200x64xf32, #tpu.memory_space<vmem>>, vector<1x16xf32>,
      %get3A_525 = vector.shape_cast %get3A_524 : vector<1x16xf32> to vector<16xf32>
      %swap3A_526 = arith.constant 0 : i32
      %swap3A_527 = arith.constant 1 : i32
      %swap3A_528 = arith.index_cast %swap3A_526 : i32 to index
      %swap3A_529 = arith.index_cast %swap3A_527 : i32 to index
      %swap3A_530 = arith.index_cast %scan3A_510 : i32 to index
      %swap3A_531 = arith.constant 16 : index
      %swap3A_532 = tpu.vector_load %arg8[%swap3A_528, %swap3A_529, %swap3A_530, %swap3A_531] {strides = array<i32>} : memref<2x2x200x64xf32, #tpu.memory_space<vmem>>, vector<1x1x1x16xf32>,
      %swap3A_533 = vector.shape_cast %swap3A_532 : vector<1x1x1x16xf32> to vector<16xf32>
      %swap3A_534 = vector.shape_cast %get3A_525 : vector<16xf32> to vector<1x1x1x16xf32>
      tpu.vector_store %arg8[%swap3A_528, %swap3A_529, %swap3A_530, %swap3A_531], %swap3A_534 {add = true, strides = array<i32>} : memref<2x2x200x64xf32, #tpu.memory_space<vmem>>, vector<1x1x1x16xf32>,
      %get3A_535 = arith.index_cast %scan3A_510 : i32 to index
      %get3A_536 = arith.constant 32 : index
      %get3A_537 = tpu.vector_load %arg7[%get3A_535, %get3A_536] {strides = array<i32>} : memref<200x64xf32, #tpu.memory_space<vmem>>, vector<1x16xf32>,
      %get3A_538 = vector.shape_cast %get3A_537 : vector<1x16xf32> to vector<16xf32>
      %swap3A_539 = arith.constant 0 : i32
      %swap3A_540 = arith.constant 1 : i32
      %swap3A_541 = arith.index_cast %swap3A_539 : i32 to index
      %swap3A_542 = arith.index_cast %swap3A_540 : i32 to index
      %swap3A_543 = arith.index_cast %scan3A_510 : i32 to index
      %swap3A_544 = arith.constant 32 : index
      %swap3A_545 = tpu.vector_load %arg8[%swap3A_541, %swap3A_542, %swap3A_543, %swap3A_544] {strides = array<i32>} : memref<2x2x200x64xf32, #tpu.memory_space<vmem>>, vector<1x1x1x16xf32>,
      %swap3A_546 = vector.shape_cast %swap3A_545 : vector<1x1x1x16xf32> to vector<16xf32>
      %swap3A_547 = vector.shape_cast %get3A_538 : vector<16xf32> to vector<1x1x1x16xf32>
      tpu.vector_store %arg8[%swap3A_541, %swap3A_542, %swap3A_543, %swap3A_544], %swap3A_547 {add = true, strides = array<i32>} : memref<2x2x200x64xf32, #tpu.memory_space<vmem>>, vector<1x1x1x16xf32>,
      %get3A_548 = arith.index_cast %scan3A_510 : i32 to index
      %get3A_549 = arith.constant 48 : index
      %get3A_550 = tpu.vector_load %arg7[%get3A_548, %get3A_549] {strides = array<i32>} : memref<200x64xf32, #tpu.memory_space<vmem>>, vector<1x16xf32>,
      %get3A_551 = vector.shape_cast %get3A_550 : vector<1x16xf32> to vector<16xf32>
      %swap3A_552 = arith.constant 0 : i32
      %swap3A_553 = arith.constant 1 : i32
      %swap3A_554 = arith.index_cast %swap3A_552 : i32 to index
      %swap3A_555 = arith.index_cast %swap3A_553 : i32 to index
      %swap3A_556 = arith.index_cast %scan3A_510 : i32 to index
      %swap3A_557 = arith.constant 48 : index
      %swap3A_558 = tpu.vector_load %arg8[%swap3A_554, %swap3A_555, %swap3A_556, %swap3A_557] {strides = array<i32>} : memref<2x2x200x64xf32, #tpu.memory_space<vmem>>, vector<1x1x1x16xf32>,
      %swap3A_559 = vector.shape_cast %swap3A_558 : vector<1x1x1x16xf32> to vector<16xf32>
      %swap3A_560 = vector.shape_cast %get3A_551 : vector<16xf32> to vector<1x1x1x16xf32>
      tpu.vector_store %arg8[%swap3A_554, %swap3A_555, %swap3A_556, %swap3A_557], %swap3A_560 {add = true, strides = array<i32>} : memref<2x2x200x64xf32, #tpu.memory_space<vmem>>, vector<1x1x1x16xf32>,
      %scan3A_561 = arith.constant 1 : i32
      %scan3A_562 = arith.addi %scan3A_510, %scan3A_561 : i32
      %get3A_563 = arith.index_cast %scan3A_562 : i32 to index
      %get3A_564 = arith.constant 0 : index
      %get3A_565 = tpu.vector_load %arg7[%get3A_563, %get3A_564] {strides = array<i32>} : memref<200x64xf32, #tpu.memory_space<vmem>>, vector<1x16xf32>,
      %get3A_566 = vector.shape_cast %get3A_565 : vector<1x16xf32> to vector<16xf32>
      %swap3A_567 = arith.constant 0 : i32
      %swap3A_568 = arith.constant 1 : i32
      %swap3A_569 = arith.index_cast %swap3A_567 : i32 to index
      %swap3A_570 = arith.index_cast %swap3A_568 : i32 to index
      %swap3A_571 = arith.index_cast %scan3A_562 : i32 to index
      %swap3A_572 = arith.constant 0 : index
      %swap3A_573 = tpu.vector_load %arg8[%swap3A_569, %swap3A_570, %swap3A_571, %swap3A_572] {strides = array<i32>} : memref<2x2x200x64xf32, #tpu.memory_space<vmem>>, vector<1x1x1x16xf32>,
      %swap3A_574 = vector.shape_cast %swap3A_573 : vector<1x1x1x16xf32> to vector<16xf32>
      %swap3A_575 = vector.shape_cast %get3A_566 : vector<16xf32> to vector<1x1x1x16xf32>
      tpu.vector_store %arg8[%swap3A_569, %swap3A_570, %swap3A_571, %swap3A_572], %swap3A_575 {add = true, strides = array<i32>} : memref<2x2x200x64xf32, #tpu.memory_space<vmem>>, vector<1x1x1x16xf32>,
      %get3A_576 = arith.index_cast %scan3A_562 : i32 to index
      %get3A_577 = arith.constant 16 : index
      %get3A_578 = tpu.vector_load %arg7[%get3A_576, %get3A_577] {strides = array<i32>} : memref<200x64xf32, #tpu.memory_space<vmem>>, vector<1x16xf32>,
      %get3A_579 = vector.shape_cast %get3A_578 : vector<1x16xf32> to vector<16xf32>
      %swap3A_580 = arith.constant 0 : i32
      %swap3A_581 = arith.constant 1 : i32
      %swap3A_582 = arith.index_cast %swap3A_580 : i32 to index
      %swap3A_583 = arith.index_cast %swap3A_581 : i32 to index
      %swap3A_584 = arith.index_cast %scan3A_562 : i32 to index
      %swap3A_585 = arith.constant 16 : index
      %swap3A_586 = tpu.vector_load %arg8[%swap3A_582, %swap3A_583, %swap3A_584, %swap3A_585] {strides = array<i32>} : memref<2x2x200x64xf32, #tpu.memory_space<vmem>>, vector<1x1x1x16xf32>,
      %swap3A_587 = vector.shape_cast %swap3A_586 : vector<1x1x1x16xf32> to vector<16xf32>
      %swap3A_588 = vector.shape_cast %get3A_579 : vector<16xf32> to vector<1x1x1x16xf32>
      tpu.vector_store %arg8[%swap3A_582, %swap3A_583, %swap3A_584, %swap3A_585], %swap3A_588 {add = true, strides = array<i32>} : memref<2x2x200x64xf32, #tpu.memory_space<vmem>>, vector<1x1x1x16xf32>,
      %get3A_589 = arith.index_cast %scan3A_562 : i32 to index
      %get3A_590 = arith.constant 32 : index
      %get3A_591 = tpu.vector_load %arg7[%get3A_589, %get3A_590] {strides = array<i32>} : memref<200x64xf32, #tpu.memory_space<vmem>>, vector<1x16xf32>,
      %get3A_592 = vector.shape_cast %get3A_591 : vector<1x16xf32> to vector<16xf32>
      %swap3A_593 = arith.constant 0 : i32
      %swap3A_594 = arith.constant 1 : i32
      %swap3A_595 = arith.index_cast %swap3A_593 : i32 to index
      %swap3A_596 = arith.index_cast %swap3A_594 : i32 to index
      %swap3A_597 = arith.index_cast %scan3A_562 : i32 to index
      %swap3A_598 = arith.constant 32 : index
      %swap3A_599 = tpu.vector_load %arg8[%swap3A_595, %swap3A_596, %swap3A_597, %swap3A_598] {strides = array<i32>} : memref<2x2x200x64xf32, #tpu.memory_space<vmem>>, vector<1x1x1x16xf32>,
      %swap3A_600 = vector.shape_cast %swap3A_599 : vector<1x1x1x16xf32> to vector<16xf32>
      %swap3A_601 = vector.shape_cast %get3A_592 : vector<16xf32> to vector<1x1x1x16xf32>
      tpu.vector_store %arg8[%swap3A_595, %swap3A_596, %swap3A_597, %swap3A_598], %swap3A_601 {add = true, strides = array<i32>} : memref<2x2x200x64xf32, #tpu.memory_space<vmem>>, vector<1x1x1x16xf32>,
      %get3A_602 = arith.index_cast %scan3A_562 : i32 to index
      %get3A_603 = arith.constant 48 : index
      %get3A_604 = tpu.vector_load %arg7[%get3A_602, %get3A_603] {strides = array<i32>} : memref<200x64xf32, #tpu.memory_space<vmem>>, vector<1x16xf32>,
      %get3A_605 = vector.shape_cast %get3A_604 : vector<1x16xf32> to vector<16xf32>
      %swap3A_606 = arith.constant 0 : i32
      %swap3A_607 = arith.constant 1 : i32
      %swap3A_608 = arith.index_cast %swap3A_606 : i32 to index
      %swap3A_609 = arith.index_cast %swap3A_607 : i32 to index
      %swap3A_610 = arith.index_cast %scan3A_562 : i32 to index
      %swap3A_611 = arith.constant 48 : index
      %swap3A_612 = tpu.vector_load %arg8[%swap3A_608, %swap3A_609, %swap3A_610, %swap3A_611] {strides = array<i32>} : memref<2x2x200x64xf32, #tpu.memory_space<vmem>>, vector<1x1x1x16xf32>,
      %swap3A_613 = vector.shape_cast %swap3A_612 : vector<1x1x1x16xf32> to vector<16xf32>
      %swap3A_614 = vector.shape_cast %get3A_605 : vector<16xf32> to vector<1x1x1x16xf32>
      tpu.vector_store %arg8[%swap3A_608, %swap3A_609, %swap3A_610, %swap3A_611], %swap3A_614 {add = true, strides = array<i32>} : memref<2x2x200x64xf32, #tpu.memory_space<vmem>>, vector<1x1x1x16xf32>,
      %scan3A_615 = arith.constant 2 : i32
      %scan3A_616 = arith.addi %scan3A_510, %scan3A_615 : i32
      %get3A_617 = arith.index_cast %scan3A_616 : i32 to index
      %get3A_618 = arith.constant 0 : index
      %get3A_619 = tpu.vector_load %arg7[%get3A_617, %get3A_618] {strides = array<i32>} : memref<200x64xf32, #tpu.memory_space<vmem>>, vector<1x16xf32>,
      %get3A_620 = vector.shape_cast %get3A_619 : vector<1x16xf32> to vector<16xf32>
      %swap3A_621 = arith.constant 0 : i32
      %swap3A_622 = arith.constant 1 : i32
      %swap3A_623 = arith.index_cast %swap3A_621 : i32 to index
      %swap3A_624 = arith.index_cast %swap3A_622 : i32 to index
      %swap3A_625 = arith.index_cast %scan3A_616 : i32 to index
      %swap3A_626 = arith.constant 0 : index
      %swap3A_627 = tpu.vector_load %arg8[%swap3A_623, %swap3A_624, %swap3A_625, %swap3A_626] {strides = array<i32>} : memref<2x2x200x64xf32, #tpu.memory_space<vmem>>, vector<1x1x1x16xf32>,
      %swap3A_628 = vector.shape_cast %swap3A_627 : vector<1x1x1x16xf32> to vector<16xf32>
      %swap3A_629 = vector.shape_cast %get3A_620 : vector<16xf32> to vector<1x1x1x16xf32>
      tpu.vector_store %arg8[%swap3A_623, %swap3A_624, %swap3A_625, %swap3A_626], %swap3A_629 {add = true, strides = array<i32>} : memref<2x2x200x64xf32, #tpu.memory_space<vmem>>, vector<1x1x1x16xf32>,
      %get3A_630 = arith.index_cast %scan3A_616 : i32 to index
      %get3A_631 = arith.constant 16 : index
      %get3A_632 = tpu.vector_load %arg7[%get3A_630, %get3A_631] {strides = array<i32>} : memref<200x64xf32, #tpu.memory_space<vmem>>, vector<1x16xf32>,
      %get3A_633 = vector.shape_cast %get3A_632 : vector<1x16xf32> to vector<16xf32>
      %swap3A_634 = arith.constant 0 : i32
      %swap3A_635 = arith.constant 1 : i32
      %swap3A_636 = arith.index_cast %swap3A_634 : i32 to index
      %swap3A_637 = arith.index_cast %swap3A_635 : i32 to index
      %swap3A_638 = arith.index_cast %scan3A_616 : i32 to index
      %swap3A_639 = arith.constant 16 : index
      %swap3A_640 = tpu.vector_load %arg8[%swap3A_636, %swap3A_637, %swap3A_638, %swap3A_639] {strides = array<i32>} : memref<2x2x200x64xf32, #tpu.memory_space<vmem>>, vector<1x1x1x16xf32>,
      %swap3A_641 = vector.shape_cast %swap3A_640 : vector<1x1x1x16xf32> to vector<16xf32>
      %swap3A_642 = vector.shape_cast %get3A_633 : vector<16xf32> to vector<1x1x1x16xf32>
      tpu.vector_store %arg8[%swap3A_636, %swap3A_637, %swap3A_638, %swap3A_639], %swap3A_642 {add = true, strides = array<i32>} : memref<2x2x200x64xf32, #tpu.memory_space<vmem>>, vector<1x1x1x16xf32>,
      %get3A_643 = arith.index_cast %scan3A_616 : i32 to index
      %get3A_644 = arith.constant 32 : index
      %get3A_645 = tpu.vector_load %arg7[%get3A_643, %get3A_644] {strides = array<i32>} : memref<200x64xf32, #tpu.memory_space<vmem>>, vector<1x16xf32>,
      %get3A_646 = vector.shape_cast %get3A_645 : vector<1x16xf32> to vector<16xf32>
      %swap3A_647 = arith.constant 0 : i32
      %swap3A_648 = arith.constant 1 : i32
      %swap3A_649 = arith.index_cast %swap3A_647 : i32 to index
      %swap3A_650 = arith.index_cast %swap3A_648 : i32 to index
      %swap3A_651 = arith.index_cast %scan3A_616 : i32 to index
      %swap3A_652 = arith.constant 32 : index
      %swap3A_653 = tpu.vector_load %arg8[%swap3A_649, %swap3A_650, %swap3A_651, %swap3A_652] {strides = array<i32>} : memref<2x2x200x64xf32, #tpu.memory_space<vmem>>, vector<1x1x1x16xf32>,
      %swap3A_654 = vector.shape_cast %swap3A_653 : vector<1x1x1x16xf32> to vector<16xf32>
      %swap3A_655 = vector.shape_cast %get3A_646 : vector<16xf32> to vector<1x1x1x16xf32>
      tpu.vector_store %arg8[%swap3A_649, %swap3A_650, %swap3A_651, %swap3A_652], %swap3A_655 {add = true, strides = array<i32>} : memref<2x2x200x64xf32, #tpu.memory_space<vmem>>, vector<1x1x1x16xf32>,
      %get3A_656 = arith.index_cast %scan3A_616 : i32 to index
      %get3A_657 = arith.constant 48 : index
      %get3A_658 = tpu.vector_load %arg7[%get3A_656, %get3A_657] {strides = array<i32>} : memref<200x64xf32, #tpu.memory_space<vmem>>, vector<1x16xf32>,
      %get3A_659 = vector.shape_cast %get3A_658 : vector<1x16xf32> to vector<16xf32>
      %swap3A_660 = arith.constant 0 : i32
      %swap3A_661 = arith.constant 1 : i32
      %swap3A_662 = arith.index_cast %swap3A_660 : i32 to index
      %swap3A_663 = arith.index_cast %swap3A_661 : i32 to index
      %swap3A_664 = arith.index_cast %scan3A_616 : i32 to index
      %swap3A_665 = arith.constant 48 : index
      %swap3A_666 = tpu.vector_load %arg8[%swap3A_662, %swap3A_663, %swap3A_664, %swap3A_665] {strides = array<i32>} : memref<2x2x200x64xf32, #tpu.memory_space<vmem>>, vector<1x1x1x16xf32>,
      %swap3A_667 = vector.shape_cast %swap3A_666 : vector<1x1x1x16xf32> to vector<16xf32>
      %swap3A_668 = vector.shape_cast %get3A_659 : vector<16xf32> to vector<1x1x1x16xf32>
      tpu.vector_store %arg8[%swap3A_662, %swap3A_663, %swap3A_664, %swap3A_665], %swap3A_668 {add = true, strides = array<i32>} : memref<2x2x200x64xf32, #tpu.memory_space<vmem>>, vector<1x1x1x16xf32>,
      %scan3A_669 = arith.constant 3 : i32
      %scan3A_670 = arith.addi %scan3A_510, %scan3A_669 : i32
      %get3A_671 = arith.index_cast %scan3A_670 : i32 to index
      %get3A_672 = arith.constant 0 : index
      %get3A_673 = tpu.vector_load %arg7[%get3A_671, %get3A_672] {strides = array<i32>} : memref<200x64xf32, #tpu.memory_space<vmem>>, vector<1x16xf32>,
      %get3A_674 = vector.shape_cast %get3A_673 : vector<1x16xf32> to vector<16xf32>
      %swap3A_675 = arith.constant 0 : i32
      %swap3A_676 = arith.constant 1 : i32
      %swap3A_677 = arith.index_cast %swap3A_675 : i32 to index
      %swap3A_678 = arith.index_cast %swap3A_676 : i32 to index
      %swap3A_679 = arith.index_cast %scan3A_670 : i32 to index
      %swap3A_680 = arith.constant 0 : index
      %swap3A_681 = tpu.vector_load %arg8[%swap3A_677, %swap3A_678, %swap3A_679, %swap3A_680] {strides = array<i32>} : memref<2x2x200x64xf32, #tpu.memory_space<vmem>>, vector<1x1x1x16xf32>,
      %swap3A_682 = vector.shape_cast %swap3A_681 : vector<1x1x1x16xf32> to vector<16xf32>
      %swap3A_683 = vector.shape_cast %get3A_674 : vector<16xf32> to vector<1x1x1x16xf32>
      tpu.vector_store %arg8[%swap3A_677, %swap3A_678, %swap3A_679, %swap3A_680], %swap3A_683 {add = true, strides = array<i32>} : memref<2x2x200x64xf32, #tpu.memory_space<vmem>>, vector<1x1x1x16xf32>,
      %get3A_684 = arith.index_cast %scan3A_670 : i32 to index
      %get3A_685 = arith.constant 16 : index
      %get3A_686 = tpu.vector_load %arg7[%get3A_684, %get3A_685] {strides = array<i32>} : memref<200x64xf32, #tpu.memory_space<vmem>>, vector<1x16xf32>,
      %get3A_687 = vector.shape_cast %get3A_686 : vector<1x16xf32> to vector<16xf32>
      %swap3A_688 = arith.constant 0 : i32
      %swap3A_689 = arith.constant 1 : i32
      %swap3A_690 = arith.index_cast %swap3A_688 : i32 to index
      %swap3A_691 = arith.index_cast %swap3A_689 : i32 to index
      %swap3A_692 = arith.index_cast %scan3A_670 : i32 to index
      %swap3A_693 = arith.constant 16 : index
      %swap3A_694 = tpu.vector_load %arg8[%swap3A_690, %swap3A_691, %swap3A_692, %swap3A_693] {strides = array<i32>} : memref<2x2x200x64xf32, #tpu.memory_space<vmem>>, vector<1x1x1x16xf32>,
      %swap3A_695 = vector.shape_cast %swap3A_694 : vector<1x1x1x16xf32> to vector<16xf32>
      %swap3A_696 = vector.shape_cast %get3A_687 : vector<16xf32> to vector<1x1x1x16xf32>
      tpu.vector_store %arg8[%swap3A_690, %swap3A_691, %swap3A_692, %swap3A_693], %swap3A_696 {add = true, strides = array<i32>} : memref<2x2x200x64xf32, #tpu.memory_space<vmem>>, vector<1x1x1x16xf32>,
      %get3A_697 = arith.index_cast %scan3A_670 : i32 to index
      %get3A_698 = arith.constant 32 : index
      %get3A_699 = tpu.vector_load %arg7[%get3A_697, %get3A_698] {strides = array<i32>} : memref<200x64xf32, #tpu.memory_space<vmem>>, vector<1x16xf32>,
      %get3A_700 = vector.shape_cast %get3A_699 : vector<1x16xf32> to vector<16xf32>
      %swap3A_701 = arith.constant 0 : i32
      %swap3A_702 = arith.constant 1 : i32
      %swap3A_703 = arith.index_cast %swap3A_701 : i32 to index
      %swap3A_704 = arith.index_cast %swap3A_702 : i32 to index
      %swap3A_705 = arith.index_cast %scan3A_670 : i32 to index
      %swap3A_706 = arith.constant 32 : index
      %swap3A_707 = tpu.vector_load %arg8[%swap3A_703, %swap3A_704, %swap3A_705, %swap3A_706] {strides = array<i32>} : memref<2x2x200x64xf32, #tpu.memory_space<vmem>>, vector<1x1x1x16xf32>,
      %swap3A_708 = vector.shape_cast %swap3A_707 : vector<1x1x1x16xf32> to vector<16xf32>
      %swap3A_709 = vector.shape_cast %get3A_700 : vector<16xf32> to vector<1x1x1x16xf32>
      tpu.vector_store %arg8[%swap3A_703, %swap3A_704, %swap3A_705, %swap3A_706], %swap3A_709 {add = true, strides = array<i32>} : memref<2x2x200x64xf32, #tpu.memory_space<vmem>>, vector<1x1x1x16xf32>,
      %get3A_710 = arith.index_cast %scan3A_670 : i32 to index
      %get3A_711 = arith.constant 48 : index
      %get3A_712 = tpu.vector_load %arg7[%get3A_710, %get3A_711] {strides = array<i32>} : memref<200x64xf32, #tpu.memory_space<vmem>>, vector<1x16xf32>,
      %get3A_713 = vector.shape_cast %get3A_712 : vector<1x16xf32> to vector<16xf32>
      %swap3A_714 = arith.constant 0 : i32
      %swap3A_715 = arith.constant 1 : i32
      %swap3A_716 = arith.index_cast %swap3A_714 : i32 to index
      %swap3A_717 = arith.index_cast %swap3A_715 : i32 to index
      %swap3A_718 = arith.index_cast %scan3A_670 : i32 to index
      %swap3A_719 = arith.constant 48 : index
      %swap3A_720 = tpu.vector_load %arg8[%swap3A_716, %swap3A_717, %swap3A_718, %swap3A_719] {strides = array<i32>} : memref<2x2x200x64xf32, #tpu.memory_space<vmem>>, vector<1x1x1x16xf32>,
      %swap3A_721 = vector.shape_cast %swap3A_720 : vector<1x1x1x16xf32> to vector<16xf32>
      %swap3A_722 = vector.shape_cast %get3A_713 : vector<16xf32> to vector<1x1x1x16xf32>
      tpu.vector_store %arg8[%swap3A_716, %swap3A_717, %swap3A_718, %swap3A_719], %swap3A_722 {add = true, strides = array<i32>} : memref<2x2x200x64xf32, #tpu.memory_space<vmem>>, vector<1x1x1x16xf32>,
    }
    %scan3A_398 = arith.constant 200 : i32
    %mul3A_399 = arith.constant 62 : i32
    %mul3A_400 = arith.constant 2 : i32
    %mul3A_401 = arith.muli %mul3A_399, %mul3A_400 : i32
    %add3A_402 = arith.addi %mul3A_2, %mul3A_401 : i32
    %dma_start3A_403 = arith.constant 0 : i32
    %dma_start3A_404 = arith.constant 0 : i32
    %dma_start3A_405 = arith.constant 0 : i32
    %dma_start3A_406 = arith.constant 0 : i32
    %dma_start3A_407 = tpu.memref_slice %arg8[%dma_start3A_403, %dma_start3A_404, %dma_start3A_405, %dma_start3A_406] : memref<2x2x200x64xf32, #tpu.memory_space<vmem>> -> memref<1x2x200x64xf32, #tpu.memory_space<vmem>>
    %dma_start3A_408 = tpu.memref_squeeze %dma_start3A_407 : memref<1x2x200x64xf32, #tpu.memory_space<vmem>> -> memref<2x200x64xf32, #tpu.memory_space<vmem>>
    %dma_start3A_409 = arith.constant 0 : i32
    %dma_start3A_410 = arith.constant 0 : i32
    %dma_start3A_411 = tpu.memref_slice %arg5[%add3A_402, %dma_start3A_409, %dma_start3A_410] : memref<4096x200x64xf32, #tpu.memory_space<hbm>> -> memref<2x200x64xf32, #tpu.memory_space<hbm>>
    %dma_start3A_412 = arith.constant 0 : i32
    %dma_start3A_413 = arith.constant 0 : i32
    %dma_start3A_414 = tpu.memref_slice %arg5[%add3A_402, %dma_start3A_412, %dma_start3A_413] : memref<4096x200x64xf32, #tpu.memory_space<hbm>> -> memref<2x200x64xf32, #tpu.memory_space<hbm>>
    %dma_start3A_415 = arith.constant 0 : i32
    %dma_start3A_416 = arith.constant 0 : i32
    %dma_start3A_417 = arith.constant 0 : i32
    %dma_start3A_418 = tpu.memref_slice %arg8[%dma_start3A_403, %dma_start3A_415, %dma_start3A_416, %dma_start3A_417] : memref<2x2x200x64xf32, #tpu.memory_space<vmem>> -> memref<1x2x200x64xf32, #tpu.memory_space<vmem>>
    %dma_start3A_419 = tpu.memref_squeeze %dma_start3A_418 : memref<1x2x200x64xf32, #tpu.memory_space<vmem>> -> memref<2x200x64xf32, #tpu.memory_space<vmem>>
    tpu.enqueue_dma source(%dma_start3A_419 : memref<2x200x64xf32, #tpu.memory_space<vmem>>) target(%dma_start3A_414 : memref<2x200x64xf32, #tpu.memory_space<hbm>>) target_semaphore(%arg11 : memref<!tpu.dma_semaphore, #tpu.memory_space<semaphore_mem>>)
    %dma_wait3A_420 = arith.constant 1 : i32
    %dma_wait3A_421 = arith.constant 0 : i32
    %dma_wait3A_422 = arith.constant 0 : i32
    %dma_wait3A_423 = arith.constant 0 : i32
    %dma_wait3A_424 = tpu.memref_slice %arg8[%dma_wait3A_420, %dma_wait3A_421, %dma_wait3A_422, %dma_wait3A_423] : memref<2x2x200x64xf32, #tpu.memory_space<vmem>> -> memref<1x2x200x64xf32, #tpu.memory_space<vmem>>
    %dma_wait3A_425 = tpu.memref_squeeze %dma_wait3A_424 : memref<1x2x200x64xf32, #tpu.memory_space<vmem>> -> memref<2x200x64xf32, #tpu.memory_space<vmem>>
    %dma_wait3A_426 = arith.constant 0 : i32
    %dma_wait3A_427 = arith.constant 0 : i32
    %dma_wait3A_428 = arith.constant 0 : i32
    %dma_wait3A_429 = tpu.memref_slice %arg5[%dma_wait3A_426, %dma_wait3A_427, %dma_wait3A_428] : memref<4096x200x64xf32, #tpu.memory_space<hbm>> -> memref<2x200x64xf32, #tpu.memory_space<hbm>>
    %dma_wait3A_430 = arith.constant 0 : i32
    %dma_wait3A_431 = arith.constant 0 : i32
    %dma_wait3A_432 = arith.constant 0 : i32
    %dma_wait3A_433 = tpu.memref_slice %arg8[%dma_wait3A_420, %dma_wait3A_430, %dma_wait3A_431, %dma_wait3A_432] : memref<2x2x200x64xf32, #tpu.memory_space<vmem>> -> memref<1x2x200x64xf32, #tpu.memory_space<vmem>>
    %dma_wait3A_434 = tpu.memref_squeeze %dma_wait3A_433 : memref<1x2x200x64xf32, #tpu.memory_space<vmem>> -> memref<2x200x64xf32, #tpu.memory_space<vmem>>
    %dma_wait3A_435 = arith.constant 0 : i32
    %dma_wait3A_436 = arith.constant 0 : i32
    %dma_wait3A_437 = arith.constant 0 : i32
    %dma_wait3A_438 = tpu.memref_slice %arg5[%dma_wait3A_435, %dma_wait3A_436, %dma_wait3A_437] : memref<4096x200x64xf32, #tpu.memory_space<hbm>> -> memref<2x200x64xf32, #tpu.memory_space<hbm>>
    tpu.wait_dma2 semaphore(%arg10 : memref<!tpu.dma_semaphore, #tpu.memory_space<semaphore_mem>>) src(%dma_wait3A_438 : memref<2x200x64xf32, #tpu.memory_space<hbm>>) dst(%dma_wait3A_434 : memref<2x200x64xf32, #tpu.memory_space<vmem>>)
    %scan3A_439 = arith.constant 0 : i32
    %scan3A_440 = arith.constant 0 : i32
    %scan3A_441 = arith.constant 200 : i32
    %scan3A_442 = arith.addi %scan3A_440, %scan3A_441 : i32
    %scan3A_443 = arith.constant 4 : i32
    scf.for %scan3A_510 = %scan3A_440 to %scan3A_442 step %scan3A_443  : i32 {
      %get3A = arith.index_cast %scan3A_510 : i32 to index
      %get3A_511 = arith.constant 0 : index
      %get3A_512 = tpu.vector_load %arg7[%get3A, %get3A_511] {strides = array<i32>} : memref<200x64xf32, #tpu.memory_space<vmem>>, vector<1x16xf32>,
      %get3A_513 = vector.shape_cast %get3A_512 : vector<1x16xf32> to vector<16xf32>
      %swap3A = arith.constant 1 : i32
      %swap3A_514 = arith.constant 0 : i32
      %swap3A_515 = arith.index_cast %swap3A : i32 to index
      %swap3A_516 = arith.index_cast %swap3A_514 : i32 to index
      %swap3A_517 = arith.index_cast %scan3A_510 : i32 to index
      %swap3A_518 = arith.constant 0 : index
      %swap3A_519 = tpu.vector_load %arg8[%swap3A_515, %swap3A_516, %swap3A_517, %swap3A_518] {strides = array<i32>} : memref<2x2x200x64xf32, #tpu.memory_space<vmem>>, vector<1x1x1x16xf32>,
      %swap3A_520 = vector.shape_cast %swap3A_519 : vector<1x1x1x16xf32> to vector<16xf32>
      %swap3A_521 = vector.shape_cast %get3A_513 : vector<16xf32> to vector<1x1x1x16xf32>
      tpu.vector_store %arg8[%swap3A_515, %swap3A_516, %swap3A_517, %swap3A_518], %swap3A_521 {add = true, strides = array<i32>} : memref<2x2x200x64xf32, #tpu.memory_space<vmem>>, vector<1x1x1x16xf32>,
      %get3A_522 = arith.index_cast %scan3A_510 : i32 to index
      %get3A_523 = arith.constant 16 : index
      %get3A_524 = tpu.vector_load %arg7[%get3A_522, %get3A_523] {strides = array<i32>} : memref<200x64xf32, #tpu.memory_space<vmem>>, vector<1x16xf32>,
      %get3A_525 = vector.shape_cast %get3A_524 : vector<1x16xf32> to vector<16xf32>
      %swap3A_526 = arith.constant 1 : i32
      %swap3A_527 = arith.constant 0 : i32
      %swap3A_528 = arith.index_cast %swap3A_526 : i32 to index
      %swap3A_529 = arith.index_cast %swap3A_527 : i32 to index
      %swap3A_530 = arith.index_cast %scan3A_510 : i32 to index
      %swap3A_531 = arith.constant 16 : index
      %swap3A_532 = tpu.vector_load %arg8[%swap3A_528, %swap3A_529, %swap3A_530, %swap3A_531] {strides = array<i32>} : memref<2x2x200x64xf32, #tpu.memory_space<vmem>>, vector<1x1x1x16xf32>,
      %swap3A_533 = vector.shape_cast %swap3A_532 : vector<1x1x1x16xf32> to vector<16xf32>
      %swap3A_534 = vector.shape_cast %get3A_525 : vector<16xf32> to vector<1x1x1x16xf32>
      tpu.vector_store %arg8[%swap3A_528, %swap3A_529, %swap3A_530, %swap3A_531], %swap3A_534 {add = true, strides = array<i32>} : memref<2x2x200x64xf32, #tpu.memory_space<vmem>>, vector<1x1x1x16xf32>,
      %get3A_535 = arith.index_cast %scan3A_510 : i32 to index
      %get3A_536 = arith.constant 32 : index
      %get3A_537 = tpu.vector_load %arg7[%get3A_535, %get3A_536] {strides = array<i32>} : memref<200x64xf32, #tpu.memory_space<vmem>>, vector<1x16xf32>,
      %get3A_538 = vector.shape_cast %get3A_537 : vector<1x16xf32> to vector<16xf32>
      %swap3A_539 = arith.constant 1 : i32
      %swap3A_540 = arith.constant 0 : i32
      %swap3A_541 = arith.index_cast %swap3A_539 : i32 to index
      %swap3A_542 = arith.index_cast %swap3A_540 : i32 to index
      %swap3A_543 = arith.index_cast %scan3A_510 : i32 to index
      %swap3A_544 = arith.constant 32 : index
      %swap3A_545 = tpu.vector_load %arg8[%swap3A_541, %swap3A_542, %swap3A_543, %swap3A_544] {strides = array<i32>} : memref<2x2x200x64xf32, #tpu.memory_space<vmem>>, vector<1x1x1x16xf32>,
      %swap3A_546 = vector.shape_cast %swap3A_545 : vector<1x1x1x16xf32> to vector<16xf32>
      %swap3A_547 = vector.shape_cast %get3A_538 : vector<16xf32> to vector<1x1x1x16xf32>
      tpu.vector_store %arg8[%swap3A_541, %swap3A_542, %swap3A_543, %swap3A_544], %swap3A_547 {add = true, strides = array<i32>} : memref<2x2x200x64xf32, #tpu.memory_space<vmem>>, vector<1x1x1x16xf32>,
      %get3A_548 = arith.index_cast %scan3A_510 : i32 to index
      %get3A_549 = arith.constant 48 : index
      %get3A_550 = tpu.vector_load %arg7[%get3A_548, %get3A_549] {strides = array<i32>} : memref<200x64xf32, #tpu.memory_space<vmem>>, vector<1x16xf32>,
      %get3A_551 = vector.shape_cast %get3A_550 : vector<1x16xf32> to vector<16xf32>
      %swap3A_552 = arith.constant 1 : i32
      %swap3A_553 = arith.constant 0 : i32
      %swap3A_554 = arith.index_cast %swap3A_552 : i32 to index
      %swap3A_555 = arith.index_cast %swap3A_553 : i32 to index
      %swap3A_556 = arith.index_cast %scan3A_510 : i32 to index
      %swap3A_557 = arith.constant 48 : index
      %swap3A_558 = tpu.vector_load %arg8[%swap3A_554, %swap3A_555, %swap3A_556, %swap3A_557] {strides = array<i32>} : memref<2x2x200x64xf32, #tpu.memory_space<vmem>>, vector<1x1x1x16xf32>,
      %swap3A_559 = vector.shape_cast %swap3A_558 : vector<1x1x1x16xf32> to vector<16xf32>
      %swap3A_560 = vector.shape_cast %get3A_551 : vector<16xf32> to vector<1x1x1x16xf32>
      tpu.vector_store %arg8[%swap3A_554, %swap3A_555, %swap3A_556, %swap3A_557], %swap3A_560 {add = true, strides = array<i32>} : memref<2x2x200x64xf32, #tpu.memory_space<vmem>>, vector<1x1x1x16xf32>,
      %scan3A_561 = arith.constant 1 : i32
      %scan3A_562 = arith.addi %scan3A_510, %scan3A_561 : i32
      %get3A_563 = arith.index_cast %scan3A_562 : i32 to index
      %get3A_564 = arith.constant 0 : index
      %get3A_565 = tpu.vector_load %arg7[%get3A_563, %get3A_564] {strides = array<i32>} : memref<200x64xf32, #tpu.memory_space<vmem>>, vector<1x16xf32>,
      %get3A_566 = vector.shape_cast %get3A_565 : vector<1x16xf32> to vector<16xf32>
      %swap3A_567 = arith.constant 1 : i32
      %swap3A_568 = arith.constant 0 : i32
      %swap3A_569 = arith.index_cast %swap3A_567 : i32 to index
      %swap3A_570 = arith.index_cast %swap3A_568 : i32 to index
      %swap3A_571 = arith.index_cast %scan3A_562 : i32 to index
      %swap3A_572 = arith.constant 0 : index
      %swap3A_573 = tpu.vector_load %arg8[%swap3A_569, %swap3A_570, %swap3A_571, %swap3A_572] {strides = array<i32>} : memref<2x2x200x64xf32, #tpu.memory_space<vmem>>, vector<1x1x1x16xf32>,
      %swap3A_574 = vector.shape_cast %swap3A_573 : vector<1x1x1x16xf32> to vector<16xf32>
      %swap3A_575 = vector.shape_cast %get3A_566 : vector<16xf32> to vector<1x1x1x16xf32>
      tpu.vector_store %arg8[%swap3A_569, %swap3A_570, %swap3A_571, %swap3A_572], %swap3A_575 {add = true, strides = array<i32>} : memref<2x2x200x64xf32, #tpu.memory_space<vmem>>, vector<1x1x1x16xf32>,
      %get3A_576 = arith.index_cast %scan3A_562 : i32 to index
      %get3A_577 = arith.constant 16 : index
      %get3A_578 = tpu.vector_load %arg7[%get3A_576, %get3A_577] {strides = array<i32>} : memref<200x64xf32, #tpu.memory_space<vmem>>, vector<1x16xf32>,
      %get3A_579 = vector.shape_cast %get3A_578 : vector<1x16xf32> to vector<16xf32>
      %swap3A_580 = arith.constant 1 : i32
      %swap3A_581 = arith.constant 0 : i32
      %swap3A_582 = arith.index_cast %swap3A_580 : i32 to index
      %swap3A_583 = arith.index_cast %swap3A_581 : i32 to index
      %swap3A_584 = arith.index_cast %scan3A_562 : i32 to index
      %swap3A_585 = arith.constant 16 : index
      %swap3A_586 = tpu.vector_load %arg8[%swap3A_582, %swap3A_583, %swap3A_584, %swap3A_585] {strides = array<i32>} : memref<2x2x200x64xf32, #tpu.memory_space<vmem>>, vector<1x1x1x16xf32>,
      %swap3A_587 = vector.shape_cast %swap3A_586 : vector<1x1x1x16xf32> to vector<16xf32>
      %swap3A_588 = vector.shape_cast %get3A_579 : vector<16xf32> to vector<1x1x1x16xf32>
      tpu.vector_store %arg8[%swap3A_582, %swap3A_583, %swap3A_584, %swap3A_585], %swap3A_588 {add = true, strides = array<i32>} : memref<2x2x200x64xf32, #tpu.memory_space<vmem>>, vector<1x1x1x16xf32>,
      %get3A_589 = arith.index_cast %scan3A_562 : i32 to index
      %get3A_590 = arith.constant 32 : index
      %get3A_591 = tpu.vector_load %arg7[%get3A_589, %get3A_590] {strides = array<i32>} : memref<200x64xf32, #tpu.memory_space<vmem>>, vector<1x16xf32>,
      %get3A_592 = vector.shape_cast %get3A_591 : vector<1x16xf32> to vector<16xf32>
      %swap3A_593 = arith.constant 1 : i32
      %swap3A_594 = arith.constant 0 : i32
      %swap3A_595 = arith.index_cast %swap3A_593 : i32 to index
      %swap3A_596 = arith.index_cast %swap3A_594 : i32 to index
      %swap3A_597 = arith.index_cast %scan3A_562 : i32 to index
      %swap3A_598 = arith.constant 32 : index
      %swap3A_599 = tpu.vector_load %arg8[%swap3A_595, %swap3A_596, %swap3A_597, %swap3A_598] {strides = array<i32>} : memref<2x2x200x64xf32, #tpu.memory_space<vmem>>, vector<1x1x1x16xf32>,
      %swap3A_600 = vector.shape_cast %swap3A_599 : vector<1x1x1x16xf32> to vector<16xf32>
      %swap3A_601 = vector.shape_cast %get3A_592 : vector<16xf32> to vector<1x1x1x16xf32>
      tpu.vector_store %arg8[%swap3A_595, %swap3A_596, %swap3A_597, %swap3A_598], %swap3A_601 {add = true, strides = array<i32>} : memref<2x2x200x64xf32, #tpu.memory_space<vmem>>, vector<1x1x1x16xf32>,
      %get3A_602 = arith.index_cast %scan3A_562 : i32 to index
      %get3A_603 = arith.constant 48 : index
      %get3A_604 = tpu.vector_load %arg7[%get3A_602, %get3A_603] {strides = array<i32>} : memref<200x64xf32, #tpu.memory_space<vmem>>, vector<1x16xf32>,
      %get3A_605 = vector.shape_cast %get3A_604 : vector<1x16xf32> to vector<16xf32>
      %swap3A_606 = arith.constant 1 : i32
      %swap3A_607 = arith.constant 0 : i32
      %swap3A_608 = arith.index_cast %swap3A_606 : i32 to index
      %swap3A_609 = arith.index_cast %swap3A_607 : i32 to index
      %swap3A_610 = arith.index_cast %scan3A_562 : i32 to index
      %swap3A_611 = arith.constant 48 : index
      %swap3A_612 = tpu.vector_load %arg8[%swap3A_608, %swap3A_609, %swap3A_610, %swap3A_611] {strides = array<i32>} : memref<2x2x200x64xf32, #tpu.memory_space<vmem>>, vector<1x1x1x16xf32>,
      %swap3A_613 = vector.shape_cast %swap3A_612 : vector<1x1x1x16xf32> to vector<16xf32>
      %swap3A_614 = vector.shape_cast %get3A_605 : vector<16xf32> to vector<1x1x1x16xf32>
      tpu.vector_store %arg8[%swap3A_608, %swap3A_609, %swap3A_610, %swap3A_611], %swap3A_614 {add = true, strides = array<i32>} : memref<2x2x200x64xf32, #tpu.memory_space<vmem>>, vector<1x1x1x16xf32>,
      %scan3A_615 = arith.constant 2 : i32
      %scan3A_616 = arith.addi %scan3A_510, %scan3A_615 : i32
      %get3A_617 = arith.index_cast %scan3A_616 : i32 to index
      %get3A_618 = arith.constant 0 : index
      %get3A_619 = tpu.vector_load %arg7[%get3A_617, %get3A_618] {strides = array<i32>} : memref<200x64xf32, #tpu.memory_space<vmem>>, vector<1x16xf32>,
      %get3A_620 = vector.shape_cast %get3A_619 : vector<1x16xf32> to vector<16xf32>
      %swap3A_621 = arith.constant 1 : i32
      %swap3A_622 = arith.constant 0 : i32
      %swap3A_623 = arith.index_cast %swap3A_621 : i32 to index
      %swap3A_624 = arith.index_cast %swap3A_622 : i32 to index
      %swap3A_625 = arith.index_cast %scan3A_616 : i32 to index
      %swap3A_626 = arith.constant 0 : index
      %swap3A_627 = tpu.vector_load %arg8[%swap3A_623, %swap3A_624, %swap3A_625, %swap3A_626] {strides = array<i32>} : memref<2x2x200x64xf32, #tpu.memory_space<vmem>>, vector<1x1x1x16xf32>,
      %swap3A_628 = vector.shape_cast %swap3A_627 : vector<1x1x1x16xf32> to vector<16xf32>
      %swap3A_629 = vector.shape_cast %get3A_620 : vector<16xf32> to vector<1x1x1x16xf32>
      tpu.vector_store %arg8[%swap3A_623, %swap3A_624, %swap3A_625, %swap3A_626], %swap3A_629 {add = true, strides = array<i32>} : memref<2x2x200x64xf32, #tpu.memory_space<vmem>>, vector<1x1x1x16xf32>,
      %get3A_630 = arith.index_cast %scan3A_616 : i32 to index
      %get3A_631 = arith.constant 16 : index
      %get3A_632 = tpu.vector_load %arg7[%get3A_630, %get3A_631] {strides = array<i32>} : memref<200x64xf32, #tpu.memory_space<vmem>>, vector<1x16xf32>,
      %get3A_633 = vector.shape_cast %get3A_632 : vector<1x16xf32> to vector<16xf32>
      %swap3A_634 = arith.constant 1 : i32
      %swap3A_635 = arith.constant 0 : i32
      %swap3A_636 = arith.index_cast %swap3A_634 : i32 to index
      %swap3A_637 = arith.index_cast %swap3A_635 : i32 to index
      %swap3A_638 = arith.index_cast %scan3A_616 : i32 to index
      %swap3A_639 = arith.constant 16 : index
      %swap3A_640 = tpu.vector_load %arg8[%swap3A_636, %swap3A_637, %swap3A_638, %swap3A_639] {strides = array<i32>} : memref<2x2x200x64xf32, #tpu.memory_space<vmem>>, vector<1x1x1x16xf32>,
      %swap3A_641 = vector.shape_cast %swap3A_640 : vector<1x1x1x16xf32> to vector<16xf32>
      %swap3A_642 = vector.shape_cast %get3A_633 : vector<16xf32> to vector<1x1x1x16xf32>
      tpu.vector_store %arg8[%swap3A_636, %swap3A_637, %swap3A_638, %swap3A_639], %swap3A_642 {add = true, strides = array<i32>} : memref<2x2x200x64xf32, #tpu.memory_space<vmem>>, vector<1x1x1x16xf32>,
      %get3A_643 = arith.index_cast %scan3A_616 : i32 to index
      %get3A_644 = arith.constant 32 : index
      %get3A_645 = tpu.vector_load %arg7[%get3A_643, %get3A_644] {strides = array<i32>} : memref<200x64xf32, #tpu.memory_space<vmem>>, vector<1x16xf32>,
      %get3A_646 = vector.shape_cast %get3A_645 : vector<1x16xf32> to vector<16xf32>
      %swap3A_647 = arith.constant 1 : i32
      %swap3A_648 = arith.constant 0 : i32
      %swap3A_649 = arith.index_cast %swap3A_647 : i32 to index
      %swap3A_650 = arith.index_cast %swap3A_648 : i32 to index
      %swap3A_651 = arith.index_cast %scan3A_616 : i32 to index
      %swap3A_652 = arith.constant 32 : index
      %swap3A_653 = tpu.vector_load %arg8[%swap3A_649, %swap3A_650, %swap3A_651, %swap3A_652] {strides = array<i32>} : memref<2x2x200x64xf32, #tpu.memory_space<vmem>>, vector<1x1x1x16xf32>,
      %swap3A_654 = vector.shape_cast %swap3A_653 : vector<1x1x1x16xf32> to vector<16xf32>
      %swap3A_655 = vector.shape_cast %get3A_646 : vector<16xf32> to vector<1x1x1x16xf32>
      tpu.vector_store %arg8[%swap3A_649, %swap3A_650, %swap3A_651, %swap3A_652], %swap3A_655 {add = true, strides = array<i32>} : memref<2x2x200x64xf32, #tpu.memory_space<vmem>>, vector<1x1x1x16xf32>,
      %get3A_656 = arith.index_cast %scan3A_616 : i32 to index
      %get3A_657 = arith.constant 48 : index
      %get3A_658 = tpu.vector_load %arg7[%get3A_656, %get3A_657] {strides = array<i32>} : memref<200x64xf32, #tpu.memory_space<vmem>>, vector<1x16xf32>,
      %get3A_659 = vector.shape_cast %get3A_658 : vector<1x16xf32> to vector<16xf32>
      %swap3A_660 = arith.constant 1 : i32
      %swap3A_661 = arith.constant 0 : i32
      %swap3A_662 = arith.index_cast %swap3A_660 : i32 to index
      %swap3A_663 = arith.index_cast %swap3A_661 : i32 to index
      %swap3A_664 = arith.index_cast %scan3A_616 : i32 to index
      %swap3A_665 = arith.constant 48 : index
      %swap3A_666 = tpu.vector_load %arg8[%swap3A_662, %swap3A_663, %swap3A_664, %swap3A_665] {strides = array<i32>} : memref<2x2x200x64xf32, #tpu.memory_space<vmem>>, vector<1x1x1x16xf32>,
      %swap3A_667 = vector.shape_cast %swap3A_666 : vector<1x1x1x16xf32> to vector<16xf32>
      %swap3A_668 = vector.shape_cast %get3A_659 : vector<16xf32> to vector<1x1x1x16xf32>
      tpu.vector_store %arg8[%swap3A_662, %swap3A_663, %swap3A_664, %swap3A_665], %swap3A_668 {add = true, strides = array<i32>} : memref<2x2x200x64xf32, #tpu.memory_space<vmem>>, vector<1x1x1x16xf32>,
      %scan3A_669 = arith.constant 3 : i32
      %scan3A_670 = arith.addi %scan3A_510, %scan3A_669 : i32
      %get3A_671 = arith.index_cast %scan3A_670 : i32 to index
      %get3A_672 = arith.constant 0 : index
      %get3A_673 = tpu.vector_load %arg7[%get3A_671, %get3A_672] {strides = array<i32>} : memref<200x64xf32, #tpu.memory_space<vmem>>, vector<1x16xf32>,
      %get3A_674 = vector.shape_cast %get3A_673 : vector<1x16xf32> to vector<16xf32>
      %swap3A_675 = arith.constant 1 : i32
      %swap3A_676 = arith.constant 0 : i32
      %swap3A_677 = arith.index_cast %swap3A_675 : i32 to index
      %swap3A_678 = arith.index_cast %swap3A_676 : i32 to index
      %swap3A_679 = arith.index_cast %scan3A_670 : i32 to index
      %swap3A_680 = arith.constant 0 : index
      %swap3A_681 = tpu.vector_load %arg8[%swap3A_677, %swap3A_678, %swap3A_679, %swap3A_680] {strides = array<i32>} : memref<2x2x200x64xf32, #tpu.memory_space<vmem>>, vector<1x1x1x16xf32>,
      %swap3A_682 = vector.shape_cast %swap3A_681 : vector<1x1x1x16xf32> to vector<16xf32>
      %swap3A_683 = vector.shape_cast %get3A_674 : vector<16xf32> to vector<1x1x1x16xf32>
      tpu.vector_store %arg8[%swap3A_677, %swap3A_678, %swap3A_679, %swap3A_680], %swap3A_683 {add = true, strides = array<i32>} : memref<2x2x200x64xf32, #tpu.memory_space<vmem>>, vector<1x1x1x16xf32>,
      %get3A_684 = arith.index_cast %scan3A_670 : i32 to index
      %get3A_685 = arith.constant 16 : index
      %get3A_686 = tpu.vector_load %arg7[%get3A_684, %get3A_685] {strides = array<i32>} : memref<200x64xf32, #tpu.memory_space<vmem>>, vector<1x16xf32>,
      %get3A_687 = vector.shape_cast %get3A_686 : vector<1x16xf32> to vector<16xf32>
      %swap3A_688 = arith.constant 1 : i32
      %swap3A_689 = arith.constant 0 : i32
      %swap3A_690 = arith.index_cast %swap3A_688 : i32 to index
      %swap3A_691 = arith.index_cast %swap3A_689 : i32 to index
      %swap3A_692 = arith.index_cast %scan3A_670 : i32 to index
      %swap3A_693 = arith.constant 16 : index
      %swap3A_694 = tpu.vector_load %arg8[%swap3A_690, %swap3A_691, %swap3A_692, %swap3A_693] {strides = array<i32>} : memref<2x2x200x64xf32, #tpu.memory_space<vmem>>, vector<1x1x1x16xf32>,
      %swap3A_695 = vector.shape_cast %swap3A_694 : vector<1x1x1x16xf32> to vector<16xf32>
      %swap3A_696 = vector.shape_cast %get3A_687 : vector<16xf32> to vector<1x1x1x16xf32>
      tpu.vector_store %arg8[%swap3A_690, %swap3A_691, %swap3A_692, %swap3A_693], %swap3A_696 {add = true, strides = array<i32>} : memref<2x2x200x64xf32, #tpu.memory_space<vmem>>, vector<1x1x1x16xf32>,
      %get3A_697 = arith.index_cast %scan3A_670 : i32 to index
      %get3A_698 = arith.constant 32 : index
      %get3A_699 = tpu.vector_load %arg7[%get3A_697, %get3A_698] {strides = array<i32>} : memref<200x64xf32, #tpu.memory_space<vmem>>, vector<1x16xf32>,
      %get3A_700 = vector.shape_cast %get3A_699 : vector<1x16xf32> to vector<16xf32>
      %swap3A_701 = arith.constant 1 : i32
      %swap3A_702 = arith.constant 0 : i32
      %swap3A_703 = arith.index_cast %swap3A_701 : i32 to index
      %swap3A_704 = arith.index_cast %swap3A_702 : i32 to index
      %swap3A_705 = arith.index_cast %scan3A_670 : i32 to index
      %swap3A_706 = arith.constant 32 : index
      %swap3A_707 = tpu.vector_load %arg8[%swap3A_703, %swap3A_704, %swap3A_705, %swap3A_706] {strides = array<i32>} : memref<2x2x200x64xf32, #tpu.memory_space<vmem>>, vector<1x1x1x16xf32>,
      %swap3A_708 = vector.shape_cast %swap3A_707 : vector<1x1x1x16xf32> to vector<16xf32>
      %swap3A_709 = vector.shape_cast %get3A_700 : vector<16xf32> to vector<1x1x1x16xf32>
      tpu.vector_store %arg8[%swap3A_703, %swap3A_704, %swap3A_705, %swap3A_706], %swap3A_709 {add = true, strides = array<i32>} : memref<2x2x200x64xf32, #tpu.memory_space<vmem>>, vector<1x1x1x16xf32>,
      %get3A_710 = arith.index_cast %scan3A_670 : i32 to index
      %get3A_711 = arith.constant 48 : index
      %get3A_712 = tpu.vector_load %arg7[%get3A_710, %get3A_711] {strides = array<i32>} : memref<200x64xf32, #tpu.memory_space<vmem>>, vector<1x16xf32>,
      %get3A_713 = vector.shape_cast %get3A_712 : vector<1x16xf32> to vector<16xf32>
      %swap3A_714 = arith.constant 1 : i32
      %swap3A_715 = arith.constant 0 : i32
      %swap3A_716 = arith.index_cast %swap3A_714 : i32 to index
      %swap3A_717 = arith.index_cast %swap3A_715 : i32 to index
      %swap3A_718 = arith.index_cast %scan3A_670 : i32 to index
      %swap3A_719 = arith.constant 48 : index
      %swap3A_720 = tpu.vector_load %arg8[%swap3A_716, %swap3A_717, %swap3A_718, %swap3A_719] {strides = array<i32>} : memref<2x2x200x64xf32, #tpu.memory_space<vmem>>, vector<1x1x1x16xf32>,
      %swap3A_721 = vector.shape_cast %swap3A_720 : vector<1x1x1x16xf32> to vector<16xf32>
      %swap3A_722 = vector.shape_cast %get3A_713 : vector<16xf32> to vector<1x1x1x16xf32>
      tpu.vector_store %arg8[%swap3A_716, %swap3A_717, %swap3A_718, %swap3A_719], %swap3A_722 {add = true, strides = array<i32>} : memref<2x2x200x64xf32, #tpu.memory_space<vmem>>, vector<1x1x1x16xf32>,
    }
    %scan3A_444 = arith.constant 200 : i32
    %scan3A_445 = arith.constant 0 : i32
    %scan3A_446 = arith.constant 0 : i32
    %scan3A_447 = arith.constant 200 : i32
    %scan3A_448 = arith.addi %scan3A_446, %scan3A_447 : i32
    %scan3A_449 = arith.constant 4 : i32
    scf.for %scan3A_510 = %scan3A_446 to %scan3A_448 step %scan3A_449  : i32 {
      %get3A = arith.index_cast %scan3A_510 : i32 to index
      %get3A_511 = arith.constant 0 : index
      %get3A_512 = tpu.vector_load %arg7[%get3A, %get3A_511] {strides = array<i32>} : memref<200x64xf32, #tpu.memory_space<vmem>>, vector<1x16xf32>,
      %get3A_513 = vector.shape_cast %get3A_512 : vector<1x16xf32> to vector<16xf32>
      %swap3A = arith.constant 1 : i32
      %swap3A_514 = arith.constant 1 : i32
      %swap3A_515 = arith.index_cast %swap3A : i32 to index
      %swap3A_516 = arith.index_cast %swap3A_514 : i32 to index
      %swap3A_517 = arith.index_cast %scan3A_510 : i32 to index
      %swap3A_518 = arith.constant 0 : index
      %swap3A_519 = tpu.vector_load %arg8[%swap3A_515, %swap3A_516, %swap3A_517, %swap3A_518] {strides = array<i32>} : memref<2x2x200x64xf32, #tpu.memory_space<vmem>>, vector<1x1x1x16xf32>,
      %swap3A_520 = vector.shape_cast %swap3A_519 : vector<1x1x1x16xf32> to vector<16xf32>
      %swap3A_521 = vector.shape_cast %get3A_513 : vector<16xf32> to vector<1x1x1x16xf32>
      tpu.vector_store %arg8[%swap3A_515, %swap3A_516, %swap3A_517, %swap3A_518], %swap3A_521 {add = true, strides = array<i32>} : memref<2x2x200x64xf32, #tpu.memory_space<vmem>>, vector<1x1x1x16xf32>,
      %get3A_522 = arith.index_cast %scan3A_510 : i32 to index
      %get3A_523 = arith.constant 16 : index
      %get3A_524 = tpu.vector_load %arg7[%get3A_522, %get3A_523] {strides = array<i32>} : memref<200x64xf32, #tpu.memory_space<vmem>>, vector<1x16xf32>,
      %get3A_525 = vector.shape_cast %get3A_524 : vector<1x16xf32> to vector<16xf32>
      %swap3A_526 = arith.constant 1 : i32
      %swap3A_527 = arith.constant 1 : i32
      %swap3A_528 = arith.index_cast %swap3A_526 : i32 to index
      %swap3A_529 = arith.index_cast %swap3A_527 : i32 to index
      %swap3A_530 = arith.index_cast %scan3A_510 : i32 to index
      %swap3A_531 = arith.constant 16 : index
      %swap3A_532 = tpu.vector_load %arg8[%swap3A_528, %swap3A_529, %swap3A_530, %swap3A_531] {strides = array<i32>} : memref<2x2x200x64xf32, #tpu.memory_space<vmem>>, vector<1x1x1x16xf32>,
      %swap3A_533 = vector.shape_cast %swap3A_532 : vector<1x1x1x16xf32> to vector<16xf32>
      %swap3A_534 = vector.shape_cast %get3A_525 : vector<16xf32> to vector<1x1x1x16xf32>
      tpu.vector_store %arg8[%swap3A_528, %swap3A_529, %swap3A_530, %swap3A_531], %swap3A_534 {add = true, strides = array<i32>} : memref<2x2x200x64xf32, #tpu.memory_space<vmem>>, vector<1x1x1x16xf32>,
      %get3A_535 = arith.index_cast %scan3A_510 : i32 to index
      %get3A_536 = arith.constant 32 : index
      %get3A_537 = tpu.vector_load %arg7[%get3A_535, %get3A_536] {strides = array<i32>} : memref<200x64xf32, #tpu.memory_space<vmem>>, vector<1x16xf32>,
      %get3A_538 = vector.shape_cast %get3A_537 : vector<1x16xf32> to vector<16xf32>
      %swap3A_539 = arith.constant 1 : i32
      %swap3A_540 = arith.constant 1 : i32
      %swap3A_541 = arith.index_cast %swap3A_539 : i32 to index
      %swap3A_542 = arith.index_cast %swap3A_540 : i32 to index
      %swap3A_543 = arith.index_cast %scan3A_510 : i32 to index
      %swap3A_544 = arith.constant 32 : index
      %swap3A_545 = tpu.vector_load %arg8[%swap3A_541, %swap3A_542, %swap3A_543, %swap3A_544] {strides = array<i32>} : memref<2x2x200x64xf32, #tpu.memory_space<vmem>>, vector<1x1x1x16xf32>,
      %swap3A_546 = vector.shape_cast %swap3A_545 : vector<1x1x1x16xf32> to vector<16xf32>
      %swap3A_547 = vector.shape_cast %get3A_538 : vector<16xf32> to vector<1x1x1x16xf32>
      tpu.vector_store %arg8[%swap3A_541, %swap3A_542, %swap3A_543, %swap3A_544], %swap3A_547 {add = true, strides = array<i32>} : memref<2x2x200x64xf32, #tpu.memory_space<vmem>>, vector<1x1x1x16xf32>,
      %get3A_548 = arith.index_cast %scan3A_510 : i32 to index
      %get3A_549 = arith.constant 48 : index
      %get3A_550 = tpu.vector_load %arg7[%get3A_548, %get3A_549] {strides = array<i32>} : memref<200x64xf32, #tpu.memory_space<vmem>>, vector<1x16xf32>,
      %get3A_551 = vector.shape_cast %get3A_550 : vector<1x16xf32> to vector<16xf32>
      %swap3A_552 = arith.constant 1 : i32
      %swap3A_553 = arith.constant 1 : i32
      %swap3A_554 = arith.index_cast %swap3A_552 : i32 to index
      %swap3A_555 = arith.index_cast %swap3A_553 : i32 to index
      %swap3A_556 = arith.index_cast %scan3A_510 : i32 to index
      %swap3A_557 = arith.constant 48 : index
      %swap3A_558 = tpu.vector_load %arg8[%swap3A_554, %swap3A_555, %swap3A_556, %swap3A_557] {strides = array<i32>} : memref<2x2x200x64xf32, #tpu.memory_space<vmem>>, vector<1x1x1x16xf32>,
      %swap3A_559 = vector.shape_cast %swap3A_558 : vector<1x1x1x16xf32> to vector<16xf32>
      %swap3A_560 = vector.shape_cast %get3A_551 : vector<16xf32> to vector<1x1x1x16xf32>
      tpu.vector_store %arg8[%swap3A_554, %swap3A_555, %swap3A_556, %swap3A_557], %swap3A_560 {add = true, strides = array<i32>} : memref<2x2x200x64xf32, #tpu.memory_space<vmem>>, vector<1x1x1x16xf32>,
      %scan3A_561 = arith.constant 1 : i32
      %scan3A_562 = arith.addi %scan3A_510, %scan3A_561 : i32
      %get3A_563 = arith.index_cast %scan3A_562 : i32 to index
      %get3A_564 = arith.constant 0 : index
      %get3A_565 = tpu.vector_load %arg7[%get3A_563, %get3A_564] {strides = array<i32>} : memref<200x64xf32, #tpu.memory_space<vmem>>, vector<1x16xf32>,
      %get3A_566 = vector.shape_cast %get3A_565 : vector<1x16xf32> to vector<16xf32>
      %swap3A_567 = arith.constant 1 : i32
      %swap3A_568 = arith.constant 1 : i32
      %swap3A_569 = arith.index_cast %swap3A_567 : i32 to index
      %swap3A_570 = arith.index_cast %swap3A_568 : i32 to index
      %swap3A_571 = arith.index_cast %scan3A_562 : i32 to index
      %swap3A_572 = arith.constant 0 : index
      %swap3A_573 = tpu.vector_load %arg8[%swap3A_569, %swap3A_570, %swap3A_571, %swap3A_572] {strides = array<i32>} : memref<2x2x200x64xf32, #tpu.memory_space<vmem>>, vector<1x1x1x16xf32>,
      %swap3A_574 = vector.shape_cast %swap3A_573 : vector<1x1x1x16xf32> to vector<16xf32>
      %swap3A_575 = vector.shape_cast %get3A_566 : vector<16xf32> to vector<1x1x1x16xf32>
      tpu.vector_store %arg8[%swap3A_569, %swap3A_570, %swap3A_571, %swap3A_572], %swap3A_575 {add = true, strides = array<i32>} : memref<2x2x200x64xf32, #tpu.memory_space<vmem>>, vector<1x1x1x16xf32>,
      %get3A_576 = arith.index_cast %scan3A_562 : i32 to index
      %get3A_577 = arith.constant 16 : index
      %get3A_578 = tpu.vector_load %arg7[%get3A_576, %get3A_577] {strides = array<i32>} : memref<200x64xf32, #tpu.memory_space<vmem>>, vector<1x16xf32>,
      %get3A_579 = vector.shape_cast %get3A_578 : vector<1x16xf32> to vector<16xf32>
      %swap3A_580 = arith.constant 1 : i32
      %swap3A_581 = arith.constant 1 : i32
      %swap3A_582 = arith.index_cast %swap3A_580 : i32 to index
      %swap3A_583 = arith.index_cast %swap3A_581 : i32 to index
      %swap3A_584 = arith.index_cast %scan3A_562 : i32 to index
      %swap3A_585 = arith.constant 16 : index
      %swap3A_586 = tpu.vector_load %arg8[%swap3A_582, %swap3A_583, %swap3A_584, %swap3A_585] {strides = array<i32>} : memref<2x2x200x64xf32, #tpu.memory_space<vmem>>, vector<1x1x1x16xf32>,
      %swap3A_587 = vector.shape_cast %swap3A_586 : vector<1x1x1x16xf32> to vector<16xf32>
      %swap3A_588 = vector.shape_cast %get3A_579 : vector<16xf32> to vector<1x1x1x16xf32>
      tpu.vector_store %arg8[%swap3A_582, %swap3A_583, %swap3A_584, %swap3A_585], %swap3A_588 {add = true, strides = array<i32>} : memref<2x2x200x64xf32, #tpu.memory_space<vmem>>, vector<1x1x1x16xf32>,
      %get3A_589 = arith.index_cast %scan3A_562 : i32 to index
      %get3A_590 = arith.constant 32 : index
      %get3A_591 = tpu.vector_load %arg7[%get3A_589, %get3A_590] {strides = array<i32>} : memref<200x64xf32, #tpu.memory_space<vmem>>, vector<1x16xf32>,
      %get3A_592 = vector.shape_cast %get3A_591 : vector<1x16xf32> to vector<16xf32>
      %swap3A_593 = arith.constant 1 : i32
      %swap3A_594 = arith.constant 1 : i32
      %swap3A_595 = arith.index_cast %swap3A_593 : i32 to index
      %swap3A_596 = arith.index_cast %swap3A_594 : i32 to index
      %swap3A_597 = arith.index_cast %scan3A_562 : i32 to index
      %swap3A_598 = arith.constant 32 : index
      %swap3A_599 = tpu.vector_load %arg8[%swap3A_595, %swap3A_596, %swap3A_597, %swap3A_598] {strides = array<i32>} : memref<2x2x200x64xf32, #tpu.memory_space<vmem>>, vector<1x1x1x16xf32>,
      %swap3A_600 = vector.shape_cast %swap3A_599 : vector<1x1x1x16xf32> to vector<16xf32>
      %swap3A_601 = vector.shape_cast %get3A_592 : vector<16xf32> to vector<1x1x1x16xf32>
      tpu.vector_store %arg8[%swap3A_595, %swap3A_596, %swap3A_597, %swap3A_598], %swap3A_601 {add = true, strides = array<i32>} : memref<2x2x200x64xf32, #tpu.memory_space<vmem>>, vector<1x1x1x16xf32>,
      %get3A_602 = arith.index_cast %scan3A_562 : i32 to index
      %get3A_603 = arith.constant 48 : index
      %get3A_604 = tpu.vector_load %arg7[%get3A_602, %get3A_603] {strides = array<i32>} : memref<200x64xf32, #tpu.memory_space<vmem>>, vector<1x16xf32>,
      %get3A_605 = vector.shape_cast %get3A_604 : vector<1x16xf32> to vector<16xf32>
      %swap3A_606 = arith.constant 1 : i32
      %swap3A_607 = arith.constant 1 : i32
      %swap3A_608 = arith.index_cast %swap3A_606 : i32 to index
      %swap3A_609 = arith.index_cast %swap3A_607 : i32 to index
      %swap3A_610 = arith.index_cast %scan3A_562 : i32 to index
      %swap3A_611 = arith.constant 48 : index
      %swap3A_612 = tpu.vector_load %arg8[%swap3A_608, %swap3A_609, %swap3A_610, %swap3A_611] {strides = array<i32>} : memref<2x2x200x64xf32, #tpu.memory_space<vmem>>, vector<1x1x1x16xf32>,
      %swap3A_613 = vector.shape_cast %swap3A_612 : vector<1x1x1x16xf32> to vector<16xf32>
      %swap3A_614 = vector.shape_cast %get3A_605 : vector<16xf32> to vector<1x1x1x16xf32>
      tpu.vector_store %arg8[%swap3A_608, %swap3A_609, %swap3A_610, %swap3A_611], %swap3A_614 {add = true, strides = array<i32>} : memref<2x2x200x64xf32, #tpu.memory_space<vmem>>, vector<1x1x1x16xf32>,
      %scan3A_615 = arith.constant 2 : i32
      %scan3A_616 = arith.addi %scan3A_510, %scan3A_615 : i32
      %get3A_617 = arith.index_cast %scan3A_616 : i32 to index
      %get3A_618 = arith.constant 0 : index
      %get3A_619 = tpu.vector_load %arg7[%get3A_617, %get3A_618] {strides = array<i32>} : memref<200x64xf32, #tpu.memory_space<vmem>>, vector<1x16xf32>,
      %get3A_620 = vector.shape_cast %get3A_619 : vector<1x16xf32> to vector<16xf32>
      %swap3A_621 = arith.constant 1 : i32
      %swap3A_622 = arith.constant 1 : i32
      %swap3A_623 = arith.index_cast %swap3A_621 : i32 to index
      %swap3A_624 = arith.index_cast %swap3A_622 : i32 to index
      %swap3A_625 = arith.index_cast %scan3A_616 : i32 to index
      %swap3A_626 = arith.constant 0 : index
      %swap3A_627 = tpu.vector_load %arg8[%swap3A_623, %swap3A_624, %swap3A_625, %swap3A_626] {strides = array<i32>} : memref<2x2x200x64xf32, #tpu.memory_space<vmem>>, vector<1x1x1x16xf32>,
      %swap3A_628 = vector.shape_cast %swap3A_627 : vector<1x1x1x16xf32> to vector<16xf32>
      %swap3A_629 = vector.shape_cast %get3A_620 : vector<16xf32> to vector<1x1x1x16xf32>
      tpu.vector_store %arg8[%swap3A_623, %swap3A_624, %swap3A_625, %swap3A_626], %swap3A_629 {add = true, strides = array<i32>} : memref<2x2x200x64xf32, #tpu.memory_space<vmem>>, vector<1x1x1x16xf32>,
      %get3A_630 = arith.index_cast %scan3A_616 : i32 to index
      %get3A_631 = arith.constant 16 : index
      %get3A_632 = tpu.vector_load %arg7[%get3A_630, %get3A_631] {strides = array<i32>} : memref<200x64xf32, #tpu.memory_space<vmem>>, vector<1x16xf32>,
      %get3A_633 = vector.shape_cast %get3A_632 : vector<1x16xf32> to vector<16xf32>
      %swap3A_634 = arith.constant 1 : i32
      %swap3A_635 = arith.constant 1 : i32
      %swap3A_636 = arith.index_cast %swap3A_634 : i32 to index
      %swap3A_637 = arith.index_cast %swap3A_635 : i32 to index
      %swap3A_638 = arith.index_cast %scan3A_616 : i32 to index
      %swap3A_639 = arith.constant 16 : index
      %swap3A_640 = tpu.vector_load %arg8[%swap3A_636, %swap3A_637, %swap3A_638, %swap3A_639] {strides = array<i32>} : memref<2x2x200x64xf32, #tpu.memory_space<vmem>>, vector<1x1x1x16xf32>,
      %swap3A_641 = vector.shape_cast %swap3A_640 : vector<1x1x1x16xf32> to vector<16xf32>
      %swap3A_642 = vector.shape_cast %get3A_633 : vector<16xf32> to vector<1x1x1x16xf32>
      tpu.vector_store %arg8[%swap3A_636, %swap3A_637, %swap3A_638, %swap3A_639], %swap3A_642 {add = true, strides = array<i32>} : memref<2x2x200x64xf32, #tpu.memory_space<vmem>>, vector<1x1x1x16xf32>,
      %get3A_643 = arith.index_cast %scan3A_616 : i32 to index
      %get3A_644 = arith.constant 32 : index
      %get3A_645 = tpu.vector_load %arg7[%get3A_643, %get3A_644] {strides = array<i32>} : memref<200x64xf32, #tpu.memory_space<vmem>>, vector<1x16xf32>,
      %get3A_646 = vector.shape_cast %get3A_645 : vector<1x16xf32> to vector<16xf32>
      %swap3A_647 = arith.constant 1 : i32
      %swap3A_648 = arith.constant 1 : i32
      %swap3A_649 = arith.index_cast %swap3A_647 : i32 to index
      %swap3A_650 = arith.index_cast %swap3A_648 : i32 to index
      %swap3A_651 = arith.index_cast %scan3A_616 : i32 to index
      %swap3A_652 = arith.constant 32 : index
      %swap3A_653 = tpu.vector_load %arg8[%swap3A_649, %swap3A_650, %swap3A_651, %swap3A_652] {strides = array<i32>} : memref<2x2x200x64xf32, #tpu.memory_space<vmem>>, vector<1x1x1x16xf32>,
      %swap3A_654 = vector.shape_cast %swap3A_653 : vector<1x1x1x16xf32> to vector<16xf32>
      %swap3A_655 = vector.shape_cast %get3A_646 : vector<16xf32> to vector<1x1x1x16xf32>
      tpu.vector_store %arg8[%swap3A_649, %swap3A_650, %swap3A_651, %swap3A_652], %swap3A_655 {add = true, strides = array<i32>} : memref<2x2x200x64xf32, #tpu.memory_space<vmem>>, vector<1x1x1x16xf32>,
      %get3A_656 = arith.index_cast %scan3A_616 : i32 to index
      %get3A_657 = arith.constant 48 : index
      %get3A_658 = tpu.vector_load %arg7[%get3A_656, %get3A_657] {strides = array<i32>} : memref<200x64xf32, #tpu.memory_space<vmem>>, vector<1x16xf32>,
      %get3A_659 = vector.shape_cast %get3A_658 : vector<1x16xf32> to vector<16xf32>
      %swap3A_660 = arith.constant 1 : i32
      %swap3A_661 = arith.constant 1 : i32
      %swap3A_662 = arith.index_cast %swap3A_660 : i32 to index
      %swap3A_663 = arith.index_cast %swap3A_661 : i32 to index
      %swap3A_664 = arith.index_cast %scan3A_616 : i32 to index
      %swap3A_665 = arith.constant 48 : index
      %swap3A_666 = tpu.vector_load %arg8[%swap3A_662, %swap3A_663, %swap3A_664, %swap3A_665] {strides = array<i32>} : memref<2x2x200x64xf32, #tpu.memory_space<vmem>>, vector<1x1x1x16xf32>,
      %swap3A_667 = vector.shape_cast %swap3A_666 : vector<1x1x1x16xf32> to vector<16xf32>
      %swap3A_668 = vector.shape_cast %get3A_659 : vector<16xf32> to vector<1x1x1x16xf32>
      tpu.vector_store %arg8[%swap3A_662, %swap3A_663, %swap3A_664, %swap3A_665], %swap3A_668 {add = true, strides = array<i32>} : memref<2x2x200x64xf32, #tpu.memory_space<vmem>>, vector<1x1x1x16xf32>,
      %scan3A_669 = arith.constant 3 : i32
      %scan3A_670 = arith.addi %scan3A_510, %scan3A_669 : i32
      %get3A_671 = arith.index_cast %scan3A_670 : i32 to index
      %get3A_672 = arith.constant 0 : index
      %get3A_673 = tpu.vector_load %arg7[%get3A_671, %get3A_672] {strides = array<i32>} : memref<200x64xf32, #tpu.memory_space<vmem>>, vector<1x16xf32>,
      %get3A_674 = vector.shape_cast %get3A_673 : vector<1x16xf32> to vector<16xf32>
      %swap3A_675 = arith.constant 1 : i32
      %swap3A_676 = arith.constant 1 : i32
      %swap3A_677 = arith.index_cast %swap3A_675 : i32 to index
      %swap3A_678 = arith.index_cast %swap3A_676 : i32 to index
      %swap3A_679 = arith.index_cast %scan3A_670 : i32 to index
      %swap3A_680 = arith.constant 0 : index
      %swap3A_681 = tpu.vector_load %arg8[%swap3A_677, %swap3A_678, %swap3A_679, %swap3A_680] {strides = array<i32>} : memref<2x2x200x64xf32, #tpu.memory_space<vmem>>, vector<1x1x1x16xf32>,
      %swap3A_682 = vector.shape_cast %swap3A_681 : vector<1x1x1x16xf32> to vector<16xf32>
      %swap3A_683 = vector.shape_cast %get3A_674 : vector<16xf32> to vector<1x1x1x16xf32>
      tpu.vector_store %arg8[%swap3A_677, %swap3A_678, %swap3A_679, %swap3A_680], %swap3A_683 {add = true, strides = array<i32>} : memref<2x2x200x64xf32, #tpu.memory_space<vmem>>, vector<1x1x1x16xf32>,
      %get3A_684 = arith.index_cast %scan3A_670 : i32 to index
      %get3A_685 = arith.constant 16 : index
      %get3A_686 = tpu.vector_load %arg7[%get3A_684, %get3A_685] {strides = array<i32>} : memref<200x64xf32, #tpu.memory_space<vmem>>, vector<1x16xf32>,
      %get3A_687 = vector.shape_cast %get3A_686 : vector<1x16xf32> to vector<16xf32>
      %swap3A_688 = arith.constant 1 : i32
      %swap3A_689 = arith.constant 1 : i32
      %swap3A_690 = arith.index_cast %swap3A_688 : i32 to index
      %swap3A_691 = arith.index_cast %swap3A_689 : i32 to index
      %swap3A_692 = arith.index_cast %scan3A_670 : i32 to index
      %swap3A_693 = arith.constant 16 : index
      %swap3A_694 = tpu.vector_load %arg8[%swap3A_690, %swap3A_691, %swap3A_692, %swap3A_693] {strides = array<i32>} : memref<2x2x200x64xf32, #tpu.memory_space<vmem>>, vector<1x1x1x16xf32>,
      %swap3A_695 = vector.shape_cast %swap3A_694 : vector<1x1x1x16xf32> to vector<16xf32>
      %swap3A_696 = vector.shape_cast %get3A_687 : vector<16xf32> to vector<1x1x1x16xf32>
      tpu.vector_store %arg8[%swap3A_690, %swap3A_691, %swap3A_692, %swap3A_693], %swap3A_696 {add = true, strides = array<i32>} : memref<2x2x200x64xf32, #tpu.memory_space<vmem>>, vector<1x1x1x16xf32>,
      %get3A_697 = arith.index_cast %scan3A_670 : i32 to index
      %get3A_698 = arith.constant 32 : index
      %get3A_699 = tpu.vector_load %arg7[%get3A_697, %get3A_698] {strides = array<i32>} : memref<200x64xf32, #tpu.memory_space<vmem>>, vector<1x16xf32>,
      %get3A_700 = vector.shape_cast %get3A_699 : vector<1x16xf32> to vector<16xf32>
      %swap3A_701 = arith.constant 1 : i32
      %swap3A_702 = arith.constant 1 : i32
      %swap3A_703 = arith.index_cast %swap3A_701 : i32 to index
      %swap3A_704 = arith.index_cast %swap3A_702 : i32 to index
      %swap3A_705 = arith.index_cast %scan3A_670 : i32 to index
      %swap3A_706 = arith.constant 32 : index
      %swap3A_707 = tpu.vector_load %arg8[%swap3A_703, %swap3A_704, %swap3A_705, %swap3A_706] {strides = array<i32>} : memref<2x2x200x64xf32, #tpu.memory_space<vmem>>, vector<1x1x1x16xf32>,
      %swap3A_708 = vector.shape_cast %swap3A_707 : vector<1x1x1x16xf32> to vector<16xf32>
      %swap3A_709 = vector.shape_cast %get3A_700 : vector<16xf32> to vector<1x1x1x16xf32>
      tpu.vector_store %arg8[%swap3A_703, %swap3A_704, %swap3A_705, %swap3A_706], %swap3A_709 {add = true, strides = array<i32>} : memref<2x2x200x64xf32, #tpu.memory_space<vmem>>, vector<1x1x1x16xf32>,
      %get3A_710 = arith.index_cast %scan3A_670 : i32 to index
      %get3A_711 = arith.constant 48 : index
      %get3A_712 = tpu.vector_load %arg7[%get3A_710, %get3A_711] {strides = array<i32>} : memref<200x64xf32, #tpu.memory_space<vmem>>, vector<1x16xf32>,
      %get3A_713 = vector.shape_cast %get3A_712 : vector<1x16xf32> to vector<16xf32>
      %swap3A_714 = arith.constant 1 : i32
      %swap3A_715 = arith.constant 1 : i32
      %swap3A_716 = arith.index_cast %swap3A_714 : i32 to index
      %swap3A_717 = arith.index_cast %swap3A_715 : i32 to index
      %swap3A_718 = arith.index_cast %scan3A_670 : i32 to index
      %swap3A_719 = arith.constant 48 : index
      %swap3A_720 = tpu.vector_load %arg8[%swap3A_716, %swap3A_717, %swap3A_718, %swap3A_719] {strides = array<i32>} : memref<2x2x200x64xf32, #tpu.memory_space<vmem>>, vector<1x1x1x16xf32>,
      %swap3A_721 = vector.shape_cast %swap3A_720 : vector<1x1x1x16xf32> to vector<16xf32>
      %swap3A_722 = vector.shape_cast %get3A_713 : vector<16xf32> to vector<1x1x1x16xf32>
      tpu.vector_store %arg8[%swap3A_716, %swap3A_717, %swap3A_718, %swap3A_719], %swap3A_722 {add = true, strides = array<i32>} : memref<2x2x200x64xf32, #tpu.memory_space<vmem>>, vector<1x1x1x16xf32>,
    }
    %scan3A_450 = arith.constant 200 : i32
    %mul3A_451 = arith.constant 63 : i32
    %mul3A_452 = arith.constant 2 : i32
    %mul3A_453 = arith.muli %mul3A_451, %mul3A_452 : i32
    %add3A_454 = arith.addi %mul3A_2, %mul3A_453 : i32
    %dma_start3A_455 = arith.constant 1 : i32
    %dma_start3A_456 = arith.constant 0 : i32
    %dma_start3A_457 = arith.constant 0 : i32
    %dma_start3A_458 = arith.constant 0 : i32
    %dma_start3A_459 = tpu.memref_slice %arg8[%dma_start3A_455, %dma_start3A_456, %dma_start3A_457, %dma_start3A_458] : memref<2x2x200x64xf32, #tpu.memory_space<vmem>> -> memref<1x2x200x64xf32, #tpu.memory_space<vmem>>
    %dma_start3A_460 = tpu.memref_squeeze %dma_start3A_459 : memref<1x2x200x64xf32, #tpu.memory_space<vmem>> -> memref<2x200x64xf32, #tpu.memory_space<vmem>>
    %dma_start3A_461 = arith.constant 0 : i32
    %dma_start3A_462 = arith.constant 0 : i32
    %dma_start3A_463 = tpu.memref_slice %arg5[%add3A_454, %dma_start3A_461, %dma_start3A_462] : memref<4096x200x64xf32, #tpu.memory_space<hbm>> -> memref<2x200x64xf32, #tpu.memory_space<hbm>>
    %dma_start3A_464 = arith.constant 0 : i32
    %dma_start3A_465 = arith.constant 0 : i32
    %dma_start3A_466 = tpu.memref_slice %arg5[%add3A_454, %dma_start3A_464, %dma_start3A_465] : memref<4096x200x64xf32, #tpu.memory_space<hbm>> -> memref<2x200x64xf32, #tpu.memory_space<hbm>>
    %dma_start3A_467 = arith.constant 0 : i32
    %dma_start3A_468 = arith.constant 0 : i32
    %dma_start3A_469 = arith.constant 0 : i32
    %dma_start3A_470 = tpu.memref_slice %arg8[%dma_start3A_455, %dma_start3A_467, %dma_start3A_468, %dma_start3A_469] : memref<2x2x200x64xf32, #tpu.memory_space<vmem>> -> memref<1x2x200x64xf32, #tpu.memory_space<vmem>>
    %dma_start3A_471 = tpu.memref_squeeze %dma_start3A_470 : memref<1x2x200x64xf32, #tpu.memory_space<vmem>> -> memref<2x200x64xf32, #tpu.memory_space<vmem>>
    tpu.enqueue_dma source(%dma_start3A_471 : memref<2x200x64xf32, #tpu.memory_space<vmem>>) target(%dma_start3A_466 : memref<2x200x64xf32, #tpu.memory_space<hbm>>) target_semaphore(%arg12 : memref<!tpu.dma_semaphore, #tpu.memory_space<semaphore_mem>>)
    %dma_wait3A_472 = arith.constant 0 : i32
    %dma_wait3A_473 = arith.constant 0 : i32
    %dma_wait3A_474 = arith.constant 0 : i32
    %dma_wait3A_475 = arith.constant 0 : i32
    %dma_wait3A_476 = tpu.memref_slice %arg8[%dma_wait3A_472, %dma_wait3A_473, %dma_wait3A_474, %dma_wait3A_475] : memref<2x2x200x64xf32, #tpu.memory_space<vmem>> -> memref<1x2x200x64xf32, #tpu.memory_space<vmem>>
    %dma_wait3A_477 = tpu.memref_squeeze %dma_wait3A_476 : memref<1x2x200x64xf32, #tpu.memory_space<vmem>> -> memref<2x200x64xf32, #tpu.memory_space<vmem>>
    %dma_wait3A_478 = arith.constant 0 : i32
    %dma_wait3A_479 = arith.constant 0 : i32
    %dma_wait3A_480 = arith.constant 0 : i32
    %dma_wait3A_481 = tpu.memref_slice %arg5[%dma_wait3A_478, %dma_wait3A_479, %dma_wait3A_480] : memref<4096x200x64xf32, #tpu.memory_space<hbm>> -> memref<2x200x64xf32, #tpu.memory_space<hbm>>
    %dma_wait3A_482 = arith.constant 0 : i32
    %dma_wait3A_483 = arith.constant 0 : i32
    %dma_wait3A_484 = arith.constant 0 : i32
    %dma_wait3A_485 = tpu.memref_slice %arg5[%dma_wait3A_482, %dma_wait3A_483, %dma_wait3A_484] : memref<4096x200x64xf32, #tpu.memory_space<hbm>> -> memref<2x200x64xf32, #tpu.memory_space<hbm>>
    %dma_wait3A_486 = arith.constant 0 : i32
    %dma_wait3A_487 = arith.constant 0 : i32
    %dma_wait3A_488 = arith.constant 0 : i32
    %dma_wait3A_489 = tpu.memref_slice %arg8[%dma_wait3A_472, %dma_wait3A_486, %dma_wait3A_487, %dma_wait3A_488] : memref<2x2x200x64xf32, #tpu.memory_space<vmem>> -> memref<1x2x200x64xf32, #tpu.memory_space<vmem>>
    %dma_wait3A_490 = tpu.memref_squeeze %dma_wait3A_489 : memref<1x2x200x64xf32, #tpu.memory_space<vmem>> -> memref<2x200x64xf32, #tpu.memory_space<vmem>>
    tpu.wait_dma2 semaphore(%arg11 : memref<!tpu.dma_semaphore, #tpu.memory_space<semaphore_mem>>) src(%dma_wait3A_490 : memref<2x200x64xf32, #tpu.memory_space<vmem>>) dst(%dma_wait3A_485 : memref<2x200x64xf32, #tpu.memory_space<hbm>>)
    %dma_wait3A_491 = arith.constant 1 : i32
    %dma_wait3A_492 = arith.constant 0 : i32
    %dma_wait3A_493 = arith.constant 0 : i32
    %dma_wait3A_494 = arith.constant 0 : i32
    %dma_wait3A_495 = tpu.memref_slice %arg8[%dma_wait3A_491, %dma_wait3A_492, %dma_wait3A_493, %dma_wait3A_494] : memref<2x2x200x64xf32, #tpu.memory_space<vmem>> -> memref<1x2x200x64xf32, #tpu.memory_space<vmem>>
    %dma_wait3A_496 = tpu.memref_squeeze %dma_wait3A_495 : memref<1x2x200x64xf32, #tpu.memory_space<vmem>> -> memref<2x200x64xf32, #tpu.memory_space<vmem>>
    %dma_wait3A_497 = arith.constant 0 : i32
    %dma_wait3A_498 = arith.constant 0 : i32
    %dma_wait3A_499 = arith.constant 0 : i32
    %dma_wait3A_500 = tpu.memref_slice %arg5[%dma_wait3A_497, %dma_wait3A_498, %dma_wait3A_499] : memref<4096x200x64xf32, #tpu.memory_space<hbm>> -> memref<2x200x64xf32, #tpu.memory_space<hbm>>
    %dma_wait3A_501 = arith.constant 0 : i32
    %dma_wait3A_502 = arith.constant 0 : i32
    %dma_wait3A_503 = arith.constant 0 : i32
    %dma_wait3A_504 = tpu.memref_slice %arg5[%dma_wait3A_501, %dma_wait3A_502, %dma_wait3A_503] : memref<4096x200x64xf32, #tpu.memory_space<hbm>> -> memref<2x200x64xf32, #tpu.memory_space<hbm>>
    %dma_wait3A_505 = arith.constant 0 : i32
    %dma_wait3A_506 = arith.constant 0 : i32
    %dma_wait3A_507 = arith.constant 0 : i32
    %dma_wait3A_508 = tpu.memref_slice %arg8[%dma_wait3A_491, %dma_wait3A_505, %dma_wait3A_506, %dma_wait3A_507] : memref<2x2x200x64xf32, #tpu.memory_space<vmem>> -> memref<1x2x200x64xf32, #tpu.memory_space<vmem>>
    %dma_wait3A_509 = tpu.memref_squeeze %dma_wait3A_508 : memref<1x2x200x64xf32, #tpu.memory_space<vmem>> -> memref<2x200x64xf32, #tpu.memory_space<vmem>>
    tpu.wait_dma2 semaphore(%arg12 : memref<!tpu.dma_semaphore, #tpu.memory_space<semaphore_mem>>) src(%dma_wait3A_509 : memref<2x200x64xf32, #tpu.memory_space<vmem>>) dst(%dma_wait3A_504 : memref<2x200x64xf32, #tpu.memory_space<hbm>>)
    return
  }
}

</mosaic_0001>

<sc_bundles>
// kernel: kernel.3.cloned.1.call-start
scs
__scs_entry_jumppad:
0x0: {  	(pc) =	sbr.rel $0x88, $3  }
0x1: {  	(tag) =	ssettag $0x0;
	lr =	simm.s32 $0x1  }
0x2: {  	[smem:$0x3F9E] =	sst lr;
	_ =	strace $0xD0000000  }
0x3: {  	_ = 	snop  }
0x4: {  	_ = 	snop  }
0x5: {  	_ = 	snop  }
0x6: {  	_ = 	snop  }
0x7: {  	_ = 	snop  }
__scs_overlays_trampoline_lowered:
0x8: {  	[smem:$0x3FAD] =	sst s0  }
0x9: {  	[smem:$0x3FAE] =	sst s1  }
0xa: {  	[smem:$0x3FAF] =	sst s2  }
0xb: {  	[smem:$0x3FB0] =	sst s3  }
0xc: {  	[smem:$0x3FB1] =	sst s4  }
0xd: {  	[smem:$0x3FB2] =	sst s5  }
0xe: {  	[smem:$0x3FB3] =	sst s6  }
0xf: {  	[smem:$0x3FB4] =	sst s7  }
0x10: {  	[smem:$0x3FB5] =	sst s8  }
0x11: {  	[smem:$0x3FB6] =	sst s9;
	s0 =	simm.s32 @!p0 $0x0  }
0x12: {  	s1 =	sld [smem:$0x3F9C];
	s0 =	simm.s32 @p0 $0x1  }
0x13: {  	[smem:$0x3FB7] =	sst s0;
	s0 =	simm.s32 @!p1 $0x0  }
0x14: {  	s2 =	sld [smem:$0x3F9B];
	s0 =	simm.s32 @p1 $0x1  }
0x15: {  	[smem:$0x3FB8] =	sst s0;
	s0 =	simm.s32 @!p2 $0x0  }
0x16: {  	s3 =	sld [smem:$0x3FDB];
	s0 =	simm.s32 @p2 $0x1  }
0x17: {  	s4 =	simm.s32 $0x1BF5;
	[smem:$0x3FBA] =	sst s0  }
0x18: {  	s0 =	sld [smem:$0x3F9D];
	_ =	swait.ge [sflag:s4], $0x0  }
0x19: {  	s7 =	sld [smem:$0x3F9E]  }
0x1a: {  	s8 =	sadd.s32 $0xFFFFE003, lr  }
0x1b: {  	s9 =	sadd.s32 $0xFFFFFEF7, lr;
	s5 =	simm.s32 $0xFFFFFFFF;
	p2 =	slt.u32 s8, $0xFFFFF086  }
0x1c: {  	p1 =	slt.u32 s9, $0xF7A;
	s5 =	simm.s32 @!p2 $0x0  }
0x1d: {  	s5 =	simm.s32 @p1 $0x1;
	p0 =	seq.s32 s7, s2  }
0x1e: {  	s7 =	smul.u32 @!p0 $0xF7A, s2;
	p2 =	seq.s32 @!p0 s5, $0x0  }
0x1f: {  	s9 =	smul.u32 $0xF7A, s1;
	s8 =	simm.s32 @!p0 $0x1BF5;
	p2 =	por !p2, p0  }
0x20: {  	[sflag:s8] =	ssyncset.s32 @!p0 $0xFFFFF086;
	s6 =	sadd.s32 @!p0 s3, s7;
	s7 =	simm.s32 @!p0 $0x108  }
0x21: {  	s3 =	sadd.s32 s3, s9;
	s6 =	sadd.s32 @!p0 $0x88, s6;
	s7 =	simm.s32 @p2 $0x1082  }
0x22: {  	[simem:s7], [sflag:s8] =	dma.local @!p0 [hbm:s6], $0xF7A  }
0x23: {  	s9 =	sor.u32 $0xD0000000, s2;
	s6 =	simm.s32 $0x108;
	_ =	swait.ge @!p0 [sflag:s8], $0x0  }
0x24: {  	s3 =	sadd.s32 $0x88, s3;
	s6 =	simm.s32 @!p1 $0x1082;
	[sflag:s4] =	ssyncset.s32 $0xFFFFF086  }
0x25: {  	[simem:s6], [sflag:s4] =	dma.local [hbm:s3], $0xF7A  }
0x26: {  	[smem:$0x3F9E] =	sst s1;
	(tag) =	ssettag s2;
	_ =	strace s9  }
0x27: {  	s1 =	sld [smem:$0x3FAE]  }
0x28: {  	s2 =	sld [smem:$0x3FAF]  }
0x29: {  	s4 =	sld [smem:$0x3FB1]  }
0x2a: {  	p0 =	seq.s32 s5, $0x0;
	s5 =	sld [smem:$0x3FB2]  }
0x2b: {  	s6 =	sld [smem:$0x3FB3]  }
0x2c: {  	s7 =	sld [smem:$0x3FB4]  }
0x2d: {  	s3 =	simm.s32 $0x108;
	s8 =	sld [smem:$0x3FB5]  }
0x2e: {  	s3 =	simm.s32 @!p0 $0x1082;
	s9 =	sld [smem:$0x3FB6]  }
0x2f: {  	lr =	sadd.s32 s0, s3;
	s0 =	sld [smem:$0x3FAD]  }
0x30: {  	s3 =	sld [smem:$0x3FB0]  }
0x31: {  	[smem:$0x3FB9] =	sst s10  }
0x32: {  	s10 =	sld [smem:$0x3FB7];
	_ =	sdelay $0x3  }
0x33: {  	p0 =	seq.s32 s10, $0x1;
	s10 =	sld [smem:$0x3FB9];
	_ =	sdelay $0x3  }
0x34: {  	[smem:$0x3FB9] =	sst s10  }
0x35: {  	s10 =	sld [smem:$0x3FB8];
	_ =	sdelay $0x3  }
0x36: {  	p1 =	seq.s32 s10, $0x1;
	s10 =	sld [smem:$0x3FB9];
	_ =	sdelay $0x3  }
0x37: {  	[smem:$0x3FB9] =	sst s10  }
0x38: {  	s10 =	sld [smem:$0x3FBA]  }
0x39: {  	_ = 	snop;
	(pc) =	sbr.ind lr, $3  }
0x3a: {  	_ = 	snop  }
0x3b: {  	_ = 	snop  }
0x3c: {  	p2 =	seq.s32 s10, $0x1;
	s10 =	sld [smem:$0x3FB9]  }
0x3d: {  	_ =	shalt  }
0x3e: {  	_ =	shalt  }
0x3f: {  	_ =	shalt  }
0x40: {  	_ =	shalt  }
0x41: {  	_ =	shalt  }
0x42: {  	_ =	shalt  }
0x43: {  	_ =	shalt  }
0x44: {  	_ =	shalt  }
0x45: {  	_ =	shalt  }
0x46: {  	_ =	shalt  }
0x47: {  	_ =	shalt  }
0x48: {  	_ =	shalt  }
0x49: {  	_ =	shalt  }
0x4a: {  	_ =	shalt  }
0x4b: {  	_ =	shalt  }
0x4c: {  	_ =	shalt  }
0x4d: {  	_ =	shalt  }
0x4e: {  	_ =	shalt  }
0x4f: {  	_ =	shalt  }
0x50: {  	_ =	shalt  }
0x51: {  	_ =	shalt  }
0x52: {  	_ =	shalt  }
0x53: {  	_ =	shalt  }
0x54: {  	_ =	shalt  }
0x55: {  	_ =	shalt  }
0x56: {  	_ =	shalt  }
0x57: {  	_ =	shalt  }
0x58: {  	_ =	shalt  }
0x59: {  	_ =	shalt  }
0x5a: {  	_ =	shalt  }
0x5b: {  	_ =	shalt  }
0x5c: {  	_ =	shalt  }
0x5d: {  	_ =	shalt  }
0x5e: {  	_ =	shalt  }
0x5f: {  	_ =	shalt  }
0x60: {  	_ =	shalt  }
0x61: {  	_ =	shalt  }
0x62: {  	_ =	shalt  }
0x63: {  	_ =	shalt  }
0x64: {  	_ =	shalt  }
0x65: {  	_ =	shalt  }
0x66: {  	_ =	shalt  }
0x67: {  	_ =	shalt  }
0x68: {  	_ =	shalt  }
0x69: {  	_ =	shalt  }
0x6a: {  	_ =	shalt  }
0x6b: {  	_ =	shalt  }
0x6c: {  	_ =	shalt  }
0x6d: {  	_ =	shalt  }
0x6e: {  	_ =	shalt  }
0x6f: {  	_ =	shalt  }
0x70: {  	_ =	shalt  }
0x71: {  	_ =	shalt  }
0x72: {  	_ =	shalt  }
0x73: {  	_ =	shalt  }
0x74: {  	_ =	shalt  }
0x75: {  	_ =	shalt  }
0x76: {  	_ =	shalt  }
0x77: {  	_ =	shalt  }
0x78: {  	_ =	shalt  }
0x79: {  	_ =	shalt  }
0x7a: {  	_ =	shalt  }
0x7b: {  	_ =	shalt  }
0x7c: {  	_ =	shalt  }
0x7d: {  	_ =	shalt  }
0x7e: {  	_ =	shalt  }
0x7f: {  	_ =	shalt  }
0x80: {  	_ =	shalt  }
0x81: {  	_ =	shalt  }
0x82: {  	_ =	shalt  }
0x83: {  	_ =	shalt  }
0x84: {  	_ =	shalt  }
0x85: {  	_ =	shalt  }
0x86: {  	_ =	shalt  }
0x87: {  	_ =	shalt  }
.Lfunc_end0:
.L_simem_size_0:
called_computation.1_lowered:
.L_overlay_start_0:
0x88: {  	s2 =	sld [smem:$0x3FD9]  }
0x89: {  	s3 =	sld [smem:$0x3FFE];
	_ =	sdelay $0x1  }
0x8a: {  	s1 =	srdreg.scid  }
0x8b: {  	s0 =	sand.u32 $0x1, s1  }
0x8c: {  	s17 =	sshll.u32 s0, $0xA;
	s2 =	sadd.s32 s3, s2  }
0x8d: {  	s2 =	sadd.s32 s2, s17  }
0x8e: {  	[smem:$0x3FC5] =	sst s2  }
0x8f: {  	_ = 	snop  }
0x90: {  	s2 =	sld [smem:$0x3FD0];
	(tm) =	ssettm $0x1  }
0x91: {  	s18 =	sld [smem:$0x3FFB];
	_ =	sdelay $0x3  }
0x92: {  	_ =	strace s18  }
0x93: {  	s3 =	sld [smem:$0x3FFC];
	_ =	sdelay $0x3  }
0x94: {  	_ =	strace s3  }
0x95: {  	s3 =	sld [smem:$0x3FFD];
	_ =	sdelay $0x3  }
0x96: {  	_ =	strace s3  }
0x97: {  	_ =	strace $0x8FFFFFFF  }
0x98: {  	s19 =	sld [smem:$0x3FDB];
	_ =	sdelay $0x1  }
0x99: {  	s4 =	simm.s32 $_scs_section_size  }
0x9a: {  	s5 =	simm.s32 $_size__tile_overlayer_lowered;
	s6 =	simm.s32 $_tile_overlayer_lowered  }
0x9b: {  	s22 =	simm.s32 $0x1BFF;
	s21 =	sshll.u32 s6, $0x1;
	s3 =	sadd.s32 s4, s19  }
0x9c: {  	s7 =	simm.s32 $0x0;
	s20 =	sshll.u32 s5, $0x1;
	s5 =	sadd.s32 s21, s3  }
0x9d: {  	[timem:s7], [sflag:s22] =	dma.local [hbm:s5], s20  }
0x9e: {  	_ =	swait.ge [sflag:s22], s20  }
0x9f: {  	s4 =	ssub.s32 $0x0, s20;
	[sflag:s22] =	ssyncset.done $0x0  }
0xa0: {  	[sflag:s22] =	ssyncadd.s32 s4;
	_ =	sdelay $0x1  }
0xa1: {  	s23 =	simm.s32 $0x1B8B  }
0xa2: {  	_ =	swait.ge [sflag:s23], $0x1  }
0xa3: {  	[sflag:s23] =	ssyncset.done $0x0  }
0xa4: {  	s25 =	simm.s32 $0x1B8E;
	s24 =	sld [smem:$0x3FFE];
	[sflag:s23] =	ssyncadd.s32 $0xFFFFFFFF  }
0xa5: {  	s26 =	simm.s32 $execute0_lowered;
	[smem:$0x3FD2] =	sst s25  }
0xa6: {  	s5 =	sshll.u32 s26, $0x1;
	_ =	strace $0x80000046;
	[dreg:$0x1] =	wrdreg $0xFFFFFFFF  }
0xa7: {  	s28 =	simm.s32 $_size_execute0_lowered;
	s3 =	sadd.s32 s3, s5;
	[dreg:$0x0] =	wrdreg $0x0  }
0xa8: {  	s5 =	sshll.u32 s28, $0x1;
	[dreg:$0x2] =	wrdreg s3  }
0xa9: {  	[dreg:$0x3] =	wrdreg s5  }
0xaa: {  	[dreg:$0x4] =	wrdreg $0xC0  }
0xab: {  	_ =	task [dreg:s7], $0x5FFFF  }
0xac: {  	[dreg:$0x1] =	wrdreg $0xFFFFFFFF  }
0xad: {  	[dreg:$0x0] =	wrdreg $0x60  }
0xae: {  	[dreg:$0x2] =	wrdreg s24  }
0xaf: {  	[dreg:$0x3] =	wrdreg s2  }
0xb0: {  	[dreg:$0x4] =	wrdreg $0x9  }
0xb1: {  	_ =	task.clear_ibuf [dreg:s7], $0x5FFFF;
	_ =	strace $0x90000046  }
0xb2: {  	s29 =	simm.s32 $0x9;
	_ =	strace $0x80000048  }
0xb3: {  	_ =	swait.ge [sflag:s29], $0x1  }
0xb4: {  	[sflag:s29] =	ssyncadd.s32 $0xFFFFFFFF  }
0xb5: {  	_ =	strace $0x90000048  }
0xb6: {  	_ =	sfence  }
0xb7: {  	s30 =	sld [smem:$0x0];
	_ =	sdelay $0x2  }
0xb8: {  	s31 =	sshll.u32 s1, $0xD;
	s1 =	sshrl.u32 s1, $0x2  }
0xb9: {  	s3 =	sand.u32 $0x4000, s31;
	s1 =	sadd.s32 s1, s30  }
0xba: {  	s0 =	sor.u32 s3, s0;
	s1 =	sshll.u32 s1, $0x11  }
0xbb: {  	s0 =	sor.u32 s1, s0  }
0xbc: {  	s0 =	sadd.s32 $0x8F2B, s0  }
0xbd: {  	[sflag:s0] =	ssyncadd.remote.s32 $0x1  }
0xbe: {  	_ =	sfence.sel $0xFFFF  }
0xbf: {  	[dreg:$0x0] =	wrdreg $0xFFFFFFFF;
	(pc) =	sbr.abs _section_cstart, $3  }
0xc0: {  	[dreg:$0x1] =	wrdreg $0xFFFFFFFF  }
0xc1: {  	_ =	task.clear_ibuf [dreg:s7], $0x2FFFF;
	_ =	strace $0x9FFFFFFF  }
0xc2: {  	(tm) =	ssettm $0x7FFFFFFF  }
0xc3: {  	_ =	shalt  }
tec
execute0_lowered:
.L_overlay_start_1:
0x0: {  	(tag) =	ssettag $0x1  }
0x1: {  	s0 =	srdreg.scid;
	s2 =	stileid.u32  }
0x2: {  	s1 =	rddreg [dreg:$0x0];
	s13 =	simm.s32 $0x5;
	s15 =	simm.s32 $0x80  }
0x3: {  	s16 =	simm.s32 $0x9600;
	s17 =	simm.s32 $0x48;
	s18 =	simm.s32 $0xB600  }
0x4: {  	s20 =	simm.s32 $0xC800;
	s22 =	simm.s32 $0xE800;
	s23 =	simm.s32 $0x1  }
0x5: {  	s28 =	simm.s32 $0x11A00;
	s30 =	simm.s32 $0x12C00;
	s0 =	sand.u32 $0x1, s0  }
0x6: {  	s14 =	simm.s32 $0x3;
	s3 =	sshll.u32 s2, $0x8;
	s4 =	sshll.u32 s0, $0x7  }
0x7: {  	s29 =	simm.s32 $0x4;
	s2 =	rddreg [dreg:$0x1];
	s3 =	sor.u32 s4, s3  }
0x8: {  	s0 =	ssub.s32 $0x2, s0;
	s4 =	simm.s32 $0x0;
	s5 =	smul.u32 $0x19, s3  }
0x9: {  	s25 =	sshrl.u32 s0, $0x1;
	[smem:$0x7FF] =	sst s4;
	s7 =	smul.u32 $0x3200, s3  }
0xa: {  	s8 =	smul.u32 $0x640, s3;
	s0 =	ssub.s32 s0, s25;
	s25 =	simm.s32 $0xFA00  }
0xb: {  	_ =	strace $0x80000047;
	s12 =	smax.u32 s0, $0x1;
	s6 =	sadd.s32 s5, s1  }
0xc: {  	s5 =	sadd.s32 $0xF43000, s1;
	s1 =	sadd.s32 $0x19C00, s1;
	s9 =	sshrl.u32 s7, $0x3  }
0xd: {  	s7 =	sadd.s32 s2, s8;
	[dreg:$0x3] =	wrdreg s1;
	s6 =	sadd.s32 $0xC00, s6  }
0xe: {  	s0 =	simm.s32 $0x2;
	s31 =	sadd.s32 $0xC80, s7;
	[dreg:$0x4] =	wrdreg s6  }
0xf: {  	s26 =	sadd.s32 s2, s9;
	s1 =	simm.s32 $0x14C00;
	[dreg:$0x5] =	wrdreg s31  }
0x10: {  	s10 =	sadd.s32 $0x30700, s26;
	s11 =	sadd.s32 $0x31380, s26;
	s26 =	simm.s32 $0x0  }
.LBB2_1:
0x11: {  	s6 =	rddreg [dreg:$0x4]  }
0x12: {  	[tilespmem:s4], [sflag:$0x5] =	stream.linear.gather [hbm4b:s6+s4], $0x6400, $0x38;
	[tilespmem:$0x15E00] =	vst v63  }
0x13: {  	_ =	swait.ge [sflag:s13], $0x6400  }
0x14: {  	[sflag:s13] =	ssyncset.done $0x0  }
0x15: {  	s8 =	simm.s32 $0x6400;
	s31 =	rddreg [dreg:$0x3];
	[sflag:s13] =	ssyncadd.s32 $0xFFFF9C00  }
0x16: {  	[tilespmem:s8], [sflag:$0x5] =	stream.linear.gather [hbm4b:s31+s4], $0x3200, $0x38;
	[tilespmem:$0x15E00] =	vst v63  }
0x17: {  	_ =	swait.ge [sflag:s13], $0x3200  }
0x18: {  	[sflag:s13] =	ssyncset.done $0x0  }
0x19: {  	[sflag:s13] =	ssyncadd.s32 $0xFFFFCE00  }
0x1a: {  	[tilespmem:s16], [sflag:$0x1] =	stream.indirect.gather [hbm4b:s5+s15], $0x40, s4, s15, $0xb8;
	[tilespmem:$0x15E00] =	vst v63  }
0x1b: {  	_ = 	snop  }
0x1c: {  	[tilespmem:s18], [sflag:$0x1] =	stream.indirect.gather [hbm4b:s5+s17], $0x40, s15, s17, $0xb8;
	[tilespmem:$0x15E00] =	vst v63  }
0x1d: {  	s8 =	simm.s32 $0xC8  }
0x1e: {  	[tilespmem:s20], [sflag:$0x1] =	stream.indirect.gather [hbm4b:s5+s15], $0x40, s8, s15, $0xb8;
	[tilespmem:$0x15E00] =	vst v63  }
0x1f: {  	s9 =	simm.s32 $0x148  }
0x20: {  	[tilespmem:s22], [sflag:$0x1] =	stream.indirect.gather [hbm4b:s5+s17], $0x40, s9, s17, $0xb8;
	[tilespmem:$0x15E00] =	vst v63  }
0x21: {  	_ =	swait.ge [sflag:s23], $0x6400  }
0x22: {  	[sflag:s23] =	ssyncset.done $0x0  }
0x23: {  	s19 =	simm.s32 $0x190;
	[sflag:s23] =	ssyncadd.s32 $0xFFFF9C00  }
0x24: {  	[tilespmem:s25], [sflag:$0x2] =	stream.indirect.gather [hbm4b:s5+s15], $0x40, s19, s15, $0xb8;
	[tilespmem:$0x15E00] =	vst v63  }
0x25: {  	s21 =	simm.s32 $0x210  }
0x26: {  	[tilespmem:s28], [sflag:$0x2] =	stream.indirect.gather [hbm4b:s5+s17], $0x40, s21, s17, $0xb8;
	[tilespmem:$0x15E00] =	vst v63  }
0x27: {  	s24 =	simm.s32 $0x258  }
0x28: {  	[tilespmem:s30], [sflag:$0x2] =	stream.indirect.gather [hbm4b:s5+s15], $0x40, s24, s15, $0xb8;
	[tilespmem:$0x15E00] =	vst v63  }
0x29: {  	s6 =	simm.s32 $0x0;
	s31 =	simm.s32 $0x2D8  }
0x2a: {  	[tilespmem:s1], [sflag:$0x2] =	stream.indirect.gather [hbm4b:s5+s17], $0x40, s31, s17, $0xb8;
	[tilespmem:$0x15E00] =	vst v63  }
0x2b: {  	v0 =	vld [tilespmem:s6+$0x64F0]  }
0x2c: {  	v1 =	vld [tilespmem:s6+$0x6400]  }
0x2d: {  	v2 =	vld [tilespmem:s6+$0x6410]  }
0x2e: {  	v3 =	vld [tilespmem:s6+$0x6420]  }
0x2f: {  	v4 =	vld [tilespmem:s6+$0x6430]  }
0x30: {  	v5 =	vld [tilespmem:s6+$0x6440]  }
0x31: {  	v6 =	vld [tilespmem:s6+$0x6450]  }
0x32: {  	v7 =	vld [tilespmem:s6+$0x6460]  }
0x33: {  	v8 =	vld [tilespmem:s6+$0x6470]  }
0x34: {  	v9 =	vld [tilespmem:s6+$0x6480]  }
0x35: {  	v10 =	vld [tilespmem:s6+$0x6490]  }
0x36: {  	v11 =	vld [tilespmem:s6+$0x64A0]  }
0x37: {  	v12 =	vld [tilespmem:s6+$0x64B0]  }
0x38: {  	v13 =	vld [tilespmem:s6+$0x64C0]  }
0x39: {  	v14 =	vld [tilespmem:s6+$0x64D0]  }
0x3a: {  	[tilespmem:s6+$0x96F0] =	vst.add.f32.msk $0xffff, v0  }
0x3b: {  	v0 =	vld [tilespmem:s6+$0x64E0]  }
0x3c: {  	[tilespmem:s6+$0x9600] =	vst.add.f32.msk $0xffff, v1  }
0x3d: {  	[tilespmem:s6+$0x9610] =	vst.add.f32.msk $0xffff, v2  }
0x3e: {  	[tilespmem:s6+$0x9620] =	vst.add.f32.msk $0xffff, v3  }
0x3f: {  	[tilespmem:s6+$0x9630] =	vst.add.f32.msk $0xffff, v4  }
0x40: {  	[tilespmem:s6+$0x9640] =	vst.add.f32.msk $0xffff, v5  }
0x41: {  	[tilespmem:s6+$0x9650] =	vst.add.f32.msk $0xffff, v6  }
0x42: {  	[tilespmem:s6+$0x9660] =	vst.add.f32.msk $0xffff, v7  }
0x43: {  	[tilespmem:s6+$0x9670] =	vst.add.f32.msk $0xffff, v8  }
0x44: {  	[tilespmem:s6+$0x9680] =	vst.add.f32.msk $0xffff, v9  }
0x45: {  	[tilespmem:s6+$0x9690] =	vst.add.f32.msk $0xffff, v10  }
0x46: {  	[tilespmem:s6+$0x96A0] =	vst.add.f32.msk $0xffff, v11  }
0x47: {  	[tilespmem:s6+$0x96B0] =	vst.add.f32.msk $0xffff, v12  }
0x48: {  	[tilespmem:s6+$0x96C0] =	vst.add.f32.msk $0xffff, v13  }
0x49: {  	s8 =	simm.s32 $0x400;
	s19 =	simm.s32 $0x0;
	[tilespmem:s6+$0x96D0] =	vst.add.f32.msk $0xffff, v14  }
.LBB2_2:
0x4a: {  	s19 =	sadd.s32 $0x4, s19;
	[tilespmem:s6+$0x96E0] =	vst.add.f32.msk $0xffff, v0;
	s6 =	sshra.s32 s8, $0x2  }
0x4b: {  	v0 =	vld [tilespmem:s6+$0x64F0];
	p0 =	slt.u32 s19, $0xC4  }
0x4c: {  	v1 =	vld [tilespmem:s6+$0x6400]  }
0x4d: {  	v2 =	vld [tilespmem:s6+$0x6410]  }
0x4e: {  	v3 =	vld [tilespmem:s6+$0x6420]  }
0x4f: {  	v4 =	vld [tilespmem:s6+$0x6430]  }
0x50: {  	[tilespmem:s6+$0x96F0] =	vst.add.f32.msk $0xffff, v0  }
0x51: {  	v5 =	vld [tilespmem:s6+$0x6440]  }
0x52: {  	v6 =	vld [tilespmem:s6+$0x6450]  }
0x53: {  	v7 =	vld [tilespmem:s6+$0x6460]  }
0x54: {  	v8 =	vld [tilespmem:s6+$0x6470]  }
0x55: {  	v9 =	vld [tilespmem:s6+$0x6480]  }
0x56: {  	v10 =	vld [tilespmem:s6+$0x6490]  }
0x57: {  	v11 =	vld [tilespmem:s6+$0x64A0]  }
0x58: {  	v12 =	vld [tilespmem:s6+$0x64B0]  }
0x59: {  	v13 =	vld [tilespmem:s6+$0x64C0]  }
0x5a: {  	v14 =	vld [tilespmem:s6+$0x64D0]  }
0x5b: {  	v0 =	vld [tilespmem:s6+$0x64E0]  }
0x5c: {  	[tilespmem:s6+$0x9600] =	vst.add.f32.msk $0xffff, v1  }
0x5d: {  	[tilespmem:s6+$0x9610] =	vst.add.f32.msk $0xffff, v2  }
0x5e: {  	[tilespmem:s6+$0x9620] =	vst.add.f32.msk $0xffff, v3  }
0x5f: {  	[tilespmem:s6+$0x9630] =	vst.add.f32.msk $0xffff, v4  }
0x60: {  	[tilespmem:s6+$0x9640] =	vst.add.f32.msk $0xffff, v5  }
0x61: {  	[tilespmem:s6+$0x9650] =	vst.add.f32.msk $0xffff, v6  }
0x62: {  	[tilespmem:s6+$0x9660] =	vst.add.f32.msk $0xffff, v7  }
0x63: {  	[tilespmem:s6+$0x9670] =	vst.add.f32.msk $0xffff, v8  }
0x64: {  	[tilespmem:s6+$0x9680] =	vst.add.f32.msk $0xffff, v9  }
.Ltmp0:
0x65: {  	[tilespmem:s6+$0x9690] =	vst.add.f32.msk $0xffff, v10;
	(pc) =	sbr.rel @p0 .LBB2_2-.Ltmp0, $4  }
0x66: {  	[tilespmem:s6+$0x96A0] =	vst.add.f32.msk $0xffff, v11  }
0x67: {  	[tilespmem:s6+$0x96B0] =	vst.add.f32.msk $0xffff, v12  }
0x68: {  	[tilespmem:s6+$0x96C0] =	vst.add.f32.msk $0xffff, v13  }
0x69: {  	s8 =	sadd.s32 $0x400, s8;
	[tilespmem:s6+$0x96D0] =	vst.add.f32.msk $0xffff, v14  }
0x6a: {  	[tilespmem:s6+$0x96E0] =	vst.add.f32.msk $0xffff, v0;
	s6 =	simm.s32 $0x0  }
0x6b: {  	v0 =	vld [tilespmem:s6+$0x64F0]  }
0x6c: {  	v1 =	vld [tilespmem:s6+$0x6400]  }
0x6d: {  	v2 =	vld [tilespmem:s6+$0x6410]  }
0x6e: {  	v3 =	vld [tilespmem:s6+$0x6420]  }
0x6f: {  	v4 =	vld [tilespmem:s6+$0x6430]  }
0x70: {  	v5 =	vld [tilespmem:s6+$0x6440]  }
0x71: {  	v6 =	vld [tilespmem:s6+$0x6450]  }
0x72: {  	v7 =	vld [tilespmem:s6+$0x6460]  }
0x73: {  	v8 =	vld [tilespmem:s6+$0x6470]  }
0x74: {  	v9 =	vld [tilespmem:s6+$0x6480]  }
0x75: {  	v10 =	vld [tilespmem:s6+$0x6490]  }
0x76: {  	v11 =	vld [tilespmem:s6+$0x64A0]  }
0x77: {  	v12 =	vld [tilespmem:s6+$0x64B0]  }
0x78: {  	v13 =	vld [tilespmem:s6+$0x64C0]  }
0x79: {  	v14 =	vld [tilespmem:s6+$0x64D0]  }
0x7a: {  	[tilespmem:s6+$0xC8F0] =	vst.add.f32.msk $0xffff, v0  }
0x7b: {  	v0 =	vld [tilespmem:s6+$0x64E0]  }
0x7c: {  	[tilespmem:s6+$0xC800] =	vst.add.f32.msk $0xffff, v1  }
0x7d: {  	[tilespmem:s6+$0xC810] =	vst.add.f32.msk $0xffff, v2  }
0x7e: {  	[tilespmem:s6+$0xC820] =	vst.add.f32.msk $0xffff, v3  }
0x7f: {  	[tilespmem:s6+$0xC830] =	vst.add.f32.msk $0xffff, v4  }
0x80: {  	[tilespmem:s6+$0xC840] =	vst.add.f32.msk $0xffff, v5  }
0x81: {  	[tilespmem:s6+$0xC850] =	vst.add.f32.msk $0xffff, v6  }
0x82: {  	[tilespmem:s6+$0xC860] =	vst.add.f32.msk $0xffff, v7  }
0x83: {  	[tilespmem:s6+$0xC870] =	vst.add.f32.msk $0xffff, v8  }
0x84: {  	[tilespmem:s6+$0xC880] =	vst.add.f32.msk $0xffff, v9  }
0x85: {  	[tilespmem:s6+$0xC890] =	vst.add.f32.msk $0xffff, v10  }
0x86: {  	[tilespmem:s6+$0xC8A0] =	vst.add.f32.msk $0xffff, v11  }
0x87: {  	[tilespmem:s6+$0xC8B0] =	vst.add.f32.msk $0xffff, v12  }
0x88: {  	[tilespmem:s6+$0xC8C0] =	vst.add.f32.msk $0xffff, v13  }
0x89: {  	s19 =	simm.s32 $0x0;
	s8 =	simm.s32 $0x400;
	[tilespmem:s6+$0xC8D0] =	vst.add.f32.msk $0xffff, v14  }
.LBB2_4:
0x8a: {  	s19 =	sadd.s32 $0x4, s19;
	[tilespmem:s6+$0xC8E0] =	vst.add.f32.msk $0xffff, v0;
	s6 =	sshra.s32 s8, $0x2  }
0x8b: {  	v0 =	vld [tilespmem:s6+$0x64F0];
	p0 =	slt.u32 s19, $0xC4  }
0x8c: {  	v1 =	vld [tilespmem:s6+$0x6400]  }
0x8d: {  	v2 =	vld [tilespmem:s6+$0x6410]  }
0x8e: {  	v3 =	vld [tilespmem:s6+$0x6420]  }
0x8f: {  	v4 =	vld [tilespmem:s6+$0x6430]  }
0x90: {  	[tilespmem:s6+$0xC8F0] =	vst.add.f32.msk $0xffff, v0  }
0x91: {  	v5 =	vld [tilespmem:s6+$0x6440]  }
0x92: {  	v6 =	vld [tilespmem:s6+$0x6450]  }
0x93: {  	v7 =	vld [tilespmem:s6+$0x6460]  }
0x94: {  	v8 =	vld [tilespmem:s6+$0x6470]  }
0x95: {  	v9 =	vld [tilespmem:s6+$0x6480]  }
0x96: {  	v10 =	vld [tilespmem:s6+$0x6490]  }
0x97: {  	v11 =	vld [tilespmem:s6+$0x64A0]  }
0x98: {  	v12 =	vld [tilespmem:s6+$0x64B0]  }
0x99: {  	v13 =	vld [tilespmem:s6+$0x64C0]  }
0x9a: {  	v14 =	vld [tilespmem:s6+$0x64D0]  }
0x9b: {  	v0 =	vld [tilespmem:s6+$0x64E0]  }
0x9c: {  	[tilespmem:s6+$0xC800] =	vst.add.f32.msk $0xffff, v1  }
0x9d: {  	[tilespmem:s6+$0xC810] =	vst.add.f32.msk $0xffff, v2  }
0x9e: {  	[tilespmem:s6+$0xC820] =	vst.add.f32.msk $0xffff, v3  }
0x9f: {  	[tilespmem:s6+$0xC830] =	vst.add.f32.msk $0xffff, v4  }
0xa0: {  	[tilespmem:s6+$0xC840] =	vst.add.f32.msk $0xffff, v5  }
0xa1: {  	[tilespmem:s6+$0xC850] =	vst.add.f32.msk $0xffff, v6  }
0xa2: {  	[tilespmem:s6+$0xC860] =	vst.add.f32.msk $0xffff, v7  }
0xa3: {  	[tilespmem:s6+$0xC870] =	vst.add.f32.msk $0xffff, v8  }
0xa4: {  	[tilespmem:s6+$0xC880] =	vst.add.f32.msk $0xffff, v9  }
.Ltmp1:
0xa5: {  	[tilespmem:s6+$0xC890] =	vst.add.f32.msk $0xffff, v10;
	(pc) =	sbr.rel @p0 .LBB2_4-.Ltmp1, $4  }
0xa6: {  	[tilespmem:s6+$0xC8A0] =	vst.add.f32.msk $0xffff, v11  }
0xa7: {  	[tilespmem:s6+$0xC8B0] =	vst.add.f32.msk $0xffff, v12  }
0xa8: {  	[tilespmem:s6+$0xC8C0] =	vst.add.f32.msk $0xffff, v13  }
0xa9: {  	s8 =	sadd.s32 $0x400, s8;
	[tilespmem:s6+$0xC8D0] =	vst.add.f32.msk $0xffff, v14  }
0xaa: {  	[tilespmem:s6+$0xC8E0] =	vst.add.f32.msk $0xffff, v0;
	s9 =	simm.s32 $0x0  }
0xab: {  	[hbm4b:s7+s9] =	stream.linear.scatter [tilespmem:s16], [sflag:$0x3], $0x6400, $0x38;
	[tilespmem:$0x15E00] =	vst v63  }
0xac: {  	_ =	swait.ge [sflag:s0], $0x6400  }
0xad: {  	[sflag:s0] =	ssyncset.done $0x0  }
0xae: {  	[sflag:s0] =	ssyncadd.s32 $0xFFFF9C00  }
0xaf: {  	_ =	swait.ge [sflag:s14], $0x6400  }
0xb0: {  	[sflag:s14] =	ssyncset.done $0x0  }
0xb1: {  	s19 =	simm.s32 $0x320;
	[sflag:s14] =	ssyncadd.s32 $0xFFFF9C00  }
0xb2: {  	[tilespmem:s16], [sflag:$0x1] =	stream.indirect.gather [hbm4b:s5+s15], $0x40, s19, s15, $0xb8;
	[tilespmem:$0x15E00] =	vst v63  }
0xb3: {  	s21 =	simm.s32 $0x3A0  }
0xb4: {  	[tilespmem:s18], [sflag:$0x1] =	stream.indirect.gather [hbm4b:s5+s17], $0x40, s21, s17, $0xb8;
	[tilespmem:$0x15E00] =	vst v63  }
0xb5: {  	s24 =	simm.s32 $0x3E8  }
0xb6: {  	[tilespmem:s20], [sflag:$0x1] =	stream.indirect.gather [hbm4b:s5+s15], $0x40, s24, s15, $0xb8;
	[tilespmem:$0x15E00] =	vst v63  }
0xb7: {  	s31 =	simm.s32 $0x468;
	s6 =	simm.s32 $0x0  }
0xb8: {  	[tilespmem:s22], [sflag:$0x1] =	stream.indirect.gather [hbm4b:s5+s17], $0x40, s31, s17, $0xb8;
	[tilespmem:$0x15E00] =	vst v63  }
0xb9: {  	v0 =	vld [tilespmem:s6+$0x64F0]  }
0xba: {  	v1 =	vld [tilespmem:s6+$0x6400]  }
0xbb: {  	v2 =	vld [tilespmem:s6+$0x6410]  }
0xbc: {  	v3 =	vld [tilespmem:s6+$0x6420]  }
0xbd: {  	v4 =	vld [tilespmem:s6+$0x6430]  }
0xbe: {  	v5 =	vld [tilespmem:s6+$0x6440]  }
0xbf: {  	v6 =	vld [tilespmem:s6+$0x6450]  }
0xc0: {  	v7 =	vld [tilespmem:s6+$0x6460]  }
0xc1: {  	v8 =	vld [tilespmem:s6+$0x6470]  }
0xc2: {  	v9 =	vld [tilespmem:s6+$0x6480]  }
0xc3: {  	v10 =	vld [tilespmem:s6+$0x6490]  }
0xc4: {  	v11 =	vld [tilespmem:s6+$0x64A0]  }
0xc5: {  	v12 =	vld [tilespmem:s6+$0x64B0]  }
0xc6: {  	v13 =	vld [tilespmem:s6+$0x64C0]  }
0xc7: {  	v14 =	vld [tilespmem:s6+$0x64D0]  }
0xc8: {  	[tilespmem:s6+$0xFAF0] =	vst.add.f32.msk $0xffff, v0  }
0xc9: {  	v0 =	vld [tilespmem:s6+$0x64E0]  }
0xca: {  	[tilespmem:s6+$0xFA00] =	vst.add.f32.msk $0xffff, v1  }
0xcb: {  	[tilespmem:s6+$0xFA10] =	vst.add.f32.msk $0xffff, v2  }
0xcc: {  	[tilespmem:s6+$0xFA20] =	vst.add.f32.msk $0xffff, v3  }
0xcd: {  	[tilespmem:s6+$0xFA30] =	vst.add.f32.msk $0xffff, v4  }
0xce: {  	[tilespmem:s6+$0xFA40] =	vst.add.f32.msk $0xffff, v5  }
0xcf: {  	[tilespmem:s6+$0xFA50] =	vst.add.f32.msk $0xffff, v6  }
0xd0: {  	[tilespmem:s6+$0xFA60] =	vst.add.f32.msk $0xffff, v7  }
0xd1: {  	[tilespmem:s6+$0xFA70] =	vst.add.f32.msk $0xffff, v8  }
0xd2: {  	[tilespmem:s6+$0xFA80] =	vst.add.f32.msk $0xffff, v9  }
0xd3: {  	[tilespmem:s6+$0xFA90] =	vst.add.f32.msk $0xffff, v10  }
0xd4: {  	[tilespmem:s6+$0xFAA0] =	vst.add.f32.msk $0xffff, v11  }
0xd5: {  	[tilespmem:s6+$0xFAB0] =	vst.add.f32.msk $0xffff, v12  }
0xd6: {  	[tilespmem:s6+$0xFAC0] =	vst.add.f32.msk $0xffff, v13  }
0xd7: {  	s8 =	simm.s32 $0x400;
	s19 =	simm.s32 $0x0;
	[tilespmem:s6+$0xFAD0] =	vst.add.f32.msk $0xffff, v14  }
.LBB2_6:
0xd8: {  	s19 =	sadd.s32 $0x4, s19;
	[tilespmem:s6+$0xFAE0] =	vst.add.f32.msk $0xffff, v0;
	s6 =	sshra.s32 s8, $0x2  }
0xd9: {  	v0 =	vld [tilespmem:s6+$0x64F0];
	p0 =	slt.u32 s19, $0xC4  }
0xda: {  	v1 =	vld [tilespmem:s6+$0x6400]  }
0xdb: {  	v2 =	vld [tilespmem:s6+$0x6410]  }
0xdc: {  	v3 =	vld [tilespmem:s6+$0x6420]  }
0xdd: {  	v4 =	vld [tilespmem:s6+$0x6430]  }
0xde: {  	[tilespmem:s6+$0xFAF0] =	vst.add.f32.msk $0xffff, v0  }
0xdf: {  	v5 =	vld [tilespmem:s6+$0x6440]  }
0xe0: {  	v6 =	vld [tilespmem:s6+$0x6450]  }
0xe1: {  	v7 =	vld [tilespmem:s6+$0x6460]  }
0xe2: {  	v8 =	vld [tilespmem:s6+$0x6470]  }
0xe3: {  	v9 =	vld [tilespmem:s6+$0x6480]  }
0xe4: {  	v10 =	vld [tilespmem:s6+$0x6490]  }
0xe5: {  	v11 =	vld [tilespmem:s6+$0x64A0]  }
0xe6: {  	v12 =	vld [tilespmem:s6+$0x64B0]  }
0xe7: {  	v13 =	vld [tilespmem:s6+$0x64C0]  }
0xe8: {  	v14 =	vld [tilespmem:s6+$0x64D0]  }
0xe9: {  	v0 =	vld [tilespmem:s6+$0x64E0]  }
0xea: {  	[tilespmem:s6+$0xFA00] =	vst.add.f32.msk $0xffff, v1  }
0xeb: {  	[tilespmem:s6+$0xFA10] =	vst.add.f32.msk $0xffff, v2  }
0xec: {  	[tilespmem:s6+$0xFA20] =	vst.add.f32.msk $0xffff, v3  }
0xed: {  	[tilespmem:s6+$0xFA30] =	vst.add.f32.msk $0xffff, v4  }
0xee: {  	[tilespmem:s6+$0xFA40] =	vst.add.f32.msk $0xffff, v5  }
0xef: {  	[tilespmem:s6+$0xFA50] =	vst.add.f32.msk $0xffff, v6  }
0xf0: {  	[tilespmem:s6+$0xFA60] =	vst.add.f32.msk $0xffff, v7  }
0xf1: {  	[tilespmem:s6+$0xFA70] =	vst.add.f32.msk $0xffff, v8  }
0xf2: {  	[tilespmem:s6+$0xFA80] =	vst.add.f32.msk $0xffff, v9  }
.Ltmp2:
0xf3: {  	[tilespmem:s6+$0xFA90] =	vst.add.f32.msk $0xffff, v10;
	(pc) =	sbr.rel @p0 .LBB2_6-.Ltmp2, $4  }
0xf4: {  	[tilespmem:s6+$0xFAA0] =	vst.add.f32.msk $0xffff, v11  }
0xf5: {  	[tilespmem:s6+$0xFAB0] =	vst.add.f32.msk $0xffff, v12  }
0xf6: {  	[tilespmem:s6+$0xFAC0] =	vst.add.f32.msk $0xffff, v13  }
0xf7: {  	s8 =	sadd.s32 $0x400, s8;
	[tilespmem:s6+$0xFAD0] =	vst.add.f32.msk $0xffff, v14  }
0xf8: {  	[tilespmem:s6+$0xFAE0] =	vst.add.f32.msk $0xffff, v0;
	s6 =	simm.s32 $0x0  }
0xf9: {  	v0 =	vld [tilespmem:s6+$0x64F0]  }
0xfa: {  	v1 =	vld [tilespmem:s6+$0x6400]  }
0xfb: {  	v2 =	vld [tilespmem:s6+$0x6410]  }
0xfc: {  	v3 =	vld [tilespmem:s6+$0x6420]  }
0xfd: {  	v4 =	vld [tilespmem:s6+$0x6430]  }
0xfe: {  	v5 =	vld [tilespmem:s6+$0x6440]  }
0xff: {  	v6 =	vld [tilespmem:s6+$0x6450]  }
0x100: {  	v7 =	vld [tilespmem:s6+$0x6460]  }
0x101: {  	v8 =	vld [tilespmem:s6+$0x6470]  }
0x102: {  	v9 =	vld [tilespmem:s6+$0x6480]  }
0x103: {  	v10 =	vld [tilespmem:s6+$0x6490]  }
0x104: {  	v11 =	vld [tilespmem:s6+$0x64A0]  }
0x105: {  	v12 =	vld [tilespmem:s6+$0x64B0]  }
0x106: {  	v13 =	vld [tilespmem:s6+$0x64C0]  }
0x107: {  	v14 =	vld [tilespmem:s6+$0x64D0]  }
0x108: {  	[tilespmem:s6+$0x12CF0] =	vst.add.f32.msk $0xffff, v0  }
0x109: {  	v0 =	vld [tilespmem:s6+$0x64E0]  }
0x10a: {  	[tilespmem:s6+$0x12C00] =	vst.add.f32.msk $0xffff, v1  }
0x10b: {  	[tilespmem:s6+$0x12C10] =	vst.add.f32.msk $0xffff, v2  }
0x10c: {  	[tilespmem:s6+$0x12C20] =	vst.add.f32.msk $0xffff, v3  }
0x10d: {  	[tilespmem:s6+$0x12C30] =	vst.add.f32.msk $0xffff, v4  }
0x10e: {  	[tilespmem:s6+$0x12C40] =	vst.add.f32.msk $0xffff, v5  }
0x10f: {  	[tilespmem:s6+$0x12C50] =	vst.add.f32.msk $0xffff, v6  }
0x110: {  	[tilespmem:s6+$0x12C60] =	vst.add.f32.msk $0xffff, v7  }
0x111: {  	[tilespmem:s6+$0x12C70] =	vst.add.f32.msk $0xffff, v8  }
0x112: {  	[tilespmem:s6+$0x12C80] =	vst.add.f32.msk $0xffff, v9  }
0x113: {  	[tilespmem:s6+$0x12C90] =	vst.add.f32.msk $0xffff, v10  }
0x114: {  	[tilespmem:s6+$0x12CA0] =	vst.add.f32.msk $0xffff, v11  }
0x115: {  	[tilespmem:s6+$0x12CB0] =	vst.add.f32.msk $0xffff, v12  }
0x116: {  	[tilespmem:s6+$0x12CC0] =	vst.add.f32.msk $0xffff, v13  }
0x117: {  	s19 =	simm.s32 $0x0;
	s8 =	simm.s32 $0x400;
	[tilespmem:s6+$0x12CD0] =	vst.add.f32.msk $0xffff, v14  }
.LBB2_8:
0x118: {  	s19 =	sadd.s32 $0x4, s19;
	[tilespmem:s6+$0x12CE0] =	vst.add.f32.msk $0xffff, v0;
	s6 =	sshra.s32 s8, $0x2  }
0x119: {  	v0 =	vld [tilespmem:s6+$0x64F0];
	p0 =	slt.u32 s19, $0xC4  }
0x11a: {  	v1 =	vld [tilespmem:s6+$0x6400]  }
0x11b: {  	v2 =	vld [tilespmem:s6+$0x6410]  }
0x11c: {  	v3 =	vld [tilespmem:s6+$0x6420]  }
0x11d: {  	v4 =	vld [tilespmem:s6+$0x6430]  }
0x11e: {  	[tilespmem:s6+$0x12CF0] =	vst.add.f32.msk $0xffff, v0  }
0x11f: {  	v5 =	vld [tilespmem:s6+$0x6440]  }
0x120: {  	v6 =	vld [tilespmem:s6+$0x6450]  }
0x121: {  	v7 =	vld [tilespmem:s6+$0x6460]  }
0x122: {  	v8 =	vld [tilespmem:s6+$0x6470]  }
0x123: {  	v9 =	vld [tilespmem:s6+$0x6480]  }
0x124: {  	v10 =	vld [tilespmem:s6+$0x6490]  }
0x125: {  	v11 =	vld [tilespmem:s6+$0x64A0]  }
0x126: {  	v12 =	vld [tilespmem:s6+$0x64B0]  }
0x127: {  	v13 =	vld [tilespmem:s6+$0x64C0]  }
0x128: {  	v14 =	vld [tilespmem:s6+$0x64D0]  }
0x129: {  	v0 =	vld [tilespmem:s6+$0x64E0]  }
0x12a: {  	[tilespmem:s6+$0x12C00] =	vst.add.f32.msk $0xffff, v1  }
0x12b: {  	[tilespmem:s6+$0x12C10] =	vst.add.f32.msk $0xffff, v2  }
0x12c: {  	[tilespmem:s6+$0x12C20] =	vst.add.f32.msk $0xffff, v3  }
0x12d: {  	[tilespmem:s6+$0x12C30] =	vst.add.f32.msk $0xffff, v4  }
0x12e: {  	[tilespmem:s6+$0x12C40] =	vst.add.f32.msk $0xffff, v5  }
0x12f: {  	[tilespmem:s6+$0x12C50] =	vst.add.f32.msk $0xffff, v6  }
0x130: {  	[tilespmem:s6+$0x12C60] =	vst.add.f32.msk $0xffff, v7  }
0x131: {  	[tilespmem:s6+$0x12C70] =	vst.add.f32.msk $0xffff, v8  }
0x132: {  	[tilespmem:s6+$0x12C80] =	vst.add.f32.msk $0xffff, v9  }
.Ltmp3:
0x133: {  	[tilespmem:s6+$0x12C90] =	vst.add.f32.msk $0xffff, v10;
	(pc) =	sbr.rel @p0 .LBB2_8-.Ltmp3, $4  }
0x134: {  	[tilespmem:s6+$0x12CA0] =	vst.add.f32.msk $0xffff, v11  }
0x135: {  	[tilespmem:s6+$0x12CB0] =	vst.add.f32.msk $0xffff, v12  }
0x136: {  	[tilespmem:s6+$0x12CC0] =	vst.add.f32.msk $0xffff, v13  }
0x137: {  	s8 =	sadd.s32 $0x400, s8;
	[tilespmem:s6+$0x12CD0] =	vst.add.f32.msk $0xffff, v14  }
0x138: {  	[tilespmem:s6+$0x12CE0] =	vst.add.f32.msk $0xffff, v0;
	s24 =	rddreg [dreg:$0x5];
	s31 =	simm.s32 $0x1  }
0x139: {  	[hbm4b:s24+s4] =	stream.linear.scatter [tilespmem:s25], [sflag:$0x4], $0x6400, $0x38;
	[tilespmem:$0x15E00] =	vst v63  }
.LBB2_10:
0x13a: {  	_ =	swait.ge [sflag:s23], $0x6400  }
0x13b: {  	s24 =	sshll.u32 s31, $0x2;
	[sflag:s23] =	ssyncset.done $0x0  }
0x13c: {  	s19 =	sor.u32 $0x2, s24;
	[sflag:s23] =	ssyncadd.s32 $0xFFFF9C00  }
0x13d: {  	s6 =	smul.u32 $0x320, s19;
	_ =	swait.ge [sflag:s29], $0x6400  }
0x13e: {  	[sflag:s29] =	ssyncset.done $0x0  }
0x13f: {  	s8 =	smul.u32 $0xC80, s31;
	s6 =	sshra.s32 s6, $0x2;
	[sflag:s29] =	ssyncadd.s32 $0xFFFF9C00  }
0x140: {  	[tilespmem:s25], [sflag:$0x2] =	stream.indirect.gather [hbm4b:s5+s15], $0x40, s6, s15, $0xb8;
	[tilespmem:$0x15E00] =	vst v63  }
0x141: {  	s21 =	sshra.s32 s8, $0x2;
	s6 =	sadd.s32 $0x80, s6  }
0x142: {  	[tilespmem:s28], [sflag:$0x2] =	stream.indirect.gather [hbm4b:s5+s17], $0x40, s6, s17, $0xb8;
	[tilespmem:$0x15E00] =	vst v63  }
0x143: {  	s8 =	sadd.s32 $0x258, s21  }
0x144: {  	[tilespmem:s30], [sflag:$0x2] =	stream.indirect.gather [hbm4b:s5+s15], $0x40, s8, s15, $0xb8;
	[tilespmem:$0x15E00] =	vst v63  }
0x145: {  	s9 =	sadd.s32 $0x2D8, s21;
	s6 =	simm.s32 $0x0  }
0x146: {  	[tilespmem:s1], [sflag:$0x2] =	stream.indirect.gather [hbm4b:s5+s17], $0x40, s9, s17, $0xb8;
	[tilespmem:$0x15E00] =	vst v63  }
0x147: {  	v0 =	vld [tilespmem:s6+$0x64F0]  }
0x148: {  	v1 =	vld [tilespmem:s6+$0x6400]  }
0x149: {  	v2 =	vld [tilespmem:s6+$0x6410]  }
0x14a: {  	v3 =	vld [tilespmem:s6+$0x6420]  }
0x14b: {  	v4 =	vld [tilespmem:s6+$0x6430]  }
0x14c: {  	v5 =	vld [tilespmem:s6+$0x6440]  }
0x14d: {  	v6 =	vld [tilespmem:s6+$0x6450]  }
0x14e: {  	v7 =	vld [tilespmem:s6+$0x6460]  }
0x14f: {  	v8 =	vld [tilespmem:s6+$0x6470]  }
0x150: {  	v9 =	vld [tilespmem:s6+$0x6480]  }
0x151: {  	v10 =	vld [tilespmem:s6+$0x6490]  }
0x152: {  	v11 =	vld [tilespmem:s6+$0x64A0]  }
0x153: {  	v12 =	vld [tilespmem:s6+$0x64B0]  }
0x154: {  	v13 =	vld [tilespmem:s6+$0x64C0]  }
0x155: {  	v14 =	vld [tilespmem:s6+$0x64D0]  }
0x156: {  	[tilespmem:s6+$0x96F0] =	vst.add.f32.msk $0xffff, v0  }
0x157: {  	v0 =	vld [tilespmem:s6+$0x64E0]  }
0x158: {  	[tilespmem:s6+$0x9600] =	vst.add.f32.msk $0xffff, v1  }
0x159: {  	[tilespmem:s6+$0x9610] =	vst.add.f32.msk $0xffff, v2  }
0x15a: {  	[tilespmem:s6+$0x9620] =	vst.add.f32.msk $0xffff, v3  }
0x15b: {  	[tilespmem:s6+$0x9630] =	vst.add.f32.msk $0xffff, v4  }
0x15c: {  	[tilespmem:s6+$0x9640] =	vst.add.f32.msk $0xffff, v5  }
0x15d: {  	[tilespmem:s6+$0x9650] =	vst.add.f32.msk $0xffff, v6  }
0x15e: {  	[tilespmem:s6+$0x9660] =	vst.add.f32.msk $0xffff, v7  }
0x15f: {  	[tilespmem:s6+$0x9670] =	vst.add.f32.msk $0xffff, v8  }
0x160: {  	[tilespmem:s6+$0x9680] =	vst.add.f32.msk $0xffff, v9  }
0x161: {  	[tilespmem:s6+$0x9690] =	vst.add.f32.msk $0xffff, v10  }
0x162: {  	[tilespmem:s6+$0x96A0] =	vst.add.f32.msk $0xffff, v11  }
0x163: {  	[tilespmem:s6+$0x96B0] =	vst.add.f32.msk $0xffff, v12  }
0x164: {  	[tilespmem:s6+$0x96C0] =	vst.add.f32.msk $0xffff, v13  }
0x165: {  	s8 =	simm.s32 $0x0;
	s9 =	simm.s32 $0x400;
	[tilespmem:s6+$0x96D0] =	vst.add.f32.msk $0xffff, v14  }
.LBB2_11:
0x166: {  	s8 =	sadd.s32 $0x4, s8;
	[tilespmem:s6+$0x96E0] =	vst.add.f32.msk $0xffff, v0;
	s6 =	sshra.s32 s9, $0x2  }
0x167: {  	v0 =	vld [tilespmem:s6+$0x64F0];
	p0 =	slt.u32 s8, $0xC4  }
0x168: {  	v1 =	vld [tilespmem:s6+$0x6400]  }
0x169: {  	v2 =	vld [tilespmem:s6+$0x6410]  }
0x16a: {  	v3 =	vld [tilespmem:s6+$0x6420]  }
0x16b: {  	v4 =	vld [tilespmem:s6+$0x6430]  }
0x16c: {  	[tilespmem:s6+$0x96F0] =	vst.add.f32.msk $0xffff, v0  }
0x16d: {  	v5 =	vld [tilespmem:s6+$0x6440]  }
0x16e: {  	v6 =	vld [tilespmem:s6+$0x6450]  }
0x16f: {  	v7 =	vld [tilespmem:s6+$0x6460]  }
0x170: {  	v8 =	vld [tilespmem:s6+$0x6470]  }
0x171: {  	v9 =	vld [tilespmem:s6+$0x6480]  }
0x172: {  	v10 =	vld [tilespmem:s6+$0x6490]  }
0x173: {  	v11 =	vld [tilespmem:s6+$0x64A0]  }
0x174: {  	v12 =	vld [tilespmem:s6+$0x64B0]  }
0x175: {  	v13 =	vld [tilespmem:s6+$0x64C0]  }
0x176: {  	v14 =	vld [tilespmem:s6+$0x64D0]  }
0x177: {  	v0 =	vld [tilespmem:s6+$0x64E0]  }
0x178: {  	[tilespmem:s6+$0x9600] =	vst.add.f32.msk $0xffff, v1  }
0x179: {  	[tilespmem:s6+$0x9610] =	vst.add.f32.msk $0xffff, v2  }
0x17a: {  	[tilespmem:s6+$0x9620] =	vst.add.f32.msk $0xffff, v3  }
0x17b: {  	[tilespmem:s6+$0x9630] =	vst.add.f32.msk $0xffff, v4  }
0x17c: {  	[tilespmem:s6+$0x9640] =	vst.add.f32.msk $0xffff, v5  }
0x17d: {  	[tilespmem:s6+$0x9650] =	vst.add.f32.msk $0xffff, v6  }
0x17e: {  	[tilespmem:s6+$0x9660] =	vst.add.f32.msk $0xffff, v7  }
0x17f: {  	[tilespmem:s6+$0x9670] =	vst.add.f32.msk $0xffff, v8  }
0x180: {  	[tilespmem:s6+$0x9680] =	vst.add.f32.msk $0xffff, v9  }
.Ltmp4:
0x181: {  	[tilespmem:s6+$0x9690] =	vst.add.f32.msk $0xffff, v10;
	(pc) =	sbr.rel @p0 .LBB2_11-.Ltmp4, $4  }
0x182: {  	[tilespmem:s6+$0x96A0] =	vst.add.f32.msk $0xffff, v11  }
0x183: {  	[tilespmem:s6+$0x96B0] =	vst.add.f32.msk $0xffff, v12  }
0x184: {  	[tilespmem:s6+$0x96C0] =	vst.add.f32.msk $0xffff, v13  }
0x185: {  	s9 =	sadd.s32 $0x400, s9;
	[tilespmem:s6+$0x96D0] =	vst.add.f32.msk $0xffff, v14  }
0x186: {  	[tilespmem:s6+$0x96E0] =	vst.add.f32.msk $0xffff, v0;
	s6 =	simm.s32 $0x0  }
0x187: {  	v0 =	vld [tilespmem:s6+$0x64F0]  }
0x188: {  	v1 =	vld [tilespmem:s6+$0x6400]  }
0x189: {  	v2 =	vld [tilespmem:s6+$0x6410]  }
0x18a: {  	v3 =	vld [tilespmem:s6+$0x6420]  }
0x18b: {  	v4 =	vld [tilespmem:s6+$0x6430]  }
0x18c: {  	v5 =	vld [tilespmem:s6+$0x6440]  }
0x18d: {  	v6 =	vld [tilespmem:s6+$0x6450]  }
0x18e: {  	v7 =	vld [tilespmem:s6+$0x6460]  }
0x18f: {  	v8 =	vld [tilespmem:s6+$0x6470]  }
0x190: {  	v9 =	vld [tilespmem:s6+$0x6480]  }
0x191: {  	v10 =	vld [tilespmem:s6+$0x6490]  }
0x192: {  	v11 =	vld [tilespmem:s6+$0x64A0]  }
0x193: {  	v12 =	vld [tilespmem:s6+$0x64B0]  }
0x194: {  	v13 =	vld [tilespmem:s6+$0x64C0]  }
0x195: {  	v14 =	vld [tilespmem:s6+$0x64D0]  }
0x196: {  	[tilespmem:s6+$0xC8F0] =	vst.add.f32.msk $0xffff, v0  }
0x197: {  	v0 =	vld [tilespmem:s6+$0x64E0]  }
0x198: {  	[tilespmem:s6+$0xC800] =	vst.add.f32.msk $0xffff, v1  }
0x199: {  	[tilespmem:s6+$0xC810] =	vst.add.f32.msk $0xffff, v2  }
0x19a: {  	[tilespmem:s6+$0xC820] =	vst.add.f32.msk $0xffff, v3  }
0x19b: {  	[tilespmem:s6+$0xC830] =	vst.add.f32.msk $0xffff, v4  }
0x19c: {  	[tilespmem:s6+$0xC840] =	vst.add.f32.msk $0xffff, v5  }
0x19d: {  	[tilespmem:s6+$0xC850] =	vst.add.f32.msk $0xffff, v6  }
0x19e: {  	[tilespmem:s6+$0xC860] =	vst.add.f32.msk $0xffff, v7  }
0x19f: {  	[tilespmem:s6+$0xC870] =	vst.add.f32.msk $0xffff, v8  }
0x1a0: {  	[tilespmem:s6+$0xC880] =	vst.add.f32.msk $0xffff, v9  }
0x1a1: {  	[tilespmem:s6+$0xC890] =	vst.add.f32.msk $0xffff, v10  }
0x1a2: {  	[tilespmem:s6+$0xC8A0] =	vst.add.f32.msk $0xffff, v11  }
0x1a3: {  	[tilespmem:s6+$0xC8B0] =	vst.add.f32.msk $0xffff, v12  }
0x1a4: {  	[tilespmem:s6+$0xC8C0] =	vst.add.f32.msk $0xffff, v13  }
0x1a5: {  	s8 =	simm.s32 $0x0;
	s9 =	simm.s32 $0x400;
	[tilespmem:s6+$0xC8D0] =	vst.add.f32.msk $0xffff, v14  }
.LBB2_13:
0x1a6: {  	s8 =	sadd.s32 $0x4, s8;
	[tilespmem:s6+$0xC8E0] =	vst.add.f32.msk $0xffff, v0;
	s6 =	sshra.s32 s9, $0x2  }
0x1a7: {  	v0 =	vld [tilespmem:s6+$0x64F0];
	p0 =	slt.u32 s8, $0xC4  }
0x1a8: {  	v1 =	vld [tilespmem:s6+$0x6400]  }
0x1a9: {  	v2 =	vld [tilespmem:s6+$0x6410]  }
0x1aa: {  	v3 =	vld [tilespmem:s6+$0x6420]  }
0x1ab: {  	v4 =	vld [tilespmem:s6+$0x6430]  }
0x1ac: {  	[tilespmem:s6+$0xC8F0] =	vst.add.f32.msk $0xffff, v0  }
0x1ad: {  	v5 =	vld [tilespmem:s6+$0x6440]  }
0x1ae: {  	v6 =	vld [tilespmem:s6+$0x6450]  }
0x1af: {  	v7 =	vld [tilespmem:s6+$0x6460]  }
0x1b0: {  	v8 =	vld [tilespmem:s6+$0x6470]  }
0x1b1: {  	v9 =	vld [tilespmem:s6+$0x6480]  }
0x1b2: {  	v10 =	vld [tilespmem:s6+$0x6490]  }
0x1b3: {  	v11 =	vld [tilespmem:s6+$0x64A0]  }
0x1b4: {  	v12 =	vld [tilespmem:s6+$0x64B0]  }
0x1b5: {  	v13 =	vld [tilespmem:s6+$0x64C0]  }
0x1b6: {  	v14 =	vld [tilespmem:s6+$0x64D0]  }
0x1b7: {  	v0 =	vld [tilespmem:s6+$0x64E0]  }
0x1b8: {  	[tilespmem:s6+$0xC800] =	vst.add.f32.msk $0xffff, v1  }
0x1b9: {  	[tilespmem:s6+$0xC810] =	vst.add.f32.msk $0xffff, v2  }
0x1ba: {  	[tilespmem:s6+$0xC820] =	vst.add.f32.msk $0xffff, v3  }
0x1bb: {  	[tilespmem:s6+$0xC830] =	vst.add.f32.msk $0xffff, v4  }
0x1bc: {  	[tilespmem:s6+$0xC840] =	vst.add.f32.msk $0xffff, v5  }
0x1bd: {  	[tilespmem:s6+$0xC850] =	vst.add.f32.msk $0xffff, v6  }
0x1be: {  	[tilespmem:s6+$0xC860] =	vst.add.f32.msk $0xffff, v7  }
0x1bf: {  	[tilespmem:s6+$0xC870] =	vst.add.f32.msk $0xffff, v8  }
0x1c0: {  	[tilespmem:s6+$0xC880] =	vst.add.f32.msk $0xffff, v9  }
.Ltmp5:
0x1c1: {  	[tilespmem:s6+$0xC890] =	vst.add.f32.msk $0xffff, v10;
	(pc) =	sbr.rel @p0 .LBB2_13-.Ltmp5, $4  }
0x1c2: {  	[tilespmem:s6+$0xC8A0] =	vst.add.f32.msk $0xffff, v11  }
0x1c3: {  	[tilespmem:s6+$0xC8B0] =	vst.add.f32.msk $0xffff, v12  }
0x1c4: {  	[tilespmem:s6+$0xC8C0] =	vst.add.f32.msk $0xffff, v13  }
0x1c5: {  	s9 =	sadd.s32 $0x400, s9;
	[tilespmem:s6+$0xC8D0] =	vst.add.f32.msk $0xffff, v14  }
0x1c6: {  	s8 =	sadd.s32 s3, s24  }
0x1c7: {  	s8 =	smul.u32 $0x640, s8;
	_ =	sdelay $0x1  }
0x1c8: {  	[tilespmem:s6+$0xC8E0] =	vst.add.f32.msk $0xffff, v0;
	s9 =	simm.s32 $0x0;
	s8 =	sadd.s32 s2, s8  }
0x1c9: {  	[hbm4b:s8+s9] =	stream.linear.scatter [tilespmem:s16], [sflag:$0x3], $0x6400, $0x38;
	[tilespmem:$0x15E00] =	vst v63  }
0x1ca: {  	_ =	swait.ge [sflag:s0], $0x6400  }
0x1cb: {  	[sflag:s0] =	ssyncset.done $0x0  }
0x1cc: {  	[sflag:s0] =	ssyncadd.s32 $0xFFFF9C00  }
0x1cd: {  	_ =	swait.ge [sflag:s14], $0x6400  }
0x1ce: {  	[sflag:s14] =	ssyncset.done $0x0  }
0x1cf: {  	s24 =	sadd.s32 $0x320, s21;
	[sflag:s14] =	ssyncadd.s32 $0xFFFF9C00  }
0x1d0: {  	[tilespmem:s16], [sflag:$0x1] =	stream.indirect.gather [hbm4b:s5+s15], $0x40, s24, s15, $0xb8;
	[tilespmem:$0x15E00] =	vst v63  }
0x1d1: {  	s8 =	sadd.s32 $0x3A0, s21  }
0x1d2: {  	[tilespmem:s18], [sflag:$0x1] =	stream.indirect.gather [hbm4b:s5+s17], $0x40, s8, s17, $0xb8;
	[tilespmem:$0x15E00] =	vst v63  }
0x1d3: {  	s9 =	sadd.s32 $0x3E8, s21  }
0x1d4: {  	[tilespmem:s20], [sflag:$0x1] =	stream.indirect.gather [hbm4b:s5+s15], $0x40, s9, s15, $0xb8;
	[tilespmem:$0x15E00] =	vst v63  }
0x1d5: {  	s6 =	simm.s32 $0x0;
	s24 =	sadd.s32 $0x468, s21  }
0x1d6: {  	[tilespmem:s22], [sflag:$0x1] =	stream.indirect.gather [hbm4b:s5+s17], $0x40, s24, s17, $0xb8;
	[tilespmem:$0x15E00] =	vst v63  }
0x1d7: {  	v0 =	vld [tilespmem:s6+$0x64F0]  }
0x1d8: {  	v1 =	vld [tilespmem:s6+$0x6400]  }
0x1d9: {  	v2 =	vld [tilespmem:s6+$0x6410]  }
0x1da: {  	v3 =	vld [tilespmem:s6+$0x6420]  }
0x1db: {  	v4 =	vld [tilespmem:s6+$0x6430]  }
0x1dc: {  	v5 =	vld [tilespmem:s6+$0x6440]  }
0x1dd: {  	v6 =	vld [tilespmem:s6+$0x6450]  }
0x1de: {  	v7 =	vld [tilespmem:s6+$0x6460]  }
0x1df: {  	v8 =	vld [tilespmem:s6+$0x6470]  }
0x1e0: {  	v9 =	vld [tilespmem:s6+$0x6480]  }
0x1e1: {  	v10 =	vld [tilespmem:s6+$0x6490]  }
0x1e2: {  	v11 =	vld [tilespmem:s6+$0x64A0]  }
0x1e3: {  	v12 =	vld [tilespmem:s6+$0x64B0]  }
0x1e4: {  	v13 =	vld [tilespmem:s6+$0x64C0]  }
0x1e5: {  	v14 =	vld [tilespmem:s6+$0x64D0]  }
0x1e6: {  	[tilespmem:s6+$0xFAF0] =	vst.add.f32.msk $0xffff, v0  }
0x1e7: {  	v0 =	vld [tilespmem:s6+$0x64E0]  }
0x1e8: {  	[tilespmem:s6+$0xFA00] =	vst.add.f32.msk $0xffff, v1  }
0x1e9: {  	[tilespmem:s6+$0xFA10] =	vst.add.f32.msk $0xffff, v2  }
0x1ea: {  	[tilespmem:s6+$0xFA20] =	vst.add.f32.msk $0xffff, v3  }
0x1eb: {  	[tilespmem:s6+$0xFA30] =	vst.add.f32.msk $0xffff, v4  }
0x1ec: {  	[tilespmem:s6+$0xFA40] =	vst.add.f32.msk $0xffff, v5  }
0x1ed: {  	[tilespmem:s6+$0xFA50] =	vst.add.f32.msk $0xffff, v6  }
0x1ee: {  	[tilespmem:s6+$0xFA60] =	vst.add.f32.msk $0xffff, v7  }
0x1ef: {  	[tilespmem:s6+$0xFA70] =	vst.add.f32.msk $0xffff, v8  }
0x1f0: {  	[tilespmem:s6+$0xFA80] =	vst.add.f32.msk $0xffff, v9  }
0x1f1: {  	[tilespmem:s6+$0xFA90] =	vst.add.f32.msk $0xffff, v10  }
0x1f2: {  	[tilespmem:s6+$0xFAA0] =	vst.add.f32.msk $0xffff, v11  }
0x1f3: {  	[tilespmem:s6+$0xFAB0] =	vst.add.f32.msk $0xffff, v12  }
0x1f4: {  	[tilespmem:s6+$0xFAC0] =	vst.add.f32.msk $0xffff, v13  }
0x1f5: {  	s8 =	simm.s32 $0x0;
	s9 =	simm.s32 $0x400;
	[tilespmem:s6+$0xFAD0] =	vst.add.f32.msk $0xffff, v14  }
.LBB2_15:
0x1f6: {  	s8 =	sadd.s32 $0x4, s8;
	[tilespmem:s6+$0xFAE0] =	vst.add.f32.msk $0xffff, v0;
	s6 =	sshra.s32 s9, $0x2  }
0x1f7: {  	v0 =	vld [tilespmem:s6+$0x64F0];
	p0 =	slt.u32 s8, $0xC4  }
0x1f8: {  	v1 =	vld [tilespmem:s6+$0x6400]  }
0x1f9: {  	v2 =	vld [tilespmem:s6+$0x6410]  }
0x1fa: {  	v3 =	vld [tilespmem:s6+$0x6420]  }
0x1fb: {  	v4 =	vld [tilespmem:s6+$0x6430]  }
0x1fc: {  	[tilespmem:s6+$0xFAF0] =	vst.add.f32.msk $0xffff, v0  }
0x1fd: {  	v5 =	vld [tilespmem:s6+$0x6440]  }
0x1fe: {  	v6 =	vld [tilespmem:s6+$0x6450]  }
0x1ff: {  	v7 =	vld [tilespmem:s6+$0x6460]  }
0x200: {  	v8 =	vld [tilespmem:s6+$0x6470]  }
0x201: {  	v9 =	vld [tilespmem:s6+$0x6480]  }
0x202: {  	v10 =	vld [tilespmem:s6+$0x6490]  }
0x203: {  	v11 =	vld [tilespmem:s6+$0x64A0]  }
0x204: {  	v12 =	vld [tilespmem:s6+$0x64B0]  }
0x205: {  	v13 =	vld [tilespmem:s6+$0x64C0]  }
0x206: {  	v14 =	vld [tilespmem:s6+$0x64D0]  }
0x207: {  	v0 =	vld [tilespmem:s6+$0x64E0]  }
0x208: {  	[tilespmem:s6+$0xFA00] =	vst.add.f32.msk $0xffff, v1  }
0x209: {  	[tilespmem:s6+$0xFA10] =	vst.add.f32.msk $0xffff, v2  }
0x20a: {  	[tilespmem:s6+$0xFA20] =	vst.add.f32.msk $0xffff, v3  }
0x20b: {  	[tilespmem:s6+$0xFA30] =	vst.add.f32.msk $0xffff, v4  }
0x20c: {  	[tilespmem:s6+$0xFA40] =	vst.add.f32.msk $0xffff, v5  }
0x20d: {  	[tilespmem:s6+$0xFA50] =	vst.add.f32.msk $0xffff, v6  }
0x20e: {  	[tilespmem:s6+$0xFA60] =	vst.add.f32.msk $0xffff, v7  }
0x20f: {  	[tilespmem:s6+$0xFA70] =	vst.add.f32.msk $0xffff, v8  }
0x210: {  	[tilespmem:s6+$0xFA80] =	vst.add.f32.msk $0xffff, v9  }
.Ltmp6:
0x211: {  	[tilespmem:s6+$0xFA90] =	vst.add.f32.msk $0xffff, v10;
	(pc) =	sbr.rel @p0 .LBB2_15-.Ltmp6, $4  }
0x212: {  	[tilespmem:s6+$0xFAA0] =	vst.add.f32.msk $0xffff, v11  }
0x213: {  	[tilespmem:s6+$0xFAB0] =	vst.add.f32.msk $0xffff, v12  }
0x214: {  	[tilespmem:s6+$0xFAC0] =	vst.add.f32.msk $0xffff, v13  }
0x215: {  	s9 =	sadd.s32 $0x400, s9;
	[tilespmem:s6+$0xFAD0] =	vst.add.f32.msk $0xffff, v14  }
0x216: {  	[tilespmem:s6+$0xFAE0] =	vst.add.f32.msk $0xffff, v0;
	s6 =	simm.s32 $0x0  }
0x217: {  	v0 =	vld [tilespmem:s6+$0x64F0]  }
0x218: {  	v1 =	vld [tilespmem:s6+$0x6400]  }
0x219: {  	v2 =	vld [tilespmem:s6+$0x6410]  }
0x21a: {  	v3 =	vld [tilespmem:s6+$0x6420]  }
0x21b: {  	v4 =	vld [tilespmem:s6+$0x6430]  }
0x21c: {  	v5 =	vld [tilespmem:s6+$0x6440]  }
0x21d: {  	v6 =	vld [tilespmem:s6+$0x6450]  }
0x21e: {  	v7 =	vld [tilespmem:s6+$0x6460]  }
0x21f: {  	v8 =	vld [tilespmem:s6+$0x6470]  }
0x220: {  	v9 =	vld [tilespmem:s6+$0x6480]  }
0x221: {  	v10 =	vld [tilespmem:s6+$0x6490]  }
0x222: {  	v11 =	vld [tilespmem:s6+$0x64A0]  }
0x223: {  	v12 =	vld [tilespmem:s6+$0x64B0]  }
0x224: {  	v13 =	vld [tilespmem:s6+$0x64C0]  }
0x225: {  	v14 =	vld [tilespmem:s6+$0x64D0]  }
0x226: {  	[tilespmem:s6+$0x12CF0] =	vst.add.f32.msk $0xffff, v0  }
0x227: {  	v0 =	vld [tilespmem:s6+$0x64E0]  }
0x228: {  	[tilespmem:s6+$0x12C00] =	vst.add.f32.msk $0xffff, v1  }
0x229: {  	[tilespmem:s6+$0x12C10] =	vst.add.f32.msk $0xffff, v2  }
0x22a: {  	[tilespmem:s6+$0x12C20] =	vst.add.f32.msk $0xffff, v3  }
0x22b: {  	[tilespmem:s6+$0x12C30] =	vst.add.f32.msk $0xffff, v4  }
0x22c: {  	[tilespmem:s6+$0x12C40] =	vst.add.f32.msk $0xffff, v5  }
0x22d: {  	[tilespmem:s6+$0x12C50] =	vst.add.f32.msk $0xffff, v6  }
0x22e: {  	[tilespmem:s6+$0x12C60] =	vst.add.f32.msk $0xffff, v7  }
0x22f: {  	[tilespmem:s6+$0x12C70] =	vst.add.f32.msk $0xffff, v8  }
0x230: {  	[tilespmem:s6+$0x12C80] =	vst.add.f32.msk $0xffff, v9  }
0x231: {  	[tilespmem:s6+$0x12C90] =	vst.add.f32.msk $0xffff, v10  }
0x232: {  	[tilespmem:s6+$0x12CA0] =	vst.add.f32.msk $0xffff, v11  }
0x233: {  	[tilespmem:s6+$0x12CB0] =	vst.add.f32.msk $0xffff, v12  }
0x234: {  	[tilespmem:s6+$0x12CC0] =	vst.add.f32.msk $0xffff, v13  }
0x235: {  	s8 =	simm.s32 $0x0;
	s9 =	simm.s32 $0x400;
	[tilespmem:s6+$0x12CD0] =	vst.add.f32.msk $0xffff, v14  }
.LBB2_17:
0x236: {  	s8 =	sadd.s32 $0x4, s8;
	[tilespmem:s6+$0x12CE0] =	vst.add.f32.msk $0xffff, v0;
	s6 =	sshra.s32 s9, $0x2  }
0x237: {  	v0 =	vld [tilespmem:s6+$0x64F0];
	p0 =	slt.u32 s8, $0xC4  }
0x238: {  	v1 =	vld [tilespmem:s6+$0x6400]  }
0x239: {  	v2 =	vld [tilespmem:s6+$0x6410]  }
0x23a: {  	v3 =	vld [tilespmem:s6+$0x6420]  }
0x23b: {  	v4 =	vld [tilespmem:s6+$0x6430]  }
0x23c: {  	[tilespmem:s6+$0x12CF0] =	vst.add.f32.msk $0xffff, v0  }
0x23d: {  	v5 =	vld [tilespmem:s6+$0x6440]  }
0x23e: {  	v6 =	vld [tilespmem:s6+$0x6450]  }
0x23f: {  	v7 =	vld [tilespmem:s6+$0x6460]  }
0x240: {  	v8 =	vld [tilespmem:s6+$0x6470]  }
0x241: {  	v9 =	vld [tilespmem:s6+$0x6480]  }
0x242: {  	v10 =	vld [tilespmem:s6+$0x6490]  }
0x243: {  	v11 =	vld [tilespmem:s6+$0x64A0]  }
0x244: {  	v12 =	vld [tilespmem:s6+$0x64B0]  }
0x245: {  	v13 =	vld [tilespmem:s6+$0x64C0]  }
0x246: {  	v14 =	vld [tilespmem:s6+$0x64D0]  }
0x247: {  	v0 =	vld [tilespmem:s6+$0x64E0]  }
0x248: {  	[tilespmem:s6+$0x12C00] =	vst.add.f32.msk $0xffff, v1  }
0x249: {  	[tilespmem:s6+$0x12C10] =	vst.add.f32.msk $0xffff, v2  }
0x24a: {  	[tilespmem:s6+$0x12C20] =	vst.add.f32.msk $0xffff, v3  }
0x24b: {  	[tilespmem:s6+$0x12C30] =	vst.add.f32.msk $0xffff, v4  }
0x24c: {  	[tilespmem:s6+$0x12C40] =	vst.add.f32.msk $0xffff, v5  }
0x24d: {  	[tilespmem:s6+$0x12C50] =	vst.add.f32.msk $0xffff, v6  }
0x24e: {  	[tilespmem:s6+$0x12C60] =	vst.add.f32.msk $0xffff, v7  }
0x24f: {  	[tilespmem:s6+$0x12C70] =	vst.add.f32.msk $0xffff, v8  }
0x250: {  	[tilespmem:s6+$0x12C80] =	vst.add.f32.msk $0xffff, v9  }
.Ltmp7:
0x251: {  	[tilespmem:s6+$0x12C90] =	vst.add.f32.msk $0xffff, v10;
	(pc) =	sbr.rel @p0 .LBB2_17-.Ltmp7, $4  }
0x252: {  	[tilespmem:s6+$0x12CA0] =	vst.add.f32.msk $0xffff, v11  }
0x253: {  	[tilespmem:s6+$0x12CB0] =	vst.add.f32.msk $0xffff, v12  }
0x254: {  	[tilespmem:s6+$0x12CC0] =	vst.add.f32.msk $0xffff, v13  }
0x255: {  	s9 =	sadd.s32 $0x400, s9;
	[tilespmem:s6+$0x12CD0] =	vst.add.f32.msk $0xffff, v14  }
0x256: {  	s31 =	sadd.s32 $0x1, s31  }
0x257: {  	p0 =	sne.s32 s31, $0x1F  }
.Ltmp8:
0x258: {  	s8 =	sadd.s32 s3, s19;
	(pc) =	sbr.rel @p0 .LBB2_10-.Ltmp8, $3  }
0x259: {  	s8 =	smul.u32 $0x640, s8;
	_ =	sdelay $0x1  }
0x25a: {  	[tilespmem:s6+$0x12CE0] =	vst.add.f32.msk $0xffff, v0;
	s24 =	sadd.s32 s2, s8  }
0x25b: {  	[hbm4b:s24+s4] =	stream.linear.scatter [tilespmem:s25], [sflag:$0x4], $0x6400, $0x38;
	[tilespmem:$0x15E00] =	vst v63  }
0x25c: {  	_ =	swait.ge [sflag:s23], $0x6400  }
0x25d: {  	[sflag:s23] =	ssyncset.done $0x0  }
0x25e: {  	[sflag:s23] =	ssyncadd.s32 $0xFFFF9C00  }
0x25f: {  	_ =	swait.ge [sflag:s29], $0x6400  }
0x260: {  	[sflag:s29] =	ssyncset.done $0x0  }
0x261: {  	s6 =	simm.s32 $0x6270;
	[sflag:s29] =	ssyncadd.s32 $0xFFFF9C00  }
0x262: {  	[tilespmem:s25], [sflag:$0x2] =	stream.indirect.gather [hbm4b:s5+s15], $0x40, s6, s15, $0xb8;
	[tilespmem:$0x15E00] =	vst v63  }
0x263: {  	s21 =	simm.s32 $0x62F0  }
0x264: {  	[tilespmem:s28], [sflag:$0x2] =	stream.indirect.gather [hbm4b:s5+s17], $0x40, s21, s17, $0xb8;
	[tilespmem:$0x15E00] =	vst v63  }
0x265: {  	s24 =	simm.s32 $0x6338  }
0x266: {  	[tilespmem:s30], [sflag:$0x2] =	stream.indirect.gather [hbm4b:s5+s15], $0x40, s24, s15, $0xb8;
	[tilespmem:$0x15E00] =	vst v63  }
0x267: {  	s31 =	simm.s32 $0x63B8;
	s6 =	simm.s32 $0x0  }
0x268: {  	[tilespmem:s1], [sflag:$0x2] =	stream.indirect.gather [hbm4b:s5+s17], $0x40, s31, s17, $0xb8;
	[tilespmem:$0x15E00] =	vst v63  }
0x269: {  	v0 =	vld [tilespmem:s6+$0x64F0]  }
0x26a: {  	v1 =	vld [tilespmem:s6+$0x6400]  }
0x26b: {  	v2 =	vld [tilespmem:s6+$0x6410]  }
0x26c: {  	v3 =	vld [tilespmem:s6+$0x6420]  }
0x26d: {  	v4 =	vld [tilespmem:s6+$0x6430]  }
0x26e: {  	v5 =	vld [tilespmem:s6+$0x6440]  }
0x26f: {  	v6 =	vld [tilespmem:s6+$0x6450]  }
0x270: {  	v7 =	vld [tilespmem:s6+$0x6460]  }
0x271: {  	v8 =	vld [tilespmem:s6+$0x6470]  }
0x272: {  	v9 =	vld [tilespmem:s6+$0x6480]  }
0x273: {  	v10 =	vld [tilespmem:s6+$0x6490]  }
0x274: {  	v11 =	vld [tilespmem:s6+$0x64A0]  }
0x275: {  	v12 =	vld [tilespmem:s6+$0x64B0]  }
0x276: {  	v13 =	vld [tilespmem:s6+$0x64C0]  }
0x277: {  	v14 =	vld [tilespmem:s6+$0x64D0]  }
0x278: {  	[tilespmem:s6+$0x96F0] =	vst.add.f32.msk $0xffff, v0  }
0x279: {  	v0 =	vld [tilespmem:s6+$0x64E0]  }
0x27a: {  	[tilespmem:s6+$0x9600] =	vst.add.f32.msk $0xffff, v1  }
0x27b: {  	[tilespmem:s6+$0x9610] =	vst.add.f32.msk $0xffff, v2  }
0x27c: {  	[tilespmem:s6+$0x9620] =	vst.add.f32.msk $0xffff, v3  }
0x27d: {  	[tilespmem:s6+$0x9630] =	vst.add.f32.msk $0xffff, v4  }
0x27e: {  	[tilespmem:s6+$0x9640] =	vst.add.f32.msk $0xffff, v5  }
0x27f: {  	[tilespmem:s6+$0x9650] =	vst.add.f32.msk $0xffff, v6  }
0x280: {  	[tilespmem:s6+$0x9660] =	vst.add.f32.msk $0xffff, v7  }
0x281: {  	[tilespmem:s6+$0x9670] =	vst.add.f32.msk $0xffff, v8  }
0x282: {  	[tilespmem:s6+$0x9680] =	vst.add.f32.msk $0xffff, v9  }
0x283: {  	[tilespmem:s6+$0x9690] =	vst.add.f32.msk $0xffff, v10  }
0x284: {  	[tilespmem:s6+$0x96A0] =	vst.add.f32.msk $0xffff, v11  }
0x285: {  	[tilespmem:s6+$0x96B0] =	vst.add.f32.msk $0xffff, v12  }
0x286: {  	[tilespmem:s6+$0x96C0] =	vst.add.f32.msk $0xffff, v13  }
0x287: {  	s8 =	simm.s32 $0x0;
	s9 =	simm.s32 $0x400;
	[tilespmem:s6+$0x96D0] =	vst.add.f32.msk $0xffff, v14  }
.LBB2_20:
0x288: {  	s8 =	sadd.s32 $0x4, s8;
	[tilespmem:s6+$0x96E0] =	vst.add.f32.msk $0xffff, v0;
	s6 =	sshra.s32 s9, $0x2  }
0x289: {  	v0 =	vld [tilespmem:s6+$0x64F0];
	p0 =	slt.u32 s8, $0xC4  }
0x28a: {  	v1 =	vld [tilespmem:s6+$0x6400]  }
0x28b: {  	v2 =	vld [tilespmem:s6+$0x6410]  }
0x28c: {  	v3 =	vld [tilespmem:s6+$0x6420]  }
0x28d: {  	v4 =	vld [tilespmem:s6+$0x6430]  }
0x28e: {  	[tilespmem:s6+$0x96F0] =	vst.add.f32.msk $0xffff, v0  }
0x28f: {  	v5 =	vld [tilespmem:s6+$0x6440]  }
0x290: {  	v6 =	vld [tilespmem:s6+$0x6450]  }
0x291: {  	v7 =	vld [tilespmem:s6+$0x6460]  }
0x292: {  	v8 =	vld [tilespmem:s6+$0x6470]  }
0x293: {  	v9 =	vld [tilespmem:s6+$0x6480]  }
0x294: {  	v10 =	vld [tilespmem:s6+$0x6490]  }
0x295: {  	v11 =	vld [tilespmem:s6+$0x64A0]  }
0x296: {  	v12 =	vld [tilespmem:s6+$0x64B0]  }
0x297: {  	v13 =	vld [tilespmem:s6+$0x64C0]  }
0x298: {  	v14 =	vld [tilespmem:s6+$0x64D0]  }
0x299: {  	v0 =	vld [tilespmem:s6+$0x64E0]  }
0x29a: {  	[tilespmem:s6+$0x9600] =	vst.add.f32.msk $0xffff, v1  }
0x29b: {  	[tilespmem:s6+$0x9610] =	vst.add.f32.msk $0xffff, v2  }
0x29c: {  	[tilespmem:s6+$0x9620] =	vst.add.f32.msk $0xffff, v3  }
0x29d: {  	[tilespmem:s6+$0x9630] =	vst.add.f32.msk $0xffff, v4  }
0x29e: {  	[tilespmem:s6+$0x9640] =	vst.add.f32.msk $0xffff, v5  }
0x29f: {  	[tilespmem:s6+$0x9650] =	vst.add.f32.msk $0xffff, v6  }
0x2a0: {  	[tilespmem:s6+$0x9660] =	vst.add.f32.msk $0xffff, v7  }
0x2a1: {  	[tilespmem:s6+$0x9670] =	vst.add.f32.msk $0xffff, v8  }
0x2a2: {  	[tilespmem:s6+$0x9680] =	vst.add.f32.msk $0xffff, v9  }
.Ltmp9:
0x2a3: {  	[tilespmem:s6+$0x9690] =	vst.add.f32.msk $0xffff, v10;
	(pc) =	sbr.rel @p0 .LBB2_20-.Ltmp9, $4  }
0x2a4: {  	[tilespmem:s6+$0x96A0] =	vst.add.f32.msk $0xffff, v11  }
0x2a5: {  	[tilespmem:s6+$0x96B0] =	vst.add.f32.msk $0xffff, v12  }
0x2a6: {  	[tilespmem:s6+$0x96C0] =	vst.add.f32.msk $0xffff, v13  }
0x2a7: {  	s9 =	sadd.s32 $0x400, s9;
	[tilespmem:s6+$0x96D0] =	vst.add.f32.msk $0xffff, v14  }
0x2a8: {  	[tilespmem:s6+$0x96E0] =	vst.add.f32.msk $0xffff, v0;
	s6 =	simm.s32 $0x0  }
0x2a9: {  	v0 =	vld [tilespmem:s6+$0x64F0]  }
0x2aa: {  	v1 =	vld [tilespmem:s6+$0x6400]  }
0x2ab: {  	v2 =	vld [tilespmem:s6+$0x6410]  }
0x2ac: {  	v3 =	vld [tilespmem:s6+$0x6420]  }
0x2ad: {  	v4 =	vld [tilespmem:s6+$0x6430]  }
0x2ae: {  	v5 =	vld [tilespmem:s6+$0x6440]  }
0x2af: {  	v6 =	vld [tilespmem:s6+$0x6450]  }
0x2b0: {  	v7 =	vld [tilespmem:s6+$0x6460]  }
0x2b1: {  	v8 =	vld [tilespmem:s6+$0x6470]  }
0x2b2: {  	v9 =	vld [tilespmem:s6+$0x6480]  }
0x2b3: {  	v10 =	vld [tilespmem:s6+$0x6490]  }
0x2b4: {  	v11 =	vld [tilespmem:s6+$0x64A0]  }
0x2b5: {  	v12 =	vld [tilespmem:s6+$0x64B0]  }
0x2b6: {  	v13 =	vld [tilespmem:s6+$0x64C0]  }
0x2b7: {  	v14 =	vld [tilespmem:s6+$0x64D0]  }
0x2b8: {  	[tilespmem:s6+$0xC8F0] =	vst.add.f32.msk $0xffff, v0  }
0x2b9: {  	v0 =	vld [tilespmem:s6+$0x64E0]  }
0x2ba: {  	[tilespmem:s6+$0xC800] =	vst.add.f32.msk $0xffff, v1  }
0x2bb: {  	[tilespmem:s6+$0xC810] =	vst.add.f32.msk $0xffff, v2  }
0x2bc: {  	[tilespmem:s6+$0xC820] =	vst.add.f32.msk $0xffff, v3  }
0x2bd: {  	[tilespmem:s6+$0xC830] =	vst.add.f32.msk $0xffff, v4  }
0x2be: {  	[tilespmem:s6+$0xC840] =	vst.add.f32.msk $0xffff, v5  }
0x2bf: {  	[tilespmem:s6+$0xC850] =	vst.add.f32.msk $0xffff, v6  }
0x2c0: {  	[tilespmem:s6+$0xC860] =	vst.add.f32.msk $0xffff, v7  }
0x2c1: {  	[tilespmem:s6+$0xC870] =	vst.add.f32.msk $0xffff, v8  }
0x2c2: {  	[tilespmem:s6+$0xC880] =	vst.add.f32.msk $0xffff, v9  }
0x2c3: {  	[tilespmem:s6+$0xC890] =	vst.add.f32.msk $0xffff, v10  }
0x2c4: {  	[tilespmem:s6+$0xC8A0] =	vst.add.f32.msk $0xffff, v11  }
0x2c5: {  	[tilespmem:s6+$0xC8B0] =	vst.add.f32.msk $0xffff, v12  }
0x2c6: {  	[tilespmem:s6+$0xC8C0] =	vst.add.f32.msk $0xffff, v13  }
0x2c7: {  	s8 =	simm.s32 $0x0;
	s9 =	simm.s32 $0x400;
	[tilespmem:s6+$0xC8D0] =	vst.add.f32.msk $0xffff, v14  }
.LBB2_22:
0x2c8: {  	s8 =	sadd.s32 $0x4, s8;
	[tilespmem:s6+$0xC8E0] =	vst.add.f32.msk $0xffff, v0;
	s6 =	sshra.s32 s9, $0x2  }
0x2c9: {  	v0 =	vld [tilespmem:s6+$0x64F0];
	p0 =	slt.u32 s8, $0xC4  }
0x2ca: {  	v1 =	vld [tilespmem:s6+$0x6400]  }
0x2cb: {  	v2 =	vld [tilespmem:s6+$0x6410]  }
0x2cc: {  	v3 =	vld [tilespmem:s6+$0x6420]  }
0x2cd: {  	v4 =	vld [tilespmem:s6+$0x6430]  }
0x2ce: {  	[tilespmem:s6+$0xC8F0] =	vst.add.f32.msk $0xffff, v0  }
0x2cf: {  	v5 =	vld [tilespmem:s6+$0x6440]  }
0x2d0: {  	v6 =	vld [tilespmem:s6+$0x6450]  }
0x2d1: {  	v7 =	vld [tilespmem:s6+$0x6460]  }
0x2d2: {  	v8 =	vld [tilespmem:s6+$0x6470]  }
0x2d3: {  	v9 =	vld [tilespmem:s6+$0x6480]  }
0x2d4: {  	v10 =	vld [tilespmem:s6+$0x6490]  }
0x2d5: {  	v11 =	vld [tilespmem:s6+$0x64A0]  }
0x2d6: {  	v12 =	vld [tilespmem:s6+$0x64B0]  }
0x2d7: {  	v13 =	vld [tilespmem:s6+$0x64C0]  }
0x2d8: {  	v14 =	vld [tilespmem:s6+$0x64D0]  }
0x2d9: {  	v0 =	vld [tilespmem:s6+$0x64E0]  }
0x2da: {  	[tilespmem:s6+$0xC800] =	vst.add.f32.msk $0xffff, v1  }
0x2db: {  	[tilespmem:s6+$0xC810] =	vst.add.f32.msk $0xffff, v2  }
0x2dc: {  	[tilespmem:s6+$0xC820] =	vst.add.f32.msk $0xffff, v3  }
0x2dd: {  	[tilespmem:s6+$0xC830] =	vst.add.f32.msk $0xffff, v4  }
0x2de: {  	[tilespmem:s6+$0xC840] =	vst.add.f32.msk $0xffff, v5  }
0x2df: {  	[tilespmem:s6+$0xC850] =	vst.add.f32.msk $0xffff, v6  }
0x2e0: {  	[tilespmem:s6+$0xC860] =	vst.add.f32.msk $0xffff, v7  }
0x2e1: {  	[tilespmem:s6+$0xC870] =	vst.add.f32.msk $0xffff, v8  }
0x2e2: {  	[tilespmem:s6+$0xC880] =	vst.add.f32.msk $0xffff, v9  }
.Ltmp10:
0x2e3: {  	[tilespmem:s6+$0xC890] =	vst.add.f32.msk $0xffff, v10;
	(pc) =	sbr.rel @p0 .LBB2_22-.Ltmp10, $4  }
0x2e4: {  	[tilespmem:s6+$0xC8A0] =	vst.add.f32.msk $0xffff, v11  }
0x2e5: {  	[tilespmem:s6+$0xC8B0] =	vst.add.f32.msk $0xffff, v12  }
0x2e6: {  	[tilespmem:s6+$0xC8C0] =	vst.add.f32.msk $0xffff, v13  }
0x2e7: {  	s9 =	sadd.s32 $0x400, s9;
	[tilespmem:s6+$0xC8D0] =	vst.add.f32.msk $0xffff, v14  }
0x2e8: {  	[tilespmem:s6+$0xC8E0] =	vst.add.f32.msk $0xffff, v0;
	s31 =	simm.s32 $0x0  }
0x2e9: {  	[hbm4b:s10+s31] =	stream.linear.scatter [tilespmem:s16], [sflag:$0x3], $0x6400, $0x38;
	[tilespmem:$0x15E00] =	vst v63  }
0x2ea: {  	_ =	swait.ge [sflag:s0], $0x6400  }
0x2eb: {  	[sflag:s0] =	ssyncset.done $0x0  }
0x2ec: {  	s6 =	simm.s32 $0x0;
	[sflag:s0] =	ssyncadd.s32 $0xFFFF9C00  }
0x2ed: {  	v0 =	vld [tilespmem:s6+$0x64F0]  }
0x2ee: {  	v1 =	vld [tilespmem:s6+$0x6400]  }
0x2ef: {  	v2 =	vld [tilespmem:s6+$0x6410]  }
0x2f0: {  	v3 =	vld [tilespmem:s6+$0x6420]  }
0x2f1: {  	v4 =	vld [tilespmem:s6+$0x6430]  }
0x2f2: {  	v5 =	vld [tilespmem:s6+$0x6440]  }
0x2f3: {  	v6 =	vld [tilespmem:s6+$0x6450]  }
0x2f4: {  	v7 =	vld [tilespmem:s6+$0x6460]  }
0x2f5: {  	v8 =	vld [tilespmem:s6+$0x6470]  }
0x2f6: {  	v9 =	vld [tilespmem:s6+$0x6480]  }
0x2f7: {  	v10 =	vld [tilespmem:s6+$0x6490]  }
0x2f8: {  	v11 =	vld [tilespmem:s6+$0x64A0]  }
0x2f9: {  	v12 =	vld [tilespmem:s6+$0x64B0]  }
0x2fa: {  	v13 =	vld [tilespmem:s6+$0x64C0]  }
0x2fb: {  	v14 =	vld [tilespmem:s6+$0x64D0]  }
0x2fc: {  	[tilespmem:s6+$0xFAF0] =	vst.add.f32.msk $0xffff, v0  }
0x2fd: {  	v0 =	vld [tilespmem:s6+$0x64E0]  }
0x2fe: {  	[tilespmem:s6+$0xFA00] =	vst.add.f32.msk $0xffff, v1  }
0x2ff: {  	[tilespmem:s6+$0xFA10] =	vst.add.f32.msk $0xffff, v2  }
0x300: {  	[tilespmem:s6+$0xFA20] =	vst.add.f32.msk $0xffff, v3  }
0x301: {  	[tilespmem:s6+$0xFA30] =	vst.add.f32.msk $0xffff, v4  }
0x302: {  	[tilespmem:s6+$0xFA40] =	vst.add.f32.msk $0xffff, v5  }
0x303: {  	[tilespmem:s6+$0xFA50] =	vst.add.f32.msk $0xffff, v6  }
0x304: {  	[tilespmem:s6+$0xFA60] =	vst.add.f32.msk $0xffff, v7  }
0x305: {  	[tilespmem:s6+$0xFA70] =	vst.add.f32.msk $0xffff, v8  }
0x306: {  	[tilespmem:s6+$0xFA80] =	vst.add.f32.msk $0xffff, v9  }
0x307: {  	[tilespmem:s6+$0xFA90] =	vst.add.f32.msk $0xffff, v10  }
0x308: {  	[tilespmem:s6+$0xFAA0] =	vst.add.f32.msk $0xffff, v11  }
0x309: {  	[tilespmem:s6+$0xFAB0] =	vst.add.f32.msk $0xffff, v12  }
0x30a: {  	[tilespmem:s6+$0xFAC0] =	vst.add.f32.msk $0xffff, v13  }
0x30b: {  	s8 =	simm.s32 $0x0;
	s9 =	simm.s32 $0x400;
	[tilespmem:s6+$0xFAD0] =	vst.add.f32.msk $0xffff, v14  }
.LBB2_24:
0x30c: {  	s8 =	sadd.s32 $0x4, s8;
	[tilespmem:s6+$0xFAE0] =	vst.add.f32.msk $0xffff, v0;
	s6 =	sshra.s32 s9, $0x2  }
0x30d: {  	v0 =	vld [tilespmem:s6+$0x64F0];
	p0 =	slt.u32 s8, $0xC4  }
0x30e: {  	v1 =	vld [tilespmem:s6+$0x6400]  }
0x30f: {  	v2 =	vld [tilespmem:s6+$0x6410]  }
0x310: {  	v3 =	vld [tilespmem:s6+$0x6420]  }
0x311: {  	v4 =	vld [tilespmem:s6+$0x6430]  }
0x312: {  	[tilespmem:s6+$0xFAF0] =	vst.add.f32.msk $0xffff, v0  }
0x313: {  	v5 =	vld [tilespmem:s6+$0x6440]  }
0x314: {  	v6 =	vld [tilespmem:s6+$0x6450]  }
0x315: {  	v7 =	vld [tilespmem:s6+$0x6460]  }
0x316: {  	v8 =	vld [tilespmem:s6+$0x6470]  }
0x317: {  	v9 =	vld [tilespmem:s6+$0x6480]  }
0x318: {  	v10 =	vld [tilespmem:s6+$0x6490]  }
0x319: {  	v11 =	vld [tilespmem:s6+$0x64A0]  }
0x31a: {  	v12 =	vld [tilespmem:s6+$0x64B0]  }
0x31b: {  	v13 =	vld [tilespmem:s6+$0x64C0]  }
0x31c: {  	v14 =	vld [tilespmem:s6+$0x64D0]  }
0x31d: {  	v0 =	vld [tilespmem:s6+$0x64E0]  }
0x31e: {  	[tilespmem:s6+$0xFA00] =	vst.add.f32.msk $0xffff, v1  }
0x31f: {  	[tilespmem:s6+$0xFA10] =	vst.add.f32.msk $0xffff, v2  }
0x320: {  	[tilespmem:s6+$0xFA20] =	vst.add.f32.msk $0xffff, v3  }
0x321: {  	[tilespmem:s6+$0xFA30] =	vst.add.f32.msk $0xffff, v4  }
0x322: {  	[tilespmem:s6+$0xFA40] =	vst.add.f32.msk $0xffff, v5  }
0x323: {  	[tilespmem:s6+$0xFA50] =	vst.add.f32.msk $0xffff, v6  }
0x324: {  	[tilespmem:s6+$0xFA60] =	vst.add.f32.msk $0xffff, v7  }
0x325: {  	[tilespmem:s6+$0xFA70] =	vst.add.f32.msk $0xffff, v8  }
0x326: {  	[tilespmem:s6+$0xFA80] =	vst.add.f32.msk $0xffff, v9  }
.Ltmp11:
0x327: {  	[tilespmem:s6+$0xFA90] =	vst.add.f32.msk $0xffff, v10;
	(pc) =	sbr.rel @p0 .LBB2_24-.Ltmp11, $4  }
0x328: {  	[tilespmem:s6+$0xFAA0] =	vst.add.f32.msk $0xffff, v11  }
0x329: {  	[tilespmem:s6+$0xFAB0] =	vst.add.f32.msk $0xffff, v12  }
0x32a: {  	[tilespmem:s6+$0xFAC0] =	vst.add.f32.msk $0xffff, v13  }
0x32b: {  	s9 =	sadd.s32 $0x400, s9;
	[tilespmem:s6+$0xFAD0] =	vst.add.f32.msk $0xffff, v14  }
0x32c: {  	[tilespmem:s6+$0xFAE0] =	vst.add.f32.msk $0xffff, v0;
	s6 =	simm.s32 $0x0  }
0x32d: {  	v0 =	vld [tilespmem:s6+$0x64F0]  }
0x32e: {  	v1 =	vld [tilespmem:s6+$0x6400]  }
0x32f: {  	v2 =	vld [tilespmem:s6+$0x6410]  }
0x330: {  	v3 =	vld [tilespmem:s6+$0x6420]  }
0x331: {  	v4 =	vld [tilespmem:s6+$0x6430]  }
0x332: {  	v5 =	vld [tilespmem:s6+$0x6440]  }
0x333: {  	v6 =	vld [tilespmem:s6+$0x6450]  }
0x334: {  	v7 =	vld [tilespmem:s6+$0x6460]  }
0x335: {  	v8 =	vld [tilespmem:s6+$0x6470]  }
0x336: {  	v9 =	vld [tilespmem:s6+$0x6480]  }
0x337: {  	v10 =	vld [tilespmem:s6+$0x6490]  }
0x338: {  	v11 =	vld [tilespmem:s6+$0x64A0]  }
0x339: {  	v12 =	vld [tilespmem:s6+$0x64B0]  }
0x33a: {  	v13 =	vld [tilespmem:s6+$0x64C0]  }
0x33b: {  	v14 =	vld [tilespmem:s6+$0x64D0]  }
0x33c: {  	[tilespmem:s6+$0x12CF0] =	vst.add.f32.msk $0xffff, v0  }
0x33d: {  	v0 =	vld [tilespmem:s6+$0x64E0]  }
0x33e: {  	[tilespmem:s6+$0x12C00] =	vst.add.f32.msk $0xffff, v1  }
0x33f: {  	[tilespmem:s6+$0x12C10] =	vst.add.f32.msk $0xffff, v2  }
0x340: {  	[tilespmem:s6+$0x12C20] =	vst.add.f32.msk $0xffff, v3  }
0x341: {  	[tilespmem:s6+$0x12C30] =	vst.add.f32.msk $0xffff, v4  }
0x342: {  	[tilespmem:s6+$0x12C40] =	vst.add.f32.msk $0xffff, v5  }
0x343: {  	[tilespmem:s6+$0x12C50] =	vst.add.f32.msk $0xffff, v6  }
0x344: {  	[tilespmem:s6+$0x12C60] =	vst.add.f32.msk $0xffff, v7  }
0x345: {  	[tilespmem:s6+$0x12C70] =	vst.add.f32.msk $0xffff, v8  }
0x346: {  	[tilespmem:s6+$0x12C80] =	vst.add.f32.msk $0xffff, v9  }
0x347: {  	[tilespmem:s6+$0x12C90] =	vst.add.f32.msk $0xffff, v10  }
0x348: {  	[tilespmem:s6+$0x12CA0] =	vst.add.f32.msk $0xffff, v11  }
0x349: {  	[tilespmem:s6+$0x12CB0] =	vst.add.f32.msk $0xffff, v12  }
0x34a: {  	[tilespmem:s6+$0x12CC0] =	vst.add.f32.msk $0xffff, v13  }
0x34b: {  	s8 =	simm.s32 $0x0;
	s9 =	simm.s32 $0x400;
	[tilespmem:s6+$0x12CD0] =	vst.add.f32.msk $0xffff, v14  }
.LBB2_26:
0x34c: {  	s8 =	sadd.s32 $0x4, s8;
	[tilespmem:s6+$0x12CE0] =	vst.add.f32.msk $0xffff, v0;
	s6 =	sshra.s32 s9, $0x2  }
0x34d: {  	v0 =	vld [tilespmem:s6+$0x64F0];
	p0 =	slt.u32 s8, $0xC4  }
0x34e: {  	v1 =	vld [tilespmem:s6+$0x6400]  }
0x34f: {  	v2 =	vld [tilespmem:s6+$0x6410]  }
0x350: {  	v3 =	vld [tilespmem:s6+$0x6420]  }
0x351: {  	v4 =	vld [tilespmem:s6+$0x6430]  }
0x352: {  	[tilespmem:s6+$0x12CF0] =	vst.add.f32.msk $0xffff, v0  }
0x353: {  	v5 =	vld [tilespmem:s6+$0x6440]  }
0x354: {  	v6 =	vld [tilespmem:s6+$0x6450]  }
0x355: {  	v7 =	vld [tilespmem:s6+$0x6460]  }
0x356: {  	v8 =	vld [tilespmem:s6+$0x6470]  }
0x357: {  	v9 =	vld [tilespmem:s6+$0x6480]  }
0x358: {  	v10 =	vld [tilespmem:s6+$0x6490]  }
0x359: {  	v11 =	vld [tilespmem:s6+$0x64A0]  }
0x35a: {  	v12 =	vld [tilespmem:s6+$0x64B0]  }
0x35b: {  	v13 =	vld [tilespmem:s6+$0x64C0]  }
0x35c: {  	v14 =	vld [tilespmem:s6+$0x64D0]  }
0x35d: {  	v0 =	vld [tilespmem:s6+$0x64E0]  }
0x35e: {  	[tilespmem:s6+$0x12C00] =	vst.add.f32.msk $0xffff, v1  }
0x35f: {  	[tilespmem:s6+$0x12C10] =	vst.add.f32.msk $0xffff, v2  }
0x360: {  	[tilespmem:s6+$0x12C20] =	vst.add.f32.msk $0xffff, v3  }
0x361: {  	[tilespmem:s6+$0x12C30] =	vst.add.f32.msk $0xffff, v4  }
0x362: {  	[tilespmem:s6+$0x12C40] =	vst.add.f32.msk $0xffff, v5  }
0x363: {  	[tilespmem:s6+$0x12C50] =	vst.add.f32.msk $0xffff, v6  }
0x364: {  	[tilespmem:s6+$0x12C60] =	vst.add.f32.msk $0xffff, v7  }
0x365: {  	[tilespmem:s6+$0x12C70] =	vst.add.f32.msk $0xffff, v8  }
0x366: {  	[tilespmem:s6+$0x12C80] =	vst.add.f32.msk $0xffff, v9  }
.Ltmp12:
0x367: {  	[tilespmem:s6+$0x12C90] =	vst.add.f32.msk $0xffff, v10;
	(pc) =	sbr.rel @p0 .LBB2_26-.Ltmp12, $4  }
0x368: {  	[tilespmem:s6+$0x12CA0] =	vst.add.f32.msk $0xffff, v11  }
0x369: {  	[tilespmem:s6+$0x12CB0] =	vst.add.f32.msk $0xffff, v12  }
0x36a: {  	[tilespmem:s6+$0x12CC0] =	vst.add.f32.msk $0xffff, v13  }
0x36b: {  	s9 =	sadd.s32 $0x400, s9;
	[tilespmem:s6+$0x12CD0] =	vst.add.f32.msk $0xffff, v14  }
0x36c: {  	[tilespmem:s6+$0x12CE0] =	vst.add.f32.msk $0xffff, v0;
	s26 =	sadd.s32 $0x1, s26  }
0x36d: {  	[hbm4b:s11+s4] =	stream.linear.scatter [tilespmem:s25], [sflag:$0x4], $0x6400, $0x38;
	[tilespmem:$0x15E00] =	vst v63  }
0x36e: {  	p0 =	sne.s32 s26, s12;
	_ =	swait.ge [sflag:s14], $0x6400  }
.Ltmp13:
0x36f: {  	[sflag:s14] =	ssyncset.done $0x0;
	(pc) =	sbr.rel @p0 .LBB2_1-.Ltmp13, $4  }
0x370: {  	[sflag:s14] =	ssyncadd.s32 $0xFFFF9C00  }
0x371: {  	_ =	swait.ge [sflag:s29], $0x6400  }
0x372: {  	[sflag:s29] =	ssyncset.done $0x0  }
0x373: {  	[sflag:s29] =	ssyncadd.s32 $0xFFFF9C00  }
0x374: {  	_ =	sfence.sel $0x180000  }
0x375: {  	[bflag:$0x0] =	sbarrier.arrive $0xFFFF  }
0x376: {  	_ =	strace $0x90000047  }
0x377: {  	s0 =	stileid.u32;
	[bflag:$0x2] =	sbarrier.arrive $0xFFFF  }
0x378: {  	p0 =	sne.s32 s0, $0x0;
	s0 =	rddreg [dreg:$0x2]  }
0x379: {  	s0 =	sadd.s32 @!p0 $0x100000, s0  }
0x37a: {  	[sflag:s0] =	ssyncadd.tile.s32 @!p0 $0x1;
	_ =	shalt  }
.Lfunc_end2:
_tile_overlayer_lowered:
.L_overlay_start_2:
0x37b: {  	(tag) =	ssettag $0x2  }
0x37c: {  	s0 =	rddreg [dreg:$0x0];
	s2 =	stileid.u32  }
0x37d: {  	s1 =	rddreg [dreg:$0x1];
	p0 =	sne.s32 s2, $0x0  }
0x37e: {  	s3 =	rddreg [dreg:$0x2];
	[bflag:$0x3] =	sbarrier.arrive $0xFFFF;
	s2 =	simm.s32 @!p0 $0x1C05  }
0x37f: {  	[timem:s3], [sflag:s2] =	dma.local @!p0 [hbm:s0], s1  }
0x380: {  	s0 =	simm.s32 @!p0 $0x5  }
0x381: {  	_ =	swait.ge @!p0 [sflag:s0], s1  }
0x382: {  	s1 =	ssub.s32 @!p0 $0x0, s1;
	[sflag:s0] =	ssyncset.done @!p0 $0x0  }
0x383: {  	[sflag:s0] =	ssyncadd.s32 @!p0 s1  }
0x384: {  	[bflag:$0x3] =	sbarrier.arrive $0xFFFF  }
0x385: {  	_ =	shalt  }

// kernel: sparse-core-data-format-call.cloned.1.call-start
scs
called_computation_lowered:
.L_overlay_start_0:
0x0: {  	s2 =	sld [smem:$0x3FD9]  }
0x1: {  	s3 =	sld [smem:$0x3FFE];
	_ =	sdelay $0x1  }
0x2: {  	s1 =	srdreg.scid  }
0x3: {  	s0 =	sand.u32 $0x1, s1  }
0x4: {  	s18 =	sshll.u32 s0, $0xA;
	s2 =	sadd.s32 s3, s2  }
0x5: {  	s2 =	sadd.s32 s2, s18  }
0x6: {  	[smem:$0x3FC5] =	sst s2  }
0x7: {  	_ = 	snop  }
0x8: {  	s2 =	sld [smem:$0x3FD0];
	(tm) =	ssettm $0x1  }
0x9: {  	s19 =	sld [smem:$0x3FFB];
	_ =	sdelay $0x3  }
0xa: {  	_ =	strace s19  }
0xb: {  	s3 =	sld [smem:$0x3FFC];
	_ =	sdelay $0x3  }
0xc: {  	_ =	strace s3  }
0xd: {  	s3 =	sld [smem:$0x3FFD];
	_ =	sdelay $0x3  }
0xe: {  	_ =	strace s3  }
0xf: {  	_ =	strace $0x8FFFFFFF  }
0x10: {  	s20 =	sld [smem:$0x3FDB];
	_ =	sdelay $0x1  }
0x11: {  	s4 =	simm.s32 $_scs_section_size  }
0x12: {  	s5 =	simm.s32 $_size__tile_overlayer_lowered;
	s6 =	simm.s32 $_tile_overlayer_lowered  }
0x13: {  	s23 =	simm.s32 $0x1BFF;
	s22 =	sshll.u32 s6, $0x1;
	s3 =	sadd.s32 s4, s20  }
0x14: {  	s7 =	simm.s32 $0x0;
	s21 =	sshll.u32 s5, $0x1;
	s5 =	sadd.s32 s22, s3  }
0x15: {  	[timem:s7], [sflag:s23] =	dma.local [hbm:s5], s21  }
0x16: {  	_ =	swait.ge [sflag:s23], s21  }
0x17: {  	s4 =	ssub.s32 $0x0, s21;
	[sflag:s23] =	ssyncset.done $0x0  }
0x18: {  	[sflag:s23] =	ssyncadd.s32 s4;
	_ =	sdelay $0x1  }
0x19: {  	s24 =	simm.s32 $0x1B8B  }
0x1a: {  	_ =	swait.ge [sflag:s24], $0x1  }
0x1b: {  	[sflag:s24] =	ssyncset.done $0x0  }
0x1c: {  	s26 =	simm.s32 $0x1B8E;
	s25 =	sld [smem:$0x3FFE];
	[sflag:s24] =	ssyncadd.s32 $0xFFFFFFFF  }
0x1d: {  	s27 =	simm.s32 $execute0_lowered;
	[smem:$0x3FD2] =	sst s26  }
0x1e: {  	s5 =	sshll.u32 s27, $0x1;
	_ =	strace $0x80000049;
	[dreg:$0x1] =	wrdreg $0xFFFFFFFF  }
0x1f: {  	s28 =	simm.s32 $_size_execute0_lowered;
	s3 =	sadd.s32 s3, s5;
	[dreg:$0x0] =	wrdreg $0x0  }
0x20: {  	s5 =	sshll.u32 s28, $0x1;
	[dreg:$0x2] =	wrdreg s3  }
0x21: {  	[dreg:$0x3] =	wrdreg s5  }
0x22: {  	[dreg:$0x4] =	wrdreg $0xC0  }
0x23: {  	_ =	task [dreg:s7], $0x5FFFF  }
0x24: {  	[dreg:$0x1] =	wrdreg $0xFFFFFFFF  }
0x25: {  	[dreg:$0x0] =	wrdreg $0x60  }
0x26: {  	[dreg:$0x2] =	wrdreg s25  }
0x27: {  	[dreg:$0x3] =	wrdreg s2  }
0x28: {  	[dreg:$0x4] =	wrdreg $0x9  }
0x29: {  	_ =	task.clear_ibuf [dreg:s7], $0x5FFFF;
	_ =	strace $0x90000049  }
0x2a: {  	s29 =	simm.s32 $0x9;
	_ =	strace $0x8000004B  }
0x2b: {  	_ =	swait.ge [sflag:s29], $0x1  }
0x2c: {  	[sflag:s29] =	ssyncadd.s32 $0xFFFFFFFF  }
0x2d: {  	_ =	strace $0x9000004B  }
0x2e: {  	_ =	sfence  }
0x2f: {  	s30 =	sld [smem:$0x0];
	_ =	sdelay $0x2  }
0x30: {  	s31 =	sshll.u32 s1, $0xD;
	s1 =	sshrl.u32 s1, $0x2  }
0x31: {  	s3 =	sand.u32 $0x4000, s31;
	s1 =	sadd.s32 s1, s30  }
0x32: {  	s0 =	sor.u32 s3, s0;
	s1 =	sshll.u32 s1, $0x11  }
0x33: {  	s0 =	sor.u32 s1, s0  }
0x34: {  	s0 =	sadd.s32 $0x8F2B, s0  }
0x35: {  	[sflag:s0] =	ssyncadd.remote.s32 $0x1  }
0x36: {  	_ =	sfence.sel $0xFFFF  }
0x37: {  	[dreg:$0x0] =	wrdreg $0xFFFFFFFF;
	(pc) =	sbr.abs _section_cstart, $3  }
0x38: {  	[dreg:$0x1] =	wrdreg $0xFFFFFFFF  }
0x39: {  	_ =	task.clear_ibuf [dreg:s7], $0x2FFFF;
	_ =	strace $0x9FFFFFFF  }
0x3a: {  	(tm) =	ssettm $0x7FFFFFFF  }
0x3b: {  	_ =	shalt  }
tec
execute0_lowered:
.L_overlay_start_1:
0x0: {  	(tag) =	ssettag $0x1  }
0x1: {  	s0 =	srdreg.scid  }
0x2: {  	s1 =	sshll.u32 s0, $0x4  }
0x3: {  	s0 =	stileid.u32;
	s1 =	sand.u32 $0x10, s1  }
0x4: {  	s1 =	sor.u32 s0, s1  }
0x5: {  	s6 =	rddreg [dreg:$0x0];
	s4 =	simm.s32 $0x1;
	s2 =	sshll.u32 s1, $0x7  }
0x6: {  	s7 =	simm.s32 $0x2;
	s12 =	simm.s32 $0x0;
	s1 =	ssub.s32 $0x1000, s2  }
0x7: {  	s8 =	simm.s32 $0x8000;
	s13 =	simm.s32 $0x0;
	s3 =	sand.u32 $0xF80, s1  }
0x8: {  	s9 =	simm.s32 $0x0;
	s5 =	sshrl.u32 s1, $0xC;
	p0 =	sne.s32 s3, $0x0  }
.Ltmp0:
0x9: {  	s1 =	rddreg [dreg:$0x2];
	s4 =	simm.s32 @!p0 $0x0;
	(pc) =	sbr.rel .LBB1_1-.Ltmp0, $4  }
0xa: {  	s11 =	simm.s32 $0x0;
	s3 =	rddreg [dreg:$0x1];
	s5 =	sadd.s32 s4, s5  }
0xb: {  	_ =	strace $0x8000004A;
	s4 =	simm.s32 $0x1;
	s5 =	smul.u32 $0xC8, s5  }
0xc: {  	s6 =	sadd.s32 $0xC00, s6;
	s10 =	smov.u32 s2;
	[sflag:s4] =	ssyncpa.u1 $0x0  }
0xd: {  	p0 =	por $0x0, $0x0;
	[sflag:s7] =	ssyncpa.u1 $0x0;
	s7 =	sor.u32 $0x1, s5  }
.LBB1_4:
0xe: {  	s16 =	sshll.u32 s13, $0x3;
	s17 =	sand.u32 $0x78, s13  }
0xf: {  	s30 =	sand.u32 $0x7E00, s13;
	s12 =	sshll.u32 s12, $0xF;
	s16 =	sand.u32 $0xC00, s16  }
0x10: {  	[tilespmem:s15+$0x810 ss:$0x81] =	vst.msk $0xffff, v2;
	s31 =	sand.u32 $0x7, s13;
	s16 =	sor.u32 s17, s16;
	s17 =	sadd.s32 s3, s30  }
0x11: {  	[tilespmem:s15+$0x1020 ss:$0x81] =	vst.msk $0xffff, v0;
	s13 =	sshll.u32 s31, $0x12;
	s12 =	sadd.s32 s12, s17;
	s16 =	sshrl.u32 s16, $0x3  }
0x12: {  	[tilespmem:s15+$0x0 ss:$0x81] =	vst.msk $0xffff, v1;
	s13 =	sor.u32 $0x400, s13;
	s12 =	sadd.s32 s16, s12  }
0x13: {  	[hbm4b:s12+s13] =	stream.strided.scatter [tilespmem:s14], [sflag:$0x2], $0x2000, s8, s13, $0x20;
	[tilespmem:$0x8080] =	vst v63  }
.LBB1_5:
0x14: {  	s14 =	sadd.s32 $0x1, s9  }
0x15: {  	s12 =	sadd.s32 $0x1000, s10;
	s16 =	smov.u32 s10;
	p2 =	sgt.s32 s14, $0xC7  }
0x16: {  	s16 =	smov.u32 @p2 s12  }
0x17: {  	s14 =	simm.s32 @p2 $0x0;
	p2 =	sgt.s32 s16, $0xFFF  }
0x18: {  	s16 =	smov.u32 @p2 s2;
	p2 =	sne.s32 s11, s7  }
.Ltmp1:
0x19: {  	p1 =	slt.u32 s11, $0x2;
	(pc) =	sbr.rel @!p2 .LBB1_6-.Ltmp1, $4  }
0x1a: {  	s15 =	simm.s32 @!p1 $0x2  }
0x1b: {  	s13 =	smov.u32 s10;
	p0 =	por !p0, !p0;
	_ =	swait.ge @!p1 [sflag:s15], $0x2000  }
0x1c: {  	s12 =	smov.u32 s9;
	[sflag:s15] =	ssyncset.done @!p1 $0x0;
	s9 =	smov.u32 s14  }
0x1d: {  	s11 =	sadd.s32 $0x1, s11;
	[sflag:s15] =	ssyncadd.s32 @!p1 $0xFFFFE000;
	s10 =	smov.u32 s16  }
.LBB1_1:
0x1e: {  	p1 =	sge.u32 s11, s5  }
0x1f: {  	s14 =	sand.u32 @!p1 $0x1FFFFFF, s9  }
0x20: {  	s15 =	smulhi.u32 @!p1 $0x147AE15, s14;
	_ =	sdelay $0x1  }
0x21: {  	s15 =	smul.u32 @!p1 $0xC8, s15  }
0x22: {  	s16 =	sxor.u32 @!p1 $0xFFFFFFFF, s11;
	s17 =	smul.u32 @!p1 $0xC80, s10  }
0x23: {  	s31 =	sadd.s32 $0xFFFFFFFF, s11;
	s16 =	sshll.u32 @!p1 s16, $0xD;
	s14 =	ssub.s32 @!p1 s14, s15  }
0x24: {  	s15 =	sand.u32 @!p1 $0x2000, s16;
	s16 =	sadd.s32 @!p1 s6, s17;
	s14 =	sshll.u32 @!p1 s14, $0x4  }
0x25: {  	s17 =	simm.s32 @!p1 $0x6400;
	s14 =	sadd.s32 @!p1 s14, s16;
	s16 =	simm.s32 @!p1 $0x40  }
0x26: {  	[tilespmem:s15], [sflag:$0x1] =	stream.strided.gather @!p1 [hbm4b:s14+s16], $0x2000, s17, s16, $0x38;
	[tilespmem:$0x8080] =	vst v63  }
0x27: {  	p1 =	sge.u32 s31, s5  }
.Ltmp2:
0x28: {  	_ = 	snop;
	(pc) =	sbr.rel @p1 .LBB1_5-.Ltmp2, $1  }
0x29: {  	_ =	sdelay $0x3  }
0x2a: {  	s14 =	simm.s32 $0x1  }
0x2b: {  	_ =	swait.ge [sflag:s4], $0x2000;
	s14 =	simm.s32 @!p0 $0x0  }
0x2c: {  	[sflag:s4] =	ssyncset.done $0x0;
	s15 =	sshll.u32 s14, $0xD  }
0x2d: {  	[sflag:s4] =	ssyncadd.s32 $0xFFFFE000;
	s18 =	sor.u32 $0x20, s15  }
0x2e: {  	s14 =	smul.u32 $0x8100, s14;
	v3 =	vld [tilespmem:s18+$0x10]  }
0x2f: {  	s30 =	sand.u32 $0x1, s11;
	v2 =	vld [tilespmem:s18+$0xFFFFFFF0]  }
0x30: {  	s15 =	smul.u32 $0x8100, s30;
	s14 =	sshrl.u32 s14, $0x2;
	v0 =	vld [tilespmem:s18+$0x0]  }
0x31: {  	v1 =	vld [tilespmem:s18+$0xFFFFFFE0];
	s16 =	sor.u32 $0x4000, s14  }
0x32: {  	s31 =	sshrl.u32 s15, $0x2;
	s15 =	sadd.s32 $0x0, s16  }
0x33: {  	s17 =	simm.s32 $0x4;
	s18 =	sadd.s32 $0x40, s18;
	s14 =	sor.u32 $0x4000, s31;
	[tilespmem:s15+$0x1830 ss:$0x81] =	vst.msk $0xffff, v3  }
.LBB1_3:
0x34: {  	v3 =	vld [tilespmem:s18+$0x10];
	p1 =	sne.s32 s17, $0x1FC;
	[tilespmem:s15+$0x810 ss:$0x81] =	vst.msk $0xffff, v2;
	s19 =	smov.u32 s17;
	s17 =	sadd.s32 $0x4, s17  }
.Ltmp3:
0x35: {  	v2 =	vld [tilespmem:s18+$0xFFFFFFF0];
	[tilespmem:s15+$0x1020 ss:$0x81] =	vst.msk $0xffff, v0;
	(pc) =	sbr.rel @p1 .LBB1_3-.Ltmp3, $4  }
0x36: {  	v0 =	vld [tilespmem:s18+$0x0];
	[tilespmem:s15+$0x0 ss:$0x81] =	vst.msk $0xffff, v1  }
0x37: {  	s15 =	sshra.s32 s19, $0x2;
	v1 =	vld [tilespmem:s18+$0xFFFFFFE0]  }
0x38: {  	s15 =	sadd.s32 s15, s16  }
0x39: {  	s18 =	sadd.s32 $0x40, s18;
	[tilespmem:s15+$0x1830 ss:$0x81] =	vst.msk $0xffff, v3  }
.Ltmp4:
0x3a: {  	_ = 	snop;
	(pc) =	sbr.rel .LBB1_4-.Ltmp4, $1  }
0x3b: {  	_ =	sdelay $0x3  }
.LBB1_6:
0x3c: {  	_ =	sfence.sel $0x180000  }
0x3d: {  	s2 =	simm.s32 $0x1;
	[bflag:$0x0] =	sbarrier.arrive $0xFFFF  }
0x3e: {  	s31 =	simm.s32 $0x2;
	[sflag:s2] =	ssyncpa.u1 $0x1  }
0x3f: {  	[sflag:s31] =	ssyncpa.u1 $0x1  }
0x40: {  	p0 =	sne.s32 s0, $0x0;
	_ =	strace $0x9000004A  }
0x41: {  	s0 =	sadd.s32 @!p0 $0x100000, s1;
	[bflag:$0x2] =	sbarrier.arrive $0xFFFF  }
0x42: {  	[sflag:s0] =	ssyncadd.tile.s32 @!p0 $0x1;
	_ =	shalt  }
.Lfunc_end1:
_tile_overlayer_lowered:
.L_overlay_start_2:
0x43: {  	(tag) =	ssettag $0x2  }
0x44: {  	s0 =	rddreg [dreg:$0x0];
	s2 =	stileid.u32  }
0x45: {  	s1 =	rddreg [dreg:$0x1];
	p0 =	sne.s32 s2, $0x0  }
0x46: {  	s3 =	rddreg [dreg:$0x2];
	[bflag:$0x3] =	sbarrier.arrive $0xFFFF;
	s2 =	simm.s32 @!p0 $0x1C01  }
0x47: {  	[timem:s3], [sflag:s2] =	dma.local @!p0 [hbm:s0], s1  }
0x48: {  	s0 =	simm.s32 @!p0 $0x1  }
0x49: {  	_ =	swait.ge @!p0 [sflag:s0], s1  }
0x4a: {  	s1 =	ssub.s32 @!p0 $0x0, s1;
	[sflag:s0] =	ssyncset.done @!p0 $0x0  }
0x4b: {  	[sflag:s0] =	ssyncadd.s32 @!p0 s1  }
0x4c: {  	[bflag:$0x3] =	sbarrier.arrive $0xFFFF  }
0x4d: {  	_ =	shalt  }

</sc_bundles>
